<compile_context>
chip_gen: v7x
topology: tpu7x:2x2x1
jax: 0.10.2.dev20260603
libtpu: 0.0.44.dev20260713+nightly
codegen_flags: <defaults>
</compile_context>

<pallas_src>
import functools

import jax
import jax.numpy as jnp
from jax import lax
from jax.experimental import pallas as pl
from jax.experimental.pallas import tpu as pltpu
from jax.experimental.pallas import tpu_sc as plsc

ROWS = 64
ROW_LEN = 32768
OUT_K = 256
LANES = 16
NV = OUT_K // LANES
NCHUNK = ROW_LEN // OUT_K
NWORKERS = 32
ROWS_PER_W = ROWS // NWORKERS


def _vsort(v, desc):
    k, _ = plsc.sort_key_val(v, v, descending=desc)
    return k


def _bitonic_merge(s, desc):
    m = len(s)
    if m == 1:
        return [_vsort(s[0], desc)]
    h = m // 2
    if desc:
        a = [jnp.maximum(s[i], s[i + h]) for i in range(h)]
        b = [jnp.minimum(s[i], s[i + h]) for i in range(h)]
    else:
        a = [jnp.minimum(s[i], s[i + h]) for i in range(h)]
        b = [jnp.maximum(s[i], s[i + h]) for i in range(h)]
    return _bitonic_merge(a, desc) + _bitonic_merge(b, desc)


def _build_sorted(vs, desc):
    if len(vs) == 1:
        return [_vsort(vs[0], desc)]
    h = len(vs) // 2
    a = _build_sorted(vs[:h], True)
    b = _build_sorted(vs[h:], False)
    return _bitonic_merge(a + b, desc)


def _topk_merge(acc_desc, chunk_asc):
    hi = [jnp.maximum(x, y) for x, y in zip(acc_desc, chunk_asc)]
    return _bitonic_merge(hi, True)


def _make_kernel():
    mesh = plsc.VectorSubcoreMesh(core_axis_name="c", subcore_axis_name="s")

    @functools.partial(
        pl.kernel,
        mesh=mesh,
        out_type=jax.ShapeDtypeStruct((ROWS, OUT_K), jnp.float32),
        scratch_types=[
            pltpu.VMEM((ROW_LEN,), jnp.float32),
            pltpu.VMEM((ROW_LEN,), jnp.float32),
            pltpu.VMEM((ROW_LEN,), jnp.float32),
            pltpu.VMEM((OUT_K,), jnp.float32),
            pltpu.VMEM((OUT_K,), jnp.float32),
            pltpu.SemaphoreType.DMA,
            pltpu.SemaphoreType.DMA,
            pltpu.SemaphoreType.DMA,
            pltpu.SemaphoreType.DMA,
        ],
        compiler_params=pltpu.CompilerParams(needs_layout_passes=False),
    )
    def topk_rows(x_hbm, out_hbm, row0_v, row1_v, cand_v, out0_v, out1_v,
                  in_sem0, in_sem1, out_sem0, out_sem1):
        wid = lax.axis_index("s") * 2 + lax.axis_index("c")
        iota = lax.iota(jnp.int32, LANES)
        ninf = jnp.full((LANES,), -jnp.inf, jnp.float32)

        row0 = wid * ROWS_PER_W
        in0 = pltpu.async_copy(x_hbm.at[row0], row0_v, in_sem0)
        in1 = pltpu.async_copy(x_hbm.at[row0 + 1], row1_v, in_sem1)

        def do_row(row_v, out_v, in_cp, out_sem, row):
            in_cp.wait()

            def p1(b, m):
                return tuple(
                    jnp.maximum(m[i], row_v[pl.ds(b * OUT_K + i * LANES, LANES)])
                    for i in range(NV))

            m = lax.fori_loop(
                1, NCHUNK, p1,
                tuple(row_v[pl.ds(i * LANES, LANES)] for i in range(NV)))
            m = list(m)
            while len(m) > 1:
                h = len(m) // 2
                m = [jnp.minimum(m[i], m[i + h]) for i in range(h)]
            thr = jnp.min(m[0])

            def p2(b, ptr16):
                items = []
                for i in range(NV):
                    v = row_v[pl.ds(b * OUT_K + i * LANES, LANES)]
                    mask = v >= thr
                    m16 = jnp.where(mask, jnp.int32(16), jnp.int32(0))
                    items.append((v, mask, m16))
                pref = ptr16
                for v, mask, m16 in items:
                    plsc.store_scatter(cand_v, [pref], v, mask=mask)
                    pref = pref + m16
                tot = [m16 for _, _, m16 in items]
                while len(tot) > 1:
                    tot = [tot[i] + tot[i + len(tot) // 2]
                           for i in range(len(tot) // 2)]
                return ptr16 + tot[0]

            ptr16 = lax.fori_loop(0, NCHUNK, p2, iota)

            depth = lax.shift_right_logical(ptr16 - iota, 4)
            dmax = jnp.max(depth)
            nch = (dmax + (LANES - 1)) // LANES
            dtarget16 = nch * LANES * LANES
            steps = nch * LANES - jnp.min(depth)

            def padb(k, p16):
                mask = p16 < dtarget16
                plsc.store_scatter(cand_v, [p16], ninf, mask=mask)
                return p16 + jnp.where(mask, jnp.int32(16), jnp.int32(0))

            lax.fori_loop(0, steps, padb, ptr16)

            def fold(j, acc):
                cur = _build_sorted(
                    [cand_v[pl.ds(j * OUT_K + i * LANES, LANES)]
                     for i in range(NV)], False)
                return tuple(_topk_merge(list(acc), cur))

            acc = lax.fori_loop(0, nch, fold, tuple(ninf for _ in range(NV)))

            for i in range(NV):
                out_v[pl.ds(i * LANES, LANES)] = acc[i]
            return pltpu.async_copy(out_v, out_hbm.at[row], out_sem)

        out0 = do_row(row0_v, out0_v, in0, out_sem0, row0)
        out1 = do_row(row1_v, out1_v, in1, out_sem1, row0 + 1)
        out0.wait()
        out1.wait()

    return topk_rows


_topk_kernel = _make_kernel()


def kernel(x):
    return _topk_kernel(x)

# --- scband reference (transcript-rebuilt; emitter-appended) ---
"""Pipeline reference for scband-layer-adaptive-extreme-pooling-1d-29480655520065 (READ-ONLY COPY).

The authoritative reference and input builder live on the scoring server;
editing this copy changes nothing except your own understanding.
"""

import jax, jax.numpy as jnp
import numpy as np

OUTPUT_SIZE = 256

def setup_inputs(seed: int = 0) -> dict:
    key = jax.random.key(seed)
    x = jax.random.normal(key, (64, 32768), dtype=jnp.float32)
    return {"x": x}

def reference(x):
    # pooling_type == 'Max': sort descending along dim 1, then index_select the
    # first OUTPUT_SIZE entries (faithful to get_max_n_values).
    y = jnp.sort(x, axis=1)[:, ::-1]
    idx = jnp.arange(0, OUTPUT_SIZE, 1)
    z = jnp.take(y, idx, axis=1)
    return z

if __name__ == "__main__":
    import jax
    _d = setup_inputs()
    print(jax.jit(kernel)(*tuple(_d.values())))

</pallas_src>

<mosaic_0001>
#map = affine_map<(d0, d1) -> (0, 0)>
module attributes {stable_mosaic.version = 14 : i64} {
  func.func @topk_rows(%arg0: i32, %arg1: i32, %arg2: memref<64x32768xf32, #tpu.memory_space<hbm>>, %arg3: memref<64x256xf32, #tpu.memory_space<hbm>>, %arg4: memref<32768xf32, #tpu.memory_space<vmem>>, %arg5: memref<32768xf32, #tpu.memory_space<vmem>>, %arg6: memref<32768xf32, #tpu.memory_space<vmem>>, %arg7: memref<256xf32, #tpu.memory_space<vmem>>, %arg8: memref<256xf32, #tpu.memory_space<vmem>>, %arg9: memref<!tpu.dma_semaphore, #tpu.memory_space<semaphore_mem>>, %arg10: memref<!tpu.dma_semaphore, #tpu.memory_space<semaphore_mem>>, %arg11: memref<!tpu.dma_semaphore, #tpu.memory_space<semaphore_mem>>, %arg12: memref<!tpu.dma_semaphore, #tpu.memory_space<semaphore_mem>>) attributes {dimension_semantics = [#tpu.dimension_semantics<core_parallel>, #tpu.dimension_semantics<subcore_parallel>], iteration_bounds = array<i64: 2, 16>, scalar_prefetch = 0 : i64, scratch_operands = 9 : i64, tpu.core_type = #tpu.core_type<sc_vector_subcore>, window_params = [{transform_indices = #map}, {transform_indices = #map}]} {
    %mul3A = arith.constant 2 : i32
    %mul3A_0 = arith.muli %arg1, %mul3A : i32
    %add3A = arith.addi %mul3A_0, %arg0 : i32
    %iota3A = tpu.iota {dimensions = array<i32: 0>} : vector<16xi32>
    %broadcast_in_dim3A = arith.constant 0xFF800000 : f32
    %broadcast_in_dim3A_1 = vector.broadcast %broadcast_in_dim3A : f32 to vector<16xf32>
    %mul3A_2 = arith.constant 2 : i32
    %mul3A_3 = arith.muli %add3A, %mul3A_2 : i32
    %dma_start3A = arith.constant 0 : i32
    %dma_start3A_4 = tpu.memref_slice %arg2[%mul3A_3, %dma_start3A] : memref<64x32768xf32, #tpu.memory_space<hbm>> -> memref<1x32768xf32, #tpu.memory_space<hbm>>
    %dma_start3A_5 = tpu.memref_squeeze %dma_start3A_4 : memref<1x32768xf32, #tpu.memory_space<hbm>> -> memref<32768xf32, #tpu.memory_space<hbm>>
    %dma_start3A_6 = arith.constant 0 : i32
    %dma_start3A_7 = tpu.memref_slice %arg2[%mul3A_3, %dma_start3A_6] : memref<64x32768xf32, #tpu.memory_space<hbm>> -> memref<1x32768xf32, #tpu.memory_space<hbm>>
    %dma_start3A_8 = tpu.memref_squeeze %dma_start3A_7 : memref<1x32768xf32, #tpu.memory_space<hbm>> -> memref<32768xf32, #tpu.memory_space<hbm>>
    tpu.enqueue_dma source(%dma_start3A_8 : memref<32768xf32, #tpu.memory_space<hbm>>) target(%arg4 : memref<32768xf32, #tpu.memory_space<vmem>>) target_semaphore(%arg9 : memref<!tpu.dma_semaphore, #tpu.memory_space<semaphore_mem>>)
    %add3A_9 = arith.constant 1 : i32
    %add3A_10 = arith.addi %mul3A_3, %add3A_9 : i32
    %dma_start3A_11 = arith.constant 0 : i32
    %dma_start3A_12 = tpu.memref_slice %arg2[%add3A_10, %dma_start3A_11] : memref<64x32768xf32, #tpu.memory_space<hbm>> -> memref<1x32768xf32, #tpu.memory_space<hbm>>
    %dma_start3A_13 = tpu.memref_squeeze %dma_start3A_12 : memref<1x32768xf32, #tpu.memory_space<hbm>> -> memref<32768xf32, #tpu.memory_space<hbm>>
    %dma_start3A_14 = arith.constant 0 : i32
    %dma_start3A_15 = tpu.memref_slice %arg2[%add3A_10, %dma_start3A_14] : memref<64x32768xf32, #tpu.memory_space<hbm>> -> memref<1x32768xf32, #tpu.memory_space<hbm>>
    %dma_start3A_16 = tpu.memref_squeeze %dma_start3A_15 : memref<1x32768xf32, #tpu.memory_space<hbm>> -> memref<32768xf32, #tpu.memory_space<hbm>>
    tpu.enqueue_dma source(%dma_start3A_16 : memref<32768xf32, #tpu.memory_space<hbm>>) target(%arg5 : memref<32768xf32, #tpu.memory_space<vmem>>) target_semaphore(%arg10 : memref<!tpu.dma_semaphore, #tpu.memory_space<semaphore_mem>>)
    %dma_wait3A = arith.constant 0 : i32
    %dma_wait3A_17 = tpu.memref_slice %arg2[%mul3A_3, %dma_wait3A] : memref<64x32768xf32, #tpu.memory_space<hbm>> -> memref<1x32768xf32, #tpu.memory_space<hbm>>
    %dma_wait3A_18 = tpu.memref_squeeze %dma_wait3A_17 : memref<1x32768xf32, #tpu.memory_space<hbm>> -> memref<32768xf32, #tpu.memory_space<hbm>>
    %dma_wait3A_19 = arith.constant 0 : i32
    %dma_wait3A_20 = tpu.memref_slice %arg2[%mul3A_3, %dma_wait3A_19] : memref<64x32768xf32, #tpu.memory_space<hbm>> -> memref<1x32768xf32, #tpu.memory_space<hbm>>
    %dma_wait3A_21 = tpu.memref_squeeze %dma_wait3A_20 : memref<1x32768xf32, #tpu.memory_space<hbm>> -> memref<32768xf32, #tpu.memory_space<hbm>>
    tpu.wait_dma2 semaphore(%arg9 : memref<!tpu.dma_semaphore, #tpu.memory_space<semaphore_mem>>) src(%dma_wait3A_21 : memref<32768xf32, #tpu.memory_space<hbm>>) dst(%arg4 : memref<32768xf32, #tpu.memory_space<vmem>>)
    %get3A = arith.constant 0 : index
    %get3A_22 = tpu.vector_load %arg4[%get3A] {strides = array<i32>} : memref<32768xf32, #tpu.memory_space<vmem>>, vector<16xf32>,
    %get3A_23 = arith.constant 16 : index
    %get3A_24 = tpu.vector_load %arg4[%get3A_23] {strides = array<i32>} : memref<32768xf32, #tpu.memory_space<vmem>>, vector<16xf32>,
    %get3A_25 = arith.constant 32 : index
    %get3A_26 = tpu.vector_load %arg4[%get3A_25] {strides = array<i32>} : memref<32768xf32, #tpu.memory_space<vmem>>, vector<16xf32>,
    %get3A_27 = arith.constant 48 : index
    %get3A_28 = tpu.vector_load %arg4[%get3A_27] {strides = array<i32>} : memref<32768xf32, #tpu.memory_space<vmem>>, vector<16xf32>,
    %get3A_29 = arith.constant 64 : index
    %get3A_30 = tpu.vector_load %arg4[%get3A_29] {strides = array<i32>} : memref<32768xf32, #tpu.memory_space<vmem>>, vector<16xf32>,
    %get3A_31 = arith.constant 80 : index
    %get3A_32 = tpu.vector_load %arg4[%get3A_31] {strides = array<i32>} : memref<32768xf32, #tpu.memory_space<vmem>>, vector<16xf32>,
    %get3A_33 = arith.constant 96 : index
    %get3A_34 = tpu.vector_load %arg4[%get3A_33] {strides = array<i32>} : memref<32768xf32, #tpu.memory_space<vmem>>, vector<16xf32>,
    %get3A_35 = arith.constant 112 : index
    %get3A_36 = tpu.vector_load %arg4[%get3A_35] {strides = array<i32>} : memref<32768xf32, #tpu.memory_space<vmem>>, vector<16xf32>,
    %get3A_37 = arith.constant 128 : index
    %get3A_38 = tpu.vector_load %arg4[%get3A_37] {strides = array<i32>} : memref<32768xf32, #tpu.memory_space<vmem>>, vector<16xf32>,
    %get3A_39 = arith.constant 144 : index
    %get3A_40 = tpu.vector_load %arg4[%get3A_39] {strides = array<i32>} : memref<32768xf32, #tpu.memory_space<vmem>>, vector<16xf32>,
    %get3A_41 = arith.constant 160 : index
    %get3A_42 = tpu.vector_load %arg4[%get3A_41] {strides = array<i32>} : memref<32768xf32, #tpu.memory_space<vmem>>, vector<16xf32>,
    %get3A_43 = arith.constant 176 : index
    %get3A_44 = tpu.vector_load %arg4[%get3A_43] {strides = array<i32>} : memref<32768xf32, #tpu.memory_space<vmem>>, vector<16xf32>,
    %get3A_45 = arith.constant 192 : index
    %get3A_46 = tpu.vector_load %arg4[%get3A_45] {strides = array<i32>} : memref<32768xf32, #tpu.memory_space<vmem>>, vector<16xf32>,
    %get3A_47 = arith.constant 208 : index
    %get3A_48 = tpu.vector_load %arg4[%get3A_47] {strides = array<i32>} : memref<32768xf32, #tpu.memory_space<vmem>>, vector<16xf32>,
    %get3A_49 = arith.constant 224 : index
    %get3A_50 = tpu.vector_load %arg4[%get3A_49] {strides = array<i32>} : memref<32768xf32, #tpu.memory_space<vmem>>, vector<16xf32>,
    %get3A_51 = arith.constant 240 : index
    %get3A_52 = tpu.vector_load %arg4[%get3A_51] {strides = array<i32>} : memref<32768xf32, #tpu.memory_space<vmem>>, vector<16xf32>,
    %scan3A = arith.constant 1 : i32
    %scan3A_53 = arith.constant 127 : i32
    %scan3A_54 = arith.addi %scan3A, %scan3A_53 : i32
    %scan3A_55 = arith.constant 1 : i32
    %scan3A_56:16 = scf.for %scan3A_378 = %scan3A to %scan3A_54 step %scan3A_55 iter_args(%scan3A_379 = %get3A_22, %scan3A_380 = %get3A_24, %scan3A_381 = %get3A_26, %scan3A_382 = %get3A_28, %scan3A_383 = %get3A_30, %scan3A_384 = %get3A_32, %scan3A_385 = %get3A_34, %scan3A_386 = %get3A_36, %scan3A_387 = %get3A_38, %scan3A_388 = %get3A_40, %scan3A_389 = %get3A_42, %scan3A_390 = %get3A_44, %scan3A_391 = %get3A_46, %scan3A_392 = %get3A_48, %scan3A_393 = %get3A_50, %scan3A_394 = %get3A_52) -> (vector<16xf32>, vector<16xf32>, vector<16xf32>, vector<16xf32>, vector<16xf32>, vector<16xf32>, vector<16xf32>, vector<16xf32>, vector<16xf32>, vector<16xf32>, vector<16xf32>, vector<16xf32>, vector<16xf32>, vector<16xf32>, vector<16xf32>, vector<16xf32>)  : i32 {
      %mul3A_395 = arith.constant 256 : i32
      %mul3A_396 = arith.muli %scan3A_378, %mul3A_395 : i32
      %add3A_397 = arith.constant 0 : i32
      %add3A_398 = arith.addi %mul3A_396, %add3A_397 : i32
      %get3A_399 = arith.index_cast %add3A_398 : i32 to index
      %get3A_400 = tpu.vector_load %arg4[%get3A_399] {strides = array<i32>} : memref<32768xf32, #tpu.memory_space<vmem>>, vector<16xf32>,
      %max3A = arith.maximumf %scan3A_379, %get3A_400 : vector<16xf32>
      %mul3A_401 = arith.constant 256 : i32
      %mul3A_402 = arith.muli %scan3A_378, %mul3A_401 : i32
      %add3A_403 = arith.constant 16 : i32
      %add3A_404 = arith.addi %mul3A_402, %add3A_403 : i32
      %get3A_405 = arith.index_cast %add3A_404 : i32 to index
      %get3A_406 = tpu.vector_load %arg4[%get3A_405] {strides = array<i32>} : memref<32768xf32, #tpu.memory_space<vmem>>, vector<16xf32>,
      %max3A_407 = arith.maximumf %scan3A_380, %get3A_406 : vector<16xf32>
      %mul3A_408 = arith.constant 256 : i32
      %mul3A_409 = arith.muli %scan3A_378, %mul3A_408 : i32
      %add3A_410 = arith.constant 32 : i32
      %add3A_411 = arith.addi %mul3A_409, %add3A_410 : i32
      %get3A_412 = arith.index_cast %add3A_411 : i32 to index
      %get3A_413 = tpu.vector_load %arg4[%get3A_412] {strides = array<i32>} : memref<32768xf32, #tpu.memory_space<vmem>>, vector<16xf32>,
      %max3A_414 = arith.maximumf %scan3A_381, %get3A_413 : vector<16xf32>
      %mul3A_415 = arith.constant 256 : i32
      %mul3A_416 = arith.muli %scan3A_378, %mul3A_415 : i32
      %add3A_417 = arith.constant 48 : i32
      %add3A_418 = arith.addi %mul3A_416, %add3A_417 : i32
      %get3A_419 = arith.index_cast %add3A_418 : i32 to index
      %get3A_420 = tpu.vector_load %arg4[%get3A_419] {strides = array<i32>} : memref<32768xf32, #tpu.memory_space<vmem>>, vector<16xf32>,
      %max3A_421 = arith.maximumf %scan3A_382, %get3A_420 : vector<16xf32>
      %mul3A_422 = arith.constant 256 : i32
      %mul3A_423 = arith.muli %scan3A_378, %mul3A_422 : i32
      %add3A_424 = arith.constant 64 : i32
      %add3A_425 = arith.addi %mul3A_423, %add3A_424 : i32
      %get3A_426 = arith.index_cast %add3A_425 : i32 to index
      %get3A_427 = tpu.vector_load %arg4[%get3A_426] {strides = array<i32>} : memref<32768xf32, #tpu.memory_space<vmem>>, vector<16xf32>,
      %max3A_428 = arith.maximumf %scan3A_383, %get3A_427 : vector<16xf32>
      %mul3A_429 = arith.constant 256 : i32
      %mul3A_430 = arith.muli %scan3A_378, %mul3A_429 : i32
      %add3A_431 = arith.constant 80 : i32
      %add3A_432 = arith.addi %mul3A_430, %add3A_431 : i32
      %get3A_433 = arith.index_cast %add3A_432 : i32 to index
      %get3A_434 = tpu.vector_load %arg4[%get3A_433] {strides = array<i32>} : memref<32768xf32, #tpu.memory_space<vmem>>, vector<16xf32>,
      %max3A_435 = arith.maximumf %scan3A_384, %get3A_434 : vector<16xf32>
      %mul3A_436 = arith.constant 256 : i32
      %mul3A_437 = arith.muli %scan3A_378, %mul3A_436 : i32
      %add3A_438 = arith.constant 96 : i32
      %add3A_439 = arith.addi %mul3A_437, %add3A_438 : i32
      %get3A_440 = arith.index_cast %add3A_439 : i32 to index
      %get3A_441 = tpu.vector_load %arg4[%get3A_440] {strides = array<i32>} : memref<32768xf32, #tpu.memory_space<vmem>>, vector<16xf32>,
      %max3A_442 = arith.maximumf %scan3A_385, %get3A_441 : vector<16xf32>
      %mul3A_443 = arith.constant 256 : i32
      %mul3A_444 = arith.muli %scan3A_378, %mul3A_443 : i32
      %add3A_445 = arith.constant 112 : i32
      %add3A_446 = arith.addi %mul3A_444, %add3A_445 : i32
      %get3A_447 = arith.index_cast %add3A_446 : i32 to index
      %get3A_448 = tpu.vector_load %arg4[%get3A_447] {strides = array<i32>} : memref<32768xf32, #tpu.memory_space<vmem>>, vector<16xf32>,
      %max3A_449 = arith.maximumf %scan3A_386, %get3A_448 : vector<16xf32>
      %mul3A_450 = arith.constant 256 : i32
      %mul3A_451 = arith.muli %scan3A_378, %mul3A_450 : i32
      %add3A_452 = arith.constant 128 : i32
      %add3A_453 = arith.addi %mul3A_451, %add3A_452 : i32
      %get3A_454 = arith.index_cast %add3A_453 : i32 to index
      %get3A_455 = tpu.vector_load %arg4[%get3A_454] {strides = array<i32>} : memref<32768xf32, #tpu.memory_space<vmem>>, vector<16xf32>,
      %max3A_456 = arith.maximumf %scan3A_387, %get3A_455 : vector<16xf32>
      %mul3A_457 = arith.constant 256 : i32
      %mul3A_458 = arith.muli %scan3A_378, %mul3A_457 : i32
      %add3A_459 = arith.constant 144 : i32
      %add3A_460 = arith.addi %mul3A_458, %add3A_459 : i32
      %get3A_461 = arith.index_cast %add3A_460 : i32 to index
      %get3A_462 = tpu.vector_load %arg4[%get3A_461] {strides = array<i32>} : memref<32768xf32, #tpu.memory_space<vmem>>, vector<16xf32>,
      %max3A_463 = arith.maximumf %scan3A_388, %get3A_462 : vector<16xf32>
      %mul3A_464 = arith.constant 256 : i32
      %mul3A_465 = arith.muli %scan3A_378, %mul3A_464 : i32
      %add3A_466 = arith.constant 160 : i32
      %add3A_467 = arith.addi %mul3A_465, %add3A_466 : i32
      %get3A_468 = arith.index_cast %add3A_467 : i32 to index
      %get3A_469 = tpu.vector_load %arg4[%get3A_468] {strides = array<i32>} : memref<32768xf32, #tpu.memory_space<vmem>>, vector<16xf32>,
      %max3A_470 = arith.maximumf %scan3A_389, %get3A_469 : vector<16xf32>
      %mul3A_471 = arith.constant 256 : i32
      %mul3A_472 = arith.muli %scan3A_378, %mul3A_471 : i32
      %add3A_473 = arith.constant 176 : i32
      %add3A_474 = arith.addi %mul3A_472, %add3A_473 : i32
      %get3A_475 = arith.index_cast %add3A_474 : i32 to index
      %get3A_476 = tpu.vector_load %arg4[%get3A_475] {strides = array<i32>} : memref<32768xf32, #tpu.memory_space<vmem>>, vector<16xf32>,
      %max3A_477 = arith.maximumf %scan3A_390, %get3A_476 : vector<16xf32>
      %mul3A_478 = arith.constant 256 : i32
      %mul3A_479 = arith.muli %scan3A_378, %mul3A_478 : i32
      %add3A_480 = arith.constant 192 : i32
      %add3A_481 = arith.addi %mul3A_479, %add3A_480 : i32
      %get3A_482 = arith.index_cast %add3A_481 : i32 to index
      %get3A_483 = tpu.vector_load %arg4[%get3A_482] {strides = array<i32>} : memref<32768xf32, #tpu.memory_space<vmem>>, vector<16xf32>,
      %max3A_484 = arith.maximumf %scan3A_391, %get3A_483 : vector<16xf32>
      %mul3A_485 = arith.constant 256 : i32
      %mul3A_486 = arith.muli %scan3A_378, %mul3A_485 : i32
      %add3A_487 = arith.constant 208 : i32
      %add3A_488 = arith.addi %mul3A_486, %add3A_487 : i32
      %get3A_489 = arith.index_cast %add3A_488 : i32 to index
      %get3A_490 = tpu.vector_load %arg4[%get3A_489] {strides = array<i32>} : memref<32768xf32, #tpu.memory_space<vmem>>, vector<16xf32>,
      %max3A_491 = arith.maximumf %scan3A_392, %get3A_490 : vector<16xf32>
      %mul3A_492 = arith.constant 256 : i32
      %mul3A_493 = arith.muli %scan3A_378, %mul3A_492 : i32
      %add3A_494 = arith.constant 224 : i32
      %add3A_495 = arith.addi %mul3A_493, %add3A_494 : i32
      %get3A_496 = arith.index_cast %add3A_495 : i32 to index
      %get3A_497 = tpu.vector_load %arg4[%get3A_496] {strides = array<i32>} : memref<32768xf32, #tpu.memory_space<vmem>>, vector<16xf32>,
      %max3A_498 = arith.maximumf %scan3A_393, %get3A_497 : vector<16xf32>
      %mul3A_499 = arith.constant 256 : i32
      %mul3A_500 = arith.muli %scan3A_378, %mul3A_499 : i32
      %add3A_501 = arith.constant 240 : i32
      %add3A_502 = arith.addi %mul3A_500, %add3A_501 : i32
      %get3A_503 = arith.index_cast %add3A_502 : i32 to index
      %get3A_504 = tpu.vector_load %arg4[%get3A_503] {strides = array<i32>} : memref<32768xf32, #tpu.memory_space<vmem>>, vector<16xf32>,
      %max3A_505 = arith.maximumf %scan3A_394, %get3A_504 : vector<16xf32>
      scf.yield %max3A, %max3A_407, %max3A_414, %max3A_421, %max3A_428, %max3A_435, %max3A_442, %max3A_449, %max3A_456, %max3A_463, %max3A_470, %max3A_477, %max3A_484, %max3A_491, %max3A_498, %max3A_505 : vector<16xf32>, vector<16xf32>, vector<16xf32>, vector<16xf32>, vector<16xf32>, vector<16xf32>, vector<16xf32>, vector<16xf32>, vector<16xf32>, vector<16xf32>, vector<16xf32>, vector<16xf32>, vector<16xf32>, vector<16xf32>, vector<16xf32>, vector<16xf32>
    }
    %scan3A_57 = arith.constant 127 : i32
    %min3A = arith.minimumf %scan3A_56#0, %scan3A_56#8 : vector<16xf32>
    %min3A_58 = arith.minimumf %scan3A_56#1, %scan3A_56#9 : vector<16xf32>
    %min3A_59 = arith.minimumf %scan3A_56#2, %scan3A_56#10 : vector<16xf32>
    %min3A_60 = arith.minimumf %scan3A_56#3, %scan3A_56#11 : vector<16xf32>
    %min3A_61 = arith.minimumf %scan3A_56#4, %scan3A_56#12 : vector<16xf32>
    %min3A_62 = arith.minimumf %scan3A_56#5, %scan3A_56#13 : vector<16xf32>
    %min3A_63 = arith.minimumf %scan3A_56#6, %scan3A_56#14 : vector<16xf32>
    %min3A_64 = arith.minimumf %scan3A_56#7, %scan3A_56#15 : vector<16xf32>
    %min3A_65 = arith.minimumf %min3A, %min3A_61 : vector<16xf32>
    %min3A_66 = arith.minimumf %min3A_58, %min3A_62 : vector<16xf32>
    %min3A_67 = arith.minimumf %min3A_59, %min3A_63 : vector<16xf32>
    %min3A_68 = arith.minimumf %min3A_60, %min3A_64 : vector<16xf32>
    %min3A_69 = arith.minimumf %min3A_65, %min3A_67 : vector<16xf32>
    %min3A_70 = arith.minimumf %min3A_66, %min3A_68 : vector<16xf32>
    %min3A_71 = arith.minimumf %min3A_69, %min3A_70 : vector<16xf32>
    %reduce_min3A = arith.constant true
    %reduce_min3A_72 = vector.broadcast %reduce_min3A : i1 to vector<16xi1>
    %reduce_min3A_73 = tpu.scan <min>, %min3A_71 masked %reduce_min3A_72 : vector<16xf32>, vector<16xi1> -> vector<16xf32>
    %reduce_min3A_74 = vector.extract %reduce_min3A_73[15] : f32 from vector<16xf32>
    %scan3A_75 = arith.constant 0 : i32
    %scan3A_76 = arith.constant 128 : i32
    %scan3A_77 = arith.addi %scan3A_75, %scan3A_76 : i32
    %scan3A_78 = arith.constant 1 : i32
    %scan3A_79 = scf.for %scan3A_378 = %scan3A_75 to %scan3A_77 step %scan3A_78 iter_args(%scan3A_379 = %iota3A) -> (vector<16xi32>)  : i32 {
      %mul3A_380 = arith.constant 256 : i32
      %mul3A_381 = arith.muli %scan3A_378, %mul3A_380 : i32
      %add3A_382 = arith.constant 0 : i32
      %add3A_383 = arith.addi %mul3A_381, %add3A_382 : i32
      %get3A_384 = arith.index_cast %add3A_383 : i32 to index
      %get3A_385 = tpu.vector_load %arg4[%get3A_384] {strides = array<i32>} : memref<32768xf32, #tpu.memory_space<vmem>>, vector<16xf32>,
      %ge3A = vector.broadcast %reduce_min3A_74 : f32 to vector<16xf32>
      %ge3A_386 = arith.cmpf oge, %get3A_385, %ge3A : vector<16xf32>
      %jit3A_387 = arith.constant 16 : i32
      %jit3A_388 = arith.constant 0 : i32
      %broadcast_in_dim3A_389 = vector.broadcast %jit3A_387 : i32 to vector<16xi32>
      %broadcast_in_dim3A_390 = vector.broadcast %jit3A_388 : i32 to vector<16xi32>
      %select_n3A_391 = arith.select %ge3A_386, %broadcast_in_dim3A_389, %broadcast_in_dim3A_390 : vector<16xi1>, vector<16xi32>
      %mul3A_392 = arith.constant 256 : i32
      %mul3A_393 = arith.muli %scan3A_378, %mul3A_392 : i32
      %add3A_394 = arith.constant 16 : i32
      %add3A_395 = arith.addi %mul3A_393, %add3A_394 : i32
      %get3A_396 = arith.index_cast %add3A_395 : i32 to index
      %get3A_397 = tpu.vector_load %arg4[%get3A_396] {strides = array<i32>} : memref<32768xf32, #tpu.memory_space<vmem>>, vector<16xf32>,
      %ge3A_398 = vector.broadcast %reduce_min3A_74 : f32 to vector<16xf32>
      %ge3A_399 = arith.cmpf oge, %get3A_397, %ge3A_398 : vector<16xf32>
      %jit3A_400 = arith.constant 16 : i32
      %jit3A_401 = arith.constant 0 : i32
      %broadcast_in_dim3A_402 = vector.broadcast %jit3A_400 : i32 to vector<16xi32>
      %broadcast_in_dim3A_403 = vector.broadcast %jit3A_401 : i32 to vector<16xi32>
      %select_n3A_404 = arith.select %ge3A_399, %broadcast_in_dim3A_402, %broadcast_in_dim3A_403 : vector<16xi1>, vector<16xi32>
      %mul3A_405 = arith.constant 256 : i32
      %mul3A_406 = arith.muli %scan3A_378, %mul3A_405 : i32
      %add3A_407 = arith.constant 32 : i32
      %add3A_408 = arith.addi %mul3A_406, %add3A_407 : i32
      %get3A_409 = arith.index_cast %add3A_408 : i32 to index
      %get3A_410 = tpu.vector_load %arg4[%get3A_409] {strides = array<i32>} : memref<32768xf32, #tpu.memory_space<vmem>>, vector<16xf32>,
      %ge3A_411 = vector.broadcast %reduce_min3A_74 : f32 to vector<16xf32>
      %ge3A_412 = arith.cmpf oge, %get3A_410, %ge3A_411 : vector<16xf32>
      %jit3A_413 = arith.constant 16 : i32
      %jit3A_414 = arith.constant 0 : i32
      %broadcast_in_dim3A_415 = vector.broadcast %jit3A_413 : i32 to vector<16xi32>
      %broadcast_in_dim3A_416 = vector.broadcast %jit3A_414 : i32 to vector<16xi32>
      %select_n3A_417 = arith.select %ge3A_412, %broadcast_in_dim3A_415, %broadcast_in_dim3A_416 : vector<16xi1>, vector<16xi32>
      %mul3A_418 = arith.constant 256 : i32
      %mul3A_419 = arith.muli %scan3A_378, %mul3A_418 : i32
      %add3A_420 = arith.constant 48 : i32
      %add3A_421 = arith.addi %mul3A_419, %add3A_420 : i32
      %get3A_422 = arith.index_cast %add3A_421 : i32 to index
      %get3A_423 = tpu.vector_load %arg4[%get3A_422] {strides = array<i32>} : memref<32768xf32, #tpu.memory_space<vmem>>, vector<16xf32>,
      %ge3A_424 = vector.broadcast %reduce_min3A_74 : f32 to vector<16xf32>
      %ge3A_425 = arith.cmpf oge, %get3A_423, %ge3A_424 : vector<16xf32>
      %jit3A_426 = arith.constant 16 : i32
      %jit3A_427 = arith.constant 0 : i32
      %broadcast_in_dim3A_428 = vector.broadcast %jit3A_426 : i32 to vector<16xi32>
      %broadcast_in_dim3A_429 = vector.broadcast %jit3A_427 : i32 to vector<16xi32>
      %select_n3A_430 = arith.select %ge3A_425, %broadcast_in_dim3A_428, %broadcast_in_dim3A_429 : vector<16xi1>, vector<16xi32>
      %mul3A_431 = arith.constant 256 : i32
      %mul3A_432 = arith.muli %scan3A_378, %mul3A_431 : i32
      %add3A_433 = arith.constant 64 : i32
      %add3A_434 = arith.addi %mul3A_432, %add3A_433 : i32
      %get3A_435 = arith.index_cast %add3A_434 : i32 to index
      %get3A_436 = tpu.vector_load %arg4[%get3A_435] {strides = array<i32>} : memref<32768xf32, #tpu.memory_space<vmem>>, vector<16xf32>,
      %ge3A_437 = vector.broadcast %reduce_min3A_74 : f32 to vector<16xf32>
      %ge3A_438 = arith.cmpf oge, %get3A_436, %ge3A_437 : vector<16xf32>
      %jit3A_439 = arith.constant 16 : i32
      %jit3A_440 = arith.constant 0 : i32
      %broadcast_in_dim3A_441 = vector.broadcast %jit3A_439 : i32 to vector<16xi32>
      %broadcast_in_dim3A_442 = vector.broadcast %jit3A_440 : i32 to vector<16xi32>
      %select_n3A_443 = arith.select %ge3A_438, %broadcast_in_dim3A_441, %broadcast_in_dim3A_442 : vector<16xi1>, vector<16xi32>
      %mul3A_444 = arith.constant 256 : i32
      %mul3A_445 = arith.muli %scan3A_378, %mul3A_444 : i32
      %add3A_446 = arith.constant 80 : i32
      %add3A_447 = arith.addi %mul3A_445, %add3A_446 : i32
      %get3A_448 = arith.index_cast %add3A_447 : i32 to index
      %get3A_449 = tpu.vector_load %arg4[%get3A_448] {strides = array<i32>} : memref<32768xf32, #tpu.memory_space<vmem>>, vector<16xf32>,
      %ge3A_450 = vector.broadcast %reduce_min3A_74 : f32 to vector<16xf32>
      %ge3A_451 = arith.cmpf oge, %get3A_449, %ge3A_450 : vector<16xf32>
      %jit3A_452 = arith.constant 16 : i32
      %jit3A_453 = arith.constant 0 : i32
      %broadcast_in_dim3A_454 = vector.broadcast %jit3A_452 : i32 to vector<16xi32>
      %broadcast_in_dim3A_455 = vector.broadcast %jit3A_453 : i32 to vector<16xi32>
      %select_n3A_456 = arith.select %ge3A_451, %broadcast_in_dim3A_454, %broadcast_in_dim3A_455 : vector<16xi1>, vector<16xi32>
      %mul3A_457 = arith.constant 256 : i32
      %mul3A_458 = arith.muli %scan3A_378, %mul3A_457 : i32
      %add3A_459 = arith.constant 96 : i32
      %add3A_460 = arith.addi %mul3A_458, %add3A_459 : i32
      %get3A_461 = arith.index_cast %add3A_460 : i32 to index
      %get3A_462 = tpu.vector_load %arg4[%get3A_461] {strides = array<i32>} : memref<32768xf32, #tpu.memory_space<vmem>>, vector<16xf32>,
      %ge3A_463 = vector.broadcast %reduce_min3A_74 : f32 to vector<16xf32>
      %ge3A_464 = arith.cmpf oge, %get3A_462, %ge3A_463 : vector<16xf32>
      %jit3A_465 = arith.constant 16 : i32
      %jit3A_466 = arith.constant 0 : i32
      %broadcast_in_dim3A_467 = vector.broadcast %jit3A_465 : i32 to vector<16xi32>
      %broadcast_in_dim3A_468 = vector.broadcast %jit3A_466 : i32 to vector<16xi32>
      %select_n3A_469 = arith.select %ge3A_464, %broadcast_in_dim3A_467, %broadcast_in_dim3A_468 : vector<16xi1>, vector<16xi32>
      %mul3A_470 = arith.constant 256 : i32
      %mul3A_471 = arith.muli %scan3A_378, %mul3A_470 : i32
      %add3A_472 = arith.constant 112 : i32
      %add3A_473 = arith.addi %mul3A_471, %add3A_472 : i32
      %get3A_474 = arith.index_cast %add3A_473 : i32 to index
      %get3A_475 = tpu.vector_load %arg4[%get3A_474] {strides = array<i32>} : memref<32768xf32, #tpu.memory_space<vmem>>, vector<16xf32>,
      %ge3A_476 = vector.broadcast %reduce_min3A_74 : f32 to vector<16xf32>
      %ge3A_477 = arith.cmpf oge, %get3A_475, %ge3A_476 : vector<16xf32>
      %jit3A_478 = arith.constant 16 : i32
      %jit3A_479 = arith.constant 0 : i32
      %broadcast_in_dim3A_480 = vector.broadcast %jit3A_478 : i32 to vector<16xi32>
      %broadcast_in_dim3A_481 = vector.broadcast %jit3A_479 : i32 to vector<16xi32>
      %select_n3A_482 = arith.select %ge3A_477, %broadcast_in_dim3A_480, %broadcast_in_dim3A_481 : vector<16xi1>, vector<16xi32>
      %mul3A_483 = arith.constant 256 : i32
      %mul3A_484 = arith.muli %scan3A_378, %mul3A_483 : i32
      %add3A_485 = arith.constant 128 : i32
      %add3A_486 = arith.addi %mul3A_484, %add3A_485 : i32
      %get3A_487 = arith.index_cast %add3A_486 : i32 to index
      %get3A_488 = tpu.vector_load %arg4[%get3A_487] {strides = array<i32>} : memref<32768xf32, #tpu.memory_space<vmem>>, vector<16xf32>,
      %ge3A_489 = vector.broadcast %reduce_min3A_74 : f32 to vector<16xf32>
      %ge3A_490 = arith.cmpf oge, %get3A_488, %ge3A_489 : vector<16xf32>
      %jit3A_491 = arith.constant 16 : i32
      %jit3A_492 = arith.constant 0 : i32
      %broadcast_in_dim3A_493 = vector.broadcast %jit3A_491 : i32 to vector<16xi32>
      %broadcast_in_dim3A_494 = vector.broadcast %jit3A_492 : i32 to vector<16xi32>
      %select_n3A_495 = arith.select %ge3A_490, %broadcast_in_dim3A_493, %broadcast_in_dim3A_494 : vector<16xi1>, vector<16xi32>
      %mul3A_496 = arith.constant 256 : i32
      %mul3A_497 = arith.muli %scan3A_378, %mul3A_496 : i32
      %add3A_498 = arith.constant 144 : i32
      %add3A_499 = arith.addi %mul3A_497, %add3A_498 : i32
      %get3A_500 = arith.index_cast %add3A_499 : i32 to index
      %get3A_501 = tpu.vector_load %arg4[%get3A_500] {strides = array<i32>} : memref<32768xf32, #tpu.memory_space<vmem>>, vector<16xf32>,
      %ge3A_502 = vector.broadcast %reduce_min3A_74 : f32 to vector<16xf32>
      %ge3A_503 = arith.cmpf oge, %get3A_501, %ge3A_502 : vector<16xf32>
      %jit3A_504 = arith.constant 16 : i32
      %jit3A_505 = arith.constant 0 : i32
      %broadcast_in_dim3A_506 = vector.broadcast %jit3A_504 : i32 to vector<16xi32>
      %broadcast_in_dim3A_507 = vector.broadcast %jit3A_505 : i32 to vector<16xi32>
      %select_n3A_508 = arith.select %ge3A_503, %broadcast_in_dim3A_506, %broadcast_in_dim3A_507 : vector<16xi1>, vector<16xi32>
      %mul3A_509 = arith.constant 256 : i32
      %mul3A_510 = arith.muli %scan3A_378, %mul3A_509 : i32
      %add3A_511 = arith.constant 160 : i32
      %add3A_512 = arith.addi %mul3A_510, %add3A_511 : i32
      %get3A_513 = arith.index_cast %add3A_512 : i32 to index
      %get3A_514 = tpu.vector_load %arg4[%get3A_513] {strides = array<i32>} : memref<32768xf32, #tpu.memory_space<vmem>>, vector<16xf32>,
      %ge3A_515 = vector.broadcast %reduce_min3A_74 : f32 to vector<16xf32>
      %ge3A_516 = arith.cmpf oge, %get3A_514, %ge3A_515 : vector<16xf32>
      %jit3A_517 = arith.constant 16 : i32
      %jit3A_518 = arith.constant 0 : i32
      %broadcast_in_dim3A_519 = vector.broadcast %jit3A_517 : i32 to vector<16xi32>
      %broadcast_in_dim3A_520 = vector.broadcast %jit3A_518 : i32 to vector<16xi32>
      %select_n3A_521 = arith.select %ge3A_516, %broadcast_in_dim3A_519, %broadcast_in_dim3A_520 : vector<16xi1>, vector<16xi32>
      %mul3A_522 = arith.constant 256 : i32
      %mul3A_523 = arith.muli %scan3A_378, %mul3A_522 : i32
      %add3A_524 = arith.constant 176 : i32
      %add3A_525 = arith.addi %mul3A_523, %add3A_524 : i32
      %get3A_526 = arith.index_cast %add3A_525 : i32 to index
      %get3A_527 = tpu.vector_load %arg4[%get3A_526] {strides = array<i32>} : memref<32768xf32, #tpu.memory_space<vmem>>, vector<16xf32>,
      %ge3A_528 = vector.broadcast %reduce_min3A_74 : f32 to vector<16xf32>
      %ge3A_529 = arith.cmpf oge, %get3A_527, %ge3A_528 : vector<16xf32>
      %jit3A_530 = arith.constant 16 : i32
      %jit3A_531 = arith.constant 0 : i32
      %broadcast_in_dim3A_532 = vector.broadcast %jit3A_530 : i32 to vector<16xi32>
      %broadcast_in_dim3A_533 = vector.broadcast %jit3A_531 : i32 to vector<16xi32>
      %select_n3A_534 = arith.select %ge3A_529, %broadcast_in_dim3A_532, %broadcast_in_dim3A_533 : vector<16xi1>, vector<16xi32>
      %mul3A_535 = arith.constant 256 : i32
      %mul3A_536 = arith.muli %scan3A_378, %mul3A_535 : i32
      %add3A_537 = arith.constant 192 : i32
      %add3A_538 = arith.addi %mul3A_536, %add3A_537 : i32
      %get3A_539 = arith.index_cast %add3A_538 : i32 to index
      %get3A_540 = tpu.vector_load %arg4[%get3A_539] {strides = array<i32>} : memref<32768xf32, #tpu.memory_space<vmem>>, vector<16xf32>,
      %ge3A_541 = vector.broadcast %reduce_min3A_74 : f32 to vector<16xf32>
      %ge3A_542 = arith.cmpf oge, %get3A_540, %ge3A_541 : vector<16xf32>
      %jit3A_543 = arith.constant 16 : i32
      %jit3A_544 = arith.constant 0 : i32
      %broadcast_in_dim3A_545 = vector.broadcast %jit3A_543 : i32 to vector<16xi32>
      %broadcast_in_dim3A_546 = vector.broadcast %jit3A_544 : i32 to vector<16xi32>
      %select_n3A_547 = arith.select %ge3A_542, %broadcast_in_dim3A_545, %broadcast_in_dim3A_546 : vector<16xi1>, vector<16xi32>
      %mul3A_548 = arith.constant 256 : i32
      %mul3A_549 = arith.muli %scan3A_378, %mul3A_548 : i32
      %add3A_550 = arith.constant 208 : i32
      %add3A_551 = arith.addi %mul3A_549, %add3A_550 : i32
      %get3A_552 = arith.index_cast %add3A_551 : i32 to index
      %get3A_553 = tpu.vector_load %arg4[%get3A_552] {strides = array<i32>} : memref<32768xf32, #tpu.memory_space<vmem>>, vector<16xf32>,
      %ge3A_554 = vector.broadcast %reduce_min3A_74 : f32 to vector<16xf32>
      %ge3A_555 = arith.cmpf oge, %get3A_553, %ge3A_554 : vector<16xf32>
      %jit3A_556 = arith.constant 16 : i32
      %jit3A_557 = arith.constant 0 : i32
      %broadcast_in_dim3A_558 = vector.broadcast %jit3A_556 : i32 to vector<16xi32>
      %broadcast_in_dim3A_559 = vector.broadcast %jit3A_557 : i32 to vector<16xi32>
      %select_n3A_560 = arith.select %ge3A_555, %broadcast_in_dim3A_558, %broadcast_in_dim3A_559 : vector<16xi1>, vector<16xi32>
      %mul3A_561 = arith.constant 256 : i32
      %mul3A_562 = arith.muli %scan3A_378, %mul3A_561 : i32
      %add3A_563 = arith.constant 224 : i32
      %add3A_564 = arith.addi %mul3A_562, %add3A_563 : i32
      %get3A_565 = arith.index_cast %add3A_564 : i32 to index
      %get3A_566 = tpu.vector_load %arg4[%get3A_565] {strides = array<i32>} : memref<32768xf32, #tpu.memory_space<vmem>>, vector<16xf32>,
      %ge3A_567 = vector.broadcast %reduce_min3A_74 : f32 to vector<16xf32>
      %ge3A_568 = arith.cmpf oge, %get3A_566, %ge3A_567 : vector<16xf32>
      %jit3A_569 = arith.constant 16 : i32
      %jit3A_570 = arith.constant 0 : i32
      %broadcast_in_dim3A_571 = vector.broadcast %jit3A_569 : i32 to vector<16xi32>
      %broadcast_in_dim3A_572 = vector.broadcast %jit3A_570 : i32 to vector<16xi32>
      %select_n3A_573 = arith.select %ge3A_568, %broadcast_in_dim3A_571, %broadcast_in_dim3A_572 : vector<16xi1>, vector<16xi32>
      %mul3A_574 = arith.constant 256 : i32
      %mul3A_575 = arith.muli %scan3A_378, %mul3A_574 : i32
      %add3A_576 = arith.constant 240 : i32
      %add3A_577 = arith.addi %mul3A_575, %add3A_576 : i32
      %get3A_578 = arith.index_cast %add3A_577 : i32 to index
      %get3A_579 = tpu.vector_load %arg4[%get3A_578] {strides = array<i32>} : memref<32768xf32, #tpu.memory_space<vmem>>, vector<16xf32>,
      %ge3A_580 = vector.broadcast %reduce_min3A_74 : f32 to vector<16xf32>
      %ge3A_581 = arith.cmpf oge, %get3A_579, %ge3A_580 : vector<16xf32>
      %jit3A_582 = arith.constant 16 : i32
      %jit3A_583 = arith.constant 0 : i32
      %broadcast_in_dim3A_584 = vector.broadcast %jit3A_582 : i32 to vector<16xi32>
      %broadcast_in_dim3A_585 = vector.broadcast %jit3A_583 : i32 to vector<16xi32>
      %select_n3A_586 = arith.select %ge3A_581, %broadcast_in_dim3A_584, %broadcast_in_dim3A_585 : vector<16xi1>, vector<16xi32>
      tpu.vector_store_idx %arg6[%scan3A_379], %get3A_385 masked %ge3A_386 : memref<32768xf32, #tpu.memory_space<vmem>>[vector<16xi32>], vector<16xf32>, vector<16xi1>
      %add3A_587 = arith.addi %scan3A_379, %select_n3A_391 : vector<16xi32>
      tpu.vector_store_idx %arg6[%add3A_587], %get3A_397 masked %ge3A_399 : memref<32768xf32, #tpu.memory_space<vmem>>[vector<16xi32>], vector<16xf32>, vector<16xi1>
      %add3A_588 = arith.addi %add3A_587, %select_n3A_404 : vector<16xi32>
      tpu.vector_store_idx %arg6[%add3A_588], %get3A_410 masked %ge3A_412 : memref<32768xf32, #tpu.memory_space<vmem>>[vector<16xi32>], vector<16xf32>, vector<16xi1>
      %add3A_589 = arith.addi %add3A_588, %select_n3A_417 : vector<16xi32>
      tpu.vector_store_idx %arg6[%add3A_589], %get3A_423 masked %ge3A_425 : memref<32768xf32, #tpu.memory_space<vmem>>[vector<16xi32>], vector<16xf32>, vector<16xi1>
      %add3A_590 = arith.addi %add3A_589, %select_n3A_430 : vector<16xi32>
      tpu.vector_store_idx %arg6[%add3A_590], %get3A_436 masked %ge3A_438 : memref<32768xf32, #tpu.memory_space<vmem>>[vector<16xi32>], vector<16xf32>, vector<16xi1>
      %add3A_591 = arith.addi %add3A_590, %select_n3A_443 : vector<16xi32>
      tpu.vector_store_idx %arg6[%add3A_591], %get3A_449 masked %ge3A_451 : memref<32768xf32, #tpu.memory_space<vmem>>[vector<16xi32>], vector<16xf32>, vector<16xi1>
      %add3A_592 = arith.addi %add3A_591, %select_n3A_456 : vector<16xi32>
      tpu.vector_store_idx %arg6[%add3A_592], %get3A_462 masked %ge3A_464 : memref<32768xf32, #tpu.memory_space<vmem>>[vector<16xi32>], vector<16xf32>, vector<16xi1>
      %add3A_593 = arith.addi %add3A_592, %select_n3A_469 : vector<16xi32>
      tpu.vector_store_idx %arg6[%add3A_593], %get3A_475 masked %ge3A_477 : memref<32768xf32, #tpu.memory_space<vmem>>[vector<16xi32>], vector<16xf32>, vector<16xi1>
      %add3A_594 = arith.addi %add3A_593, %select_n3A_482 : vector<16xi32>
      tpu.vector_store_idx %arg6[%add3A_594], %get3A_488 masked %ge3A_490 : memref<32768xf32, #tpu.memory_space<vmem>>[vector<16xi32>], vector<16xf32>, vector<16xi1>
      %add3A_595 = arith.addi %add3A_594, %select_n3A_495 : vector<16xi32>
      tpu.vector_store_idx %arg6[%add3A_595], %get3A_501 masked %ge3A_503 : memref<32768xf32, #tpu.memory_space<vmem>>[vector<16xi32>], vector<16xf32>, vector<16xi1>
      %add3A_596 = arith.addi %add3A_595, %select_n3A_508 : vector<16xi32>
      tpu.vector_store_idx %arg6[%add3A_596], %get3A_514 masked %ge3A_516 : memref<32768xf32, #tpu.memory_space<vmem>>[vector<16xi32>], vector<16xf32>, vector<16xi1>
      %add3A_597 = arith.addi %add3A_596, %select_n3A_521 : vector<16xi32>
      tpu.vector_store_idx %arg6[%add3A_597], %get3A_527 masked %ge3A_529 : memref<32768xf32, #tpu.memory_space<vmem>>[vector<16xi32>], vector<16xf32>, vector<16xi1>
      %add3A_598 = arith.addi %add3A_597, %select_n3A_534 : vector<16xi32>
      tpu.vector_store_idx %arg6[%add3A_598], %get3A_540 masked %ge3A_542 : memref<32768xf32, #tpu.memory_space<vmem>>[vector<16xi32>], vector<16xf32>, vector<16xi1>
      %add3A_599 = arith.addi %add3A_598, %select_n3A_547 : vector<16xi32>
      tpu.vector_store_idx %arg6[%add3A_599], %get3A_553 masked %ge3A_555 : memref<32768xf32, #tpu.memory_space<vmem>>[vector<16xi32>], vector<16xf32>, vector<16xi1>
      %add3A_600 = arith.addi %add3A_599, %select_n3A_560 : vector<16xi32>
      tpu.vector_store_idx %arg6[%add3A_600], %get3A_566 masked %ge3A_568 : memref<32768xf32, #tpu.memory_space<vmem>>[vector<16xi32>], vector<16xf32>, vector<16xi1>
      %add3A_601 = arith.addi %add3A_600, %select_n3A_573 : vector<16xi32>
      tpu.vector_store_idx %arg6[%add3A_601], %get3A_579 masked %ge3A_581 : memref<32768xf32, #tpu.memory_space<vmem>>[vector<16xi32>], vector<16xf32>, vector<16xi1>
      %add3A_602 = arith.addi %add3A_601, %select_n3A_586 : vector<16xi32>
      %add3A_603 = arith.addi %select_n3A_391, %select_n3A_495 : vector<16xi32>
      %add3A_604 = arith.addi %select_n3A_404, %select_n3A_508 : vector<16xi32>
      %add3A_605 = arith.addi %select_n3A_417, %select_n3A_521 : vector<16xi32>
      %add3A_606 = arith.addi %select_n3A_430, %select_n3A_534 : vector<16xi32>
      %add3A_607 = arith.addi %select_n3A_443, %select_n3A_547 : vector<16xi32>
      %add3A_608 = arith.addi %select_n3A_456, %select_n3A_560 : vector<16xi32>
      %add3A_609 = arith.addi %select_n3A_469, %select_n3A_573 : vector<16xi32>
      %add3A_610 = arith.addi %select_n3A_482, %select_n3A_586 : vector<16xi32>
      %add3A_611 = arith.addi %add3A_603, %add3A_607 : vector<16xi32>
      %add3A_612 = arith.addi %add3A_604, %add3A_608 : vector<16xi32>
      %add3A_613 = arith.addi %add3A_605, %add3A_609 : vector<16xi32>
      %add3A_614 = arith.addi %add3A_606, %add3A_610 : vector<16xi32>
      %add3A_615 = arith.addi %add3A_611, %add3A_613 : vector<16xi32>
      %add3A_616 = arith.addi %add3A_612, %add3A_614 : vector<16xi32>
      %add3A_617 = arith.addi %add3A_615, %add3A_616 : vector<16xi32>
      %add3A_618 = arith.addi %scan3A_379, %add3A_617 : vector<16xi32>
      scf.yield %add3A_618 : vector<16xi32>
    }
    %scan3A_80 = arith.constant 128 : i32
    %sub3A = arith.subi %scan3A_79, %iota3A : vector<16xi32>
    %shift_right_logical3A = arith.constant 4 : i32
    %shift_right_logical3A_81 = vector.broadcast %shift_right_logical3A : i32 to vector<16xi32>
    %shift_right_logical3A_82 = arith.shrui %sub3A, %shift_right_logical3A_81 : vector<16xi32>
    %reduce_max3A = arith.constant true
    %reduce_max3A_83 = vector.broadcast %reduce_max3A : i1 to vector<16xi1>
    %reduce_max3A_84 = arith.constant -2147483648 : i32
    %reduce_max3A_85 = vector.broadcast %reduce_max3A_84 : i32 to vector<16xi32>
    %reduce_max3A_86 = arith.xori %shift_right_logical3A_82, %reduce_max3A_85 : vector<16xi32>
    %reduce_max3A_87 = tpu.scan <max>, %reduce_max3A_86 masked %reduce_max3A_83 : vector<16xi32>, vector<16xi1> -> vector<16xi32>
    %reduce_max3A_88 = arith.xori %reduce_max3A_87, %reduce_max3A_85 : vector<16xi32>
    %reduce_max3A_89 = vector.extract %reduce_max3A_88[15] : i32 from vector<16xi32>
    %add3A_90 = arith.constant 15 : i32
    %add3A_91 = arith.addi %reduce_max3A_89, %add3A_90 : i32
    %jit3A = arith.constant 16 : i32
    %div3A = arith.divsi %add3A_91, %jit3A : i32
    %sign3A = arith.constant 0 : i32
    %sign3A_92 = arith.cmpi sgt, %add3A_91, %sign3A : i32
    %sign3A_93 = arith.extui %sign3A_92 : i1 to i32
    %sign3A_94 = arith.constant 0 : i32
    %sign3A_95 = arith.cmpi slt, %add3A_91, %sign3A_94 : i32
    %sign3A_96 = arith.extui %sign3A_95 : i1 to i32
    %sign3A_97 = arith.subi %sign3A_93, %sign3A_96 : i32
    %sign3A_98 = arith.constant 0 : i32
    %sign3A_99 = arith.cmpi sgt, %jit3A, %sign3A_98 : i32
    %sign3A_100 = arith.extui %sign3A_99 : i1 to i32
    %sign3A_101 = arith.constant 0 : i32
    %sign3A_102 = arith.cmpi slt, %jit3A, %sign3A_101 : i32
    %sign3A_103 = arith.extui %sign3A_102 : i1 to i32
    %sign3A_104 = arith.subi %sign3A_100, %sign3A_103 : i32
    %ne3A = arith.cmpi ne, %sign3A_97, %sign3A_104 : i32
    %rem3A = arith.remsi %add3A_91, %jit3A : i32
    %ne3A_105 = arith.constant 0 : i32
    %ne3A_106 = arith.cmpi ne, %rem3A, %ne3A_105 : i32
    %and3A = arith.andi %ne3A, %ne3A_106 : i1
    %sub3A_107 = arith.constant 1 : i32
    %sub3A_108 = arith.subi %div3A, %sub3A_107 : i32
    %select_n3A = arith.select %and3A, %sub3A_108, %div3A : i32
    %mul3A_109 = arith.constant 16 : i32
    %mul3A_110 = arith.muli %select_n3A, %mul3A_109 : i32
    %mul3A_111 = arith.constant 16 : i32
    %mul3A_112 = arith.muli %mul3A_110, %mul3A_111 : i32
    %mul3A_113 = arith.constant 16 : i32
    %mul3A_114 = arith.muli %select_n3A, %mul3A_113 : i32
    %reduce_min3A_115 = arith.constant true
    %reduce_min3A_116 = vector.broadcast %reduce_min3A_115 : i1 to vector<16xi1>
    %reduce_min3A_117 = arith.constant -2147483648 : i32
    %reduce_min3A_118 = vector.broadcast %reduce_min3A_117 : i32 to vector<16xi32>
    %reduce_min3A_119 = arith.xori %shift_right_logical3A_82, %reduce_min3A_118 : vector<16xi32>
    %reduce_min3A_120 = tpu.scan <min>, %reduce_min3A_119 masked %reduce_min3A_116 : vector<16xi32>, vector<16xi1> -> vector<16xi32>
    %reduce_min3A_121 = arith.xori %reduce_min3A_120, %reduce_min3A_118 : vector<16xi32>
    %reduce_min3A_122 = vector.extract %reduce_min3A_121[15] : i32 from vector<16xi32>
    %sub3A_123 = arith.subi %mul3A_114, %reduce_min3A_122 : i32
    %while3A = arith.constant 0 : i32
    %while3A_124 = arith.subi %sub3A_123, %while3A : i32
    %while3A_125 = arith.addi %while3A, %while3A_124 : i32
    %while3A_126 = arith.constant 1 : i32
    %while3A_127 = arith.divsi %while3A_124, %while3A_126 : i32
    %while3A_128 = arith.muli %while3A_127, %while3A_126 : i32
    %while3A_129 = arith.addi %while3A, %while3A_128 : i32
    %while3A_130 = arith.constant 1 : i32
    %while3A_131 = scf.for %while3A_378 = %while3A to %while3A_129 step %while3A_130 iter_args(%while3A_379 = %scan3A_79) -> (vector<16xi32>)  : i32 {
      %lt3A = vector.broadcast %mul3A_112 : i32 to vector<16xi32>
      %lt3A_380 = arith.cmpi slt, %while3A_379, %lt3A : vector<16xi32>
      tpu.vector_store_idx %arg6[%while3A_379], %broadcast_in_dim3A_1 masked %lt3A_380 : memref<32768xf32, #tpu.memory_space<vmem>>[vector<16xi32>], vector<16xf32>, vector<16xi1>
      %jit3A_381 = arith.constant 16 : i32
      %jit3A_382 = arith.constant 0 : i32
      %broadcast_in_dim3A_383 = vector.broadcast %jit3A_381 : i32 to vector<16xi32>
      %broadcast_in_dim3A_384 = vector.broadcast %jit3A_382 : i32 to vector<16xi32>
      %select_n3A_385 = arith.select %lt3A_380, %broadcast_in_dim3A_383, %broadcast_in_dim3A_384 : vector<16xi1>, vector<16xi32>
      %add3A_386 = arith.addi %while3A_379, %select_n3A_385 : vector<16xi32>
      scf.yield %add3A_386 : vector<16xi32>
    }
    %while3A_132 = arith.constant 1 : i32
    %while3A_133 = scf.for %while3A_378 = %while3A_129 to %while3A_125 step %while3A_132 iter_args(%while3A_379 = %while3A_131) -> (vector<16xi32>)  : i32 {
      %lt3A = vector.broadcast %mul3A_112 : i32 to vector<16xi32>
      %lt3A_380 = arith.cmpi slt, %while3A_379, %lt3A : vector<16xi32>
      tpu.vector_store_idx %arg6[%while3A_379], %broadcast_in_dim3A_1 masked %lt3A_380 : memref<32768xf32, #tpu.memory_space<vmem>>[vector<16xi32>], vector<16xf32>, vector<16xi1>
      %jit3A_381 = arith.constant 16 : i32
      %jit3A_382 = arith.constant 0 : i32
      %broadcast_in_dim3A_383 = vector.broadcast %jit3A_381 : i32 to vector<16xi32>
      %broadcast_in_dim3A_384 = vector.broadcast %jit3A_382 : i32 to vector<16xi32>
      %select_n3A_385 = arith.select %lt3A_380, %broadcast_in_dim3A_383, %broadcast_in_dim3A_384 : vector<16xi1>, vector<16xi32>
      %add3A_386 = arith.addi %while3A_379, %select_n3A_385 : vector<16xi32>
      scf.yield %add3A_386 : vector<16xi32>
    }
    %while3A_134 = arith.constant 0 : i32
    %while3A_135 = arith.subi %select_n3A, %while3A_134 : i32
    %while3A_136 = arith.addi %while3A_134, %while3A_135 : i32
    %while3A_137 = arith.constant 1 : i32
    %while3A_138 = arith.divsi %while3A_135, %while3A_137 : i32
    %while3A_139 = arith.muli %while3A_138, %while3A_137 : i32
    %while3A_140 = arith.addi %while3A_134, %while3A_139 : i32
    %while3A_141 = arith.constant 1 : i32
    %while3A_142:16 = scf.for %while3A_378 = %while3A_134 to %while3A_140 step %while3A_141 iter_args(%while3A_379 = %broadcast_in_dim3A_1, %while3A_380 = %broadcast_in_dim3A_1, %while3A_381 = %broadcast_in_dim3A_1, %while3A_382 = %broadcast_in_dim3A_1, %while3A_383 = %broadcast_in_dim3A_1, %while3A_384 = %broadcast_in_dim3A_1, %while3A_385 = %broadcast_in_dim3A_1, %while3A_386 = %broadcast_in_dim3A_1, %while3A_387 = %broadcast_in_dim3A_1, %while3A_388 = %broadcast_in_dim3A_1, %while3A_389 = %broadcast_in_dim3A_1, %while3A_390 = %broadcast_in_dim3A_1, %while3A_391 = %broadcast_in_dim3A_1, %while3A_392 = %broadcast_in_dim3A_1, %while3A_393 = %broadcast_in_dim3A_1, %while3A_394 = %broadcast_in_dim3A_1) -> (vector<16xf32>, vector<16xf32>, vector<16xf32>, vector<16xf32>, vector<16xf32>, vector<16xf32>, vector<16xf32>, vector<16xf32>, vector<16xf32>, vector<16xf32>, vector<16xf32>, vector<16xf32>, vector<16xf32>, vector<16xf32>, vector<16xf32>, vector<16xf32>)  : i32 {
      %mul3A_395 = arith.constant 256 : i32
      %mul3A_396 = arith.muli %while3A_378, %mul3A_395 : i32
      %add3A_397 = arith.constant 0 : i32
      %add3A_398 = arith.addi %mul3A_396, %add3A_397 : i32
      %get3A_399 = arith.index_cast %add3A_398 : i32 to index
      %get3A_400 = tpu.vector_load %arg6[%get3A_399] {strides = array<i32>} : memref<32768xf32, #tpu.memory_space<vmem>>, vector<16xf32>,
      %mul3A_401 = arith.constant 256 : i32
      %mul3A_402 = arith.muli %while3A_378, %mul3A_401 : i32
      %add3A_403 = arith.constant 16 : i32
      %add3A_404 = arith.addi %mul3A_402, %add3A_403 : i32
      %get3A_405 = arith.index_cast %add3A_404 : i32 to index
      %get3A_406 = tpu.vector_load %arg6[%get3A_405] {strides = array<i32>} : memref<32768xf32, #tpu.memory_space<vmem>>, vector<16xf32>,
      %mul3A_407 = arith.constant 256 : i32
      %mul3A_408 = arith.muli %while3A_378, %mul3A_407 : i32
      %add3A_409 = arith.constant 32 : i32
      %add3A_410 = arith.addi %mul3A_408, %add3A_409 : i32
      %get3A_411 = arith.index_cast %add3A_410 : i32 to index
      %get3A_412 = tpu.vector_load %arg6[%get3A_411] {strides = array<i32>} : memref<32768xf32, #tpu.memory_space<vmem>>, vector<16xf32>,
      %mul3A_413 = arith.constant 256 : i32
      %mul3A_414 = arith.muli %while3A_378, %mul3A_413 : i32
      %add3A_415 = arith.constant 48 : i32
      %add3A_416 = arith.addi %mul3A_414, %add3A_415 : i32
      %get3A_417 = arith.index_cast %add3A_416 : i32 to index
      %get3A_418 = tpu.vector_load %arg6[%get3A_417] {strides = array<i32>} : memref<32768xf32, #tpu.memory_space<vmem>>, vector<16xf32>,
      %mul3A_419 = arith.constant 256 : i32
      %mul3A_420 = arith.muli %while3A_378, %mul3A_419 : i32
      %add3A_421 = arith.constant 64 : i32
      %add3A_422 = arith.addi %mul3A_420, %add3A_421 : i32
      %get3A_423 = arith.index_cast %add3A_422 : i32 to index
      %get3A_424 = tpu.vector_load %arg6[%get3A_423] {strides = array<i32>} : memref<32768xf32, #tpu.memory_space<vmem>>, vector<16xf32>,
      %mul3A_425 = arith.constant 256 : i32
      %mul3A_426 = arith.muli %while3A_378, %mul3A_425 : i32
      %add3A_427 = arith.constant 80 : i32
      %add3A_428 = arith.addi %mul3A_426, %add3A_427 : i32
      %get3A_429 = arith.index_cast %add3A_428 : i32 to index
      %get3A_430 = tpu.vector_load %arg6[%get3A_429] {strides = array<i32>} : memref<32768xf32, #tpu.memory_space<vmem>>, vector<16xf32>,
      %mul3A_431 = arith.constant 256 : i32
      %mul3A_432 = arith.muli %while3A_378, %mul3A_431 : i32
      %add3A_433 = arith.constant 96 : i32
      %add3A_434 = arith.addi %mul3A_432, %add3A_433 : i32
      %get3A_435 = arith.index_cast %add3A_434 : i32 to index
      %get3A_436 = tpu.vector_load %arg6[%get3A_435] {strides = array<i32>} : memref<32768xf32, #tpu.memory_space<vmem>>, vector<16xf32>,
      %mul3A_437 = arith.constant 256 : i32
      %mul3A_438 = arith.muli %while3A_378, %mul3A_437 : i32
      %add3A_439 = arith.constant 112 : i32
      %add3A_440 = arith.addi %mul3A_438, %add3A_439 : i32
      %get3A_441 = arith.index_cast %add3A_440 : i32 to index
      %get3A_442 = tpu.vector_load %arg6[%get3A_441] {strides = array<i32>} : memref<32768xf32, #tpu.memory_space<vmem>>, vector<16xf32>,
      %mul3A_443 = arith.constant 256 : i32
      %mul3A_444 = arith.muli %while3A_378, %mul3A_443 : i32
      %add3A_445 = arith.constant 128 : i32
      %add3A_446 = arith.addi %mul3A_444, %add3A_445 : i32
      %get3A_447 = arith.index_cast %add3A_446 : i32 to index
      %get3A_448 = tpu.vector_load %arg6[%get3A_447] {strides = array<i32>} : memref<32768xf32, #tpu.memory_space<vmem>>, vector<16xf32>,
      %mul3A_449 = arith.constant 256 : i32
      %mul3A_450 = arith.muli %while3A_378, %mul3A_449 : i32
      %add3A_451 = arith.constant 144 : i32
      %add3A_452 = arith.addi %mul3A_450, %add3A_451 : i32
      %get3A_453 = arith.index_cast %add3A_452 : i32 to index
      %get3A_454 = tpu.vector_load %arg6[%get3A_453] {strides = array<i32>} : memref<32768xf32, #tpu.memory_space<vmem>>, vector<16xf32>,
      %mul3A_455 = arith.constant 256 : i32
      %mul3A_456 = arith.muli %while3A_378, %mul3A_455 : i32
      %add3A_457 = arith.constant 160 : i32
      %add3A_458 = arith.addi %mul3A_456, %add3A_457 : i32
      %get3A_459 = arith.index_cast %add3A_458 : i32 to index
      %get3A_460 = tpu.vector_load %arg6[%get3A_459] {strides = array<i32>} : memref<32768xf32, #tpu.memory_space<vmem>>, vector<16xf32>,
      %mul3A_461 = arith.constant 256 : i32
      %mul3A_462 = arith.muli %while3A_378, %mul3A_461 : i32
      %add3A_463 = arith.constant 176 : i32
      %add3A_464 = arith.addi %mul3A_462, %add3A_463 : i32
      %get3A_465 = arith.index_cast %add3A_464 : i32 to index
      %get3A_466 = tpu.vector_load %arg6[%get3A_465] {strides = array<i32>} : memref<32768xf32, #tpu.memory_space<vmem>>, vector<16xf32>,
      %mul3A_467 = arith.constant 256 : i32
      %mul3A_468 = arith.muli %while3A_378, %mul3A_467 : i32
      %add3A_469 = arith.constant 192 : i32
      %add3A_470 = arith.addi %mul3A_468, %add3A_469 : i32
      %get3A_471 = arith.index_cast %add3A_470 : i32 to index
      %get3A_472 = tpu.vector_load %arg6[%get3A_471] {strides = array<i32>} : memref<32768xf32, #tpu.memory_space<vmem>>, vector<16xf32>,
      %mul3A_473 = arith.constant 256 : i32
      %mul3A_474 = arith.muli %while3A_378, %mul3A_473 : i32
      %add3A_475 = arith.constant 208 : i32
      %add3A_476 = arith.addi %mul3A_474, %add3A_475 : i32
      %get3A_477 = arith.index_cast %add3A_476 : i32 to index
      %get3A_478 = tpu.vector_load %arg6[%get3A_477] {strides = array<i32>} : memref<32768xf32, #tpu.memory_space<vmem>>, vector<16xf32>,
      %mul3A_479 = arith.constant 256 : i32
      %mul3A_480 = arith.muli %while3A_378, %mul3A_479 : i32
      %add3A_481 = arith.constant 224 : i32
      %add3A_482 = arith.addi %mul3A_480, %add3A_481 : i32
      %get3A_483 = arith.index_cast %add3A_482 : i32 to index
      %get3A_484 = tpu.vector_load %arg6[%get3A_483] {strides = array<i32>} : memref<32768xf32, #tpu.memory_space<vmem>>, vector<16xf32>,
      %mul3A_485 = arith.constant 256 : i32
      %mul3A_486 = arith.muli %while3A_378, %mul3A_485 : i32
      %add3A_487 = arith.constant 240 : i32
      %add3A_488 = arith.addi %mul3A_486, %add3A_487 : i32
      %get3A_489 = arith.index_cast %add3A_488 : i32 to index
      %get3A_490 = tpu.vector_load %arg6[%get3A_489] {strides = array<i32>} : memref<32768xf32, #tpu.memory_space<vmem>>, vector<16xf32>,
      %masked_sort3A = arith.constant dense<true> : vector<16xi1>
      %masked_sort3A_491, %masked_sort3A_492, %masked_sort3A_493 = tpu.sort %get3A_400, %get3A_400 masked %masked_sort3A {descending = true} : (vector<16xf32>, vector<16xf32>, vector<16xi1>) -> (vector<16xi1>, vector<16xf32>, vector<16xf32>)
      %masked_sort3A_494 = arith.constant dense<true> : vector<16xi1>
      %masked_sort3A_495, %masked_sort3A_496, %masked_sort3A_497 = tpu.sort %get3A_406, %get3A_406 masked %masked_sort3A_494 : (vector<16xf32>, vector<16xf32>, vector<16xi1>) -> (vector<16xi1>, vector<16xf32>, vector<16xf32>)
      %max3A = arith.maximumf %masked_sort3A_492, %masked_sort3A_496 : vector<16xf32>
      %min3A_498 = arith.minimumf %masked_sort3A_492, %masked_sort3A_496 : vector<16xf32>
      %masked_sort3A_499 = arith.constant dense<true> : vector<16xi1>
      %masked_sort3A_500, %masked_sort3A_501, %masked_sort3A_502 = tpu.sort %max3A, %max3A masked %masked_sort3A_499 {descending = true} : (vector<16xf32>, vector<16xf32>, vector<16xi1>) -> (vector<16xi1>, vector<16xf32>, vector<16xf32>)
      %masked_sort3A_503 = arith.constant dense<true> : vector<16xi1>
      %masked_sort3A_504, %masked_sort3A_505, %masked_sort3A_506 = tpu.sort %min3A_498, %min3A_498 masked %masked_sort3A_503 {descending = true} : (vector<16xf32>, vector<16xf32>, vector<16xi1>) -> (vector<16xi1>, vector<16xf32>, vector<16xf32>)
      %masked_sort3A_507 = arith.constant dense<true> : vector<16xi1>
      %masked_sort3A_508, %masked_sort3A_509, %masked_sort3A_510 = tpu.sort %get3A_412, %get3A_412 masked %masked_sort3A_507 {descending = true} : (vector<16xf32>, vector<16xf32>, vector<16xi1>) -> (vector<16xi1>, vector<16xf32>, vector<16xf32>)
      %masked_sort3A_511 = arith.constant dense<true> : vector<16xi1>
      %masked_sort3A_512, %masked_sort3A_513, %masked_sort3A_514 = tpu.sort %get3A_418, %get3A_418 masked %masked_sort3A_511 : (vector<16xf32>, vector<16xf32>, vector<16xi1>) -> (vector<16xi1>, vector<16xf32>, vector<16xf32>)
      %min3A_515 = arith.minimumf %masked_sort3A_509, %masked_sort3A_513 : vector<16xf32>
      %max3A_516 = arith.maximumf %masked_sort3A_509, %masked_sort3A_513 : vector<16xf32>
      %masked_sort3A_517 = arith.constant dense<true> : vector<16xi1>
      %masked_sort3A_518, %masked_sort3A_519, %masked_sort3A_520 = tpu.sort %min3A_515, %min3A_515 masked %masked_sort3A_517 : (vector<16xf32>, vector<16xf32>, vector<16xi1>) -> (vector<16xi1>, vector<16xf32>, vector<16xf32>)
      %masked_sort3A_521 = arith.constant dense<true> : vector<16xi1>
      %masked_sort3A_522, %masked_sort3A_523, %masked_sort3A_524 = tpu.sort %max3A_516, %max3A_516 masked %masked_sort3A_521 : (vector<16xf32>, vector<16xf32>, vector<16xi1>) -> (vector<16xi1>, vector<16xf32>, vector<16xf32>)
      %max3A_525 = arith.maximumf %masked_sort3A_501, %masked_sort3A_519 : vector<16xf32>
      %max3A_526 = arith.maximumf %masked_sort3A_505, %masked_sort3A_523 : vector<16xf32>
      %min3A_527 = arith.minimumf %masked_sort3A_501, %masked_sort3A_519 : vector<16xf32>
      %min3A_528 = arith.minimumf %masked_sort3A_505, %masked_sort3A_523 : vector<16xf32>
      %max3A_529 = arith.maximumf %max3A_525, %max3A_526 : vector<16xf32>
      %min3A_530 = arith.minimumf %max3A_525, %max3A_526 : vector<16xf32>
      %masked_sort3A_531 = arith.constant dense<true> : vector<16xi1>
      %masked_sort3A_532, %masked_sort3A_533, %masked_sort3A_534 = tpu.sort %max3A_529, %max3A_529 masked %masked_sort3A_531 {descending = true} : (vector<16xf32>, vector<16xf32>, vector<16xi1>) -> (vector<16xi1>, vector<16xf32>, vector<16xf32>)
      %masked_sort3A_535 = arith.constant dense<true> : vector<16xi1>
      %masked_sort3A_536, %masked_sort3A_537, %masked_sort3A_538 = tpu.sort %min3A_530, %min3A_530 masked %masked_sort3A_535 {descending = true} : (vector<16xf32>, vector<16xf32>, vector<16xi1>) -> (vector<16xi1>, vector<16xf32>, vector<16xf32>)
      %max3A_539 = arith.maximumf %min3A_527, %min3A_528 : vector<16xf32>
      %min3A_540 = arith.minimumf %min3A_527, %min3A_528 : vector<16xf32>
      %masked_sort3A_541 = arith.constant dense<true> : vector<16xi1>
      %masked_sort3A_542, %masked_sort3A_543, %masked_sort3A_544 = tpu.sort %max3A_539, %max3A_539 masked %masked_sort3A_541 {descending = true} : (vector<16xf32>, vector<16xf32>, vector<16xi1>) -> (vector<16xi1>, vector<16xf32>, vector<16xf32>)
      %masked_sort3A_545 = arith.constant dense<true> : vector<16xi1>
      %masked_sort3A_546, %masked_sort3A_547, %masked_sort3A_548 = tpu.sort %min3A_540, %min3A_540 masked %masked_sort3A_545 {descending = true} : (vector<16xf32>, vector<16xf32>, vector<16xi1>) -> (vector<16xi1>, vector<16xf32>, vector<16xf32>)
      %masked_sort3A_549 = arith.constant dense<true> : vector<16xi1>
      %masked_sort3A_550, %masked_sort3A_551, %masked_sort3A_552 = tpu.sort %get3A_424, %get3A_424 masked %masked_sort3A_549 {descending = true} : (vector<16xf32>, vector<16xf32>, vector<16xi1>) -> (vector<16xi1>, vector<16xf32>, vector<16xf32>)
      %masked_sort3A_553 = arith.constant dense<true> : vector<16xi1>
      %masked_sort3A_554, %masked_sort3A_555, %masked_sort3A_556 = tpu.sort %get3A_430, %get3A_430 masked %masked_sort3A_553 : (vector<16xf32>, vector<16xf32>, vector<16xi1>) -> (vector<16xi1>, vector<16xf32>, vector<16xf32>)
      %max3A_557 = arith.maximumf %masked_sort3A_551, %masked_sort3A_555 : vector<16xf32>
      %min3A_558 = arith.minimumf %masked_sort3A_551, %masked_sort3A_555 : vector<16xf32>
      %masked_sort3A_559 = arith.constant dense<true> : vector<16xi1>
      %masked_sort3A_560, %masked_sort3A_561, %masked_sort3A_562 = tpu.sort %max3A_557, %max3A_557 masked %masked_sort3A_559 {descending = true} : (vector<16xf32>, vector<16xf32>, vector<16xi1>) -> (vector<16xi1>, vector<16xf32>, vector<16xf32>)
      %masked_sort3A_563 = arith.constant dense<true> : vector<16xi1>
      %masked_sort3A_564, %masked_sort3A_565, %masked_sort3A_566 = tpu.sort %min3A_558, %min3A_558 masked %masked_sort3A_563 {descending = true} : (vector<16xf32>, vector<16xf32>, vector<16xi1>) -> (vector<16xi1>, vector<16xf32>, vector<16xf32>)
      %masked_sort3A_567 = arith.constant dense<true> : vector<16xi1>
      %masked_sort3A_568, %masked_sort3A_569, %masked_sort3A_570 = tpu.sort %get3A_436, %get3A_436 masked %masked_sort3A_567 {descending = true} : (vector<16xf32>, vector<16xf32>, vector<16xi1>) -> (vector<16xi1>, vector<16xf32>, vector<16xf32>)
      %masked_sort3A_571 = arith.constant dense<true> : vector<16xi1>
      %masked_sort3A_572, %masked_sort3A_573, %masked_sort3A_574 = tpu.sort %get3A_442, %get3A_442 masked %masked_sort3A_571 : (vector<16xf32>, vector<16xf32>, vector<16xi1>) -> (vector<16xi1>, vector<16xf32>, vector<16xf32>)
      %min3A_575 = arith.minimumf %masked_sort3A_569, %masked_sort3A_573 : vector<16xf32>
      %max3A_576 = arith.maximumf %masked_sort3A_569, %masked_sort3A_573 : vector<16xf32>
      %masked_sort3A_577 = arith.constant dense<true> : vector<16xi1>
      %masked_sort3A_578, %masked_sort3A_579, %masked_sort3A_580 = tpu.sort %min3A_575, %min3A_575 masked %masked_sort3A_577 : (vector<16xf32>, vector<16xf32>, vector<16xi1>) -> (vector<16xi1>, vector<16xf32>, vector<16xf32>)
      %masked_sort3A_581 = arith.constant dense<true> : vector<16xi1>
      %masked_sort3A_582, %masked_sort3A_583, %masked_sort3A_584 = tpu.sort %max3A_576, %max3A_576 masked %masked_sort3A_581 : (vector<16xf32>, vector<16xf32>, vector<16xi1>) -> (vector<16xi1>, vector<16xf32>, vector<16xf32>)
      %min3A_585 = arith.minimumf %masked_sort3A_561, %masked_sort3A_579 : vector<16xf32>
      %min3A_586 = arith.minimumf %masked_sort3A_565, %masked_sort3A_583 : vector<16xf32>
      %max3A_587 = arith.maximumf %masked_sort3A_561, %masked_sort3A_579 : vector<16xf32>
      %max3A_588 = arith.maximumf %masked_sort3A_565, %masked_sort3A_583 : vector<16xf32>
      %min3A_589 = arith.minimumf %min3A_585, %min3A_586 : vector<16xf32>
      %max3A_590 = arith.maximumf %min3A_585, %min3A_586 : vector<16xf32>
      %masked_sort3A_591 = arith.constant dense<true> : vector<16xi1>
      %masked_sort3A_592, %masked_sort3A_593, %masked_sort3A_594 = tpu.sort %min3A_589, %min3A_589 masked %masked_sort3A_591 : (vector<16xf32>, vector<16xf32>, vector<16xi1>) -> (vector<16xi1>, vector<16xf32>, vector<16xf32>)
      %masked_sort3A_595 = arith.constant dense<true> : vector<16xi1>
      %masked_sort3A_596, %masked_sort3A_597, %masked_sort3A_598 = tpu.sort %max3A_590, %max3A_590 masked %masked_sort3A_595 : (vector<16xf32>, vector<16xf32>, vector<16xi1>) -> (vector<16xi1>, vector<16xf32>, vector<16xf32>)
      %min3A_599 = arith.minimumf %max3A_587, %max3A_588 : vector<16xf32>
      %max3A_600 = arith.maximumf %max3A_587, %max3A_588 : vector<16xf32>
      %masked_sort3A_601 = arith.constant dense<true> : vector<16xi1>
      %masked_sort3A_602, %masked_sort3A_603, %masked_sort3A_604 = tpu.sort %min3A_599, %min3A_599 masked %masked_sort3A_601 : (vector<16xf32>, vector<16xf32>, vector<16xi1>) -> (vector<16xi1>, vector<16xf32>, vector<16xf32>)
      %masked_sort3A_605 = arith.constant dense<true> : vector<16xi1>
      %masked_sort3A_606, %masked_sort3A_607, %masked_sort3A_608 = tpu.sort %max3A_600, %max3A_600 masked %masked_sort3A_605 : (vector<16xf32>, vector<16xf32>, vector<16xi1>) -> (vector<16xi1>, vector<16xf32>, vector<16xf32>)
      %max3A_609 = arith.maximumf %masked_sort3A_533, %masked_sort3A_593 : vector<16xf32>
      %max3A_610 = arith.maximumf %masked_sort3A_537, %masked_sort3A_597 : vector<16xf32>
      %max3A_611 = arith.maximumf %masked_sort3A_543, %masked_sort3A_603 : vector<16xf32>
      %max3A_612 = arith.maximumf %masked_sort3A_547, %masked_sort3A_607 : vector<16xf32>
      %min3A_613 = arith.minimumf %masked_sort3A_533, %masked_sort3A_593 : vector<16xf32>
      %min3A_614 = arith.minimumf %masked_sort3A_537, %masked_sort3A_597 : vector<16xf32>
      %min3A_615 = arith.minimumf %masked_sort3A_543, %masked_sort3A_603 : vector<16xf32>
      %min3A_616 = arith.minimumf %masked_sort3A_547, %masked_sort3A_607 : vector<16xf32>
      %max3A_617 = arith.maximumf %max3A_609, %max3A_611 : vector<16xf32>
      %max3A_618 = arith.maximumf %max3A_610, %max3A_612 : vector<16xf32>
      %min3A_619 = arith.minimumf %max3A_609, %max3A_611 : vector<16xf32>
      %min3A_620 = arith.minimumf %max3A_610, %max3A_612 : vector<16xf32>
      %max3A_621 = arith.maximumf %max3A_617, %max3A_618 : vector<16xf32>
      %min3A_622 = arith.minimumf %max3A_617, %max3A_618 : vector<16xf32>
      %masked_sort3A_623 = arith.constant dense<true> : vector<16xi1>
      %masked_sort3A_624, %masked_sort3A_625, %masked_sort3A_626 = tpu.sort %max3A_621, %max3A_621 masked %masked_sort3A_623 {descending = true} : (vector<16xf32>, vector<16xf32>, vector<16xi1>) -> (vector<16xi1>, vector<16xf32>, vector<16xf32>)
      %masked_sort3A_627 = arith.constant dense<true> : vector<16xi1>
      %masked_sort3A_628, %masked_sort3A_629, %masked_sort3A_630 = tpu.sort %min3A_622, %min3A_622 masked %masked_sort3A_627 {descending = true} : (vector<16xf32>, vector<16xf32>, vector<16xi1>) -> (vector<16xi1>, vector<16xf32>, vector<16xf32>)
      %max3A_631 = arith.maximumf %min3A_619, %min3A_620 : vector<16xf32>
      %min3A_632 = arith.minimumf %min3A_619, %min3A_620 : vector<16xf32>
      %masked_sort3A_633 = arith.constant dense<true> : vector<16xi1>
      %masked_sort3A_634, %masked_sort3A_635, %masked_sort3A_636 = tpu.sort %max3A_631, %max3A_631 masked %masked_sort3A_633 {descending = true} : (vector<16xf32>, vector<16xf32>, vector<16xi1>) -> (vector<16xi1>, vector<16xf32>, vector<16xf32>)
      %masked_sort3A_637 = arith.constant dense<true> : vector<16xi1>
      %masked_sort3A_638, %masked_sort3A_639, %masked_sort3A_640 = tpu.sort %min3A_632, %min3A_632 masked %masked_sort3A_637 {descending = true} : (vector<16xf32>, vector<16xf32>, vector<16xi1>) -> (vector<16xi1>, vector<16xf32>, vector<16xf32>)
      %max3A_641 = arith.maximumf %min3A_613, %min3A_615 : vector<16xf32>
      %max3A_642 = arith.maximumf %min3A_614, %min3A_616 : vector<16xf32>
      %min3A_643 = arith.minimumf %min3A_613, %min3A_615 : vector<16xf32>
      %min3A_644 = arith.minimumf %min3A_614, %min3A_616 : vector<16xf32>
      %max3A_645 = arith.maximumf %max3A_641, %max3A_642 : vector<16xf32>
      %min3A_646 = arith.minimumf %max3A_641, %max3A_642 : vector<16xf32>
      %masked_sort3A_647 = arith.constant dense<true> : vector<16xi1>
      %masked_sort3A_648, %masked_sort3A_649, %masked_sort3A_650 = tpu.sort %max3A_645, %max3A_645 masked %masked_sort3A_647 {descending = true} : (vector<16xf32>, vector<16xf32>, vector<16xi1>) -> (vector<16xi1>, vector<16xf32>, vector<16xf32>)
      %masked_sort3A_651 = arith.constant dense<true> : vector<16xi1>
      %masked_sort3A_652, %masked_sort3A_653, %masked_sort3A_654 = tpu.sort %min3A_646, %min3A_646 masked %masked_sort3A_651 {descending = true} : (vector<16xf32>, vector<16xf32>, vector<16xi1>) -> (vector<16xi1>, vector<16xf32>, vector<16xf32>)
      %max3A_655 = arith.maximumf %min3A_643, %min3A_644 : vector<16xf32>
      %min3A_656 = arith.minimumf %min3A_643, %min3A_644 : vector<16xf32>
      %masked_sort3A_657 = arith.constant dense<true> : vector<16xi1>
      %masked_sort3A_658, %masked_sort3A_659, %masked_sort3A_660 = tpu.sort %max3A_655, %max3A_655 masked %masked_sort3A_657 {descending = true} : (vector<16xf32>, vector<16xf32>, vector<16xi1>) -> (vector<16xi1>, vector<16xf32>, vector<16xf32>)
      %masked_sort3A_661 = arith.constant dense<true> : vector<16xi1>
      %masked_sort3A_662, %masked_sort3A_663, %masked_sort3A_664 = tpu.sort %min3A_656, %min3A_656 masked %masked_sort3A_661 {descending = true} : (vector<16xf32>, vector<16xf32>, vector<16xi1>) -> (vector<16xi1>, vector<16xf32>, vector<16xf32>)
      %masked_sort3A_665 = arith.constant dense<true> : vector<16xi1>
      %masked_sort3A_666, %masked_sort3A_667, %masked_sort3A_668 = tpu.sort %get3A_448, %get3A_448 masked %masked_sort3A_665 {descending = true} : (vector<16xf32>, vector<16xf32>, vector<16xi1>) -> (vector<16xi1>, vector<16xf32>, vector<16xf32>)
      %masked_sort3A_669 = arith.constant dense<true> : vector<16xi1>
      %masked_sort3A_670, %masked_sort3A_671, %masked_sort3A_672 = tpu.sort %get3A_454, %get3A_454 masked %masked_sort3A_669 : (vector<16xf32>, vector<16xf32>, vector<16xi1>) -> (vector<16xi1>, vector<16xf32>, vector<16xf32>)
      %max3A_673 = arith.maximumf %masked_sort3A_667, %masked_sort3A_671 : vector<16xf32>
      %min3A_674 = arith.minimumf %masked_sort3A_667, %masked_sort3A_671 : vector<16xf32>
      %masked_sort3A_675 = arith.constant dense<true> : vector<16xi1>
      %masked_sort3A_676, %masked_sort3A_677, %masked_sort3A_678 = tpu.sort %max3A_673, %max3A_673 masked %masked_sort3A_675 {descending = true} : (vector<16xf32>, vector<16xf32>, vector<16xi1>) -> (vector<16xi1>, vector<16xf32>, vector<16xf32>)
      %masked_sort3A_679 = arith.constant dense<true> : vector<16xi1>
      %masked_sort3A_680, %masked_sort3A_681, %masked_sort3A_682 = tpu.sort %min3A_674, %min3A_674 masked %masked_sort3A_679 {descending = true} : (vector<16xf32>, vector<16xf32>, vector<16xi1>) -> (vector<16xi1>, vector<16xf32>, vector<16xf32>)
      %masked_sort3A_683 = arith.constant dense<true> : vector<16xi1>
      %masked_sort3A_684, %masked_sort3A_685, %masked_sort3A_686 = tpu.sort %get3A_460, %get3A_460 masked %masked_sort3A_683 {descending = true} : (vector<16xf32>, vector<16xf32>, vector<16xi1>) -> (vector<16xi1>, vector<16xf32>, vector<16xf32>)
      %masked_sort3A_687 = arith.constant dense<true> : vector<16xi1>
      %masked_sort3A_688, %masked_sort3A_689, %masked_sort3A_690 = tpu.sort %get3A_466, %get3A_466 masked %masked_sort3A_687 : (vector<16xf32>, vector<16xf32>, vector<16xi1>) -> (vector<16xi1>, vector<16xf32>, vector<16xf32>)
      %min3A_691 = arith.minimumf %masked_sort3A_685, %masked_sort3A_689 : vector<16xf32>
      %max3A_692 = arith.maximumf %masked_sort3A_685, %masked_sort3A_689 : vector<16xf32>
      %masked_sort3A_693 = arith.constant dense<true> : vector<16xi1>
      %masked_sort3A_694, %masked_sort3A_695, %masked_sort3A_696 = tpu.sort %min3A_691, %min3A_691 masked %masked_sort3A_693 : (vector<16xf32>, vector<16xf32>, vector<16xi1>) -> (vector<16xi1>, vector<16xf32>, vector<16xf32>)
      %masked_sort3A_697 = arith.constant dense<true> : vector<16xi1>
      %masked_sort3A_698, %masked_sort3A_699, %masked_sort3A_700 = tpu.sort %max3A_692, %max3A_692 masked %masked_sort3A_697 : (vector<16xf32>, vector<16xf32>, vector<16xi1>) -> (vector<16xi1>, vector<16xf32>, vector<16xf32>)
      %max3A_701 = arith.maximumf %masked_sort3A_677, %masked_sort3A_695 : vector<16xf32>
      %max3A_702 = arith.maximumf %masked_sort3A_681, %masked_sort3A_699 : vector<16xf32>
      %min3A_703 = arith.minimumf %masked_sort3A_677, %masked_sort3A_695 : vector<16xf32>
      %min3A_704 = arith.minimumf %masked_sort3A_681, %masked_sort3A_699 : vector<16xf32>
      %max3A_705 = arith.maximumf %max3A_701, %max3A_702 : vector<16xf32>
      %min3A_706 = arith.minimumf %max3A_701, %max3A_702 : vector<16xf32>
      %masked_sort3A_707 = arith.constant dense<true> : vector<16xi1>
      %masked_sort3A_708, %masked_sort3A_709, %masked_sort3A_710 = tpu.sort %max3A_705, %max3A_705 masked %masked_sort3A_707 {descending = true} : (vector<16xf32>, vector<16xf32>, vector<16xi1>) -> (vector<16xi1>, vector<16xf32>, vector<16xf32>)
      %masked_sort3A_711 = arith.constant dense<true> : vector<16xi1>
      %masked_sort3A_712, %masked_sort3A_713, %masked_sort3A_714 = tpu.sort %min3A_706, %min3A_706 masked %masked_sort3A_711 {descending = true} : (vector<16xf32>, vector<16xf32>, vector<16xi1>) -> (vector<16xi1>, vector<16xf32>, vector<16xf32>)
      %max3A_715 = arith.maximumf %min3A_703, %min3A_704 : vector<16xf32>
      %min3A_716 = arith.minimumf %min3A_703, %min3A_704 : vector<16xf32>
      %masked_sort3A_717 = arith.constant dense<true> : vector<16xi1>
      %masked_sort3A_718, %masked_sort3A_719, %masked_sort3A_720 = tpu.sort %max3A_715, %max3A_715 masked %masked_sort3A_717 {descending = true} : (vector<16xf32>, vector<16xf32>, vector<16xi1>) -> (vector<16xi1>, vector<16xf32>, vector<16xf32>)
      %masked_sort3A_721 = arith.constant dense<true> : vector<16xi1>
      %masked_sort3A_722, %masked_sort3A_723, %masked_sort3A_724 = tpu.sort %min3A_716, %min3A_716 masked %masked_sort3A_721 {descending = true} : (vector<16xf32>, vector<16xf32>, vector<16xi1>) -> (vector<16xi1>, vector<16xf32>, vector<16xf32>)
      %masked_sort3A_725 = arith.constant dense<true> : vector<16xi1>
      %masked_sort3A_726, %masked_sort3A_727, %masked_sort3A_728 = tpu.sort %get3A_472, %get3A_472 masked %masked_sort3A_725 {descending = true} : (vector<16xf32>, vector<16xf32>, vector<16xi1>) -> (vector<16xi1>, vector<16xf32>, vector<16xf32>)
      %masked_sort3A_729 = arith.constant dense<true> : vector<16xi1>
      %masked_sort3A_730, %masked_sort3A_731, %masked_sort3A_732 = tpu.sort %get3A_478, %get3A_478 masked %masked_sort3A_729 : (vector<16xf32>, vector<16xf32>, vector<16xi1>) -> (vector<16xi1>, vector<16xf32>, vector<16xf32>)
      %max3A_733 = arith.maximumf %masked_sort3A_727, %masked_sort3A_731 : vector<16xf32>
      %min3A_734 = arith.minimumf %masked_sort3A_727, %masked_sort3A_731 : vector<16xf32>
      %masked_sort3A_735 = arith.constant dense<true> : vector<16xi1>
      %masked_sort3A_736, %masked_sort3A_737, %masked_sort3A_738 = tpu.sort %max3A_733, %max3A_733 masked %masked_sort3A_735 {descending = true} : (vector<16xf32>, vector<16xf32>, vector<16xi1>) -> (vector<16xi1>, vector<16xf32>, vector<16xf32>)
      %masked_sort3A_739 = arith.constant dense<true> : vector<16xi1>
      %masked_sort3A_740, %masked_sort3A_741, %masked_sort3A_742 = tpu.sort %min3A_734, %min3A_734 masked %masked_sort3A_739 {descending = true} : (vector<16xf32>, vector<16xf32>, vector<16xi1>) -> (vector<16xi1>, vector<16xf32>, vector<16xf32>)
      %masked_sort3A_743 = arith.constant dense<true> : vector<16xi1>
      %masked_sort3A_744, %masked_sort3A_745, %masked_sort3A_746 = tpu.sort %get3A_484, %get3A_484 masked %masked_sort3A_743 {descending = true} : (vector<16xf32>, vector<16xf32>, vector<16xi1>) -> (vector<16xi1>, vector<16xf32>, vector<16xf32>)
      %masked_sort3A_747 = arith.constant dense<true> : vector<16xi1>
      %masked_sort3A_748, %masked_sort3A_749, %masked_sort3A_750 = tpu.sort %get3A_490, %get3A_490 masked %masked_sort3A_747 : (vector<16xf32>, vector<16xf32>, vector<16xi1>) -> (vector<16xi1>, vector<16xf32>, vector<16xf32>)
      %min3A_751 = arith.minimumf %masked_sort3A_745, %masked_sort3A_749 : vector<16xf32>
      %max3A_752 = arith.maximumf %masked_sort3A_745, %masked_sort3A_749 : vector<16xf32>
      %masked_sort3A_753 = arith.constant dense<true> : vector<16xi1>
      %masked_sort3A_754, %masked_sort3A_755, %masked_sort3A_756 = tpu.sort %min3A_751, %min3A_751 masked %masked_sort3A_753 : (vector<16xf32>, vector<16xf32>, vector<16xi1>) -> (vector<16xi1>, vector<16xf32>, vector<16xf32>)
      %masked_sort3A_757 = arith.constant dense<true> : vector<16xi1>
      %masked_sort3A_758, %masked_sort3A_759, %masked_sort3A_760 = tpu.sort %max3A_752, %max3A_752 masked %masked_sort3A_757 : (vector<16xf32>, vector<16xf32>, vector<16xi1>) -> (vector<16xi1>, vector<16xf32>, vector<16xf32>)
      %min3A_761 = arith.minimumf %masked_sort3A_737, %masked_sort3A_755 : vector<16xf32>
      %min3A_762 = arith.minimumf %masked_sort3A_741, %masked_sort3A_759 : vector<16xf32>
      %max3A_763 = arith.maximumf %masked_sort3A_737, %masked_sort3A_755 : vector<16xf32>
      %max3A_764 = arith.maximumf %masked_sort3A_741, %masked_sort3A_759 : vector<16xf32>
      %min3A_765 = arith.minimumf %min3A_761, %min3A_762 : vector<16xf32>
      %max3A_766 = arith.maximumf %min3A_761, %min3A_762 : vector<16xf32>
      %masked_sort3A_767 = arith.constant dense<true> : vector<16xi1>
      %masked_sort3A_768, %masked_sort3A_769, %masked_sort3A_770 = tpu.sort %min3A_765, %min3A_765 masked %masked_sort3A_767 : (vector<16xf32>, vector<16xf32>, vector<16xi1>) -> (vector<16xi1>, vector<16xf32>, vector<16xf32>)
      %masked_sort3A_771 = arith.constant dense<true> : vector<16xi1>
      %masked_sort3A_772, %masked_sort3A_773, %masked_sort3A_774 = tpu.sort %max3A_766, %max3A_766 masked %masked_sort3A_771 : (vector<16xf32>, vector<16xf32>, vector<16xi1>) -> (vector<16xi1>, vector<16xf32>, vector<16xf32>)
      %min3A_775 = arith.minimumf %max3A_763, %max3A_764 : vector<16xf32>
      %max3A_776 = arith.maximumf %max3A_763, %max3A_764 : vector<16xf32>
      %masked_sort3A_777 = arith.constant dense<true> : vector<16xi1>
      %masked_sort3A_778, %masked_sort3A_779, %masked_sort3A_780 = tpu.sort %min3A_775, %min3A_775 masked %masked_sort3A_777 : (vector<16xf32>, vector<16xf32>, vector<16xi1>) -> (vector<16xi1>, vector<16xf32>, vector<16xf32>)
      %masked_sort3A_781 = arith.constant dense<true> : vector<16xi1>
      %masked_sort3A_782, %masked_sort3A_783, %masked_sort3A_784 = tpu.sort %max3A_776, %max3A_776 masked %masked_sort3A_781 : (vector<16xf32>, vector<16xf32>, vector<16xi1>) -> (vector<16xi1>, vector<16xf32>, vector<16xf32>)
      %min3A_785 = arith.minimumf %masked_sort3A_709, %masked_sort3A_769 : vector<16xf32>
      %min3A_786 = arith.minimumf %masked_sort3A_713, %masked_sort3A_773 : vector<16xf32>
      %min3A_787 = arith.minimumf %masked_sort3A_719, %masked_sort3A_779 : vector<16xf32>
      %min3A_788 = arith.minimumf %masked_sort3A_723, %masked_sort3A_783 : vector<16xf32>
      %max3A_789 = arith.maximumf %masked_sort3A_709, %masked_sort3A_769 : vector<16xf32>
      %max3A_790 = arith.maximumf %masked_sort3A_713, %masked_sort3A_773 : vector<16xf32>
      %max3A_791 = arith.maximumf %masked_sort3A_719, %masked_sort3A_779 : vector<16xf32>
      %max3A_792 = arith.maximumf %masked_sort3A_723, %masked_sort3A_783 : vector<16xf32>
      %min3A_793 = arith.minimumf %min3A_785, %min3A_787 : vector<16xf32>
      %min3A_794 = arith.minimumf %min3A_786, %min3A_788 : vector<16xf32>
      %max3A_795 = arith.maximumf %min3A_785, %min3A_787 : vector<16xf32>
      %max3A_796 = arith.maximumf %min3A_786, %min3A_788 : vector<16xf32>
      %min3A_797 = arith.minimumf %min3A_793, %min3A_794 : vector<16xf32>
      %max3A_798 = arith.maximumf %min3A_793, %min3A_794 : vector<16xf32>
      %masked_sort3A_799 = arith.constant dense<true> : vector<16xi1>
      %masked_sort3A_800, %masked_sort3A_801, %masked_sort3A_802 = tpu.sort %min3A_797, %min3A_797 masked %masked_sort3A_799 : (vector<16xf32>, vector<16xf32>, vector<16xi1>) -> (vector<16xi1>, vector<16xf32>, vector<16xf32>)
      %masked_sort3A_803 = arith.constant dense<true> : vector<16xi1>
      %masked_sort3A_804, %masked_sort3A_805, %masked_sort3A_806 = tpu.sort %max3A_798, %max3A_798 masked %masked_sort3A_803 : (vector<16xf32>, vector<16xf32>, vector<16xi1>) -> (vector<16xi1>, vector<16xf32>, vector<16xf32>)
      %min3A_807 = arith.minimumf %max3A_795, %max3A_796 : vector<16xf32>
      %max3A_808 = arith.maximumf %max3A_795, %max3A_796 : vector<16xf32>
      %masked_sort3A_809 = arith.constant dense<true> : vector<16xi1>
      %masked_sort3A_810, %masked_sort3A_811, %masked_sort3A_812 = tpu.sort %min3A_807, %min3A_807 masked %masked_sort3A_809 : (vector<16xf32>, vector<16xf32>, vector<16xi1>) -> (vector<16xi1>, vector<16xf32>, vector<16xf32>)
      %masked_sort3A_813 = arith.constant dense<true> : vector<16xi1>
      %masked_sort3A_814, %masked_sort3A_815, %masked_sort3A_816 = tpu.sort %max3A_808, %max3A_808 masked %masked_sort3A_813 : (vector<16xf32>, vector<16xf32>, vector<16xi1>) -> (vector<16xi1>, vector<16xf32>, vector<16xf32>)
      %min3A_817 = arith.minimumf %max3A_789, %max3A_791 : vector<16xf32>
      %min3A_818 = arith.minimumf %max3A_790, %max3A_792 : vector<16xf32>
      %max3A_819 = arith.maximumf %max3A_789, %max3A_791 : vector<16xf32>
      %max3A_820 = arith.maximumf %max3A_790, %max3A_792 : vector<16xf32>
      %min3A_821 = arith.minimumf %min3A_817, %min3A_818 : vector<16xf32>
      %max3A_822 = arith.maximumf %min3A_817, %min3A_818 : vector<16xf32>
      %masked_sort3A_823 = arith.constant dense<true> : vector<16xi1>
      %masked_sort3A_824, %masked_sort3A_825, %masked_sort3A_826 = tpu.sort %min3A_821, %min3A_821 masked %masked_sort3A_823 : (vector<16xf32>, vector<16xf32>, vector<16xi1>) -> (vector<16xi1>, vector<16xf32>, vector<16xf32>)
      %masked_sort3A_827 = arith.constant dense<true> : vector<16xi1>
      %masked_sort3A_828, %masked_sort3A_829, %masked_sort3A_830 = tpu.sort %max3A_822, %max3A_822 masked %masked_sort3A_827 : (vector<16xf32>, vector<16xf32>, vector<16xi1>) -> (vector<16xi1>, vector<16xf32>, vector<16xf32>)
      %min3A_831 = arith.minimumf %max3A_819, %max3A_820 : vector<16xf32>
      %max3A_832 = arith.maximumf %max3A_819, %max3A_820 : vector<16xf32>
      %masked_sort3A_833 = arith.constant dense<true> : vector<16xi1>
      %masked_sort3A_834, %masked_sort3A_835, %masked_sort3A_836 = tpu.sort %min3A_831, %min3A_831 masked %masked_sort3A_833 : (vector<16xf32>, vector<16xf32>, vector<16xi1>) -> (vector<16xi1>, vector<16xf32>, vector<16xf32>)
      %masked_sort3A_837 = arith.constant dense<true> : vector<16xi1>
      %masked_sort3A_838, %masked_sort3A_839, %masked_sort3A_840 = tpu.sort %max3A_832, %max3A_832 masked %masked_sort3A_837 : (vector<16xf32>, vector<16xf32>, vector<16xi1>) -> (vector<16xi1>, vector<16xf32>, vector<16xf32>)
      %min3A_841 = arith.minimumf %masked_sort3A_625, %masked_sort3A_801 : vector<16xf32>
      %min3A_842 = arith.minimumf %masked_sort3A_629, %masked_sort3A_805 : vector<16xf32>
      %min3A_843 = arith.minimumf %masked_sort3A_635, %masked_sort3A_811 : vector<16xf32>
      %min3A_844 = arith.minimumf %masked_sort3A_639, %masked_sort3A_815 : vector<16xf32>
      %min3A_845 = arith.minimumf %masked_sort3A_649, %masked_sort3A_825 : vector<16xf32>
      %min3A_846 = arith.minimumf %masked_sort3A_653, %masked_sort3A_829 : vector<16xf32>
      %min3A_847 = arith.minimumf %masked_sort3A_659, %masked_sort3A_835 : vector<16xf32>
      %min3A_848 = arith.minimumf %masked_sort3A_663, %masked_sort3A_839 : vector<16xf32>
      %max3A_849 = arith.maximumf %masked_sort3A_625, %masked_sort3A_801 : vector<16xf32>
      %max3A_850 = arith.maximumf %masked_sort3A_629, %masked_sort3A_805 : vector<16xf32>
      %max3A_851 = arith.maximumf %masked_sort3A_635, %masked_sort3A_811 : vector<16xf32>
      %max3A_852 = arith.maximumf %masked_sort3A_639, %masked_sort3A_815 : vector<16xf32>
      %max3A_853 = arith.maximumf %masked_sort3A_649, %masked_sort3A_825 : vector<16xf32>
      %max3A_854 = arith.maximumf %masked_sort3A_653, %masked_sort3A_829 : vector<16xf32>
      %max3A_855 = arith.maximumf %masked_sort3A_659, %masked_sort3A_835 : vector<16xf32>
      %max3A_856 = arith.maximumf %masked_sort3A_663, %masked_sort3A_839 : vector<16xf32>
      %min3A_857 = arith.minimumf %min3A_841, %min3A_845 : vector<16xf32>
      %min3A_858 = arith.minimumf %min3A_842, %min3A_846 : vector<16xf32>
      %min3A_859 = arith.minimumf %min3A_843, %min3A_847 : vector<16xf32>
      %min3A_860 = arith.minimumf %min3A_844, %min3A_848 : vector<16xf32>
      %max3A_861 = arith.maximumf %min3A_841, %min3A_845 : vector<16xf32>
      %max3A_862 = arith.maximumf %min3A_842, %min3A_846 : vector<16xf32>
      %max3A_863 = arith.maximumf %min3A_843, %min3A_847 : vector<16xf32>
      %max3A_864 = arith.maximumf %min3A_844, %min3A_848 : vector<16xf32>
      %min3A_865 = arith.minimumf %min3A_857, %min3A_859 : vector<16xf32>
      %min3A_866 = arith.minimumf %min3A_858, %min3A_860 : vector<16xf32>
      %max3A_867 = arith.maximumf %min3A_857, %min3A_859 : vector<16xf32>
      %max3A_868 = arith.maximumf %min3A_858, %min3A_860 : vector<16xf32>
      %min3A_869 = arith.minimumf %min3A_865, %min3A_866 : vector<16xf32>
      %max3A_870 = arith.maximumf %min3A_865, %min3A_866 : vector<16xf32>
      %masked_sort3A_871 = arith.constant dense<true> : vector<16xi1>
      %masked_sort3A_872, %masked_sort3A_873, %masked_sort3A_874 = tpu.sort %min3A_869, %min3A_869 masked %masked_sort3A_871 : (vector<16xf32>, vector<16xf32>, vector<16xi1>) -> (vector<16xi1>, vector<16xf32>, vector<16xf32>)
      %masked_sort3A_875 = arith.constant dense<true> : vector<16xi1>
      %masked_sort3A_876, %masked_sort3A_877, %masked_sort3A_878 = tpu.sort %max3A_870, %max3A_870 masked %masked_sort3A_875 : (vector<16xf32>, vector<16xf32>, vector<16xi1>) -> (vector<16xi1>, vector<16xf32>, vector<16xf32>)
      %min3A_879 = arith.minimumf %max3A_867, %max3A_868 : vector<16xf32>
      %max3A_880 = arith.maximumf %max3A_867, %max3A_868 : vector<16xf32>
      %masked_sort3A_881 = arith.constant dense<true> : vector<16xi1>
      %masked_sort3A_882, %masked_sort3A_883, %masked_sort3A_884 = tpu.sort %min3A_879, %min3A_879 masked %masked_sort3A_881 : (vector<16xf32>, vector<16xf32>, vector<16xi1>) -> (vector<16xi1>, vector<16xf32>, vector<16xf32>)
      %masked_sort3A_885 = arith.constant dense<true> : vector<16xi1>
      %masked_sort3A_886, %masked_sort3A_887, %masked_sort3A_888 = tpu.sort %max3A_880, %max3A_880 masked %masked_sort3A_885 : (vector<16xf32>, vector<16xf32>, vector<16xi1>) -> (vector<16xi1>, vector<16xf32>, vector<16xf32>)
      %min3A_889 = arith.minimumf %max3A_861, %max3A_863 : vector<16xf32>
      %min3A_890 = arith.minimumf %max3A_862, %max3A_864 : vector<16xf32>
      %max3A_891 = arith.maximumf %max3A_861, %max3A_863 : vector<16xf32>
      %max3A_892 = arith.maximumf %max3A_862, %max3A_864 : vector<16xf32>
      %min3A_893 = arith.minimumf %min3A_889, %min3A_890 : vector<16xf32>
      %max3A_894 = arith.maximumf %min3A_889, %min3A_890 : vector<16xf32>
      %masked_sort3A_895 = arith.constant dense<true> : vector<16xi1>
      %masked_sort3A_896, %masked_sort3A_897, %masked_sort3A_898 = tpu.sort %min3A_893, %min3A_893 masked %masked_sort3A_895 : (vector<16xf32>, vector<16xf32>, vector<16xi1>) -> (vector<16xi1>, vector<16xf32>, vector<16xf32>)
      %masked_sort3A_899 = arith.constant dense<true> : vector<16xi1>
      %masked_sort3A_900, %masked_sort3A_901, %masked_sort3A_902 = tpu.sort %max3A_894, %max3A_894 masked %masked_sort3A_899 : (vector<16xf32>, vector<16xf32>, vector<16xi1>) -> (vector<16xi1>, vector<16xf32>, vector<16xf32>)
      %min3A_903 = arith.minimumf %max3A_891, %max3A_892 : vector<16xf32>
      %max3A_904 = arith.maximumf %max3A_891, %max3A_892 : vector<16xf32>
      %masked_sort3A_905 = arith.constant dense<true> : vector<16xi1>
      %masked_sort3A_906, %masked_sort3A_907, %masked_sort3A_908 = tpu.sort %min3A_903, %min3A_903 masked %masked_sort3A_905 : (vector<16xf32>, vector<16xf32>, vector<16xi1>) -> (vector<16xi1>, vector<16xf32>, vector<16xf32>)
      %masked_sort3A_909 = arith.constant dense<true> : vector<16xi1>
      %masked_sort3A_910, %masked_sort3A_911, %masked_sort3A_912 = tpu.sort %max3A_904, %max3A_904 masked %masked_sort3A_909 : (vector<16xf32>, vector<16xf32>, vector<16xi1>) -> (vector<16xi1>, vector<16xf32>, vector<16xf32>)
      %min3A_913 = arith.minimumf %max3A_849, %max3A_853 : vector<16xf32>
      %min3A_914 = arith.minimumf %max3A_850, %max3A_854 : vector<16xf32>
      %min3A_915 = arith.minimumf %max3A_851, %max3A_855 : vector<16xf32>
      %min3A_916 = arith.minimumf %max3A_852, %max3A_856 : vector<16xf32>
      %max3A_917 = arith.maximumf %max3A_849, %max3A_853 : vector<16xf32>
      %max3A_918 = arith.maximumf %max3A_850, %max3A_854 : vector<16xf32>
      %max3A_919 = arith.maximumf %max3A_851, %max3A_855 : vector<16xf32>
      %max3A_920 = arith.maximumf %max3A_852, %max3A_856 : vector<16xf32>
      %min3A_921 = arith.minimumf %min3A_913, %min3A_915 : vector<16xf32>
      %min3A_922 = arith.minimumf %min3A_914, %min3A_916 : vector<16xf32>
      %max3A_923 = arith.maximumf %min3A_913, %min3A_915 : vector<16xf32>
      %max3A_924 = arith.maximumf %min3A_914, %min3A_916 : vector<16xf32>
      %min3A_925 = arith.minimumf %min3A_921, %min3A_922 : vector<16xf32>
      %max3A_926 = arith.maximumf %min3A_921, %min3A_922 : vector<16xf32>
      %masked_sort3A_927 = arith.constant dense<true> : vector<16xi1>
      %masked_sort3A_928, %masked_sort3A_929, %masked_sort3A_930 = tpu.sort %min3A_925, %min3A_925 masked %masked_sort3A_927 : (vector<16xf32>, vector<16xf32>, vector<16xi1>) -> (vector<16xi1>, vector<16xf32>, vector<16xf32>)
      %masked_sort3A_931 = arith.constant dense<true> : vector<16xi1>
      %masked_sort3A_932, %masked_sort3A_933, %masked_sort3A_934 = tpu.sort %max3A_926, %max3A_926 masked %masked_sort3A_931 : (vector<16xf32>, vector<16xf32>, vector<16xi1>) -> (vector<16xi1>, vector<16xf32>, vector<16xf32>)
      %min3A_935 = arith.minimumf %max3A_923, %max3A_924 : vector<16xf32>
      %max3A_936 = arith.maximumf %max3A_923, %max3A_924 : vector<16xf32>
      %masked_sort3A_937 = arith.constant dense<true> : vector<16xi1>
      %masked_sort3A_938, %masked_sort3A_939, %masked_sort3A_940 = tpu.sort %min3A_935, %min3A_935 masked %masked_sort3A_937 : (vector<16xf32>, vector<16xf32>, vector<16xi1>) -> (vector<16xi1>, vector<16xf32>, vector<16xf32>)
      %masked_sort3A_941 = arith.constant dense<true> : vector<16xi1>
      %masked_sort3A_942, %masked_sort3A_943, %masked_sort3A_944 = tpu.sort %max3A_936, %max3A_936 masked %masked_sort3A_941 : (vector<16xf32>, vector<16xf32>, vector<16xi1>) -> (vector<16xi1>, vector<16xf32>, vector<16xf32>)
      %min3A_945 = arith.minimumf %max3A_917, %max3A_919 : vector<16xf32>
      %min3A_946 = arith.minimumf %max3A_918, %max3A_920 : vector<16xf32>
      %max3A_947 = arith.maximumf %max3A_917, %max3A_919 : vector<16xf32>
      %max3A_948 = arith.maximumf %max3A_918, %max3A_920 : vector<16xf32>
      %min3A_949 = arith.minimumf %min3A_945, %min3A_946 : vector<16xf32>
      %max3A_950 = arith.maximumf %min3A_945, %min3A_946 : vector<16xf32>
      %masked_sort3A_951 = arith.constant dense<true> : vector<16xi1>
      %masked_sort3A_952, %masked_sort3A_953, %masked_sort3A_954 = tpu.sort %min3A_949, %min3A_949 masked %masked_sort3A_951 : (vector<16xf32>, vector<16xf32>, vector<16xi1>) -> (vector<16xi1>, vector<16xf32>, vector<16xf32>)
      %masked_sort3A_955 = arith.constant dense<true> : vector<16xi1>
      %masked_sort3A_956, %masked_sort3A_957, %masked_sort3A_958 = tpu.sort %max3A_950, %max3A_950 masked %masked_sort3A_955 : (vector<16xf32>, vector<16xf32>, vector<16xi1>) -> (vector<16xi1>, vector<16xf32>, vector<16xf32>)
      %min3A_959 = arith.minimumf %max3A_947, %max3A_948 : vector<16xf32>
      %max3A_960 = arith.maximumf %max3A_947, %max3A_948 : vector<16xf32>
      %masked_sort3A_961 = arith.constant dense<true> : vector<16xi1>
      %masked_sort3A_962, %masked_sort3A_963, %masked_sort3A_964 = tpu.sort %min3A_959, %min3A_959 masked %masked_sort3A_961 : (vector<16xf32>, vector<16xf32>, vector<16xi1>) -> (vector<16xi1>, vector<16xf32>, vector<16xf32>)
      %masked_sort3A_965 = arith.constant dense<true> : vector<16xi1>
      %masked_sort3A_966, %masked_sort3A_967, %masked_sort3A_968 = tpu.sort %max3A_960, %max3A_960 masked %masked_sort3A_965 : (vector<16xf32>, vector<16xf32>, vector<16xi1>) -> (vector<16xi1>, vector<16xf32>, vector<16xf32>)
      %max3A_969 = arith.maximumf %while3A_379, %masked_sort3A_873 : vector<16xf32>
      %max3A_970 = arith.maximumf %while3A_380, %masked_sort3A_877 : vector<16xf32>
      %max3A_971 = arith.maximumf %while3A_381, %masked_sort3A_883 : vector<16xf32>
      %max3A_972 = arith.maximumf %while3A_382, %masked_sort3A_887 : vector<16xf32>
      %max3A_973 = arith.maximumf %while3A_383, %masked_sort3A_897 : vector<16xf32>
      %max3A_974 = arith.maximumf %while3A_384, %masked_sort3A_901 : vector<16xf32>
      %max3A_975 = arith.maximumf %while3A_385, %masked_sort3A_907 : vector<16xf32>
      %max3A_976 = arith.maximumf %while3A_386, %masked_sort3A_911 : vector<16xf32>
      %max3A_977 = arith.maximumf %while3A_387, %masked_sort3A_929 : vector<16xf32>
      %max3A_978 = arith.maximumf %while3A_388, %masked_sort3A_933 : vector<16xf32>
      %max3A_979 = arith.maximumf %while3A_389, %masked_sort3A_939 : vector<16xf32>
      %max3A_980 = arith.maximumf %while3A_390, %masked_sort3A_943 : vector<16xf32>
      %max3A_981 = arith.maximumf %while3A_391, %masked_sort3A_953 : vector<16xf32>
      %max3A_982 = arith.maximumf %while3A_392, %masked_sort3A_957 : vector<16xf32>
      %max3A_983 = arith.maximumf %while3A_393, %masked_sort3A_963 : vector<16xf32>
      %max3A_984 = arith.maximumf %while3A_394, %masked_sort3A_967 : vector<16xf32>
      %max3A_985 = arith.maximumf %max3A_969, %max3A_977 : vector<16xf32>
      %max3A_986 = arith.maximumf %max3A_970, %max3A_978 : vector<16xf32>
      %max3A_987 = arith.maximumf %max3A_971, %max3A_979 : vector<16xf32>
      %max3A_988 = arith.maximumf %max3A_972, %max3A_980 : vector<16xf32>
      %max3A_989 = arith.maximumf %max3A_973, %max3A_981 : vector<16xf32>
      %max3A_990 = arith.maximumf %max3A_974, %max3A_982 : vector<16xf32>
      %max3A_991 = arith.maximumf %max3A_975, %max3A_983 : vector<16xf32>
      %max3A_992 = arith.maximumf %max3A_976, %max3A_984 : vector<16xf32>
      %min3A_993 = arith.minimumf %max3A_969, %max3A_977 : vector<16xf32>
      %min3A_994 = arith.minimumf %max3A_970, %max3A_978 : vector<16xf32>
      %min3A_995 = arith.minimumf %max3A_971, %max3A_979 : vector<16xf32>
      %min3A_996 = arith.minimumf %max3A_972, %max3A_980 : vector<16xf32>
      %min3A_997 = arith.minimumf %max3A_973, %max3A_981 : vector<16xf32>
      %min3A_998 = arith.minimumf %max3A_974, %max3A_982 : vector<16xf32>
      %min3A_999 = arith.minimumf %max3A_975, %max3A_983 : vector<16xf32>
      %min3A_1000 = arith.minimumf %max3A_976, %max3A_984 : vector<16xf32>
      %max3A_1001 = arith.maximumf %max3A_985, %max3A_989 : vector<16xf32>
      %max3A_1002 = arith.maximumf %max3A_986, %max3A_990 : vector<16xf32>
      %max3A_1003 = arith.maximumf %max3A_987, %max3A_991 : vector<16xf32>
      %max3A_1004 = arith.maximumf %max3A_988, %max3A_992 : vector<16xf32>
      %min3A_1005 = arith.minimumf %max3A_985, %max3A_989 : vector<16xf32>
      %min3A_1006 = arith.minimumf %max3A_986, %max3A_990 : vector<16xf32>
      %min3A_1007 = arith.minimumf %max3A_987, %max3A_991 : vector<16xf32>
      %min3A_1008 = arith.minimumf %max3A_988, %max3A_992 : vector<16xf32>
      %max3A_1009 = arith.maximumf %max3A_1001, %max3A_1003 : vector<16xf32>
      %max3A_1010 = arith.maximumf %max3A_1002, %max3A_1004 : vector<16xf32>
      %min3A_1011 = arith.minimumf %max3A_1001, %max3A_1003 : vector<16xf32>
      %min3A_1012 = arith.minimumf %max3A_1002, %max3A_1004 : vector<16xf32>
      %max3A_1013 = arith.maximumf %max3A_1009, %max3A_1010 : vector<16xf32>
      %min3A_1014 = arith.minimumf %max3A_1009, %max3A_1010 : vector<16xf32>
      %masked_sort3A_1015 = arith.constant dense<true> : vector<16xi1>
      %masked_sort3A_1016, %masked_sort3A_1017, %masked_sort3A_1018 = tpu.sort %max3A_1013, %max3A_1013 masked %masked_sort3A_1015 {descending = true} : (vector<16xf32>, vector<16xf32>, vector<16xi1>) -> (vector<16xi1>, vector<16xf32>, vector<16xf32>)
      %masked_sort3A_1019 = arith.constant dense<true> : vector<16xi1>
      %masked_sort3A_1020, %masked_sort3A_1021, %masked_sort3A_1022 = tpu.sort %min3A_1014, %min3A_1014 masked %masked_sort3A_1019 {descending = true} : (vector<16xf32>, vector<16xf32>, vector<16xi1>) -> (vector<16xi1>, vector<16xf32>, vector<16xf32>)
      %max3A_1023 = arith.maximumf %min3A_1011, %min3A_1012 : vector<16xf32>
      %min3A_1024 = arith.minimumf %min3A_1011, %min3A_1012 : vector<16xf32>
      %masked_sort3A_1025 = arith.constant dense<true> : vector<16xi1>
      %masked_sort3A_1026, %masked_sort3A_1027, %masked_sort3A_1028 = tpu.sort %max3A_1023, %max3A_1023 masked %masked_sort3A_1025 {descending = true} : (vector<16xf32>, vector<16xf32>, vector<16xi1>) -> (vector<16xi1>, vector<16xf32>, vector<16xf32>)
      %masked_sort3A_1029 = arith.constant dense<true> : vector<16xi1>
      %masked_sort3A_1030, %masked_sort3A_1031, %masked_sort3A_1032 = tpu.sort %min3A_1024, %min3A_1024 masked %masked_sort3A_1029 {descending = true} : (vector<16xf32>, vector<16xf32>, vector<16xi1>) -> (vector<16xi1>, vector<16xf32>, vector<16xf32>)
      %max3A_1033 = arith.maximumf %min3A_1005, %min3A_1007 : vector<16xf32>
      %max3A_1034 = arith.maximumf %min3A_1006, %min3A_1008 : vector<16xf32>
      %min3A_1035 = arith.minimumf %min3A_1005, %min3A_1007 : vector<16xf32>
      %min3A_1036 = arith.minimumf %min3A_1006, %min3A_1008 : vector<16xf32>
      %max3A_1037 = arith.maximumf %max3A_1033, %max3A_1034 : vector<16xf32>
      %min3A_1038 = arith.minimumf %max3A_1033, %max3A_1034 : vector<16xf32>
      %masked_sort3A_1039 = arith.constant dense<true> : vector<16xi1>
      %masked_sort3A_1040, %masked_sort3A_1041, %masked_sort3A_1042 = tpu.sort %max3A_1037, %max3A_1037 masked %masked_sort3A_1039 {descending = true} : (vector<16xf32>, vector<16xf32>, vector<16xi1>) -> (vector<16xi1>, vector<16xf32>, vector<16xf32>)
      %masked_sort3A_1043 = arith.constant dense<true> : vector<16xi1>
      %masked_sort3A_1044, %masked_sort3A_1045, %masked_sort3A_1046 = tpu.sort %min3A_1038, %min3A_1038 masked %masked_sort3A_1043 {descending = true} : (vector<16xf32>, vector<16xf32>, vector<16xi1>) -> (vector<16xi1>, vector<16xf32>, vector<16xf32>)
      %max3A_1047 = arith.maximumf %min3A_1035, %min3A_1036 : vector<16xf32>
      %min3A_1048 = arith.minimumf %min3A_1035, %min3A_1036 : vector<16xf32>
      %masked_sort3A_1049 = arith.constant dense<true> : vector<16xi1>
      %masked_sort3A_1050, %masked_sort3A_1051, %masked_sort3A_1052 = tpu.sort %max3A_1047, %max3A_1047 masked %masked_sort3A_1049 {descending = true} : (vector<16xf32>, vector<16xf32>, vector<16xi1>) -> (vector<16xi1>, vector<16xf32>, vector<16xf32>)
      %masked_sort3A_1053 = arith.constant dense<true> : vector<16xi1>
      %masked_sort3A_1054, %masked_sort3A_1055, %masked_sort3A_1056 = tpu.sort %min3A_1048, %min3A_1048 masked %masked_sort3A_1053 {descending = true} : (vector<16xf32>, vector<16xf32>, vector<16xi1>) -> (vector<16xi1>, vector<16xf32>, vector<16xf32>)
      %max3A_1057 = arith.maximumf %min3A_993, %min3A_997 : vector<16xf32>
      %max3A_1058 = arith.maximumf %min3A_994, %min3A_998 : vector<16xf32>
      %max3A_1059 = arith.maximumf %min3A_995, %min3A_999 : vector<16xf32>
      %max3A_1060 = arith.maximumf %min3A_996, %min3A_1000 : vector<16xf32>
      %min3A_1061 = arith.minimumf %min3A_993, %min3A_997 : vector<16xf32>
      %min3A_1062 = arith.minimumf %min3A_994, %min3A_998 : vector<16xf32>
      %min3A_1063 = arith.minimumf %min3A_995, %min3A_999 : vector<16xf32>
      %min3A_1064 = arith.minimumf %min3A_996, %min3A_1000 : vector<16xf32>
      %max3A_1065 = arith.maximumf %max3A_1057, %max3A_1059 : vector<16xf32>
      %max3A_1066 = arith.maximumf %max3A_1058, %max3A_1060 : vector<16xf32>
      %min3A_1067 = arith.minimumf %max3A_1057, %max3A_1059 : vector<16xf32>
      %min3A_1068 = arith.minimumf %max3A_1058, %max3A_1060 : vector<16xf32>
      %max3A_1069 = arith.maximumf %max3A_1065, %max3A_1066 : vector<16xf32>
      %min3A_1070 = arith.minimumf %max3A_1065, %max3A_1066 : vector<16xf32>
      %masked_sort3A_1071 = arith.constant dense<true> : vector<16xi1>
      %masked_sort3A_1072, %masked_sort3A_1073, %masked_sort3A_1074 = tpu.sort %max3A_1069, %max3A_1069 masked %masked_sort3A_1071 {descending = true} : (vector<16xf32>, vector<16xf32>, vector<16xi1>) -> (vector<16xi1>, vector<16xf32>, vector<16xf32>)
      %masked_sort3A_1075 = arith.constant dense<true> : vector<16xi1>
      %masked_sort3A_1076, %masked_sort3A_1077, %masked_sort3A_1078 = tpu.sort %min3A_1070, %min3A_1070 masked %masked_sort3A_1075 {descending = true} : (vector<16xf32>, vector<16xf32>, vector<16xi1>) -> (vector<16xi1>, vector<16xf32>, vector<16xf32>)
      %max3A_1079 = arith.maximumf %min3A_1067, %min3A_1068 : vector<16xf32>
      %min3A_1080 = arith.minimumf %min3A_1067, %min3A_1068 : vector<16xf32>
      %masked_sort3A_1081 = arith.constant dense<true> : vector<16xi1>
      %masked_sort3A_1082, %masked_sort3A_1083, %masked_sort3A_1084 = tpu.sort %max3A_1079, %max3A_1079 masked %masked_sort3A_1081 {descending = true} : (vector<16xf32>, vector<16xf32>, vector<16xi1>) -> (vector<16xi1>, vector<16xf32>, vector<16xf32>)
      %masked_sort3A_1085 = arith.constant dense<true> : vector<16xi1>
      %masked_sort3A_1086, %masked_sort3A_1087, %masked_sort3A_1088 = tpu.sort %min3A_1080, %min3A_1080 masked %masked_sort3A_1085 {descending = true} : (vector<16xf32>, vector<16xf32>, vector<16xi1>) -> (vector<16xi1>, vector<16xf32>, vector<16xf32>)
      %max3A_1089 = arith.maximumf %min3A_1061, %min3A_1063 : vector<16xf32>
      %max3A_1090 = arith.maximumf %min3A_1062, %min3A_1064 : vector<16xf32>
      %min3A_1091 = arith.minimumf %min3A_1061, %min3A_1063 : vector<16xf32>
      %min3A_1092 = arith.minimumf %min3A_1062, %min3A_1064 : vector<16xf32>
      %max3A_1093 = arith.maximumf %max3A_1089, %max3A_1090 : vector<16xf32>
      %min3A_1094 = arith.minimumf %max3A_1089, %max3A_1090 : vector<16xf32>
      %masked_sort3A_1095 = arith.constant dense<true> : vector<16xi1>
      %masked_sort3A_1096, %masked_sort3A_1097, %masked_sort3A_1098 = tpu.sort %max3A_1093, %max3A_1093 masked %masked_sort3A_1095 {descending = true} : (vector<16xf32>, vector<16xf32>, vector<16xi1>) -> (vector<16xi1>, vector<16xf32>, vector<16xf32>)
      %masked_sort3A_1099 = arith.constant dense<true> : vector<16xi1>
      %masked_sort3A_1100, %masked_sort3A_1101, %masked_sort3A_1102 = tpu.sort %min3A_1094, %min3A_1094 masked %masked_sort3A_1099 {descending = true} : (vector<16xf32>, vector<16xf32>, vector<16xi1>) -> (vector<16xi1>, vector<16xf32>, vector<16xf32>)
      %max3A_1103 = arith.maximumf %min3A_1091, %min3A_1092 : vector<16xf32>
      %min3A_1104 = arith.minimumf %min3A_1091, %min3A_1092 : vector<16xf32>
      %masked_sort3A_1105 = arith.constant dense<true> : vector<16xi1>
      %masked_sort3A_1106, %masked_sort3A_1107, %masked_sort3A_1108 = tpu.sort %max3A_1103, %max3A_1103 masked %masked_sort3A_1105 {descending = true} : (vector<16xf32>, vector<16xf32>, vector<16xi1>) -> (vector<16xi1>, vector<16xf32>, vector<16xf32>)
      %masked_sort3A_1109 = arith.constant dense<true> : vector<16xi1>
      %masked_sort3A_1110, %masked_sort3A_1111, %masked_sort3A_1112 = tpu.sort %min3A_1104, %min3A_1104 masked %masked_sort3A_1109 {descending = true} : (vector<16xf32>, vector<16xf32>, vector<16xi1>) -> (vector<16xi1>, vector<16xf32>, vector<16xf32>)
      scf.yield %masked_sort3A_1017, %masked_sort3A_1021, %masked_sort3A_1027, %masked_sort3A_1031, %masked_sort3A_1041, %masked_sort3A_1045, %masked_sort3A_1051, %masked_sort3A_1055, %masked_sort3A_1073, %masked_sort3A_1077, %masked_sort3A_1083, %masked_sort3A_1087, %masked_sort3A_1097, %masked_sort3A_1101, %masked_sort3A_1107, %masked_sort3A_1111 : vector<16xf32>, vector<16xf32>, vector<16xf32>, vector<16xf32>, vector<16xf32>, vector<16xf32>, vector<16xf32>, vector<16xf32>, vector<16xf32>, vector<16xf32>, vector<16xf32>, vector<16xf32>, vector<16xf32>, vector<16xf32>, vector<16xf32>, vector<16xf32>
    }
    %while3A_143 = arith.constant 1 : i32
    %while3A_144:16 = scf.for %while3A_378 = %while3A_140 to %while3A_136 step %while3A_143 iter_args(%while3A_379 = %while3A_142#0, %while3A_380 = %while3A_142#1, %while3A_381 = %while3A_142#2, %while3A_382 = %while3A_142#3, %while3A_383 = %while3A_142#4, %while3A_384 = %while3A_142#5, %while3A_385 = %while3A_142#6, %while3A_386 = %while3A_142#7, %while3A_387 = %while3A_142#8, %while3A_388 = %while3A_142#9, %while3A_389 = %while3A_142#10, %while3A_390 = %while3A_142#11, %while3A_391 = %while3A_142#12, %while3A_392 = %while3A_142#13, %while3A_393 = %while3A_142#14, %while3A_394 = %while3A_142#15) -> (vector<16xf32>, vector<16xf32>, vector<16xf32>, vector<16xf32>, vector<16xf32>, vector<16xf32>, vector<16xf32>, vector<16xf32>, vector<16xf32>, vector<16xf32>, vector<16xf32>, vector<16xf32>, vector<16xf32>, vector<16xf32>, vector<16xf32>, vector<16xf32>)  : i32 {
      %mul3A_395 = arith.constant 256 : i32
      %mul3A_396 = arith.muli %while3A_378, %mul3A_395 : i32
      %add3A_397 = arith.constant 0 : i32
      %add3A_398 = arith.addi %mul3A_396, %add3A_397 : i32
      %get3A_399 = arith.index_cast %add3A_398 : i32 to index
      %get3A_400 = tpu.vector_load %arg6[%get3A_399] {strides = array<i32>} : memref<32768xf32, #tpu.memory_space<vmem>>, vector<16xf32>,
      %mul3A_401 = arith.constant 256 : i32
      %mul3A_402 = arith.muli %while3A_378, %mul3A_401 : i32
      %add3A_403 = arith.constant 16 : i32
      %add3A_404 = arith.addi %mul3A_402, %add3A_403 : i32
      %get3A_405 = arith.index_cast %add3A_404 : i32 to index
      %get3A_406 = tpu.vector_load %arg6[%get3A_405] {strides = array<i32>} : memref<32768xf32, #tpu.memory_space<vmem>>, vector<16xf32>,
      %mul3A_407 = arith.constant 256 : i32
      %mul3A_408 = arith.muli %while3A_378, %mul3A_407 : i32
      %add3A_409 = arith.constant 32 : i32
      %add3A_410 = arith.addi %mul3A_408, %add3A_409 : i32
      %get3A_411 = arith.index_cast %add3A_410 : i32 to index
      %get3A_412 = tpu.vector_load %arg6[%get3A_411] {strides = array<i32>} : memref<32768xf32, #tpu.memory_space<vmem>>, vector<16xf32>,
      %mul3A_413 = arith.constant 256 : i32
      %mul3A_414 = arith.muli %while3A_378, %mul3A_413 : i32
      %add3A_415 = arith.constant 48 : i32
      %add3A_416 = arith.addi %mul3A_414, %add3A_415 : i32
      %get3A_417 = arith.index_cast %add3A_416 : i32 to index
      %get3A_418 = tpu.vector_load %arg6[%get3A_417] {strides = array<i32>} : memref<32768xf32, #tpu.memory_space<vmem>>, vector<16xf32>,
      %mul3A_419 = arith.constant 256 : i32
      %mul3A_420 = arith.muli %while3A_378, %mul3A_419 : i32
      %add3A_421 = arith.constant 64 : i32
      %add3A_422 = arith.addi %mul3A_420, %add3A_421 : i32
      %get3A_423 = arith.index_cast %add3A_422 : i32 to index
      %get3A_424 = tpu.vector_load %arg6[%get3A_423] {strides = array<i32>} : memref<32768xf32, #tpu.memory_space<vmem>>, vector<16xf32>,
      %mul3A_425 = arith.constant 256 : i32
      %mul3A_426 = arith.muli %while3A_378, %mul3A_425 : i32
      %add3A_427 = arith.constant 80 : i32
      %add3A_428 = arith.addi %mul3A_426, %add3A_427 : i32
      %get3A_429 = arith.index_cast %add3A_428 : i32 to index
      %get3A_430 = tpu.vector_load %arg6[%get3A_429] {strides = array<i32>} : memref<32768xf32, #tpu.memory_space<vmem>>, vector<16xf32>,
      %mul3A_431 = arith.constant 256 : i32
      %mul3A_432 = arith.muli %while3A_378, %mul3A_431 : i32
      %add3A_433 = arith.constant 96 : i32
      %add3A_434 = arith.addi %mul3A_432, %add3A_433 : i32
      %get3A_435 = arith.index_cast %add3A_434 : i32 to index
      %get3A_436 = tpu.vector_load %arg6[%get3A_435] {strides = array<i32>} : memref<32768xf32, #tpu.memory_space<vmem>>, vector<16xf32>,
      %mul3A_437 = arith.constant 256 : i32
      %mul3A_438 = arith.muli %while3A_378, %mul3A_437 : i32
      %add3A_439 = arith.constant 112 : i32
      %add3A_440 = arith.addi %mul3A_438, %add3A_439 : i32
      %get3A_441 = arith.index_cast %add3A_440 : i32 to index
      %get3A_442 = tpu.vector_load %arg6[%get3A_441] {strides = array<i32>} : memref<32768xf32, #tpu.memory_space<vmem>>, vector<16xf32>,
      %mul3A_443 = arith.constant 256 : i32
      %mul3A_444 = arith.muli %while3A_378, %mul3A_443 : i32
      %add3A_445 = arith.constant 128 : i32
      %add3A_446 = arith.addi %mul3A_444, %add3A_445 : i32
      %get3A_447 = arith.index_cast %add3A_446 : i32 to index
      %get3A_448 = tpu.vector_load %arg6[%get3A_447] {strides = array<i32>} : memref<32768xf32, #tpu.memory_space<vmem>>, vector<16xf32>,
      %mul3A_449 = arith.constant 256 : i32
      %mul3A_450 = arith.muli %while3A_378, %mul3A_449 : i32
      %add3A_451 = arith.constant 144 : i32
      %add3A_452 = arith.addi %mul3A_450, %add3A_451 : i32
      %get3A_453 = arith.index_cast %add3A_452 : i32 to index
      %get3A_454 = tpu.vector_load %arg6[%get3A_453] {strides = array<i32>} : memref<32768xf32, #tpu.memory_space<vmem>>, vector<16xf32>,
      %mul3A_455 = arith.constant 256 : i32
      %mul3A_456 = arith.muli %while3A_378, %mul3A_455 : i32
      %add3A_457 = arith.constant 160 : i32
      %add3A_458 = arith.addi %mul3A_456, %add3A_457 : i32
      %get3A_459 = arith.index_cast %add3A_458 : i32 to index
      %get3A_460 = tpu.vector_load %arg6[%get3A_459] {strides = array<i32>} : memref<32768xf32, #tpu.memory_space<vmem>>, vector<16xf32>,
      %mul3A_461 = arith.constant 256 : i32
      %mul3A_462 = arith.muli %while3A_378, %mul3A_461 : i32
      %add3A_463 = arith.constant 176 : i32
      %add3A_464 = arith.addi %mul3A_462, %add3A_463 : i32
      %get3A_465 = arith.index_cast %add3A_464 : i32 to index
      %get3A_466 = tpu.vector_load %arg6[%get3A_465] {strides = array<i32>} : memref<32768xf32, #tpu.memory_space<vmem>>, vector<16xf32>,
      %mul3A_467 = arith.constant 256 : i32
      %mul3A_468 = arith.muli %while3A_378, %mul3A_467 : i32
      %add3A_469 = arith.constant 192 : i32
      %add3A_470 = arith.addi %mul3A_468, %add3A_469 : i32
      %get3A_471 = arith.index_cast %add3A_470 : i32 to index
      %get3A_472 = tpu.vector_load %arg6[%get3A_471] {strides = array<i32>} : memref<32768xf32, #tpu.memory_space<vmem>>, vector<16xf32>,
      %mul3A_473 = arith.constant 256 : i32
      %mul3A_474 = arith.muli %while3A_378, %mul3A_473 : i32
      %add3A_475 = arith.constant 208 : i32
      %add3A_476 = arith.addi %mul3A_474, %add3A_475 : i32
      %get3A_477 = arith.index_cast %add3A_476 : i32 to index
      %get3A_478 = tpu.vector_load %arg6[%get3A_477] {strides = array<i32>} : memref<32768xf32, #tpu.memory_space<vmem>>, vector<16xf32>,
      %mul3A_479 = arith.constant 256 : i32
      %mul3A_480 = arith.muli %while3A_378, %mul3A_479 : i32
      %add3A_481 = arith.constant 224 : i32
      %add3A_482 = arith.addi %mul3A_480, %add3A_481 : i32
      %get3A_483 = arith.index_cast %add3A_482 : i32 to index
      %get3A_484 = tpu.vector_load %arg6[%get3A_483] {strides = array<i32>} : memref<32768xf32, #tpu.memory_space<vmem>>, vector<16xf32>,
      %mul3A_485 = arith.constant 256 : i32
      %mul3A_486 = arith.muli %while3A_378, %mul3A_485 : i32
      %add3A_487 = arith.constant 240 : i32
      %add3A_488 = arith.addi %mul3A_486, %add3A_487 : i32
      %get3A_489 = arith.index_cast %add3A_488 : i32 to index
      %get3A_490 = tpu.vector_load %arg6[%get3A_489] {strides = array<i32>} : memref<32768xf32, #tpu.memory_space<vmem>>, vector<16xf32>,
      %masked_sort3A = arith.constant dense<true> : vector<16xi1>
      %masked_sort3A_491, %masked_sort3A_492, %masked_sort3A_493 = tpu.sort %get3A_400, %get3A_400 masked %masked_sort3A {descending = true} : (vector<16xf32>, vector<16xf32>, vector<16xi1>) -> (vector<16xi1>, vector<16xf32>, vector<16xf32>)
      %masked_sort3A_494 = arith.constant dense<true> : vector<16xi1>
      %masked_sort3A_495, %masked_sort3A_496, %masked_sort3A_497 = tpu.sort %get3A_406, %get3A_406 masked %masked_sort3A_494 : (vector<16xf32>, vector<16xf32>, vector<16xi1>) -> (vector<16xi1>, vector<16xf32>, vector<16xf32>)
      %max3A = arith.maximumf %masked_sort3A_492, %masked_sort3A_496 : vector<16xf32>
      %min3A_498 = arith.minimumf %masked_sort3A_492, %masked_sort3A_496 : vector<16xf32>
      %masked_sort3A_499 = arith.constant dense<true> : vector<16xi1>
      %masked_sort3A_500, %masked_sort3A_501, %masked_sort3A_502 = tpu.sort %max3A, %max3A masked %masked_sort3A_499 {descending = true} : (vector<16xf32>, vector<16xf32>, vector<16xi1>) -> (vector<16xi1>, vector<16xf32>, vector<16xf32>)
      %masked_sort3A_503 = arith.constant dense<true> : vector<16xi1>
      %masked_sort3A_504, %masked_sort3A_505, %masked_sort3A_506 = tpu.sort %min3A_498, %min3A_498 masked %masked_sort3A_503 {descending = true} : (vector<16xf32>, vector<16xf32>, vector<16xi1>) -> (vector<16xi1>, vector<16xf32>, vector<16xf32>)
      %masked_sort3A_507 = arith.constant dense<true> : vector<16xi1>
      %masked_sort3A_508, %masked_sort3A_509, %masked_sort3A_510 = tpu.sort %get3A_412, %get3A_412 masked %masked_sort3A_507 {descending = true} : (vector<16xf32>, vector<16xf32>, vector<16xi1>) -> (vector<16xi1>, vector<16xf32>, vector<16xf32>)
      %masked_sort3A_511 = arith.constant dense<true> : vector<16xi1>
      %masked_sort3A_512, %masked_sort3A_513, %masked_sort3A_514 = tpu.sort %get3A_418, %get3A_418 masked %masked_sort3A_511 : (vector<16xf32>, vector<16xf32>, vector<16xi1>) -> (vector<16xi1>, vector<16xf32>, vector<16xf32>)
      %min3A_515 = arith.minimumf %masked_sort3A_509, %masked_sort3A_513 : vector<16xf32>
      %max3A_516 = arith.maximumf %masked_sort3A_509, %masked_sort3A_513 : vector<16xf32>
      %masked_sort3A_517 = arith.constant dense<true> : vector<16xi1>
      %masked_sort3A_518, %masked_sort3A_519, %masked_sort3A_520 = tpu.sort %min3A_515, %min3A_515 masked %masked_sort3A_517 : (vector<16xf32>, vector<16xf32>, vector<16xi1>) -> (vector<16xi1>, vector<16xf32>, vector<16xf32>)
      %masked_sort3A_521 = arith.constant dense<true> : vector<16xi1>
      %masked_sort3A_522, %masked_sort3A_523, %masked_sort3A_524 = tpu.sort %max3A_516, %max3A_516 masked %masked_sort3A_521 : (vector<16xf32>, vector<16xf32>, vector<16xi1>) -> (vector<16xi1>, vector<16xf32>, vector<16xf32>)
      %max3A_525 = arith.maximumf %masked_sort3A_501, %masked_sort3A_519 : vector<16xf32>
      %max3A_526 = arith.maximumf %masked_sort3A_505, %masked_sort3A_523 : vector<16xf32>
      %min3A_527 = arith.minimumf %masked_sort3A_501, %masked_sort3A_519 : vector<16xf32>
      %min3A_528 = arith.minimumf %masked_sort3A_505, %masked_sort3A_523 : vector<16xf32>
      %max3A_529 = arith.maximumf %max3A_525, %max3A_526 : vector<16xf32>
      %min3A_530 = arith.minimumf %max3A_525, %max3A_526 : vector<16xf32>
      %masked_sort3A_531 = arith.constant dense<true> : vector<16xi1>
      %masked_sort3A_532, %masked_sort3A_533, %masked_sort3A_534 = tpu.sort %max3A_529, %max3A_529 masked %masked_sort3A_531 {descending = true} : (vector<16xf32>, vector<16xf32>, vector<16xi1>) -> (vector<16xi1>, vector<16xf32>, vector<16xf32>)
      %masked_sort3A_535 = arith.constant dense<true> : vector<16xi1>
      %masked_sort3A_536, %masked_sort3A_537, %masked_sort3A_538 = tpu.sort %min3A_530, %min3A_530 masked %masked_sort3A_535 {descending = true} : (vector<16xf32>, vector<16xf32>, vector<16xi1>) -> (vector<16xi1>, vector<16xf32>, vector<16xf32>)
      %max3A_539 = arith.maximumf %min3A_527, %min3A_528 : vector<16xf32>
      %min3A_540 = arith.minimumf %min3A_527, %min3A_528 : vector<16xf32>
      %masked_sort3A_541 = arith.constant dense<true> : vector<16xi1>
      %masked_sort3A_542, %masked_sort3A_543, %masked_sort3A_544 = tpu.sort %max3A_539, %max3A_539 masked %masked_sort3A_541 {descending = true} : (vector<16xf32>, vector<16xf32>, vector<16xi1>) -> (vector<16xi1>, vector<16xf32>, vector<16xf32>)
      %masked_sort3A_545 = arith.constant dense<true> : vector<16xi1>
      %masked_sort3A_546, %masked_sort3A_547, %masked_sort3A_548 = tpu.sort %min3A_540, %min3A_540 masked %masked_sort3A_545 {descending = true} : (vector<16xf32>, vector<16xf32>, vector<16xi1>) -> (vector<16xi1>, vector<16xf32>, vector<16xf32>)
      %masked_sort3A_549 = arith.constant dense<true> : vector<16xi1>
      %masked_sort3A_550, %masked_sort3A_551, %masked_sort3A_552 = tpu.sort %get3A_424, %get3A_424 masked %masked_sort3A_549 {descending = true} : (vector<16xf32>, vector<16xf32>, vector<16xi1>) -> (vector<16xi1>, vector<16xf32>, vector<16xf32>)
      %masked_sort3A_553 = arith.constant dense<true> : vector<16xi1>
      %masked_sort3A_554, %masked_sort3A_555, %masked_sort3A_556 = tpu.sort %get3A_430, %get3A_430 masked %masked_sort3A_553 : (vector<16xf32>, vector<16xf32>, vector<16xi1>) -> (vector<16xi1>, vector<16xf32>, vector<16xf32>)
      %max3A_557 = arith.maximumf %masked_sort3A_551, %masked_sort3A_555 : vector<16xf32>
      %min3A_558 = arith.minimumf %masked_sort3A_551, %masked_sort3A_555 : vector<16xf32>
      %masked_sort3A_559 = arith.constant dense<true> : vector<16xi1>
      %masked_sort3A_560, %masked_sort3A_561, %masked_sort3A_562 = tpu.sort %max3A_557, %max3A_557 masked %masked_sort3A_559 {descending = true} : (vector<16xf32>, vector<16xf32>, vector<16xi1>) -> (vector<16xi1>, vector<16xf32>, vector<16xf32>)
      %masked_sort3A_563 = arith.constant dense<true> : vector<16xi1>
      %masked_sort3A_564, %masked_sort3A_565, %masked_sort3A_566 = tpu.sort %min3A_558, %min3A_558 masked %masked_sort3A_563 {descending = true} : (vector<16xf32>, vector<16xf32>, vector<16xi1>) -> (vector<16xi1>, vector<16xf32>, vector<16xf32>)
      %masked_sort3A_567 = arith.constant dense<true> : vector<16xi1>
      %masked_sort3A_568, %masked_sort3A_569, %masked_sort3A_570 = tpu.sort %get3A_436, %get3A_436 masked %masked_sort3A_567 {descending = true} : (vector<16xf32>, vector<16xf32>, vector<16xi1>) -> (vector<16xi1>, vector<16xf32>, vector<16xf32>)
      %masked_sort3A_571 = arith.constant dense<true> : vector<16xi1>
      %masked_sort3A_572, %masked_sort3A_573, %masked_sort3A_574 = tpu.sort %get3A_442, %get3A_442 masked %masked_sort3A_571 : (vector<16xf32>, vector<16xf32>, vector<16xi1>) -> (vector<16xi1>, vector<16xf32>, vector<16xf32>)
      %min3A_575 = arith.minimumf %masked_sort3A_569, %masked_sort3A_573 : vector<16xf32>
      %max3A_576 = arith.maximumf %masked_sort3A_569, %masked_sort3A_573 : vector<16xf32>
      %masked_sort3A_577 = arith.constant dense<true> : vector<16xi1>
      %masked_sort3A_578, %masked_sort3A_579, %masked_sort3A_580 = tpu.sort %min3A_575, %min3A_575 masked %masked_sort3A_577 : (vector<16xf32>, vector<16xf32>, vector<16xi1>) -> (vector<16xi1>, vector<16xf32>, vector<16xf32>)
      %masked_sort3A_581 = arith.constant dense<true> : vector<16xi1>
      %masked_sort3A_582, %masked_sort3A_583, %masked_sort3A_584 = tpu.sort %max3A_576, %max3A_576 masked %masked_sort3A_581 : (vector<16xf32>, vector<16xf32>, vector<16xi1>) -> (vector<16xi1>, vector<16xf32>, vector<16xf32>)
      %min3A_585 = arith.minimumf %masked_sort3A_561, %masked_sort3A_579 : vector<16xf32>
      %min3A_586 = arith.minimumf %masked_sort3A_565, %masked_sort3A_583 : vector<16xf32>
      %max3A_587 = arith.maximumf %masked_sort3A_561, %masked_sort3A_579 : vector<16xf32>
      %max3A_588 = arith.maximumf %masked_sort3A_565, %masked_sort3A_583 : vector<16xf32>
      %min3A_589 = arith.minimumf %min3A_585, %min3A_586 : vector<16xf32>
      %max3A_590 = arith.maximumf %min3A_585, %min3A_586 : vector<16xf32>
      %masked_sort3A_591 = arith.constant dense<true> : vector<16xi1>
      %masked_sort3A_592, %masked_sort3A_593, %masked_sort3A_594 = tpu.sort %min3A_589, %min3A_589 masked %masked_sort3A_591 : (vector<16xf32>, vector<16xf32>, vector<16xi1>) -> (vector<16xi1>, vector<16xf32>, vector<16xf32>)
      %masked_sort3A_595 = arith.constant dense<true> : vector<16xi1>
      %masked_sort3A_596, %masked_sort3A_597, %masked_sort3A_598 = tpu.sort %max3A_590, %max3A_590 masked %masked_sort3A_595 : (vector<16xf32>, vector<16xf32>, vector<16xi1>) -> (vector<16xi1>, vector<16xf32>, vector<16xf32>)
      %min3A_599 = arith.minimumf %max3A_587, %max3A_588 : vector<16xf32>
      %max3A_600 = arith.maximumf %max3A_587, %max3A_588 : vector<16xf32>
      %masked_sort3A_601 = arith.constant dense<true> : vector<16xi1>
      %masked_sort3A_602, %masked_sort3A_603, %masked_sort3A_604 = tpu.sort %min3A_599, %min3A_599 masked %masked_sort3A_601 : (vector<16xf32>, vector<16xf32>, vector<16xi1>) -> (vector<16xi1>, vector<16xf32>, vector<16xf32>)
      %masked_sort3A_605 = arith.constant dense<true> : vector<16xi1>
      %masked_sort3A_606, %masked_sort3A_607, %masked_sort3A_608 = tpu.sort %max3A_600, %max3A_600 masked %masked_sort3A_605 : (vector<16xf32>, vector<16xf32>, vector<16xi1>) -> (vector<16xi1>, vector<16xf32>, vector<16xf32>)
      %max3A_609 = arith.maximumf %masked_sort3A_533, %masked_sort3A_593 : vector<16xf32>
      %max3A_610 = arith.maximumf %masked_sort3A_537, %masked_sort3A_597 : vector<16xf32>
      %max3A_611 = arith.maximumf %masked_sort3A_543, %masked_sort3A_603 : vector<16xf32>
      %max3A_612 = arith.maximumf %masked_sort3A_547, %masked_sort3A_607 : vector<16xf32>
      %min3A_613 = arith.minimumf %masked_sort3A_533, %masked_sort3A_593 : vector<16xf32>
      %min3A_614 = arith.minimumf %masked_sort3A_537, %masked_sort3A_597 : vector<16xf32>
      %min3A_615 = arith.minimumf %masked_sort3A_543, %masked_sort3A_603 : vector<16xf32>
      %min3A_616 = arith.minimumf %masked_sort3A_547, %masked_sort3A_607 : vector<16xf32>
      %max3A_617 = arith.maximumf %max3A_609, %max3A_611 : vector<16xf32>
      %max3A_618 = arith.maximumf %max3A_610, %max3A_612 : vector<16xf32>
      %min3A_619 = arith.minimumf %max3A_609, %max3A_611 : vector<16xf32>
      %min3A_620 = arith.minimumf %max3A_610, %max3A_612 : vector<16xf32>
      %max3A_621 = arith.maximumf %max3A_617, %max3A_618 : vector<16xf32>
      %min3A_622 = arith.minimumf %max3A_617, %max3A_618 : vector<16xf32>
      %masked_sort3A_623 = arith.constant dense<true> : vector<16xi1>
      %masked_sort3A_624, %masked_sort3A_625, %masked_sort3A_626 = tpu.sort %max3A_621, %max3A_621 masked %masked_sort3A_623 {descending = true} : (vector<16xf32>, vector<16xf32>, vector<16xi1>) -> (vector<16xi1>, vector<16xf32>, vector<16xf32>)
      %masked_sort3A_627 = arith.constant dense<true> : vector<16xi1>
      %masked_sort3A_628, %masked_sort3A_629, %masked_sort3A_630 = tpu.sort %min3A_622, %min3A_622 masked %masked_sort3A_627 {descending = true} : (vector<16xf32>, vector<16xf32>, vector<16xi1>) -> (vector<16xi1>, vector<16xf32>, vector<16xf32>)
      %max3A_631 = arith.maximumf %min3A_619, %min3A_620 : vector<16xf32>
      %min3A_632 = arith.minimumf %min3A_619, %min3A_620 : vector<16xf32>
      %masked_sort3A_633 = arith.constant dense<true> : vector<16xi1>
      %masked_sort3A_634, %masked_sort3A_635, %masked_sort3A_636 = tpu.sort %max3A_631, %max3A_631 masked %masked_sort3A_633 {descending = true} : (vector<16xf32>, vector<16xf32>, vector<16xi1>) -> (vector<16xi1>, vector<16xf32>, vector<16xf32>)
      %masked_sort3A_637 = arith.constant dense<true> : vector<16xi1>
      %masked_sort3A_638, %masked_sort3A_639, %masked_sort3A_640 = tpu.sort %min3A_632, %min3A_632 masked %masked_sort3A_637 {descending = true} : (vector<16xf32>, vector<16xf32>, vector<16xi1>) -> (vector<16xi1>, vector<16xf32>, vector<16xf32>)
      %max3A_641 = arith.maximumf %min3A_613, %min3A_615 : vector<16xf32>
      %max3A_642 = arith.maximumf %min3A_614, %min3A_616 : vector<16xf32>
      %min3A_643 = arith.minimumf %min3A_613, %min3A_615 : vector<16xf32>
      %min3A_644 = arith.minimumf %min3A_614, %min3A_616 : vector<16xf32>
      %max3A_645 = arith.maximumf %max3A_641, %max3A_642 : vector<16xf32>
      %min3A_646 = arith.minimumf %max3A_641, %max3A_642 : vector<16xf32>
      %masked_sort3A_647 = arith.constant dense<true> : vector<16xi1>
      %masked_sort3A_648, %masked_sort3A_649, %masked_sort3A_650 = tpu.sort %max3A_645, %max3A_645 masked %masked_sort3A_647 {descending = true} : (vector<16xf32>, vector<16xf32>, vector<16xi1>) -> (vector<16xi1>, vector<16xf32>, vector<16xf32>)
      %masked_sort3A_651 = arith.constant dense<true> : vector<16xi1>
      %masked_sort3A_652, %masked_sort3A_653, %masked_sort3A_654 = tpu.sort %min3A_646, %min3A_646 masked %masked_sort3A_651 {descending = true} : (vector<16xf32>, vector<16xf32>, vector<16xi1>) -> (vector<16xi1>, vector<16xf32>, vector<16xf32>)
      %max3A_655 = arith.maximumf %min3A_643, %min3A_644 : vector<16xf32>
      %min3A_656 = arith.minimumf %min3A_643, %min3A_644 : vector<16xf32>
      %masked_sort3A_657 = arith.constant dense<true> : vector<16xi1>
      %masked_sort3A_658, %masked_sort3A_659, %masked_sort3A_660 = tpu.sort %max3A_655, %max3A_655 masked %masked_sort3A_657 {descending = true} : (vector<16xf32>, vector<16xf32>, vector<16xi1>) -> (vector<16xi1>, vector<16xf32>, vector<16xf32>)
      %masked_sort3A_661 = arith.constant dense<true> : vector<16xi1>
      %masked_sort3A_662, %masked_sort3A_663, %masked_sort3A_664 = tpu.sort %min3A_656, %min3A_656 masked %masked_sort3A_661 {descending = true} : (vector<16xf32>, vector<16xf32>, vector<16xi1>) -> (vector<16xi1>, vector<16xf32>, vector<16xf32>)
      %masked_sort3A_665 = arith.constant dense<true> : vector<16xi1>
      %masked_sort3A_666, %masked_sort3A_667, %masked_sort3A_668 = tpu.sort %get3A_448, %get3A_448 masked %masked_sort3A_665 {descending = true} : (vector<16xf32>, vector<16xf32>, vector<16xi1>) -> (vector<16xi1>, vector<16xf32>, vector<16xf32>)
      %masked_sort3A_669 = arith.constant dense<true> : vector<16xi1>
      %masked_sort3A_670, %masked_sort3A_671, %masked_sort3A_672 = tpu.sort %get3A_454, %get3A_454 masked %masked_sort3A_669 : (vector<16xf32>, vector<16xf32>, vector<16xi1>) -> (vector<16xi1>, vector<16xf32>, vector<16xf32>)
      %max3A_673 = arith.maximumf %masked_sort3A_667, %masked_sort3A_671 : vector<16xf32>
      %min3A_674 = arith.minimumf %masked_sort3A_667, %masked_sort3A_671 : vector<16xf32>
      %masked_sort3A_675 = arith.constant dense<true> : vector<16xi1>
      %masked_sort3A_676, %masked_sort3A_677, %masked_sort3A_678 = tpu.sort %max3A_673, %max3A_673 masked %masked_sort3A_675 {descending = true} : (vector<16xf32>, vector<16xf32>, vector<16xi1>) -> (vector<16xi1>, vector<16xf32>, vector<16xf32>)
      %masked_sort3A_679 = arith.constant dense<true> : vector<16xi1>
      %masked_sort3A_680, %masked_sort3A_681, %masked_sort3A_682 = tpu.sort %min3A_674, %min3A_674 masked %masked_sort3A_679 {descending = true} : (vector<16xf32>, vector<16xf32>, vector<16xi1>) -> (vector<16xi1>, vector<16xf32>, vector<16xf32>)
      %masked_sort3A_683 = arith.constant dense<true> : vector<16xi1>
      %masked_sort3A_684, %masked_sort3A_685, %masked_sort3A_686 = tpu.sort %get3A_460, %get3A_460 masked %masked_sort3A_683 {descending = true} : (vector<16xf32>, vector<16xf32>, vector<16xi1>) -> (vector<16xi1>, vector<16xf32>, vector<16xf32>)
      %masked_sort3A_687 = arith.constant dense<true> : vector<16xi1>
      %masked_sort3A_688, %masked_sort3A_689, %masked_sort3A_690 = tpu.sort %get3A_466, %get3A_466 masked %masked_sort3A_687 : (vector<16xf32>, vector<16xf32>, vector<16xi1>) -> (vector<16xi1>, vector<16xf32>, vector<16xf32>)
      %min3A_691 = arith.minimumf %masked_sort3A_685, %masked_sort3A_689 : vector<16xf32>
      %max3A_692 = arith.maximumf %masked_sort3A_685, %masked_sort3A_689 : vector<16xf32>
      %masked_sort3A_693 = arith.constant dense<true> : vector<16xi1>
      %masked_sort3A_694, %masked_sort3A_695, %masked_sort3A_696 = tpu.sort %min3A_691, %min3A_691 masked %masked_sort3A_693 : (vector<16xf32>, vector<16xf32>, vector<16xi1>) -> (vector<16xi1>, vector<16xf32>, vector<16xf32>)
      %masked_sort3A_697 = arith.constant dense<true> : vector<16xi1>
      %masked_sort3A_698, %masked_sort3A_699, %masked_sort3A_700 = tpu.sort %max3A_692, %max3A_692 masked %masked_sort3A_697 : (vector<16xf32>, vector<16xf32>, vector<16xi1>) -> (vector<16xi1>, vector<16xf32>, vector<16xf32>)
      %max3A_701 = arith.maximumf %masked_sort3A_677, %masked_sort3A_695 : vector<16xf32>
      %max3A_702 = arith.maximumf %masked_sort3A_681, %masked_sort3A_699 : vector<16xf32>
      %min3A_703 = arith.minimumf %masked_sort3A_677, %masked_sort3A_695 : vector<16xf32>
      %min3A_704 = arith.minimumf %masked_sort3A_681, %masked_sort3A_699 : vector<16xf32>
      %max3A_705 = arith.maximumf %max3A_701, %max3A_702 : vector<16xf32>
      %min3A_706 = arith.minimumf %max3A_701, %max3A_702 : vector<16xf32>
      %masked_sort3A_707 = arith.constant dense<true> : vector<16xi1>
      %masked_sort3A_708, %masked_sort3A_709, %masked_sort3A_710 = tpu.sort %max3A_705, %max3A_705 masked %masked_sort3A_707 {descending = true} : (vector<16xf32>, vector<16xf32>, vector<16xi1>) -> (vector<16xi1>, vector<16xf32>, vector<16xf32>)
      %masked_sort3A_711 = arith.constant dense<true> : vector<16xi1>
      %masked_sort3A_712, %masked_sort3A_713, %masked_sort3A_714 = tpu.sort %min3A_706, %min3A_706 masked %masked_sort3A_711 {descending = true} : (vector<16xf32>, vector<16xf32>, vector<16xi1>) -> (vector<16xi1>, vector<16xf32>, vector<16xf32>)
      %max3A_715 = arith.maximumf %min3A_703, %min3A_704 : vector<16xf32>
      %min3A_716 = arith.minimumf %min3A_703, %min3A_704 : vector<16xf32>
      %masked_sort3A_717 = arith.constant dense<true> : vector<16xi1>
      %masked_sort3A_718, %masked_sort3A_719, %masked_sort3A_720 = tpu.sort %max3A_715, %max3A_715 masked %masked_sort3A_717 {descending = true} : (vector<16xf32>, vector<16xf32>, vector<16xi1>) -> (vector<16xi1>, vector<16xf32>, vector<16xf32>)
      %masked_sort3A_721 = arith.constant dense<true> : vector<16xi1>
      %masked_sort3A_722, %masked_sort3A_723, %masked_sort3A_724 = tpu.sort %min3A_716, %min3A_716 masked %masked_sort3A_721 {descending = true} : (vector<16xf32>, vector<16xf32>, vector<16xi1>) -> (vector<16xi1>, vector<16xf32>, vector<16xf32>)
      %masked_sort3A_725 = arith.constant dense<true> : vector<16xi1>
      %masked_sort3A_726, %masked_sort3A_727, %masked_sort3A_728 = tpu.sort %get3A_472, %get3A_472 masked %masked_sort3A_725 {descending = true} : (vector<16xf32>, vector<16xf32>, vector<16xi1>) -> (vector<16xi1>, vector<16xf32>, vector<16xf32>)
      %masked_sort3A_729 = arith.constant dense<true> : vector<16xi1>
      %masked_sort3A_730, %masked_sort3A_731, %masked_sort3A_732 = tpu.sort %get3A_478, %get3A_478 masked %masked_sort3A_729 : (vector<16xf32>, vector<16xf32>, vector<16xi1>) -> (vector<16xi1>, vector<16xf32>, vector<16xf32>)
      %max3A_733 = arith.maximumf %masked_sort3A_727, %masked_sort3A_731 : vector<16xf32>
      %min3A_734 = arith.minimumf %masked_sort3A_727, %masked_sort3A_731 : vector<16xf32>
      %masked_sort3A_735 = arith.constant dense<true> : vector<16xi1>
      %masked_sort3A_736, %masked_sort3A_737, %masked_sort3A_738 = tpu.sort %max3A_733, %max3A_733 masked %masked_sort3A_735 {descending = true} : (vector<16xf32>, vector<16xf32>, vector<16xi1>) -> (vector<16xi1>, vector<16xf32>, vector<16xf32>)
      %masked_sort3A_739 = arith.constant dense<true> : vector<16xi1>
      %masked_sort3A_740, %masked_sort3A_741, %masked_sort3A_742 = tpu.sort %min3A_734, %min3A_734 masked %masked_sort3A_739 {descending = true} : (vector<16xf32>, vector<16xf32>, vector<16xi1>) -> (vector<16xi1>, vector<16xf32>, vector<16xf32>)
      %masked_sort3A_743 = arith.constant dense<true> : vector<16xi1>
      %masked_sort3A_744, %masked_sort3A_745, %masked_sort3A_746 = tpu.sort %get3A_484, %get3A_484 masked %masked_sort3A_743 {descending = true} : (vector<16xf32>, vector<16xf32>, vector<16xi1>) -> (vector<16xi1>, vector<16xf32>, vector<16xf32>)
      %masked_sort3A_747 = arith.constant dense<true> : vector<16xi1>
      %masked_sort3A_748, %masked_sort3A_749, %masked_sort3A_750 = tpu.sort %get3A_490, %get3A_490 masked %masked_sort3A_747 : (vector<16xf32>, vector<16xf32>, vector<16xi1>) -> (vector<16xi1>, vector<16xf32>, vector<16xf32>)
      %min3A_751 = arith.minimumf %masked_sort3A_745, %masked_sort3A_749 : vector<16xf32>
      %max3A_752 = arith.maximumf %masked_sort3A_745, %masked_sort3A_749 : vector<16xf32>
      %masked_sort3A_753 = arith.constant dense<true> : vector<16xi1>
      %masked_sort3A_754, %masked_sort3A_755, %masked_sort3A_756 = tpu.sort %min3A_751, %min3A_751 masked %masked_sort3A_753 : (vector<16xf32>, vector<16xf32>, vector<16xi1>) -> (vector<16xi1>, vector<16xf32>, vector<16xf32>)
      %masked_sort3A_757 = arith.constant dense<true> : vector<16xi1>
      %masked_sort3A_758, %masked_sort3A_759, %masked_sort3A_760 = tpu.sort %max3A_752, %max3A_752 masked %masked_sort3A_757 : (vector<16xf32>, vector<16xf32>, vector<16xi1>) -> (vector<16xi1>, vector<16xf32>, vector<16xf32>)
      %min3A_761 = arith.minimumf %masked_sort3A_737, %masked_sort3A_755 : vector<16xf32>
      %min3A_762 = arith.minimumf %masked_sort3A_741, %masked_sort3A_759 : vector<16xf32>
      %max3A_763 = arith.maximumf %masked_sort3A_737, %masked_sort3A_755 : vector<16xf32>
      %max3A_764 = arith.maximumf %masked_sort3A_741, %masked_sort3A_759 : vector<16xf32>
      %min3A_765 = arith.minimumf %min3A_761, %min3A_762 : vector<16xf32>
      %max3A_766 = arith.maximumf %min3A_761, %min3A_762 : vector<16xf32>
      %masked_sort3A_767 = arith.constant dense<true> : vector<16xi1>
      %masked_sort3A_768, %masked_sort3A_769, %masked_sort3A_770 = tpu.sort %min3A_765, %min3A_765 masked %masked_sort3A_767 : (vector<16xf32>, vector<16xf32>, vector<16xi1>) -> (vector<16xi1>, vector<16xf32>, vector<16xf32>)
      %masked_sort3A_771 = arith.constant dense<true> : vector<16xi1>
      %masked_sort3A_772, %masked_sort3A_773, %masked_sort3A_774 = tpu.sort %max3A_766, %max3A_766 masked %masked_sort3A_771 : (vector<16xf32>, vector<16xf32>, vector<16xi1>) -> (vector<16xi1>, vector<16xf32>, vector<16xf32>)
      %min3A_775 = arith.minimumf %max3A_763, %max3A_764 : vector<16xf32>
      %max3A_776 = arith.maximumf %max3A_763, %max3A_764 : vector<16xf32>
      %masked_sort3A_777 = arith.constant dense<true> : vector<16xi1>
      %masked_sort3A_778, %masked_sort3A_779, %masked_sort3A_780 = tpu.sort %min3A_775, %min3A_775 masked %masked_sort3A_777 : (vector<16xf32>, vector<16xf32>, vector<16xi1>) -> (vector<16xi1>, vector<16xf32>, vector<16xf32>)
      %masked_sort3A_781 = arith.constant dense<true> : vector<16xi1>
      %masked_sort3A_782, %masked_sort3A_783, %masked_sort3A_784 = tpu.sort %max3A_776, %max3A_776 masked %masked_sort3A_781 : (vector<16xf32>, vector<16xf32>, vector<16xi1>) -> (vector<16xi1>, vector<16xf32>, vector<16xf32>)
      %min3A_785 = arith.minimumf %masked_sort3A_709, %masked_sort3A_769 : vector<16xf32>
      %min3A_786 = arith.minimumf %masked_sort3A_713, %masked_sort3A_773 : vector<16xf32>
      %min3A_787 = arith.minimumf %masked_sort3A_719, %masked_sort3A_779 : vector<16xf32>
      %min3A_788 = arith.minimumf %masked_sort3A_723, %masked_sort3A_783 : vector<16xf32>
      %max3A_789 = arith.maximumf %masked_sort3A_709, %masked_sort3A_769 : vector<16xf32>
      %max3A_790 = arith.maximumf %masked_sort3A_713, %masked_sort3A_773 : vector<16xf32>
      %max3A_791 = arith.maximumf %masked_sort3A_719, %masked_sort3A_779 : vector<16xf32>
      %max3A_792 = arith.maximumf %masked_sort3A_723, %masked_sort3A_783 : vector<16xf32>
      %min3A_793 = arith.minimumf %min3A_785, %min3A_787 : vector<16xf32>
      %min3A_794 = arith.minimumf %min3A_786, %min3A_788 : vector<16xf32>
      %max3A_795 = arith.maximumf %min3A_785, %min3A_787 : vector<16xf32>
      %max3A_796 = arith.maximumf %min3A_786, %min3A_788 : vector<16xf32>
      %min3A_797 = arith.minimumf %min3A_793, %min3A_794 : vector<16xf32>
      %max3A_798 = arith.maximumf %min3A_793, %min3A_794 : vector<16xf32>
      %masked_sort3A_799 = arith.constant dense<true> : vector<16xi1>
      %masked_sort3A_800, %masked_sort3A_801, %masked_sort3A_802 = tpu.sort %min3A_797, %min3A_797 masked %masked_sort3A_799 : (vector<16xf32>, vector<16xf32>, vector<16xi1>) -> (vector<16xi1>, vector<16xf32>, vector<16xf32>)
      %masked_sort3A_803 = arith.constant dense<true> : vector<16xi1>
      %masked_sort3A_804, %masked_sort3A_805, %masked_sort3A_806 = tpu.sort %max3A_798, %max3A_798 masked %masked_sort3A_803 : (vector<16xf32>, vector<16xf32>, vector<16xi1>) -> (vector<16xi1>, vector<16xf32>, vector<16xf32>)
      %min3A_807 = arith.minimumf %max3A_795, %max3A_796 : vector<16xf32>
      %max3A_808 = arith.maximumf %max3A_795, %max3A_796 : vector<16xf32>
      %masked_sort3A_809 = arith.constant dense<true> : vector<16xi1>
      %masked_sort3A_810, %masked_sort3A_811, %masked_sort3A_812 = tpu.sort %min3A_807, %min3A_807 masked %masked_sort3A_809 : (vector<16xf32>, vector<16xf32>, vector<16xi1>) -> (vector<16xi1>, vector<16xf32>, vector<16xf32>)
      %masked_sort3A_813 = arith.constant dense<true> : vector<16xi1>
      %masked_sort3A_814, %masked_sort3A_815, %masked_sort3A_816 = tpu.sort %max3A_808, %max3A_808 masked %masked_sort3A_813 : (vector<16xf32>, vector<16xf32>, vector<16xi1>) -> (vector<16xi1>, vector<16xf32>, vector<16xf32>)
      %min3A_817 = arith.minimumf %max3A_789, %max3A_791 : vector<16xf32>
      %min3A_818 = arith.minimumf %max3A_790, %max3A_792 : vector<16xf32>
      %max3A_819 = arith.maximumf %max3A_789, %max3A_791 : vector<16xf32>
      %max3A_820 = arith.maximumf %max3A_790, %max3A_792 : vector<16xf32>
      %min3A_821 = arith.minimumf %min3A_817, %min3A_818 : vector<16xf32>
      %max3A_822 = arith.maximumf %min3A_817, %min3A_818 : vector<16xf32>
      %masked_sort3A_823 = arith.constant dense<true> : vector<16xi1>
      %masked_sort3A_824, %masked_sort3A_825, %masked_sort3A_826 = tpu.sort %min3A_821, %min3A_821 masked %masked_sort3A_823 : (vector<16xf32>, vector<16xf32>, vector<16xi1>) -> (vector<16xi1>, vector<16xf32>, vector<16xf32>)
      %masked_sort3A_827 = arith.constant dense<true> : vector<16xi1>
      %masked_sort3A_828, %masked_sort3A_829, %masked_sort3A_830 = tpu.sort %max3A_822, %max3A_822 masked %masked_sort3A_827 : (vector<16xf32>, vector<16xf32>, vector<16xi1>) -> (vector<16xi1>, vector<16xf32>, vector<16xf32>)
      %min3A_831 = arith.minimumf %max3A_819, %max3A_820 : vector<16xf32>
      %max3A_832 = arith.maximumf %max3A_819, %max3A_820 : vector<16xf32>
      %masked_sort3A_833 = arith.constant dense<true> : vector<16xi1>
      %masked_sort3A_834, %masked_sort3A_835, %masked_sort3A_836 = tpu.sort %min3A_831, %min3A_831 masked %masked_sort3A_833 : (vector<16xf32>, vector<16xf32>, vector<16xi1>) -> (vector<16xi1>, vector<16xf32>, vector<16xf32>)
      %masked_sort3A_837 = arith.constant dense<true> : vector<16xi1>
      %masked_sort3A_838, %masked_sort3A_839, %masked_sort3A_840 = tpu.sort %max3A_832, %max3A_832 masked %masked_sort3A_837 : (vector<16xf32>, vector<16xf32>, vector<16xi1>) -> (vector<16xi1>, vector<16xf32>, vector<16xf32>)
      %min3A_841 = arith.minimumf %masked_sort3A_625, %masked_sort3A_801 : vector<16xf32>
      %min3A_842 = arith.minimumf %masked_sort3A_629, %masked_sort3A_805 : vector<16xf32>
      %min3A_843 = arith.minimumf %masked_sort3A_635, %masked_sort3A_811 : vector<16xf32>
      %min3A_844 = arith.minimumf %masked_sort3A_639, %masked_sort3A_815 : vector<16xf32>
      %min3A_845 = arith.minimumf %masked_sort3A_649, %masked_sort3A_825 : vector<16xf32>
      %min3A_846 = arith.minimumf %masked_sort3A_653, %masked_sort3A_829 : vector<16xf32>
      %min3A_847 = arith.minimumf %masked_sort3A_659, %masked_sort3A_835 : vector<16xf32>
      %min3A_848 = arith.minimumf %masked_sort3A_663, %masked_sort3A_839 : vector<16xf32>
      %max3A_849 = arith.maximumf %masked_sort3A_625, %masked_sort3A_801 : vector<16xf32>
      %max3A_850 = arith.maximumf %masked_sort3A_629, %masked_sort3A_805 : vector<16xf32>
      %max3A_851 = arith.maximumf %masked_sort3A_635, %masked_sort3A_811 : vector<16xf32>
      %max3A_852 = arith.maximumf %masked_sort3A_639, %masked_sort3A_815 : vector<16xf32>
      %max3A_853 = arith.maximumf %masked_sort3A_649, %masked_sort3A_825 : vector<16xf32>
      %max3A_854 = arith.maximumf %masked_sort3A_653, %masked_sort3A_829 : vector<16xf32>
      %max3A_855 = arith.maximumf %masked_sort3A_659, %masked_sort3A_835 : vector<16xf32>
      %max3A_856 = arith.maximumf %masked_sort3A_663, %masked_sort3A_839 : vector<16xf32>
      %min3A_857 = arith.minimumf %min3A_841, %min3A_845 : vector<16xf32>
      %min3A_858 = arith.minimumf %min3A_842, %min3A_846 : vector<16xf32>
      %min3A_859 = arith.minimumf %min3A_843, %min3A_847 : vector<16xf32>
      %min3A_860 = arith.minimumf %min3A_844, %min3A_848 : vector<16xf32>
      %max3A_861 = arith.maximumf %min3A_841, %min3A_845 : vector<16xf32>
      %max3A_862 = arith.maximumf %min3A_842, %min3A_846 : vector<16xf32>
      %max3A_863 = arith.maximumf %min3A_843, %min3A_847 : vector<16xf32>
      %max3A_864 = arith.maximumf %min3A_844, %min3A_848 : vector<16xf32>
      %min3A_865 = arith.minimumf %min3A_857, %min3A_859 : vector<16xf32>
      %min3A_866 = arith.minimumf %min3A_858, %min3A_860 : vector<16xf32>
      %max3A_867 = arith.maximumf %min3A_857, %min3A_859 : vector<16xf32>
      %max3A_868 = arith.maximumf %min3A_858, %min3A_860 : vector<16xf32>
      %min3A_869 = arith.minimumf %min3A_865, %min3A_866 : vector<16xf32>
      %max3A_870 = arith.maximumf %min3A_865, %min3A_866 : vector<16xf32>
      %masked_sort3A_871 = arith.constant dense<true> : vector<16xi1>
      %masked_sort3A_872, %masked_sort3A_873, %masked_sort3A_874 = tpu.sort %min3A_869, %min3A_869 masked %masked_sort3A_871 : (vector<16xf32>, vector<16xf32>, vector<16xi1>) -> (vector<16xi1>, vector<16xf32>, vector<16xf32>)
      %masked_sort3A_875 = arith.constant dense<true> : vector<16xi1>
      %masked_sort3A_876, %masked_sort3A_877, %masked_sort3A_878 = tpu.sort %max3A_870, %max3A_870 masked %masked_sort3A_875 : (vector<16xf32>, vector<16xf32>, vector<16xi1>) -> (vector<16xi1>, vector<16xf32>, vector<16xf32>)
      %min3A_879 = arith.minimumf %max3A_867, %max3A_868 : vector<16xf32>
      %max3A_880 = arith.maximumf %max3A_867, %max3A_868 : vector<16xf32>
      %masked_sort3A_881 = arith.constant dense<true> : vector<16xi1>
      %masked_sort3A_882, %masked_sort3A_883, %masked_sort3A_884 = tpu.sort %min3A_879, %min3A_879 masked %masked_sort3A_881 : (vector<16xf32>, vector<16xf32>, vector<16xi1>) -> (vector<16xi1>, vector<16xf32>, vector<16xf32>)
      %masked_sort3A_885 = arith.constant dense<true> : vector<16xi1>
      %masked_sort3A_886, %masked_sort3A_887, %masked_sort3A_888 = tpu.sort %max3A_880, %max3A_880 masked %masked_sort3A_885 : (vector<16xf32>, vector<16xf32>, vector<16xi1>) -> (vector<16xi1>, vector<16xf32>, vector<16xf32>)
      %min3A_889 = arith.minimumf %max3A_861, %max3A_863 : vector<16xf32>
      %min3A_890 = arith.minimumf %max3A_862, %max3A_864 : vector<16xf32>
      %max3A_891 = arith.maximumf %max3A_861, %max3A_863 : vector<16xf32>
      %max3A_892 = arith.maximumf %max3A_862, %max3A_864 : vector<16xf32>
      %min3A_893 = arith.minimumf %min3A_889, %min3A_890 : vector<16xf32>
      %max3A_894 = arith.maximumf %min3A_889, %min3A_890 : vector<16xf32>
      %masked_sort3A_895 = arith.constant dense<true> : vector<16xi1>
      %masked_sort3A_896, %masked_sort3A_897, %masked_sort3A_898 = tpu.sort %min3A_893, %min3A_893 masked %masked_sort3A_895 : (vector<16xf32>, vector<16xf32>, vector<16xi1>) -> (vector<16xi1>, vector<16xf32>, vector<16xf32>)
      %masked_sort3A_899 = arith.constant dense<true> : vector<16xi1>
      %masked_sort3A_900, %masked_sort3A_901, %masked_sort3A_902 = tpu.sort %max3A_894, %max3A_894 masked %masked_sort3A_899 : (vector<16xf32>, vector<16xf32>, vector<16xi1>) -> (vector<16xi1>, vector<16xf32>, vector<16xf32>)
      %min3A_903 = arith.minimumf %max3A_891, %max3A_892 : vector<16xf32>
      %max3A_904 = arith.maximumf %max3A_891, %max3A_892 : vector<16xf32>
      %masked_sort3A_905 = arith.constant dense<true> : vector<16xi1>
      %masked_sort3A_906, %masked_sort3A_907, %masked_sort3A_908 = tpu.sort %min3A_903, %min3A_903 masked %masked_sort3A_905 : (vector<16xf32>, vector<16xf32>, vector<16xi1>) -> (vector<16xi1>, vector<16xf32>, vector<16xf32>)
      %masked_sort3A_909 = arith.constant dense<true> : vector<16xi1>
      %masked_sort3A_910, %masked_sort3A_911, %masked_sort3A_912 = tpu.sort %max3A_904, %max3A_904 masked %masked_sort3A_909 : (vector<16xf32>, vector<16xf32>, vector<16xi1>) -> (vector<16xi1>, vector<16xf32>, vector<16xf32>)
      %min3A_913 = arith.minimumf %max3A_849, %max3A_853 : vector<16xf32>
      %min3A_914 = arith.minimumf %max3A_850, %max3A_854 : vector<16xf32>
      %min3A_915 = arith.minimumf %max3A_851, %max3A_855 : vector<16xf32>
      %min3A_916 = arith.minimumf %max3A_852, %max3A_856 : vector<16xf32>
      %max3A_917 = arith.maximumf %max3A_849, %max3A_853 : vector<16xf32>
      %max3A_918 = arith.maximumf %max3A_850, %max3A_854 : vector<16xf32>
      %max3A_919 = arith.maximumf %max3A_851, %max3A_855 : vector<16xf32>
      %max3A_920 = arith.maximumf %max3A_852, %max3A_856 : vector<16xf32>
      %min3A_921 = arith.minimumf %min3A_913, %min3A_915 : vector<16xf32>
      %min3A_922 = arith.minimumf %min3A_914, %min3A_916 : vector<16xf32>
      %max3A_923 = arith.maximumf %min3A_913, %min3A_915 : vector<16xf32>
      %max3A_924 = arith.maximumf %min3A_914, %min3A_916 : vector<16xf32>
      %min3A_925 = arith.minimumf %min3A_921, %min3A_922 : vector<16xf32>
      %max3A_926 = arith.maximumf %min3A_921, %min3A_922 : vector<16xf32>
      %masked_sort3A_927 = arith.constant dense<true> : vector<16xi1>
      %masked_sort3A_928, %masked_sort3A_929, %masked_sort3A_930 = tpu.sort %min3A_925, %min3A_925 masked %masked_sort3A_927 : (vector<16xf32>, vector<16xf32>, vector<16xi1>) -> (vector<16xi1>, vector<16xf32>, vector<16xf32>)
      %masked_sort3A_931 = arith.constant dense<true> : vector<16xi1>
      %masked_sort3A_932, %masked_sort3A_933, %masked_sort3A_934 = tpu.sort %max3A_926, %max3A_926 masked %masked_sort3A_931 : (vector<16xf32>, vector<16xf32>, vector<16xi1>) -> (vector<16xi1>, vector<16xf32>, vector<16xf32>)
      %min3A_935 = arith.minimumf %max3A_923, %max3A_924 : vector<16xf32>
      %max3A_936 = arith.maximumf %max3A_923, %max3A_924 : vector<16xf32>
      %masked_sort3A_937 = arith.constant dense<true> : vector<16xi1>
      %masked_sort3A_938, %masked_sort3A_939, %masked_sort3A_940 = tpu.sort %min3A_935, %min3A_935 masked %masked_sort3A_937 : (vector<16xf32>, vector<16xf32>, vector<16xi1>) -> (vector<16xi1>, vector<16xf32>, vector<16xf32>)
      %masked_sort3A_941 = arith.constant dense<true> : vector<16xi1>
      %masked_sort3A_942, %masked_sort3A_943, %masked_sort3A_944 = tpu.sort %max3A_936, %max3A_936 masked %masked_sort3A_941 : (vector<16xf32>, vector<16xf32>, vector<16xi1>) -> (vector<16xi1>, vector<16xf32>, vector<16xf32>)
      %min3A_945 = arith.minimumf %max3A_917, %max3A_919 : vector<16xf32>
      %min3A_946 = arith.minimumf %max3A_918, %max3A_920 : vector<16xf32>
      %max3A_947 = arith.maximumf %max3A_917, %max3A_919 : vector<16xf32>
      %max3A_948 = arith.maximumf %max3A_918, %max3A_920 : vector<16xf32>
      %min3A_949 = arith.minimumf %min3A_945, %min3A_946 : vector<16xf32>
      %max3A_950 = arith.maximumf %min3A_945, %min3A_946 : vector<16xf32>
      %masked_sort3A_951 = arith.constant dense<true> : vector<16xi1>
      %masked_sort3A_952, %masked_sort3A_953, %masked_sort3A_954 = tpu.sort %min3A_949, %min3A_949 masked %masked_sort3A_951 : (vector<16xf32>, vector<16xf32>, vector<16xi1>) -> (vector<16xi1>, vector<16xf32>, vector<16xf32>)
      %masked_sort3A_955 = arith.constant dense<true> : vector<16xi1>
      %masked_sort3A_956, %masked_sort3A_957, %masked_sort3A_958 = tpu.sort %max3A_950, %max3A_950 masked %masked_sort3A_955 : (vector<16xf32>, vector<16xf32>, vector<16xi1>) -> (vector<16xi1>, vector<16xf32>, vector<16xf32>)
      %min3A_959 = arith.minimumf %max3A_947, %max3A_948 : vector<16xf32>
      %max3A_960 = arith.maximumf %max3A_947, %max3A_948 : vector<16xf32>
      %masked_sort3A_961 = arith.constant dense<true> : vector<16xi1>
      %masked_sort3A_962, %masked_sort3A_963, %masked_sort3A_964 = tpu.sort %min3A_959, %min3A_959 masked %masked_sort3A_961 : (vector<16xf32>, vector<16xf32>, vector<16xi1>) -> (vector<16xi1>, vector<16xf32>, vector<16xf32>)
      %masked_sort3A_965 = arith.constant dense<true> : vector<16xi1>
      %masked_sort3A_966, %masked_sort3A_967, %masked_sort3A_968 = tpu.sort %max3A_960, %max3A_960 masked %masked_sort3A_965 : (vector<16xf32>, vector<16xf32>, vector<16xi1>) -> (vector<16xi1>, vector<16xf32>, vector<16xf32>)
      %max3A_969 = arith.maximumf %while3A_379, %masked_sort3A_873 : vector<16xf32>
      %max3A_970 = arith.maximumf %while3A_380, %masked_sort3A_877 : vector<16xf32>
      %max3A_971 = arith.maximumf %while3A_381, %masked_sort3A_883 : vector<16xf32>
      %max3A_972 = arith.maximumf %while3A_382, %masked_sort3A_887 : vector<16xf32>
      %max3A_973 = arith.maximumf %while3A_383, %masked_sort3A_897 : vector<16xf32>
      %max3A_974 = arith.maximumf %while3A_384, %masked_sort3A_901 : vector<16xf32>
      %max3A_975 = arith.maximumf %while3A_385, %masked_sort3A_907 : vector<16xf32>
      %max3A_976 = arith.maximumf %while3A_386, %masked_sort3A_911 : vector<16xf32>
      %max3A_977 = arith.maximumf %while3A_387, %masked_sort3A_929 : vector<16xf32>
      %max3A_978 = arith.maximumf %while3A_388, %masked_sort3A_933 : vector<16xf32>
      %max3A_979 = arith.maximumf %while3A_389, %masked_sort3A_939 : vector<16xf32>
      %max3A_980 = arith.maximumf %while3A_390, %masked_sort3A_943 : vector<16xf32>
      %max3A_981 = arith.maximumf %while3A_391, %masked_sort3A_953 : vector<16xf32>
      %max3A_982 = arith.maximumf %while3A_392, %masked_sort3A_957 : vector<16xf32>
      %max3A_983 = arith.maximumf %while3A_393, %masked_sort3A_963 : vector<16xf32>
      %max3A_984 = arith.maximumf %while3A_394, %masked_sort3A_967 : vector<16xf32>
      %max3A_985 = arith.maximumf %max3A_969, %max3A_977 : vector<16xf32>
      %max3A_986 = arith.maximumf %max3A_970, %max3A_978 : vector<16xf32>
      %max3A_987 = arith.maximumf %max3A_971, %max3A_979 : vector<16xf32>
      %max3A_988 = arith.maximumf %max3A_972, %max3A_980 : vector<16xf32>
      %max3A_989 = arith.maximumf %max3A_973, %max3A_981 : vector<16xf32>
      %max3A_990 = arith.maximumf %max3A_974, %max3A_982 : vector<16xf32>
      %max3A_991 = arith.maximumf %max3A_975, %max3A_983 : vector<16xf32>
      %max3A_992 = arith.maximumf %max3A_976, %max3A_984 : vector<16xf32>
      %min3A_993 = arith.minimumf %max3A_969, %max3A_977 : vector<16xf32>
      %min3A_994 = arith.minimumf %max3A_970, %max3A_978 : vector<16xf32>
      %min3A_995 = arith.minimumf %max3A_971, %max3A_979 : vector<16xf32>
      %min3A_996 = arith.minimumf %max3A_972, %max3A_980 : vector<16xf32>
      %min3A_997 = arith.minimumf %max3A_973, %max3A_981 : vector<16xf32>
      %min3A_998 = arith.minimumf %max3A_974, %max3A_982 : vector<16xf32>
      %min3A_999 = arith.minimumf %max3A_975, %max3A_983 : vector<16xf32>
      %min3A_1000 = arith.minimumf %max3A_976, %max3A_984 : vector<16xf32>
      %max3A_1001 = arith.maximumf %max3A_985, %max3A_989 : vector<16xf32>
      %max3A_1002 = arith.maximumf %max3A_986, %max3A_990 : vector<16xf32>
      %max3A_1003 = arith.maximumf %max3A_987, %max3A_991 : vector<16xf32>
      %max3A_1004 = arith.maximumf %max3A_988, %max3A_992 : vector<16xf32>
      %min3A_1005 = arith.minimumf %max3A_985, %max3A_989 : vector<16xf32>
      %min3A_1006 = arith.minimumf %max3A_986, %max3A_990 : vector<16xf32>
      %min3A_1007 = arith.minimumf %max3A_987, %max3A_991 : vector<16xf32>
      %min3A_1008 = arith.minimumf %max3A_988, %max3A_992 : vector<16xf32>
      %max3A_1009 = arith.maximumf %max3A_1001, %max3A_1003 : vector<16xf32>
      %max3A_1010 = arith.maximumf %max3A_1002, %max3A_1004 : vector<16xf32>
      %min3A_1011 = arith.minimumf %max3A_1001, %max3A_1003 : vector<16xf32>
      %min3A_1012 = arith.minimumf %max3A_1002, %max3A_1004 : vector<16xf32>
      %max3A_1013 = arith.maximumf %max3A_1009, %max3A_1010 : vector<16xf32>
      %min3A_1014 = arith.minimumf %max3A_1009, %max3A_1010 : vector<16xf32>
      %masked_sort3A_1015 = arith.constant dense<true> : vector<16xi1>
      %masked_sort3A_1016, %masked_sort3A_1017, %masked_sort3A_1018 = tpu.sort %max3A_1013, %max3A_1013 masked %masked_sort3A_1015 {descending = true} : (vector<16xf32>, vector<16xf32>, vector<16xi1>) -> (vector<16xi1>, vector<16xf32>, vector<16xf32>)
      %masked_sort3A_1019 = arith.constant dense<true> : vector<16xi1>
      %masked_sort3A_1020, %masked_sort3A_1021, %masked_sort3A_1022 = tpu.sort %min3A_1014, %min3A_1014 masked %masked_sort3A_1019 {descending = true} : (vector<16xf32>, vector<16xf32>, vector<16xi1>) -> (vector<16xi1>, vector<16xf32>, vector<16xf32>)
      %max3A_1023 = arith.maximumf %min3A_1011, %min3A_1012 : vector<16xf32>
      %min3A_1024 = arith.minimumf %min3A_1011, %min3A_1012 : vector<16xf32>
      %masked_sort3A_1025 = arith.constant dense<true> : vector<16xi1>
      %masked_sort3A_1026, %masked_sort3A_1027, %masked_sort3A_1028 = tpu.sort %max3A_1023, %max3A_1023 masked %masked_sort3A_1025 {descending = true} : (vector<16xf32>, vector<16xf32>, vector<16xi1>) -> (vector<16xi1>, vector<16xf32>, vector<16xf32>)
      %masked_sort3A_1029 = arith.constant dense<true> : vector<16xi1>
      %masked_sort3A_1030, %masked_sort3A_1031, %masked_sort3A_1032 = tpu.sort %min3A_1024, %min3A_1024 masked %masked_sort3A_1029 {descending = true} : (vector<16xf32>, vector<16xf32>, vector<16xi1>) -> (vector<16xi1>, vector<16xf32>, vector<16xf32>)
      %max3A_1033 = arith.maximumf %min3A_1005, %min3A_1007 : vector<16xf32>
      %max3A_1034 = arith.maximumf %min3A_1006, %min3A_1008 : vector<16xf32>
      %min3A_1035 = arith.minimumf %min3A_1005, %min3A_1007 : vector<16xf32>
      %min3A_1036 = arith.minimumf %min3A_1006, %min3A_1008 : vector<16xf32>
      %max3A_1037 = arith.maximumf %max3A_1033, %max3A_1034 : vector<16xf32>
      %min3A_1038 = arith.minimumf %max3A_1033, %max3A_1034 : vector<16xf32>
      %masked_sort3A_1039 = arith.constant dense<true> : vector<16xi1>
      %masked_sort3A_1040, %masked_sort3A_1041, %masked_sort3A_1042 = tpu.sort %max3A_1037, %max3A_1037 masked %masked_sort3A_1039 {descending = true} : (vector<16xf32>, vector<16xf32>, vector<16xi1>) -> (vector<16xi1>, vector<16xf32>, vector<16xf32>)
      %masked_sort3A_1043 = arith.constant dense<true> : vector<16xi1>
      %masked_sort3A_1044, %masked_sort3A_1045, %masked_sort3A_1046 = tpu.sort %min3A_1038, %min3A_1038 masked %masked_sort3A_1043 {descending = true} : (vector<16xf32>, vector<16xf32>, vector<16xi1>) -> (vector<16xi1>, vector<16xf32>, vector<16xf32>)
      %max3A_1047 = arith.maximumf %min3A_1035, %min3A_1036 : vector<16xf32>
      %min3A_1048 = arith.minimumf %min3A_1035, %min3A_1036 : vector<16xf32>
      %masked_sort3A_1049 = arith.constant dense<true> : vector<16xi1>
      %masked_sort3A_1050, %masked_sort3A_1051, %masked_sort3A_1052 = tpu.sort %max3A_1047, %max3A_1047 masked %masked_sort3A_1049 {descending = true} : (vector<16xf32>, vector<16xf32>, vector<16xi1>) -> (vector<16xi1>, vector<16xf32>, vector<16xf32>)
      %masked_sort3A_1053 = arith.constant dense<true> : vector<16xi1>
      %masked_sort3A_1054, %masked_sort3A_1055, %masked_sort3A_1056 = tpu.sort %min3A_1048, %min3A_1048 masked %masked_sort3A_1053 {descending = true} : (vector<16xf32>, vector<16xf32>, vector<16xi1>) -> (vector<16xi1>, vector<16xf32>, vector<16xf32>)
      %max3A_1057 = arith.maximumf %min3A_993, %min3A_997 : vector<16xf32>
      %max3A_1058 = arith.maximumf %min3A_994, %min3A_998 : vector<16xf32>
      %max3A_1059 = arith.maximumf %min3A_995, %min3A_999 : vector<16xf32>
      %max3A_1060 = arith.maximumf %min3A_996, %min3A_1000 : vector<16xf32>
      %min3A_1061 = arith.minimumf %min3A_993, %min3A_997 : vector<16xf32>
      %min3A_1062 = arith.minimumf %min3A_994, %min3A_998 : vector<16xf32>
      %min3A_1063 = arith.minimumf %min3A_995, %min3A_999 : vector<16xf32>
      %min3A_1064 = arith.minimumf %min3A_996, %min3A_1000 : vector<16xf32>
      %max3A_1065 = arith.maximumf %max3A_1057, %max3A_1059 : vector<16xf32>
      %max3A_1066 = arith.maximumf %max3A_1058, %max3A_1060 : vector<16xf32>
      %min3A_1067 = arith.minimumf %max3A_1057, %max3A_1059 : vector<16xf32>
      %min3A_1068 = arith.minimumf %max3A_1058, %max3A_1060 : vector<16xf32>
      %max3A_1069 = arith.maximumf %max3A_1065, %max3A_1066 : vector<16xf32>
      %min3A_1070 = arith.minimumf %max3A_1065, %max3A_1066 : vector<16xf32>
      %masked_sort3A_1071 = arith.constant dense<true> : vector<16xi1>
      %masked_sort3A_1072, %masked_sort3A_1073, %masked_sort3A_1074 = tpu.sort %max3A_1069, %max3A_1069 masked %masked_sort3A_1071 {descending = true} : (vector<16xf32>, vector<16xf32>, vector<16xi1>) -> (vector<16xi1>, vector<16xf32>, vector<16xf32>)
      %masked_sort3A_1075 = arith.constant dense<true> : vector<16xi1>
      %masked_sort3A_1076, %masked_sort3A_1077, %masked_sort3A_1078 = tpu.sort %min3A_1070, %min3A_1070 masked %masked_sort3A_1075 {descending = true} : (vector<16xf32>, vector<16xf32>, vector<16xi1>) -> (vector<16xi1>, vector<16xf32>, vector<16xf32>)
      %max3A_1079 = arith.maximumf %min3A_1067, %min3A_1068 : vector<16xf32>
      %min3A_1080 = arith.minimumf %min3A_1067, %min3A_1068 : vector<16xf32>
      %masked_sort3A_1081 = arith.constant dense<true> : vector<16xi1>
      %masked_sort3A_1082, %masked_sort3A_1083, %masked_sort3A_1084 = tpu.sort %max3A_1079, %max3A_1079 masked %masked_sort3A_1081 {descending = true} : (vector<16xf32>, vector<16xf32>, vector<16xi1>) -> (vector<16xi1>, vector<16xf32>, vector<16xf32>)
      %masked_sort3A_1085 = arith.constant dense<true> : vector<16xi1>
      %masked_sort3A_1086, %masked_sort3A_1087, %masked_sort3A_1088 = tpu.sort %min3A_1080, %min3A_1080 masked %masked_sort3A_1085 {descending = true} : (vector<16xf32>, vector<16xf32>, vector<16xi1>) -> (vector<16xi1>, vector<16xf32>, vector<16xf32>)
      %max3A_1089 = arith.maximumf %min3A_1061, %min3A_1063 : vector<16xf32>
      %max3A_1090 = arith.maximumf %min3A_1062, %min3A_1064 : vector<16xf32>
      %min3A_1091 = arith.minimumf %min3A_1061, %min3A_1063 : vector<16xf32>
      %min3A_1092 = arith.minimumf %min3A_1062, %min3A_1064 : vector<16xf32>
      %max3A_1093 = arith.maximumf %max3A_1089, %max3A_1090 : vector<16xf32>
      %min3A_1094 = arith.minimumf %max3A_1089, %max3A_1090 : vector<16xf32>
      %masked_sort3A_1095 = arith.constant dense<true> : vector<16xi1>
      %masked_sort3A_1096, %masked_sort3A_1097, %masked_sort3A_1098 = tpu.sort %max3A_1093, %max3A_1093 masked %masked_sort3A_1095 {descending = true} : (vector<16xf32>, vector<16xf32>, vector<16xi1>) -> (vector<16xi1>, vector<16xf32>, vector<16xf32>)
      %masked_sort3A_1099 = arith.constant dense<true> : vector<16xi1>
      %masked_sort3A_1100, %masked_sort3A_1101, %masked_sort3A_1102 = tpu.sort %min3A_1094, %min3A_1094 masked %masked_sort3A_1099 {descending = true} : (vector<16xf32>, vector<16xf32>, vector<16xi1>) -> (vector<16xi1>, vector<16xf32>, vector<16xf32>)
      %max3A_1103 = arith.maximumf %min3A_1091, %min3A_1092 : vector<16xf32>
      %min3A_1104 = arith.minimumf %min3A_1091, %min3A_1092 : vector<16xf32>
      %masked_sort3A_1105 = arith.constant dense<true> : vector<16xi1>
      %masked_sort3A_1106, %masked_sort3A_1107, %masked_sort3A_1108 = tpu.sort %max3A_1103, %max3A_1103 masked %masked_sort3A_1105 {descending = true} : (vector<16xf32>, vector<16xf32>, vector<16xi1>) -> (vector<16xi1>, vector<16xf32>, vector<16xf32>)
      %masked_sort3A_1109 = arith.constant dense<true> : vector<16xi1>
      %masked_sort3A_1110, %masked_sort3A_1111, %masked_sort3A_1112 = tpu.sort %min3A_1104, %min3A_1104 masked %masked_sort3A_1109 {descending = true} : (vector<16xf32>, vector<16xf32>, vector<16xi1>) -> (vector<16xi1>, vector<16xf32>, vector<16xf32>)
      scf.yield %masked_sort3A_1017, %masked_sort3A_1021, %masked_sort3A_1027, %masked_sort3A_1031, %masked_sort3A_1041, %masked_sort3A_1045, %masked_sort3A_1051, %masked_sort3A_1055, %masked_sort3A_1073, %masked_sort3A_1077, %masked_sort3A_1083, %masked_sort3A_1087, %masked_sort3A_1097, %masked_sort3A_1101, %masked_sort3A_1107, %masked_sort3A_1111 : vector<16xf32>, vector<16xf32>, vector<16xf32>, vector<16xf32>, vector<16xf32>, vector<16xf32>, vector<16xf32>, vector<16xf32>, vector<16xf32>, vector<16xf32>, vector<16xf32>, vector<16xf32>, vector<16xf32>, vector<16xf32>, vector<16xf32>, vector<16xf32>
    }
    %swap3A = arith.constant 0 : index
    %swap3A_145 = tpu.vector_load %arg7[%swap3A] {strides = array<i32>} : memref<256xf32, #tpu.memory_space<vmem>>, vector<16xf32>,
    tpu.vector_store %arg7[%swap3A], %while3A_144#0 {strides = array<i32>} : memref<256xf32, #tpu.memory_space<vmem>>, vector<16xf32>,
    %swap3A_146 = arith.constant 16 : index
    %swap3A_147 = tpu.vector_load %arg7[%swap3A_146] {strides = array<i32>} : memref<256xf32, #tpu.memory_space<vmem>>, vector<16xf32>,
    tpu.vector_store %arg7[%swap3A_146], %while3A_144#1 {strides = array<i32>} : memref<256xf32, #tpu.memory_space<vmem>>, vector<16xf32>,
    %swap3A_148 = arith.constant 32 : index
    %swap3A_149 = tpu.vector_load %arg7[%swap3A_148] {strides = array<i32>} : memref<256xf32, #tpu.memory_space<vmem>>, vector<16xf32>,
    tpu.vector_store %arg7[%swap3A_148], %while3A_144#2 {strides = array<i32>} : memref<256xf32, #tpu.memory_space<vmem>>, vector<16xf32>,
    %swap3A_150 = arith.constant 48 : index
    %swap3A_151 = tpu.vector_load %arg7[%swap3A_150] {strides = array<i32>} : memref<256xf32, #tpu.memory_space<vmem>>, vector<16xf32>,
    tpu.vector_store %arg7[%swap3A_150], %while3A_144#3 {strides = array<i32>} : memref<256xf32, #tpu.memory_space<vmem>>, vector<16xf32>,
    %swap3A_152 = arith.constant 64 : index
    %swap3A_153 = tpu.vector_load %arg7[%swap3A_152] {strides = array<i32>} : memref<256xf32, #tpu.memory_space<vmem>>, vector<16xf32>,
    tpu.vector_store %arg7[%swap3A_152], %while3A_144#4 {strides = array<i32>} : memref<256xf32, #tpu.memory_space<vmem>>, vector<16xf32>,
    %swap3A_154 = arith.constant 80 : index
    %swap3A_155 = tpu.vector_load %arg7[%swap3A_154] {strides = array<i32>} : memref<256xf32, #tpu.memory_space<vmem>>, vector<16xf32>,
    tpu.vector_store %arg7[%swap3A_154], %while3A_144#5 {strides = array<i32>} : memref<256xf32, #tpu.memory_space<vmem>>, vector<16xf32>,
    %swap3A_156 = arith.constant 96 : index
    %swap3A_157 = tpu.vector_load %arg7[%swap3A_156] {strides = array<i32>} : memref<256xf32, #tpu.memory_space<vmem>>, vector<16xf32>,
    tpu.vector_store %arg7[%swap3A_156], %while3A_144#6 {strides = array<i32>} : memref<256xf32, #tpu.memory_space<vmem>>, vector<16xf32>,
    %swap3A_158 = arith.constant 112 : index
    %swap3A_159 = tpu.vector_load %arg7[%swap3A_158] {strides = array<i32>} : memref<256xf32, #tpu.memory_space<vmem>>, vector<16xf32>,
    tpu.vector_store %arg7[%swap3A_158], %while3A_144#7 {strides = array<i32>} : memref<256xf32, #tpu.memory_space<vmem>>, vector<16xf32>,
    %swap3A_160 = arith.constant 128 : index
    %swap3A_161 = tpu.vector_load %arg7[%swap3A_160] {strides = array<i32>} : memref<256xf32, #tpu.memory_space<vmem>>, vector<16xf32>,
    tpu.vector_store %arg7[%swap3A_160], %while3A_144#8 {strides = array<i32>} : memref<256xf32, #tpu.memory_space<vmem>>, vector<16xf32>,
    %swap3A_162 = arith.constant 144 : index
    %swap3A_163 = tpu.vector_load %arg7[%swap3A_162] {strides = array<i32>} : memref<256xf32, #tpu.memory_space<vmem>>, vector<16xf32>,
    tpu.vector_store %arg7[%swap3A_162], %while3A_144#9 {strides = array<i32>} : memref<256xf32, #tpu.memory_space<vmem>>, vector<16xf32>,
    %swap3A_164 = arith.constant 160 : index
    %swap3A_165 = tpu.vector_load %arg7[%swap3A_164] {strides = array<i32>} : memref<256xf32, #tpu.memory_space<vmem>>, vector<16xf32>,
    tpu.vector_store %arg7[%swap3A_164], %while3A_144#10 {strides = array<i32>} : memref<256xf32, #tpu.memory_space<vmem>>, vector<16xf32>,
    %swap3A_166 = arith.constant 176 : index
    %swap3A_167 = tpu.vector_load %arg7[%swap3A_166] {strides = array<i32>} : memref<256xf32, #tpu.memory_space<vmem>>, vector<16xf32>,
    tpu.vector_store %arg7[%swap3A_166], %while3A_144#11 {strides = array<i32>} : memref<256xf32, #tpu.memory_space<vmem>>, vector<16xf32>,
    %swap3A_168 = arith.constant 192 : index
    %swap3A_169 = tpu.vector_load %arg7[%swap3A_168] {strides = array<i32>} : memref<256xf32, #tpu.memory_space<vmem>>, vector<16xf32>,
    tpu.vector_store %arg7[%swap3A_168], %while3A_144#12 {strides = array<i32>} : memref<256xf32, #tpu.memory_space<vmem>>, vector<16xf32>,
    %swap3A_170 = arith.constant 208 : index
    %swap3A_171 = tpu.vector_load %arg7[%swap3A_170] {strides = array<i32>} : memref<256xf32, #tpu.memory_space<vmem>>, vector<16xf32>,
    tpu.vector_store %arg7[%swap3A_170], %while3A_144#13 {strides = array<i32>} : memref<256xf32, #tpu.memory_space<vmem>>, vector<16xf32>,
    %swap3A_172 = arith.constant 224 : index
    %swap3A_173 = tpu.vector_load %arg7[%swap3A_172] {strides = array<i32>} : memref<256xf32, #tpu.memory_space<vmem>>, vector<16xf32>,
    tpu.vector_store %arg7[%swap3A_172], %while3A_144#14 {strides = array<i32>} : memref<256xf32, #tpu.memory_space<vmem>>, vector<16xf32>,
    %swap3A_174 = arith.constant 240 : index
    %swap3A_175 = tpu.vector_load %arg7[%swap3A_174] {strides = array<i32>} : memref<256xf32, #tpu.memory_space<vmem>>, vector<16xf32>,
    tpu.vector_store %arg7[%swap3A_174], %while3A_144#15 {strides = array<i32>} : memref<256xf32, #tpu.memory_space<vmem>>, vector<16xf32>,
    %dma_start3A_176 = arith.constant 0 : i32
    %dma_start3A_177 = tpu.memref_slice %arg3[%mul3A_3, %dma_start3A_176] : memref<64x256xf32, #tpu.memory_space<hbm>> -> memref<1x256xf32, #tpu.memory_space<hbm>>
    %dma_start3A_178 = tpu.memref_squeeze %dma_start3A_177 : memref<1x256xf32, #tpu.memory_space<hbm>> -> memref<256xf32, #tpu.memory_space<hbm>>
    %dma_start3A_179 = arith.constant 0 : i32
    %dma_start3A_180 = tpu.memref_slice %arg3[%mul3A_3, %dma_start3A_179] : memref<64x256xf32, #tpu.memory_space<hbm>> -> memref<1x256xf32, #tpu.memory_space<hbm>>
    %dma_start3A_181 = tpu.memref_squeeze %dma_start3A_180 : memref<1x256xf32, #tpu.memory_space<hbm>> -> memref<256xf32, #tpu.memory_space<hbm>>
    tpu.enqueue_dma source(%arg7 : memref<256xf32, #tpu.memory_space<vmem>>) target(%dma_start3A_181 : memref<256xf32, #tpu.memory_space<hbm>>) target_semaphore(%arg11 : memref<!tpu.dma_semaphore, #tpu.memory_space<semaphore_mem>>)
    %add3A_182 = arith.constant 1 : i32
    %add3A_183 = arith.addi %mul3A_3, %add3A_182 : i32
    %dma_wait3A_184 = arith.constant 0 : i32
    %dma_wait3A_185 = tpu.memref_slice %arg2[%add3A_10, %dma_wait3A_184] : memref<64x32768xf32, #tpu.memory_space<hbm>> -> memref<1x32768xf32, #tpu.memory_space<hbm>>
    %dma_wait3A_186 = tpu.memref_squeeze %dma_wait3A_185 : memref<1x32768xf32, #tpu.memory_space<hbm>> -> memref<32768xf32, #tpu.memory_space<hbm>>
    %dma_wait3A_187 = arith.constant 0 : i32
    %dma_wait3A_188 = tpu.memref_slice %arg2[%add3A_10, %dma_wait3A_187] : memref<64x32768xf32, #tpu.memory_space<hbm>> -> memref<1x32768xf32, #tpu.memory_space<hbm>>
    %dma_wait3A_189 = tpu.memref_squeeze %dma_wait3A_188 : memref<1x32768xf32, #tpu.memory_space<hbm>> -> memref<32768xf32, #tpu.memory_space<hbm>>
    tpu.wait_dma2 semaphore(%arg10 : memref<!tpu.dma_semaphore, #tpu.memory_space<semaphore_mem>>) src(%dma_wait3A_189 : memref<32768xf32, #tpu.memory_space<hbm>>) dst(%arg5 : memref<32768xf32, #tpu.memory_space<vmem>>)
    %get3A_190 = arith.constant 0 : index
    %get3A_191 = tpu.vector_load %arg5[%get3A_190] {strides = array<i32>} : memref<32768xf32, #tpu.memory_space<vmem>>, vector<16xf32>,
    %get3A_192 = arith.constant 16 : index
    %get3A_193 = tpu.vector_load %arg5[%get3A_192] {strides = array<i32>} : memref<32768xf32, #tpu.memory_space<vmem>>, vector<16xf32>,
    %get3A_194 = arith.constant 32 : index
    %get3A_195 = tpu.vector_load %arg5[%get3A_194] {strides = array<i32>} : memref<32768xf32, #tpu.memory_space<vmem>>, vector<16xf32>,
    %get3A_196 = arith.constant 48 : index
    %get3A_197 = tpu.vector_load %arg5[%get3A_196] {strides = array<i32>} : memref<32768xf32, #tpu.memory_space<vmem>>, vector<16xf32>,
    %get3A_198 = arith.constant 64 : index
    %get3A_199 = tpu.vector_load %arg5[%get3A_198] {strides = array<i32>} : memref<32768xf32, #tpu.memory_space<vmem>>, vector<16xf32>,
    %get3A_200 = arith.constant 80 : index
    %get3A_201 = tpu.vector_load %arg5[%get3A_200] {strides = array<i32>} : memref<32768xf32, #tpu.memory_space<vmem>>, vector<16xf32>,
    %get3A_202 = arith.constant 96 : index
    %get3A_203 = tpu.vector_load %arg5[%get3A_202] {strides = array<i32>} : memref<32768xf32, #tpu.memory_space<vmem>>, vector<16xf32>,
    %get3A_204 = arith.constant 112 : index
    %get3A_205 = tpu.vector_load %arg5[%get3A_204] {strides = array<i32>} : memref<32768xf32, #tpu.memory_space<vmem>>, vector<16xf32>,
    %get3A_206 = arith.constant 128 : index
    %get3A_207 = tpu.vector_load %arg5[%get3A_206] {strides = array<i32>} : memref<32768xf32, #tpu.memory_space<vmem>>, vector<16xf32>,
    %get3A_208 = arith.constant 144 : index
    %get3A_209 = tpu.vector_load %arg5[%get3A_208] {strides = array<i32>} : memref<32768xf32, #tpu.memory_space<vmem>>, vector<16xf32>,
    %get3A_210 = arith.constant 160 : index
    %get3A_211 = tpu.vector_load %arg5[%get3A_210] {strides = array<i32>} : memref<32768xf32, #tpu.memory_space<vmem>>, vector<16xf32>,
    %get3A_212 = arith.constant 176 : index
    %get3A_213 = tpu.vector_load %arg5[%get3A_212] {strides = array<i32>} : memref<32768xf32, #tpu.memory_space<vmem>>, vector<16xf32>,
    %get3A_214 = arith.constant 192 : index
    %get3A_215 = tpu.vector_load %arg5[%get3A_214] {strides = array<i32>} : memref<32768xf32, #tpu.memory_space<vmem>>, vector<16xf32>,
    %get3A_216 = arith.constant 208 : index
    %get3A_217 = tpu.vector_load %arg5[%get3A_216] {strides = array<i32>} : memref<32768xf32, #tpu.memory_space<vmem>>, vector<16xf32>,
    %get3A_218 = arith.constant 224 : index
    %get3A_219 = tpu.vector_load %arg5[%get3A_218] {strides = array<i32>} : memref<32768xf32, #tpu.memory_space<vmem>>, vector<16xf32>,
    %get3A_220 = arith.constant 240 : index
    %get3A_221 = tpu.vector_load %arg5[%get3A_220] {strides = array<i32>} : memref<32768xf32, #tpu.memory_space<vmem>>, vector<16xf32>,
    %scan3A_222 = arith.constant 1 : i32
    %scan3A_223 = arith.constant 127 : i32
    %scan3A_224 = arith.addi %scan3A_222, %scan3A_223 : i32
    %scan3A_225 = arith.constant 1 : i32
    %scan3A_226:16 = scf.for %scan3A_378 = %scan3A_222 to %scan3A_224 step %scan3A_225 iter_args(%scan3A_379 = %get3A_191, %scan3A_380 = %get3A_193, %scan3A_381 = %get3A_195, %scan3A_382 = %get3A_197, %scan3A_383 = %get3A_199, %scan3A_384 = %get3A_201, %scan3A_385 = %get3A_203, %scan3A_386 = %get3A_205, %scan3A_387 = %get3A_207, %scan3A_388 = %get3A_209, %scan3A_389 = %get3A_211, %scan3A_390 = %get3A_213, %scan3A_391 = %get3A_215, %scan3A_392 = %get3A_217, %scan3A_393 = %get3A_219, %scan3A_394 = %get3A_221) -> (vector<16xf32>, vector<16xf32>, vector<16xf32>, vector<16xf32>, vector<16xf32>, vector<16xf32>, vector<16xf32>, vector<16xf32>, vector<16xf32>, vector<16xf32>, vector<16xf32>, vector<16xf32>, vector<16xf32>, vector<16xf32>, vector<16xf32>, vector<16xf32>)  : i32 {
      %mul3A_395 = arith.constant 256 : i32
      %mul3A_396 = arith.muli %scan3A_378, %mul3A_395 : i32
      %add3A_397 = arith.constant 0 : i32
      %add3A_398 = arith.addi %mul3A_396, %add3A_397 : i32
      %get3A_399 = arith.index_cast %add3A_398 : i32 to index
      %get3A_400 = tpu.vector_load %arg5[%get3A_399] {strides = array<i32>} : memref<32768xf32, #tpu.memory_space<vmem>>, vector<16xf32>,
      %max3A = arith.maximumf %scan3A_379, %get3A_400 : vector<16xf32>
      %mul3A_401 = arith.constant 256 : i32
      %mul3A_402 = arith.muli %scan3A_378, %mul3A_401 : i32
      %add3A_403 = arith.constant 16 : i32
      %add3A_404 = arith.addi %mul3A_402, %add3A_403 : i32
      %get3A_405 = arith.index_cast %add3A_404 : i32 to index
      %get3A_406 = tpu.vector_load %arg5[%get3A_405] {strides = array<i32>} : memref<32768xf32, #tpu.memory_space<vmem>>, vector<16xf32>,
      %max3A_407 = arith.maximumf %scan3A_380, %get3A_406 : vector<16xf32>
      %mul3A_408 = arith.constant 256 : i32
      %mul3A_409 = arith.muli %scan3A_378, %mul3A_408 : i32
      %add3A_410 = arith.constant 32 : i32
      %add3A_411 = arith.addi %mul3A_409, %add3A_410 : i32
      %get3A_412 = arith.index_cast %add3A_411 : i32 to index
      %get3A_413 = tpu.vector_load %arg5[%get3A_412] {strides = array<i32>} : memref<32768xf32, #tpu.memory_space<vmem>>, vector<16xf32>,
      %max3A_414 = arith.maximumf %scan3A_381, %get3A_413 : vector<16xf32>
      %mul3A_415 = arith.constant 256 : i32
      %mul3A_416 = arith.muli %scan3A_378, %mul3A_415 : i32
      %add3A_417 = arith.constant 48 : i32
      %add3A_418 = arith.addi %mul3A_416, %add3A_417 : i32
      %get3A_419 = arith.index_cast %add3A_418 : i32 to index
      %get3A_420 = tpu.vector_load %arg5[%get3A_419] {strides = array<i32>} : memref<32768xf32, #tpu.memory_space<vmem>>, vector<16xf32>,
      %max3A_421 = arith.maximumf %scan3A_382, %get3A_420 : vector<16xf32>
      %mul3A_422 = arith.constant 256 : i32
      %mul3A_423 = arith.muli %scan3A_378, %mul3A_422 : i32
      %add3A_424 = arith.constant 64 : i32
      %add3A_425 = arith.addi %mul3A_423, %add3A_424 : i32
      %get3A_426 = arith.index_cast %add3A_425 : i32 to index
      %get3A_427 = tpu.vector_load %arg5[%get3A_426] {strides = array<i32>} : memref<32768xf32, #tpu.memory_space<vmem>>, vector<16xf32>,
      %max3A_428 = arith.maximumf %scan3A_383, %get3A_427 : vector<16xf32>
      %mul3A_429 = arith.constant 256 : i32
      %mul3A_430 = arith.muli %scan3A_378, %mul3A_429 : i32
      %add3A_431 = arith.constant 80 : i32
      %add3A_432 = arith.addi %mul3A_430, %add3A_431 : i32
      %get3A_433 = arith.index_cast %add3A_432 : i32 to index
      %get3A_434 = tpu.vector_load %arg5[%get3A_433] {strides = array<i32>} : memref<32768xf32, #tpu.memory_space<vmem>>, vector<16xf32>,
      %max3A_435 = arith.maximumf %scan3A_384, %get3A_434 : vector<16xf32>
      %mul3A_436 = arith.constant 256 : i32
      %mul3A_437 = arith.muli %scan3A_378, %mul3A_436 : i32
      %add3A_438 = arith.constant 96 : i32
      %add3A_439 = arith.addi %mul3A_437, %add3A_438 : i32
      %get3A_440 = arith.index_cast %add3A_439 : i32 to index
      %get3A_441 = tpu.vector_load %arg5[%get3A_440] {strides = array<i32>} : memref<32768xf32, #tpu.memory_space<vmem>>, vector<16xf32>,
      %max3A_442 = arith.maximumf %scan3A_385, %get3A_441 : vector<16xf32>
      %mul3A_443 = arith.constant 256 : i32
      %mul3A_444 = arith.muli %scan3A_378, %mul3A_443 : i32
      %add3A_445 = arith.constant 112 : i32
      %add3A_446 = arith.addi %mul3A_444, %add3A_445 : i32
      %get3A_447 = arith.index_cast %add3A_446 : i32 to index
      %get3A_448 = tpu.vector_load %arg5[%get3A_447] {strides = array<i32>} : memref<32768xf32, #tpu.memory_space<vmem>>, vector<16xf32>,
      %max3A_449 = arith.maximumf %scan3A_386, %get3A_448 : vector<16xf32>
      %mul3A_450 = arith.constant 256 : i32
      %mul3A_451 = arith.muli %scan3A_378, %mul3A_450 : i32
      %add3A_452 = arith.constant 128 : i32
      %add3A_453 = arith.addi %mul3A_451, %add3A_452 : i32
      %get3A_454 = arith.index_cast %add3A_453 : i32 to index
      %get3A_455 = tpu.vector_load %arg5[%get3A_454] {strides = array<i32>} : memref<32768xf32, #tpu.memory_space<vmem>>, vector<16xf32>,
      %max3A_456 = arith.maximumf %scan3A_387, %get3A_455 : vector<16xf32>
      %mul3A_457 = arith.constant 256 : i32
      %mul3A_458 = arith.muli %scan3A_378, %mul3A_457 : i32
      %add3A_459 = arith.constant 144 : i32
      %add3A_460 = arith.addi %mul3A_458, %add3A_459 : i32
      %get3A_461 = arith.index_cast %add3A_460 : i32 to index
      %get3A_462 = tpu.vector_load %arg5[%get3A_461] {strides = array<i32>} : memref<32768xf32, #tpu.memory_space<vmem>>, vector<16xf32>,
      %max3A_463 = arith.maximumf %scan3A_388, %get3A_462 : vector<16xf32>
      %mul3A_464 = arith.constant 256 : i32
      %mul3A_465 = arith.muli %scan3A_378, %mul3A_464 : i32
      %add3A_466 = arith.constant 160 : i32
      %add3A_467 = arith.addi %mul3A_465, %add3A_466 : i32
      %get3A_468 = arith.index_cast %add3A_467 : i32 to index
      %get3A_469 = tpu.vector_load %arg5[%get3A_468] {strides = array<i32>} : memref<32768xf32, #tpu.memory_space<vmem>>, vector<16xf32>,
      %max3A_470 = arith.maximumf %scan3A_389, %get3A_469 : vector<16xf32>
      %mul3A_471 = arith.constant 256 : i32
      %mul3A_472 = arith.muli %scan3A_378, %mul3A_471 : i32
      %add3A_473 = arith.constant 176 : i32
      %add3A_474 = arith.addi %mul3A_472, %add3A_473 : i32
      %get3A_475 = arith.index_cast %add3A_474 : i32 to index
      %get3A_476 = tpu.vector_load %arg5[%get3A_475] {strides = array<i32>} : memref<32768xf32, #tpu.memory_space<vmem>>, vector<16xf32>,
      %max3A_477 = arith.maximumf %scan3A_390, %get3A_476 : vector<16xf32>
      %mul3A_478 = arith.constant 256 : i32
      %mul3A_479 = arith.muli %scan3A_378, %mul3A_478 : i32
      %add3A_480 = arith.constant 192 : i32
      %add3A_481 = arith.addi %mul3A_479, %add3A_480 : i32
      %get3A_482 = arith.index_cast %add3A_481 : i32 to index
      %get3A_483 = tpu.vector_load %arg5[%get3A_482] {strides = array<i32>} : memref<32768xf32, #tpu.memory_space<vmem>>, vector<16xf32>,
      %max3A_484 = arith.maximumf %scan3A_391, %get3A_483 : vector<16xf32>
      %mul3A_485 = arith.constant 256 : i32
      %mul3A_486 = arith.muli %scan3A_378, %mul3A_485 : i32
      %add3A_487 = arith.constant 208 : i32
      %add3A_488 = arith.addi %mul3A_486, %add3A_487 : i32
      %get3A_489 = arith.index_cast %add3A_488 : i32 to index
      %get3A_490 = tpu.vector_load %arg5[%get3A_489] {strides = array<i32>} : memref<32768xf32, #tpu.memory_space<vmem>>, vector<16xf32>,
      %max3A_491 = arith.maximumf %scan3A_392, %get3A_490 : vector<16xf32>
      %mul3A_492 = arith.constant 256 : i32
      %mul3A_493 = arith.muli %scan3A_378, %mul3A_492 : i32
      %add3A_494 = arith.constant 224 : i32
      %add3A_495 = arith.addi %mul3A_493, %add3A_494 : i32
      %get3A_496 = arith.index_cast %add3A_495 : i32 to index
      %get3A_497 = tpu.vector_load %arg5[%get3A_496] {strides = array<i32>} : memref<32768xf32, #tpu.memory_space<vmem>>, vector<16xf32>,
      %max3A_498 = arith.maximumf %scan3A_393, %get3A_497 : vector<16xf32>
      %mul3A_499 = arith.constant 256 : i32
      %mul3A_500 = arith.muli %scan3A_378, %mul3A_499 : i32
      %add3A_501 = arith.constant 240 : i32
      %add3A_502 = arith.addi %mul3A_500, %add3A_501 : i32
      %get3A_503 = arith.index_cast %add3A_502 : i32 to index
      %get3A_504 = tpu.vector_load %arg5[%get3A_503] {strides = array<i32>} : memref<32768xf32, #tpu.memory_space<vmem>>, vector<16xf32>,
      %max3A_505 = arith.maximumf %scan3A_394, %get3A_504 : vector<16xf32>
      scf.yield %max3A, %max3A_407, %max3A_414, %max3A_421, %max3A_428, %max3A_435, %max3A_442, %max3A_449, %max3A_456, %max3A_463, %max3A_470, %max3A_477, %max3A_484, %max3A_491, %max3A_498, %max3A_505 : vector<16xf32>, vector<16xf32>, vector<16xf32>, vector<16xf32>, vector<16xf32>, vector<16xf32>, vector<16xf32>, vector<16xf32>, vector<16xf32>, vector<16xf32>, vector<16xf32>, vector<16xf32>, vector<16xf32>, vector<16xf32>, vector<16xf32>, vector<16xf32>
    }
    %scan3A_227 = arith.constant 127 : i32
    %min3A_228 = arith.minimumf %scan3A_226#0, %scan3A_226#8 : vector<16xf32>
    %min3A_229 = arith.minimumf %scan3A_226#1, %scan3A_226#9 : vector<16xf32>
    %min3A_230 = arith.minimumf %scan3A_226#2, %scan3A_226#10 : vector<16xf32>
    %min3A_231 = arith.minimumf %scan3A_226#3, %scan3A_226#11 : vector<16xf32>
    %min3A_232 = arith.minimumf %scan3A_226#4, %scan3A_226#12 : vector<16xf32>
    %min3A_233 = arith.minimumf %scan3A_226#5, %scan3A_226#13 : vector<16xf32>
    %min3A_234 = arith.minimumf %scan3A_226#6, %scan3A_226#14 : vector<16xf32>
    %min3A_235 = arith.minimumf %scan3A_226#7, %scan3A_226#15 : vector<16xf32>
    %min3A_236 = arith.minimumf %min3A_228, %min3A_232 : vector<16xf32>
    %min3A_237 = arith.minimumf %min3A_229, %min3A_233 : vector<16xf32>
    %min3A_238 = arith.minimumf %min3A_230, %min3A_234 : vector<16xf32>
    %min3A_239 = arith.minimumf %min3A_231, %min3A_235 : vector<16xf32>
    %min3A_240 = arith.minimumf %min3A_236, %min3A_238 : vector<16xf32>
    %min3A_241 = arith.minimumf %min3A_237, %min3A_239 : vector<16xf32>
    %min3A_242 = arith.minimumf %min3A_240, %min3A_241 : vector<16xf32>
    %reduce_min3A_243 = arith.constant true
    %reduce_min3A_244 = vector.broadcast %reduce_min3A_243 : i1 to vector<16xi1>
    %reduce_min3A_245 = tpu.scan <min>, %min3A_242 masked %reduce_min3A_244 : vector<16xf32>, vector<16xi1> -> vector<16xf32>
    %reduce_min3A_246 = vector.extract %reduce_min3A_245[15] : f32 from vector<16xf32>
    %scan3A_247 = arith.constant 0 : i32
    %scan3A_248 = arith.constant 128 : i32
    %scan3A_249 = arith.addi %scan3A_247, %scan3A_248 : i32
    %scan3A_250 = arith.constant 1 : i32
    %scan3A_251 = scf.for %scan3A_378 = %scan3A_247 to %scan3A_249 step %scan3A_250 iter_args(%scan3A_379 = %iota3A) -> (vector<16xi32>)  : i32 {
      %mul3A_380 = arith.constant 256 : i32
      %mul3A_381 = arith.muli %scan3A_378, %mul3A_380 : i32
      %add3A_382 = arith.constant 0 : i32
      %add3A_383 = arith.addi %mul3A_381, %add3A_382 : i32
      %get3A_384 = arith.index_cast %add3A_383 : i32 to index
      %get3A_385 = tpu.vector_load %arg5[%get3A_384] {strides = array<i32>} : memref<32768xf32, #tpu.memory_space<vmem>>, vector<16xf32>,
      %ge3A = vector.broadcast %reduce_min3A_246 : f32 to vector<16xf32>
      %ge3A_386 = arith.cmpf oge, %get3A_385, %ge3A : vector<16xf32>
      %jit3A_387 = arith.constant 16 : i32
      %jit3A_388 = arith.constant 0 : i32
      %broadcast_in_dim3A_389 = vector.broadcast %jit3A_387 : i32 to vector<16xi32>
      %broadcast_in_dim3A_390 = vector.broadcast %jit3A_388 : i32 to vector<16xi32>
      %select_n3A_391 = arith.select %ge3A_386, %broadcast_in_dim3A_389, %broadcast_in_dim3A_390 : vector<16xi1>, vector<16xi32>
      %mul3A_392 = arith.constant 256 : i32
      %mul3A_393 = arith.muli %scan3A_378, %mul3A_392 : i32
      %add3A_394 = arith.constant 16 : i32
      %add3A_395 = arith.addi %mul3A_393, %add3A_394 : i32
      %get3A_396 = arith.index_cast %add3A_395 : i32 to index
      %get3A_397 = tpu.vector_load %arg5[%get3A_396] {strides = array<i32>} : memref<32768xf32, #tpu.memory_space<vmem>>, vector<16xf32>,
      %ge3A_398 = vector.broadcast %reduce_min3A_246 : f32 to vector<16xf32>
      %ge3A_399 = arith.cmpf oge, %get3A_397, %ge3A_398 : vector<16xf32>
      %jit3A_400 = arith.constant 16 : i32
      %jit3A_401 = arith.constant 0 : i32
      %broadcast_in_dim3A_402 = vector.broadcast %jit3A_400 : i32 to vector<16xi32>
      %broadcast_in_dim3A_403 = vector.broadcast %jit3A_401 : i32 to vector<16xi32>
      %select_n3A_404 = arith.select %ge3A_399, %broadcast_in_dim3A_402, %broadcast_in_dim3A_403 : vector<16xi1>, vector<16xi32>
      %mul3A_405 = arith.constant 256 : i32
      %mul3A_406 = arith.muli %scan3A_378, %mul3A_405 : i32
      %add3A_407 = arith.constant 32 : i32
      %add3A_408 = arith.addi %mul3A_406, %add3A_407 : i32
      %get3A_409 = arith.index_cast %add3A_408 : i32 to index
      %get3A_410 = tpu.vector_load %arg5[%get3A_409] {strides = array<i32>} : memref<32768xf32, #tpu.memory_space<vmem>>, vector<16xf32>,
      %ge3A_411 = vector.broadcast %reduce_min3A_246 : f32 to vector<16xf32>
      %ge3A_412 = arith.cmpf oge, %get3A_410, %ge3A_411 : vector<16xf32>
      %jit3A_413 = arith.constant 16 : i32
      %jit3A_414 = arith.constant 0 : i32
      %broadcast_in_dim3A_415 = vector.broadcast %jit3A_413 : i32 to vector<16xi32>
      %broadcast_in_dim3A_416 = vector.broadcast %jit3A_414 : i32 to vector<16xi32>
      %select_n3A_417 = arith.select %ge3A_412, %broadcast_in_dim3A_415, %broadcast_in_dim3A_416 : vector<16xi1>, vector<16xi32>
      %mul3A_418 = arith.constant 256 : i32
      %mul3A_419 = arith.muli %scan3A_378, %mul3A_418 : i32
      %add3A_420 = arith.constant 48 : i32
      %add3A_421 = arith.addi %mul3A_419, %add3A_420 : i32
      %get3A_422 = arith.index_cast %add3A_421 : i32 to index
      %get3A_423 = tpu.vector_load %arg5[%get3A_422] {strides = array<i32>} : memref<32768xf32, #tpu.memory_space<vmem>>, vector<16xf32>,
      %ge3A_424 = vector.broadcast %reduce_min3A_246 : f32 to vector<16xf32>
      %ge3A_425 = arith.cmpf oge, %get3A_423, %ge3A_424 : vector<16xf32>
      %jit3A_426 = arith.constant 16 : i32
      %jit3A_427 = arith.constant 0 : i32
      %broadcast_in_dim3A_428 = vector.broadcast %jit3A_426 : i32 to vector<16xi32>
      %broadcast_in_dim3A_429 = vector.broadcast %jit3A_427 : i32 to vector<16xi32>
      %select_n3A_430 = arith.select %ge3A_425, %broadcast_in_dim3A_428, %broadcast_in_dim3A_429 : vector<16xi1>, vector<16xi32>
      %mul3A_431 = arith.constant 256 : i32
      %mul3A_432 = arith.muli %scan3A_378, %mul3A_431 : i32
      %add3A_433 = arith.constant 64 : i32
      %add3A_434 = arith.addi %mul3A_432, %add3A_433 : i32
      %get3A_435 = arith.index_cast %add3A_434 : i32 to index
      %get3A_436 = tpu.vector_load %arg5[%get3A_435] {strides = array<i32>} : memref<32768xf32, #tpu.memory_space<vmem>>, vector<16xf32>,
      %ge3A_437 = vector.broadcast %reduce_min3A_246 : f32 to vector<16xf32>
      %ge3A_438 = arith.cmpf oge, %get3A_436, %ge3A_437 : vector<16xf32>
      %jit3A_439 = arith.constant 16 : i32
      %jit3A_440 = arith.constant 0 : i32
      %broadcast_in_dim3A_441 = vector.broadcast %jit3A_439 : i32 to vector<16xi32>
      %broadcast_in_dim3A_442 = vector.broadcast %jit3A_440 : i32 to vector<16xi32>
      %select_n3A_443 = arith.select %ge3A_438, %broadcast_in_dim3A_441, %broadcast_in_dim3A_442 : vector<16xi1>, vector<16xi32>
      %mul3A_444 = arith.constant 256 : i32
      %mul3A_445 = arith.muli %scan3A_378, %mul3A_444 : i32
      %add3A_446 = arith.constant 80 : i32
      %add3A_447 = arith.addi %mul3A_445, %add3A_446 : i32
      %get3A_448 = arith.index_cast %add3A_447 : i32 to index
      %get3A_449 = tpu.vector_load %arg5[%get3A_448] {strides = array<i32>} : memref<32768xf32, #tpu.memory_space<vmem>>, vector<16xf32>,
      %ge3A_450 = vector.broadcast %reduce_min3A_246 : f32 to vector<16xf32>
      %ge3A_451 = arith.cmpf oge, %get3A_449, %ge3A_450 : vector<16xf32>
      %jit3A_452 = arith.constant 16 : i32
      %jit3A_453 = arith.constant 0 : i32
      %broadcast_in_dim3A_454 = vector.broadcast %jit3A_452 : i32 to vector<16xi32>
      %broadcast_in_dim3A_455 = vector.broadcast %jit3A_453 : i32 to vector<16xi32>
      %select_n3A_456 = arith.select %ge3A_451, %broadcast_in_dim3A_454, %broadcast_in_dim3A_455 : vector<16xi1>, vector<16xi32>
      %mul3A_457 = arith.constant 256 : i32
      %mul3A_458 = arith.muli %scan3A_378, %mul3A_457 : i32
      %add3A_459 = arith.constant 96 : i32
      %add3A_460 = arith.addi %mul3A_458, %add3A_459 : i32
      %get3A_461 = arith.index_cast %add3A_460 : i32 to index
      %get3A_462 = tpu.vector_load %arg5[%get3A_461] {strides = array<i32>} : memref<32768xf32, #tpu.memory_space<vmem>>, vector<16xf32>,
      %ge3A_463 = vector.broadcast %reduce_min3A_246 : f32 to vector<16xf32>
      %ge3A_464 = arith.cmpf oge, %get3A_462, %ge3A_463 : vector<16xf32>
      %jit3A_465 = arith.constant 16 : i32
      %jit3A_466 = arith.constant 0 : i32
      %broadcast_in_dim3A_467 = vector.broadcast %jit3A_465 : i32 to vector<16xi32>
      %broadcast_in_dim3A_468 = vector.broadcast %jit3A_466 : i32 to vector<16xi32>
      %select_n3A_469 = arith.select %ge3A_464, %broadcast_in_dim3A_467, %broadcast_in_dim3A_468 : vector<16xi1>, vector<16xi32>
      %mul3A_470 = arith.constant 256 : i32
      %mul3A_471 = arith.muli %scan3A_378, %mul3A_470 : i32
      %add3A_472 = arith.constant 112 : i32
      %add3A_473 = arith.addi %mul3A_471, %add3A_472 : i32
      %get3A_474 = arith.index_cast %add3A_473 : i32 to index
      %get3A_475 = tpu.vector_load %arg5[%get3A_474] {strides = array<i32>} : memref<32768xf32, #tpu.memory_space<vmem>>, vector<16xf32>,
      %ge3A_476 = vector.broadcast %reduce_min3A_246 : f32 to vector<16xf32>
      %ge3A_477 = arith.cmpf oge, %get3A_475, %ge3A_476 : vector<16xf32>
      %jit3A_478 = arith.constant 16 : i32
      %jit3A_479 = arith.constant 0 : i32
      %broadcast_in_dim3A_480 = vector.broadcast %jit3A_478 : i32 to vector<16xi32>
      %broadcast_in_dim3A_481 = vector.broadcast %jit3A_479 : i32 to vector<16xi32>
      %select_n3A_482 = arith.select %ge3A_477, %broadcast_in_dim3A_480, %broadcast_in_dim3A_481 : vector<16xi1>, vector<16xi32>
      %mul3A_483 = arith.constant 256 : i32
      %mul3A_484 = arith.muli %scan3A_378, %mul3A_483 : i32
      %add3A_485 = arith.constant 128 : i32
      %add3A_486 = arith.addi %mul3A_484, %add3A_485 : i32
      %get3A_487 = arith.index_cast %add3A_486 : i32 to index
      %get3A_488 = tpu.vector_load %arg5[%get3A_487] {strides = array<i32>} : memref<32768xf32, #tpu.memory_space<vmem>>, vector<16xf32>,
      %ge3A_489 = vector.broadcast %reduce_min3A_246 : f32 to vector<16xf32>
      %ge3A_490 = arith.cmpf oge, %get3A_488, %ge3A_489 : vector<16xf32>
      %jit3A_491 = arith.constant 16 : i32
      %jit3A_492 = arith.constant 0 : i32
      %broadcast_in_dim3A_493 = vector.broadcast %jit3A_491 : i32 to vector<16xi32>
      %broadcast_in_dim3A_494 = vector.broadcast %jit3A_492 : i32 to vector<16xi32>
      %select_n3A_495 = arith.select %ge3A_490, %broadcast_in_dim3A_493, %broadcast_in_dim3A_494 : vector<16xi1>, vector<16xi32>
      %mul3A_496 = arith.constant 256 : i32
      %mul3A_497 = arith.muli %scan3A_378, %mul3A_496 : i32
      %add3A_498 = arith.constant 144 : i32
      %add3A_499 = arith.addi %mul3A_497, %add3A_498 : i32
      %get3A_500 = arith.index_cast %add3A_499 : i32 to index
      %get3A_501 = tpu.vector_load %arg5[%get3A_500] {strides = array<i32>} : memref<32768xf32, #tpu.memory_space<vmem>>, vector<16xf32>,
      %ge3A_502 = vector.broadcast %reduce_min3A_246 : f32 to vector<16xf32>
      %ge3A_503 = arith.cmpf oge, %get3A_501, %ge3A_502 : vector<16xf32>
      %jit3A_504 = arith.constant 16 : i32
      %jit3A_505 = arith.constant 0 : i32
      %broadcast_in_dim3A_506 = vector.broadcast %jit3A_504 : i32 to vector<16xi32>
      %broadcast_in_dim3A_507 = vector.broadcast %jit3A_505 : i32 to vector<16xi32>
      %select_n3A_508 = arith.select %ge3A_503, %broadcast_in_dim3A_506, %broadcast_in_dim3A_507 : vector<16xi1>, vector<16xi32>
      %mul3A_509 = arith.constant 256 : i32
      %mul3A_510 = arith.muli %scan3A_378, %mul3A_509 : i32
      %add3A_511 = arith.constant 160 : i32
      %add3A_512 = arith.addi %mul3A_510, %add3A_511 : i32
      %get3A_513 = arith.index_cast %add3A_512 : i32 to index
      %get3A_514 = tpu.vector_load %arg5[%get3A_513] {strides = array<i32>} : memref<32768xf32, #tpu.memory_space<vmem>>, vector<16xf32>,
      %ge3A_515 = vector.broadcast %reduce_min3A_246 : f32 to vector<16xf32>
      %ge3A_516 = arith.cmpf oge, %get3A_514, %ge3A_515 : vector<16xf32>
      %jit3A_517 = arith.constant 16 : i32
      %jit3A_518 = arith.constant 0 : i32
      %broadcast_in_dim3A_519 = vector.broadcast %jit3A_517 : i32 to vector<16xi32>
      %broadcast_in_dim3A_520 = vector.broadcast %jit3A_518 : i32 to vector<16xi32>
      %select_n3A_521 = arith.select %ge3A_516, %broadcast_in_dim3A_519, %broadcast_in_dim3A_520 : vector<16xi1>, vector<16xi32>
      %mul3A_522 = arith.constant 256 : i32
      %mul3A_523 = arith.muli %scan3A_378, %mul3A_522 : i32
      %add3A_524 = arith.constant 176 : i32
      %add3A_525 = arith.addi %mul3A_523, %add3A_524 : i32
      %get3A_526 = arith.index_cast %add3A_525 : i32 to index
      %get3A_527 = tpu.vector_load %arg5[%get3A_526] {strides = array<i32>} : memref<32768xf32, #tpu.memory_space<vmem>>, vector<16xf32>,
      %ge3A_528 = vector.broadcast %reduce_min3A_246 : f32 to vector<16xf32>
      %ge3A_529 = arith.cmpf oge, %get3A_527, %ge3A_528 : vector<16xf32>
      %jit3A_530 = arith.constant 16 : i32
      %jit3A_531 = arith.constant 0 : i32
      %broadcast_in_dim3A_532 = vector.broadcast %jit3A_530 : i32 to vector<16xi32>
      %broadcast_in_dim3A_533 = vector.broadcast %jit3A_531 : i32 to vector<16xi32>
      %select_n3A_534 = arith.select %ge3A_529, %broadcast_in_dim3A_532, %broadcast_in_dim3A_533 : vector<16xi1>, vector<16xi32>
      %mul3A_535 = arith.constant 256 : i32
      %mul3A_536 = arith.muli %scan3A_378, %mul3A_535 : i32
      %add3A_537 = arith.constant 192 : i32
      %add3A_538 = arith.addi %mul3A_536, %add3A_537 : i32
      %get3A_539 = arith.index_cast %add3A_538 : i32 to index
      %get3A_540 = tpu.vector_load %arg5[%get3A_539] {strides = array<i32>} : memref<32768xf32, #tpu.memory_space<vmem>>, vector<16xf32>,
      %ge3A_541 = vector.broadcast %reduce_min3A_246 : f32 to vector<16xf32>
      %ge3A_542 = arith.cmpf oge, %get3A_540, %ge3A_541 : vector<16xf32>
      %jit3A_543 = arith.constant 16 : i32
      %jit3A_544 = arith.constant 0 : i32
      %broadcast_in_dim3A_545 = vector.broadcast %jit3A_543 : i32 to vector<16xi32>
      %broadcast_in_dim3A_546 = vector.broadcast %jit3A_544 : i32 to vector<16xi32>
      %select_n3A_547 = arith.select %ge3A_542, %broadcast_in_dim3A_545, %broadcast_in_dim3A_546 : vector<16xi1>, vector<16xi32>
      %mul3A_548 = arith.constant 256 : i32
      %mul3A_549 = arith.muli %scan3A_378, %mul3A_548 : i32
      %add3A_550 = arith.constant 208 : i32
      %add3A_551 = arith.addi %mul3A_549, %add3A_550 : i32
      %get3A_552 = arith.index_cast %add3A_551 : i32 to index
      %get3A_553 = tpu.vector_load %arg5[%get3A_552] {strides = array<i32>} : memref<32768xf32, #tpu.memory_space<vmem>>, vector<16xf32>,
      %ge3A_554 = vector.broadcast %reduce_min3A_246 : f32 to vector<16xf32>
      %ge3A_555 = arith.cmpf oge, %get3A_553, %ge3A_554 : vector<16xf32>
      %jit3A_556 = arith.constant 16 : i32
      %jit3A_557 = arith.constant 0 : i32
      %broadcast_in_dim3A_558 = vector.broadcast %jit3A_556 : i32 to vector<16xi32>
      %broadcast_in_dim3A_559 = vector.broadcast %jit3A_557 : i32 to vector<16xi32>
      %select_n3A_560 = arith.select %ge3A_555, %broadcast_in_dim3A_558, %broadcast_in_dim3A_559 : vector<16xi1>, vector<16xi32>
      %mul3A_561 = arith.constant 256 : i32
      %mul3A_562 = arith.muli %scan3A_378, %mul3A_561 : i32
      %add3A_563 = arith.constant 224 : i32
      %add3A_564 = arith.addi %mul3A_562, %add3A_563 : i32
      %get3A_565 = arith.index_cast %add3A_564 : i32 to index
      %get3A_566 = tpu.vector_load %arg5[%get3A_565] {strides = array<i32>} : memref<32768xf32, #tpu.memory_space<vmem>>, vector<16xf32>,
      %ge3A_567 = vector.broadcast %reduce_min3A_246 : f32 to vector<16xf32>
      %ge3A_568 = arith.cmpf oge, %get3A_566, %ge3A_567 : vector<16xf32>
      %jit3A_569 = arith.constant 16 : i32
      %jit3A_570 = arith.constant 0 : i32
      %broadcast_in_dim3A_571 = vector.broadcast %jit3A_569 : i32 to vector<16xi32>
      %broadcast_in_dim3A_572 = vector.broadcast %jit3A_570 : i32 to vector<16xi32>
      %select_n3A_573 = arith.select %ge3A_568, %broadcast_in_dim3A_571, %broadcast_in_dim3A_572 : vector<16xi1>, vector<16xi32>
      %mul3A_574 = arith.constant 256 : i32
      %mul3A_575 = arith.muli %scan3A_378, %mul3A_574 : i32
      %add3A_576 = arith.constant 240 : i32
      %add3A_577 = arith.addi %mul3A_575, %add3A_576 : i32
      %get3A_578 = arith.index_cast %add3A_577 : i32 to index
      %get3A_579 = tpu.vector_load %arg5[%get3A_578] {strides = array<i32>} : memref<32768xf32, #tpu.memory_space<vmem>>, vector<16xf32>,
      %ge3A_580 = vector.broadcast %reduce_min3A_246 : f32 to vector<16xf32>
      %ge3A_581 = arith.cmpf oge, %get3A_579, %ge3A_580 : vector<16xf32>
      %jit3A_582 = arith.constant 16 : i32
      %jit3A_583 = arith.constant 0 : i32
      %broadcast_in_dim3A_584 = vector.broadcast %jit3A_582 : i32 to vector<16xi32>
      %broadcast_in_dim3A_585 = vector.broadcast %jit3A_583 : i32 to vector<16xi32>
      %select_n3A_586 = arith.select %ge3A_581, %broadcast_in_dim3A_584, %broadcast_in_dim3A_585 : vector<16xi1>, vector<16xi32>
      tpu.vector_store_idx %arg6[%scan3A_379], %get3A_385 masked %ge3A_386 : memref<32768xf32, #tpu.memory_space<vmem>>[vector<16xi32>], vector<16xf32>, vector<16xi1>
      %add3A_587 = arith.addi %scan3A_379, %select_n3A_391 : vector<16xi32>
      tpu.vector_store_idx %arg6[%add3A_587], %get3A_397 masked %ge3A_399 : memref<32768xf32, #tpu.memory_space<vmem>>[vector<16xi32>], vector<16xf32>, vector<16xi1>
      %add3A_588 = arith.addi %add3A_587, %select_n3A_404 : vector<16xi32>
      tpu.vector_store_idx %arg6[%add3A_588], %get3A_410 masked %ge3A_412 : memref<32768xf32, #tpu.memory_space<vmem>>[vector<16xi32>], vector<16xf32>, vector<16xi1>
      %add3A_589 = arith.addi %add3A_588, %select_n3A_417 : vector<16xi32>
      tpu.vector_store_idx %arg6[%add3A_589], %get3A_423 masked %ge3A_425 : memref<32768xf32, #tpu.memory_space<vmem>>[vector<16xi32>], vector<16xf32>, vector<16xi1>
      %add3A_590 = arith.addi %add3A_589, %select_n3A_430 : vector<16xi32>
      tpu.vector_store_idx %arg6[%add3A_590], %get3A_436 masked %ge3A_438 : memref<32768xf32, #tpu.memory_space<vmem>>[vector<16xi32>], vector<16xf32>, vector<16xi1>
      %add3A_591 = arith.addi %add3A_590, %select_n3A_443 : vector<16xi32>
      tpu.vector_store_idx %arg6[%add3A_591], %get3A_449 masked %ge3A_451 : memref<32768xf32, #tpu.memory_space<vmem>>[vector<16xi32>], vector<16xf32>, vector<16xi1>
      %add3A_592 = arith.addi %add3A_591, %select_n3A_456 : vector<16xi32>
      tpu.vector_store_idx %arg6[%add3A_592], %get3A_462 masked %ge3A_464 : memref<32768xf32, #tpu.memory_space<vmem>>[vector<16xi32>], vector<16xf32>, vector<16xi1>
      %add3A_593 = arith.addi %add3A_592, %select_n3A_469 : vector<16xi32>
      tpu.vector_store_idx %arg6[%add3A_593], %get3A_475 masked %ge3A_477 : memref<32768xf32, #tpu.memory_space<vmem>>[vector<16xi32>], vector<16xf32>, vector<16xi1>
      %add3A_594 = arith.addi %add3A_593, %select_n3A_482 : vector<16xi32>
      tpu.vector_store_idx %arg6[%add3A_594], %get3A_488 masked %ge3A_490 : memref<32768xf32, #tpu.memory_space<vmem>>[vector<16xi32>], vector<16xf32>, vector<16xi1>
      %add3A_595 = arith.addi %add3A_594, %select_n3A_495 : vector<16xi32>
      tpu.vector_store_idx %arg6[%add3A_595], %get3A_501 masked %ge3A_503 : memref<32768xf32, #tpu.memory_space<vmem>>[vector<16xi32>], vector<16xf32>, vector<16xi1>
      %add3A_596 = arith.addi %add3A_595, %select_n3A_508 : vector<16xi32>
      tpu.vector_store_idx %arg6[%add3A_596], %get3A_514 masked %ge3A_516 : memref<32768xf32, #tpu.memory_space<vmem>>[vector<16xi32>], vector<16xf32>, vector<16xi1>
      %add3A_597 = arith.addi %add3A_596, %select_n3A_521 : vector<16xi32>
      tpu.vector_store_idx %arg6[%add3A_597], %get3A_527 masked %ge3A_529 : memref<32768xf32, #tpu.memory_space<vmem>>[vector<16xi32>], vector<16xf32>, vector<16xi1>
      %add3A_598 = arith.addi %add3A_597, %select_n3A_534 : vector<16xi32>
      tpu.vector_store_idx %arg6[%add3A_598], %get3A_540 masked %ge3A_542 : memref<32768xf32, #tpu.memory_space<vmem>>[vector<16xi32>], vector<16xf32>, vector<16xi1>
      %add3A_599 = arith.addi %add3A_598, %select_n3A_547 : vector<16xi32>
      tpu.vector_store_idx %arg6[%add3A_599], %get3A_553 masked %ge3A_555 : memref<32768xf32, #tpu.memory_space<vmem>>[vector<16xi32>], vector<16xf32>, vector<16xi1>
      %add3A_600 = arith.addi %add3A_599, %select_n3A_560 : vector<16xi32>
      tpu.vector_store_idx %arg6[%add3A_600], %get3A_566 masked %ge3A_568 : memref<32768xf32, #tpu.memory_space<vmem>>[vector<16xi32>], vector<16xf32>, vector<16xi1>
      %add3A_601 = arith.addi %add3A_600, %select_n3A_573 : vector<16xi32>
      tpu.vector_store_idx %arg6[%add3A_601], %get3A_579 masked %ge3A_581 : memref<32768xf32, #tpu.memory_space<vmem>>[vector<16xi32>], vector<16xf32>, vector<16xi1>
      %add3A_602 = arith.addi %add3A_601, %select_n3A_586 : vector<16xi32>
      %add3A_603 = arith.addi %select_n3A_391, %select_n3A_495 : vector<16xi32>
      %add3A_604 = arith.addi %select_n3A_404, %select_n3A_508 : vector<16xi32>
      %add3A_605 = arith.addi %select_n3A_417, %select_n3A_521 : vector<16xi32>
      %add3A_606 = arith.addi %select_n3A_430, %select_n3A_534 : vector<16xi32>
      %add3A_607 = arith.addi %select_n3A_443, %select_n3A_547 : vector<16xi32>
      %add3A_608 = arith.addi %select_n3A_456, %select_n3A_560 : vector<16xi32>
      %add3A_609 = arith.addi %select_n3A_469, %select_n3A_573 : vector<16xi32>
      %add3A_610 = arith.addi %select_n3A_482, %select_n3A_586 : vector<16xi32>
      %add3A_611 = arith.addi %add3A_603, %add3A_607 : vector<16xi32>
      %add3A_612 = arith.addi %add3A_604, %add3A_608 : vector<16xi32>
      %add3A_613 = arith.addi %add3A_605, %add3A_609 : vector<16xi32>
      %add3A_614 = arith.addi %add3A_606, %add3A_610 : vector<16xi32>
      %add3A_615 = arith.addi %add3A_611, %add3A_613 : vector<16xi32>
      %add3A_616 = arith.addi %add3A_612, %add3A_614 : vector<16xi32>
      %add3A_617 = arith.addi %add3A_615, %add3A_616 : vector<16xi32>
      %add3A_618 = arith.addi %scan3A_379, %add3A_617 : vector<16xi32>
      scf.yield %add3A_618 : vector<16xi32>
    }
    %scan3A_252 = arith.constant 128 : i32
    %sub3A_253 = arith.subi %scan3A_251, %iota3A : vector<16xi32>
    %shift_right_logical3A_254 = arith.constant 4 : i32
    %shift_right_logical3A_255 = vector.broadcast %shift_right_logical3A_254 : i32 to vector<16xi32>
    %shift_right_logical3A_256 = arith.shrui %sub3A_253, %shift_right_logical3A_255 : vector<16xi32>
    %reduce_max3A_257 = arith.constant true
    %reduce_max3A_258 = vector.broadcast %reduce_max3A_257 : i1 to vector<16xi1>
    %reduce_max3A_259 = arith.constant -2147483648 : i32
    %reduce_max3A_260 = vector.broadcast %reduce_max3A_259 : i32 to vector<16xi32>
    %reduce_max3A_261 = arith.xori %shift_right_logical3A_256, %reduce_max3A_260 : vector<16xi32>
    %reduce_max3A_262 = tpu.scan <max>, %reduce_max3A_261 masked %reduce_max3A_258 : vector<16xi32>, vector<16xi1> -> vector<16xi32>
    %reduce_max3A_263 = arith.xori %reduce_max3A_262, %reduce_max3A_260 : vector<16xi32>
    %reduce_max3A_264 = vector.extract %reduce_max3A_263[15] : i32 from vector<16xi32>
    %add3A_265 = arith.constant 15 : i32
    %add3A_266 = arith.addi %reduce_max3A_264, %add3A_265 : i32
    %jit3A_267 = arith.constant 16 : i32
    %div3A_268 = arith.divsi %add3A_266, %jit3A_267 : i32
    %sign3A_269 = arith.constant 0 : i32
    %sign3A_270 = arith.cmpi sgt, %add3A_266, %sign3A_269 : i32
    %sign3A_271 = arith.extui %sign3A_270 : i1 to i32
    %sign3A_272 = arith.constant 0 : i32
    %sign3A_273 = arith.cmpi slt, %add3A_266, %sign3A_272 : i32
    %sign3A_274 = arith.extui %sign3A_273 : i1 to i32
    %sign3A_275 = arith.subi %sign3A_271, %sign3A_274 : i32
    %sign3A_276 = arith.constant 0 : i32
    %sign3A_277 = arith.cmpi sgt, %jit3A_267, %sign3A_276 : i32
    %sign3A_278 = arith.extui %sign3A_277 : i1 to i32
    %sign3A_279 = arith.constant 0 : i32
    %sign3A_280 = arith.cmpi slt, %jit3A_267, %sign3A_279 : i32
    %sign3A_281 = arith.extui %sign3A_280 : i1 to i32
    %sign3A_282 = arith.subi %sign3A_278, %sign3A_281 : i32
    %ne3A_283 = arith.cmpi ne, %sign3A_275, %sign3A_282 : i32
    %rem3A_284 = arith.remsi %add3A_266, %jit3A_267 : i32
    %ne3A_285 = arith.constant 0 : i32
    %ne3A_286 = arith.cmpi ne, %rem3A_284, %ne3A_285 : i32
    %and3A_287 = arith.andi %ne3A_283, %ne3A_286 : i1
    %sub3A_288 = arith.constant 1 : i32
    %sub3A_289 = arith.subi %div3A_268, %sub3A_288 : i32
    %select_n3A_290 = arith.select %and3A_287, %sub3A_289, %div3A_268 : i32
    %mul3A_291 = arith.constant 16 : i32
    %mul3A_292 = arith.muli %select_n3A_290, %mul3A_291 : i32
    %mul3A_293 = arith.constant 16 : i32
    %mul3A_294 = arith.muli %mul3A_292, %mul3A_293 : i32
    %mul3A_295 = arith.constant 16 : i32
    %mul3A_296 = arith.muli %select_n3A_290, %mul3A_295 : i32
    %reduce_min3A_297 = arith.constant true
    %reduce_min3A_298 = vector.broadcast %reduce_min3A_297 : i1 to vector<16xi1>
    %reduce_min3A_299 = arith.constant -2147483648 : i32
    %reduce_min3A_300 = vector.broadcast %reduce_min3A_299 : i32 to vector<16xi32>
    %reduce_min3A_301 = arith.xori %shift_right_logical3A_256, %reduce_min3A_300 : vector<16xi32>
    %reduce_min3A_302 = tpu.scan <min>, %reduce_min3A_301 masked %reduce_min3A_298 : vector<16xi32>, vector<16xi1> -> vector<16xi32>
    %reduce_min3A_303 = arith.xori %reduce_min3A_302, %reduce_min3A_300 : vector<16xi32>
    %reduce_min3A_304 = vector.extract %reduce_min3A_303[15] : i32 from vector<16xi32>
    %sub3A_305 = arith.subi %mul3A_296, %reduce_min3A_304 : i32
    %while3A_306 = arith.constant 0 : i32
    %while3A_307 = arith.subi %sub3A_305, %while3A_306 : i32
    %while3A_308 = arith.addi %while3A_306, %while3A_307 : i32
    %while3A_309 = arith.constant 1 : i32
    %while3A_310 = arith.divsi %while3A_307, %while3A_309 : i32
    %while3A_311 = arith.muli %while3A_310, %while3A_309 : i32
    %while3A_312 = arith.addi %while3A_306, %while3A_311 : i32
    %while3A_313 = arith.constant 1 : i32
    %while3A_314 = scf.for %while3A_378 = %while3A_306 to %while3A_312 step %while3A_313 iter_args(%while3A_379 = %scan3A_251) -> (vector<16xi32>)  : i32 {
      %lt3A = vector.broadcast %mul3A_294 : i32 to vector<16xi32>
      %lt3A_380 = arith.cmpi slt, %while3A_379, %lt3A : vector<16xi32>
      tpu.vector_store_idx %arg6[%while3A_379], %broadcast_in_dim3A_1 masked %lt3A_380 : memref<32768xf32, #tpu.memory_space<vmem>>[vector<16xi32>], vector<16xf32>, vector<16xi1>
      %jit3A_381 = arith.constant 16 : i32
      %jit3A_382 = arith.constant 0 : i32
      %broadcast_in_dim3A_383 = vector.broadcast %jit3A_381 : i32 to vector<16xi32>
      %broadcast_in_dim3A_384 = vector.broadcast %jit3A_382 : i32 to vector<16xi32>
      %select_n3A_385 = arith.select %lt3A_380, %broadcast_in_dim3A_383, %broadcast_in_dim3A_384 : vector<16xi1>, vector<16xi32>
      %add3A_386 = arith.addi %while3A_379, %select_n3A_385 : vector<16xi32>
      scf.yield %add3A_386 : vector<16xi32>
    }
    %while3A_315 = arith.constant 1 : i32
    %while3A_316 = scf.for %while3A_378 = %while3A_312 to %while3A_308 step %while3A_315 iter_args(%while3A_379 = %while3A_314) -> (vector<16xi32>)  : i32 {
      %lt3A = vector.broadcast %mul3A_294 : i32 to vector<16xi32>
      %lt3A_380 = arith.cmpi slt, %while3A_379, %lt3A : vector<16xi32>
      tpu.vector_store_idx %arg6[%while3A_379], %broadcast_in_dim3A_1 masked %lt3A_380 : memref<32768xf32, #tpu.memory_space<vmem>>[vector<16xi32>], vector<16xf32>, vector<16xi1>
      %jit3A_381 = arith.constant 16 : i32
      %jit3A_382 = arith.constant 0 : i32
      %broadcast_in_dim3A_383 = vector.broadcast %jit3A_381 : i32 to vector<16xi32>
      %broadcast_in_dim3A_384 = vector.broadcast %jit3A_382 : i32 to vector<16xi32>
      %select_n3A_385 = arith.select %lt3A_380, %broadcast_in_dim3A_383, %broadcast_in_dim3A_384 : vector<16xi1>, vector<16xi32>
      %add3A_386 = arith.addi %while3A_379, %select_n3A_385 : vector<16xi32>
      scf.yield %add3A_386 : vector<16xi32>
    }
    %while3A_317 = arith.constant 0 : i32
    %while3A_318 = arith.subi %select_n3A_290, %while3A_317 : i32
    %while3A_319 = arith.addi %while3A_317, %while3A_318 : i32
    %while3A_320 = arith.constant 1 : i32
    %while3A_321 = arith.divsi %while3A_318, %while3A_320 : i32
    %while3A_322 = arith.muli %while3A_321, %while3A_320 : i32
    %while3A_323 = arith.addi %while3A_317, %while3A_322 : i32
    %while3A_324 = arith.constant 1 : i32
    %while3A_325:16 = scf.for %while3A_378 = %while3A_317 to %while3A_323 step %while3A_324 iter_args(%while3A_379 = %broadcast_in_dim3A_1, %while3A_380 = %broadcast_in_dim3A_1, %while3A_381 = %broadcast_in_dim3A_1, %while3A_382 = %broadcast_in_dim3A_1, %while3A_383 = %broadcast_in_dim3A_1, %while3A_384 = %broadcast_in_dim3A_1, %while3A_385 = %broadcast_in_dim3A_1, %while3A_386 = %broadcast_in_dim3A_1, %while3A_387 = %broadcast_in_dim3A_1, %while3A_388 = %broadcast_in_dim3A_1, %while3A_389 = %broadcast_in_dim3A_1, %while3A_390 = %broadcast_in_dim3A_1, %while3A_391 = %broadcast_in_dim3A_1, %while3A_392 = %broadcast_in_dim3A_1, %while3A_393 = %broadcast_in_dim3A_1, %while3A_394 = %broadcast_in_dim3A_1) -> (vector<16xf32>, vector<16xf32>, vector<16xf32>, vector<16xf32>, vector<16xf32>, vector<16xf32>, vector<16xf32>, vector<16xf32>, vector<16xf32>, vector<16xf32>, vector<16xf32>, vector<16xf32>, vector<16xf32>, vector<16xf32>, vector<16xf32>, vector<16xf32>)  : i32 {
      %mul3A_395 = arith.constant 256 : i32
      %mul3A_396 = arith.muli %while3A_378, %mul3A_395 : i32
      %add3A_397 = arith.constant 0 : i32
      %add3A_398 = arith.addi %mul3A_396, %add3A_397 : i32
      %get3A_399 = arith.index_cast %add3A_398 : i32 to index
      %get3A_400 = tpu.vector_load %arg6[%get3A_399] {strides = array<i32>} : memref<32768xf32, #tpu.memory_space<vmem>>, vector<16xf32>,
      %mul3A_401 = arith.constant 256 : i32
      %mul3A_402 = arith.muli %while3A_378, %mul3A_401 : i32
      %add3A_403 = arith.constant 16 : i32
      %add3A_404 = arith.addi %mul3A_402, %add3A_403 : i32
      %get3A_405 = arith.index_cast %add3A_404 : i32 to index
      %get3A_406 = tpu.vector_load %arg6[%get3A_405] {strides = array<i32>} : memref<32768xf32, #tpu.memory_space<vmem>>, vector<16xf32>,
      %mul3A_407 = arith.constant 256 : i32
      %mul3A_408 = arith.muli %while3A_378, %mul3A_407 : i32
      %add3A_409 = arith.constant 32 : i32
      %add3A_410 = arith.addi %mul3A_408, %add3A_409 : i32
      %get3A_411 = arith.index_cast %add3A_410 : i32 to index
      %get3A_412 = tpu.vector_load %arg6[%get3A_411] {strides = array<i32>} : memref<32768xf32, #tpu.memory_space<vmem>>, vector<16xf32>,
      %mul3A_413 = arith.constant 256 : i32
      %mul3A_414 = arith.muli %while3A_378, %mul3A_413 : i32
      %add3A_415 = arith.constant 48 : i32
      %add3A_416 = arith.addi %mul3A_414, %add3A_415 : i32
      %get3A_417 = arith.index_cast %add3A_416 : i32 to index
      %get3A_418 = tpu.vector_load %arg6[%get3A_417] {strides = array<i32>} : memref<32768xf32, #tpu.memory_space<vmem>>, vector<16xf32>,
      %mul3A_419 = arith.constant 256 : i32
      %mul3A_420 = arith.muli %while3A_378, %mul3A_419 : i32
      %add3A_421 = arith.constant 64 : i32
      %add3A_422 = arith.addi %mul3A_420, %add3A_421 : i32
      %get3A_423 = arith.index_cast %add3A_422 : i32 to index
      %get3A_424 = tpu.vector_load %arg6[%get3A_423] {strides = array<i32>} : memref<32768xf32, #tpu.memory_space<vmem>>, vector<16xf32>,
      %mul3A_425 = arith.constant 256 : i32
      %mul3A_426 = arith.muli %while3A_378, %mul3A_425 : i32
      %add3A_427 = arith.constant 80 : i32
      %add3A_428 = arith.addi %mul3A_426, %add3A_427 : i32
      %get3A_429 = arith.index_cast %add3A_428 : i32 to index
      %get3A_430 = tpu.vector_load %arg6[%get3A_429] {strides = array<i32>} : memref<32768xf32, #tpu.memory_space<vmem>>, vector<16xf32>,
      %mul3A_431 = arith.constant 256 : i32
      %mul3A_432 = arith.muli %while3A_378, %mul3A_431 : i32
      %add3A_433 = arith.constant 96 : i32
      %add3A_434 = arith.addi %mul3A_432, %add3A_433 : i32
      %get3A_435 = arith.index_cast %add3A_434 : i32 to index
      %get3A_436 = tpu.vector_load %arg6[%get3A_435] {strides = array<i32>} : memref<32768xf32, #tpu.memory_space<vmem>>, vector<16xf32>,
      %mul3A_437 = arith.constant 256 : i32
      %mul3A_438 = arith.muli %while3A_378, %mul3A_437 : i32
      %add3A_439 = arith.constant 112 : i32
      %add3A_440 = arith.addi %mul3A_438, %add3A_439 : i32
      %get3A_441 = arith.index_cast %add3A_440 : i32 to index
      %get3A_442 = tpu.vector_load %arg6[%get3A_441] {strides = array<i32>} : memref<32768xf32, #tpu.memory_space<vmem>>, vector<16xf32>,
      %mul3A_443 = arith.constant 256 : i32
      %mul3A_444 = arith.muli %while3A_378, %mul3A_443 : i32
      %add3A_445 = arith.constant 128 : i32
      %add3A_446 = arith.addi %mul3A_444, %add3A_445 : i32
      %get3A_447 = arith.index_cast %add3A_446 : i32 to index
      %get3A_448 = tpu.vector_load %arg6[%get3A_447] {strides = array<i32>} : memref<32768xf32, #tpu.memory_space<vmem>>, vector<16xf32>,
      %mul3A_449 = arith.constant 256 : i32
      %mul3A_450 = arith.muli %while3A_378, %mul3A_449 : i32
      %add3A_451 = arith.constant 144 : i32
      %add3A_452 = arith.addi %mul3A_450, %add3A_451 : i32
      %get3A_453 = arith.index_cast %add3A_452 : i32 to index
      %get3A_454 = tpu.vector_load %arg6[%get3A_453] {strides = array<i32>} : memref<32768xf32, #tpu.memory_space<vmem>>, vector<16xf32>,
      %mul3A_455 = arith.constant 256 : i32
      %mul3A_456 = arith.muli %while3A_378, %mul3A_455 : i32
      %add3A_457 = arith.constant 160 : i32
      %add3A_458 = arith.addi %mul3A_456, %add3A_457 : i32
      %get3A_459 = arith.index_cast %add3A_458 : i32 to index
      %get3A_460 = tpu.vector_load %arg6[%get3A_459] {strides = array<i32>} : memref<32768xf32, #tpu.memory_space<vmem>>, vector<16xf32>,
      %mul3A_461 = arith.constant 256 : i32
      %mul3A_462 = arith.muli %while3A_378, %mul3A_461 : i32
      %add3A_463 = arith.constant 176 : i32
      %add3A_464 = arith.addi %mul3A_462, %add3A_463 : i32
      %get3A_465 = arith.index_cast %add3A_464 : i32 to index
      %get3A_466 = tpu.vector_load %arg6[%get3A_465] {strides = array<i32>} : memref<32768xf32, #tpu.memory_space<vmem>>, vector<16xf32>,
      %mul3A_467 = arith.constant 256 : i32
      %mul3A_468 = arith.muli %while3A_378, %mul3A_467 : i32
      %add3A_469 = arith.constant 192 : i32
      %add3A_470 = arith.addi %mul3A_468, %add3A_469 : i32
      %get3A_471 = arith.index_cast %add3A_470 : i32 to index
      %get3A_472 = tpu.vector_load %arg6[%get3A_471] {strides = array<i32>} : memref<32768xf32, #tpu.memory_space<vmem>>, vector<16xf32>,
      %mul3A_473 = arith.constant 256 : i32
      %mul3A_474 = arith.muli %while3A_378, %mul3A_473 : i32
      %add3A_475 = arith.constant 208 : i32
      %add3A_476 = arith.addi %mul3A_474, %add3A_475 : i32
      %get3A_477 = arith.index_cast %add3A_476 : i32 to index
      %get3A_478 = tpu.vector_load %arg6[%get3A_477] {strides = array<i32>} : memref<32768xf32, #tpu.memory_space<vmem>>, vector<16xf32>,
      %mul3A_479 = arith.constant 256 : i32
      %mul3A_480 = arith.muli %while3A_378, %mul3A_479 : i32
      %add3A_481 = arith.constant 224 : i32
      %add3A_482 = arith.addi %mul3A_480, %add3A_481 : i32
      %get3A_483 = arith.index_cast %add3A_482 : i32 to index
      %get3A_484 = tpu.vector_load %arg6[%get3A_483] {strides = array<i32>} : memref<32768xf32, #tpu.memory_space<vmem>>, vector<16xf32>,
      %mul3A_485 = arith.constant 256 : i32
      %mul3A_486 = arith.muli %while3A_378, %mul3A_485 : i32
      %add3A_487 = arith.constant 240 : i32
      %add3A_488 = arith.addi %mul3A_486, %add3A_487 : i32
      %get3A_489 = arith.index_cast %add3A_488 : i32 to index
      %get3A_490 = tpu.vector_load %arg6[%get3A_489] {strides = array<i32>} : memref<32768xf32, #tpu.memory_space<vmem>>, vector<16xf32>,
      %masked_sort3A = arith.constant dense<true> : vector<16xi1>
      %masked_sort3A_491, %masked_sort3A_492, %masked_sort3A_493 = tpu.sort %get3A_400, %get3A_400 masked %masked_sort3A {descending = true} : (vector<16xf32>, vector<16xf32>, vector<16xi1>) -> (vector<16xi1>, vector<16xf32>, vector<16xf32>)
      %masked_sort3A_494 = arith.constant dense<true> : vector<16xi1>
      %masked_sort3A_495, %masked_sort3A_496, %masked_sort3A_497 = tpu.sort %get3A_406, %get3A_406 masked %masked_sort3A_494 : (vector<16xf32>, vector<16xf32>, vector<16xi1>) -> (vector<16xi1>, vector<16xf32>, vector<16xf32>)
      %max3A = arith.maximumf %masked_sort3A_492, %masked_sort3A_496 : vector<16xf32>
      %min3A_498 = arith.minimumf %masked_sort3A_492, %masked_sort3A_496 : vector<16xf32>
      %masked_sort3A_499 = arith.constant dense<true> : vector<16xi1>
      %masked_sort3A_500, %masked_sort3A_501, %masked_sort3A_502 = tpu.sort %max3A, %max3A masked %masked_sort3A_499 {descending = true} : (vector<16xf32>, vector<16xf32>, vector<16xi1>) -> (vector<16xi1>, vector<16xf32>, vector<16xf32>)
      %masked_sort3A_503 = arith.constant dense<true> : vector<16xi1>
      %masked_sort3A_504, %masked_sort3A_505, %masked_sort3A_506 = tpu.sort %min3A_498, %min3A_498 masked %masked_sort3A_503 {descending = true} : (vector<16xf32>, vector<16xf32>, vector<16xi1>) -> (vector<16xi1>, vector<16xf32>, vector<16xf32>)
      %masked_sort3A_507 = arith.constant dense<true> : vector<16xi1>
      %masked_sort3A_508, %masked_sort3A_509, %masked_sort3A_510 = tpu.sort %get3A_412, %get3A_412 masked %masked_sort3A_507 {descending = true} : (vector<16xf32>, vector<16xf32>, vector<16xi1>) -> (vector<16xi1>, vector<16xf32>, vector<16xf32>)
      %masked_sort3A_511 = arith.constant dense<true> : vector<16xi1>
      %masked_sort3A_512, %masked_sort3A_513, %masked_sort3A_514 = tpu.sort %get3A_418, %get3A_418 masked %masked_sort3A_511 : (vector<16xf32>, vector<16xf32>, vector<16xi1>) -> (vector<16xi1>, vector<16xf32>, vector<16xf32>)
      %min3A_515 = arith.minimumf %masked_sort3A_509, %masked_sort3A_513 : vector<16xf32>
      %max3A_516 = arith.maximumf %masked_sort3A_509, %masked_sort3A_513 : vector<16xf32>
      %masked_sort3A_517 = arith.constant dense<true> : vector<16xi1>
      %masked_sort3A_518, %masked_sort3A_519, %masked_sort3A_520 = tpu.sort %min3A_515, %min3A_515 masked %masked_sort3A_517 : (vector<16xf32>, vector<16xf32>, vector<16xi1>) -> (vector<16xi1>, vector<16xf32>, vector<16xf32>)
      %masked_sort3A_521 = arith.constant dense<true> : vector<16xi1>
      %masked_sort3A_522, %masked_sort3A_523, %masked_sort3A_524 = tpu.sort %max3A_516, %max3A_516 masked %masked_sort3A_521 : (vector<16xf32>, vector<16xf32>, vector<16xi1>) -> (vector<16xi1>, vector<16xf32>, vector<16xf32>)
      %max3A_525 = arith.maximumf %masked_sort3A_501, %masked_sort3A_519 : vector<16xf32>
      %max3A_526 = arith.maximumf %masked_sort3A_505, %masked_sort3A_523 : vector<16xf32>
      %min3A_527 = arith.minimumf %masked_sort3A_501, %masked_sort3A_519 : vector<16xf32>
      %min3A_528 = arith.minimumf %masked_sort3A_505, %masked_sort3A_523 : vector<16xf32>
      %max3A_529 = arith.maximumf %max3A_525, %max3A_526 : vector<16xf32>
      %min3A_530 = arith.minimumf %max3A_525, %max3A_526 : vector<16xf32>
      %masked_sort3A_531 = arith.constant dense<true> : vector<16xi1>
      %masked_sort3A_532, %masked_sort3A_533, %masked_sort3A_534 = tpu.sort %max3A_529, %max3A_529 masked %masked_sort3A_531 {descending = true} : (vector<16xf32>, vector<16xf32>, vector<16xi1>) -> (vector<16xi1>, vector<16xf32>, vector<16xf32>)
      %masked_sort3A_535 = arith.constant dense<true> : vector<16xi1>
      %masked_sort3A_536, %masked_sort3A_537, %masked_sort3A_538 = tpu.sort %min3A_530, %min3A_530 masked %masked_sort3A_535 {descending = true} : (vector<16xf32>, vector<16xf32>, vector<16xi1>) -> (vector<16xi1>, vector<16xf32>, vector<16xf32>)
      %max3A_539 = arith.maximumf %min3A_527, %min3A_528 : vector<16xf32>
      %min3A_540 = arith.minimumf %min3A_527, %min3A_528 : vector<16xf32>
      %masked_sort3A_541 = arith.constant dense<true> : vector<16xi1>
      %masked_sort3A_542, %masked_sort3A_543, %masked_sort3A_544 = tpu.sort %max3A_539, %max3A_539 masked %masked_sort3A_541 {descending = true} : (vector<16xf32>, vector<16xf32>, vector<16xi1>) -> (vector<16xi1>, vector<16xf32>, vector<16xf32>)
      %masked_sort3A_545 = arith.constant dense<true> : vector<16xi1>
      %masked_sort3A_546, %masked_sort3A_547, %masked_sort3A_548 = tpu.sort %min3A_540, %min3A_540 masked %masked_sort3A_545 {descending = true} : (vector<16xf32>, vector<16xf32>, vector<16xi1>) -> (vector<16xi1>, vector<16xf32>, vector<16xf32>)
      %masked_sort3A_549 = arith.constant dense<true> : vector<16xi1>
      %masked_sort3A_550, %masked_sort3A_551, %masked_sort3A_552 = tpu.sort %get3A_424, %get3A_424 masked %masked_sort3A_549 {descending = true} : (vector<16xf32>, vector<16xf32>, vector<16xi1>) -> (vector<16xi1>, vector<16xf32>, vector<16xf32>)
      %masked_sort3A_553 = arith.constant dense<true> : vector<16xi1>
      %masked_sort3A_554, %masked_sort3A_555, %masked_sort3A_556 = tpu.sort %get3A_430, %get3A_430 masked %masked_sort3A_553 : (vector<16xf32>, vector<16xf32>, vector<16xi1>) -> (vector<16xi1>, vector<16xf32>, vector<16xf32>)
      %max3A_557 = arith.maximumf %masked_sort3A_551, %masked_sort3A_555 : vector<16xf32>
      %min3A_558 = arith.minimumf %masked_sort3A_551, %masked_sort3A_555 : vector<16xf32>
      %masked_sort3A_559 = arith.constant dense<true> : vector<16xi1>
      %masked_sort3A_560, %masked_sort3A_561, %masked_sort3A_562 = tpu.sort %max3A_557, %max3A_557 masked %masked_sort3A_559 {descending = true} : (vector<16xf32>, vector<16xf32>, vector<16xi1>) -> (vector<16xi1>, vector<16xf32>, vector<16xf32>)
      %masked_sort3A_563 = arith.constant dense<true> : vector<16xi1>
      %masked_sort3A_564, %masked_sort3A_565, %masked_sort3A_566 = tpu.sort %min3A_558, %min3A_558 masked %masked_sort3A_563 {descending = true} : (vector<16xf32>, vector<16xf32>, vector<16xi1>) -> (vector<16xi1>, vector<16xf32>, vector<16xf32>)
      %masked_sort3A_567 = arith.constant dense<true> : vector<16xi1>
      %masked_sort3A_568, %masked_sort3A_569, %masked_sort3A_570 = tpu.sort %get3A_436, %get3A_436 masked %masked_sort3A_567 {descending = true} : (vector<16xf32>, vector<16xf32>, vector<16xi1>) -> (vector<16xi1>, vector<16xf32>, vector<16xf32>)
      %masked_sort3A_571 = arith.constant dense<true> : vector<16xi1>
      %masked_sort3A_572, %masked_sort3A_573, %masked_sort3A_574 = tpu.sort %get3A_442, %get3A_442 masked %masked_sort3A_571 : (vector<16xf32>, vector<16xf32>, vector<16xi1>) -> (vector<16xi1>, vector<16xf32>, vector<16xf32>)
      %min3A_575 = arith.minimumf %masked_sort3A_569, %masked_sort3A_573 : vector<16xf32>
      %max3A_576 = arith.maximumf %masked_sort3A_569, %masked_sort3A_573 : vector<16xf32>
      %masked_sort3A_577 = arith.constant dense<true> : vector<16xi1>
      %masked_sort3A_578, %masked_sort3A_579, %masked_sort3A_580 = tpu.sort %min3A_575, %min3A_575 masked %masked_sort3A_577 : (vector<16xf32>, vector<16xf32>, vector<16xi1>) -> (vector<16xi1>, vector<16xf32>, vector<16xf32>)
      %masked_sort3A_581 = arith.constant dense<true> : vector<16xi1>
      %masked_sort3A_582, %masked_sort3A_583, %masked_sort3A_584 = tpu.sort %max3A_576, %max3A_576 masked %masked_sort3A_581 : (vector<16xf32>, vector<16xf32>, vector<16xi1>) -> (vector<16xi1>, vector<16xf32>, vector<16xf32>)
      %min3A_585 = arith.minimumf %masked_sort3A_561, %masked_sort3A_579 : vector<16xf32>
      %min3A_586 = arith.minimumf %masked_sort3A_565, %masked_sort3A_583 : vector<16xf32>
      %max3A_587 = arith.maximumf %masked_sort3A_561, %masked_sort3A_579 : vector<16xf32>
      %max3A_588 = arith.maximumf %masked_sort3A_565, %masked_sort3A_583 : vector<16xf32>
      %min3A_589 = arith.minimumf %min3A_585, %min3A_586 : vector<16xf32>
      %max3A_590 = arith.maximumf %min3A_585, %min3A_586 : vector<16xf32>
      %masked_sort3A_591 = arith.constant dense<true> : vector<16xi1>
      %masked_sort3A_592, %masked_sort3A_593, %masked_sort3A_594 = tpu.sort %min3A_589, %min3A_589 masked %masked_sort3A_591 : (vector<16xf32>, vector<16xf32>, vector<16xi1>) -> (vector<16xi1>, vector<16xf32>, vector<16xf32>)
      %masked_sort3A_595 = arith.constant dense<true> : vector<16xi1>
      %masked_sort3A_596, %masked_sort3A_597, %masked_sort3A_598 = tpu.sort %max3A_590, %max3A_590 masked %masked_sort3A_595 : (vector<16xf32>, vector<16xf32>, vector<16xi1>) -> (vector<16xi1>, vector<16xf32>, vector<16xf32>)
      %min3A_599 = arith.minimumf %max3A_587, %max3A_588 : vector<16xf32>
      %max3A_600 = arith.maximumf %max3A_587, %max3A_588 : vector<16xf32>
      %masked_sort3A_601 = arith.constant dense<true> : vector<16xi1>
      %masked_sort3A_602, %masked_sort3A_603, %masked_sort3A_604 = tpu.sort %min3A_599, %min3A_599 masked %masked_sort3A_601 : (vector<16xf32>, vector<16xf32>, vector<16xi1>) -> (vector<16xi1>, vector<16xf32>, vector<16xf32>)
      %masked_sort3A_605 = arith.constant dense<true> : vector<16xi1>
      %masked_sort3A_606, %masked_sort3A_607, %masked_sort3A_608 = tpu.sort %max3A_600, %max3A_600 masked %masked_sort3A_605 : (vector<16xf32>, vector<16xf32>, vector<16xi1>) -> (vector<16xi1>, vector<16xf32>, vector<16xf32>)
      %max3A_609 = arith.maximumf %masked_sort3A_533, %masked_sort3A_593 : vector<16xf32>
      %max3A_610 = arith.maximumf %masked_sort3A_537, %masked_sort3A_597 : vector<16xf32>
      %max3A_611 = arith.maximumf %masked_sort3A_543, %masked_sort3A_603 : vector<16xf32>
      %max3A_612 = arith.maximumf %masked_sort3A_547, %masked_sort3A_607 : vector<16xf32>
      %min3A_613 = arith.minimumf %masked_sort3A_533, %masked_sort3A_593 : vector<16xf32>
      %min3A_614 = arith.minimumf %masked_sort3A_537, %masked_sort3A_597 : vector<16xf32>
      %min3A_615 = arith.minimumf %masked_sort3A_543, %masked_sort3A_603 : vector<16xf32>
      %min3A_616 = arith.minimumf %masked_sort3A_547, %masked_sort3A_607 : vector<16xf32>
      %max3A_617 = arith.maximumf %max3A_609, %max3A_611 : vector<16xf32>
      %max3A_618 = arith.maximumf %max3A_610, %max3A_612 : vector<16xf32>
      %min3A_619 = arith.minimumf %max3A_609, %max3A_611 : vector<16xf32>
      %min3A_620 = arith.minimumf %max3A_610, %max3A_612 : vector<16xf32>
      %max3A_621 = arith.maximumf %max3A_617, %max3A_618 : vector<16xf32>
      %min3A_622 = arith.minimumf %max3A_617, %max3A_618 : vector<16xf32>
      %masked_sort3A_623 = arith.constant dense<true> : vector<16xi1>
      %masked_sort3A_624, %masked_sort3A_625, %masked_sort3A_626 = tpu.sort %max3A_621, %max3A_621 masked %masked_sort3A_623 {descending = true} : (vector<16xf32>, vector<16xf32>, vector<16xi1>) -> (vector<16xi1>, vector<16xf32>, vector<16xf32>)
      %masked_sort3A_627 = arith.constant dense<true> : vector<16xi1>
      %masked_sort3A_628, %masked_sort3A_629, %masked_sort3A_630 = tpu.sort %min3A_622, %min3A_622 masked %masked_sort3A_627 {descending = true} : (vector<16xf32>, vector<16xf32>, vector<16xi1>) -> (vector<16xi1>, vector<16xf32>, vector<16xf32>)
      %max3A_631 = arith.maximumf %min3A_619, %min3A_620 : vector<16xf32>
      %min3A_632 = arith.minimumf %min3A_619, %min3A_620 : vector<16xf32>
      %masked_sort3A_633 = arith.constant dense<true> : vector<16xi1>
      %masked_sort3A_634, %masked_sort3A_635, %masked_sort3A_636 = tpu.sort %max3A_631, %max3A_631 masked %masked_sort3A_633 {descending = true} : (vector<16xf32>, vector<16xf32>, vector<16xi1>) -> (vector<16xi1>, vector<16xf32>, vector<16xf32>)
      %masked_sort3A_637 = arith.constant dense<true> : vector<16xi1>
      %masked_sort3A_638, %masked_sort3A_639, %masked_sort3A_640 = tpu.sort %min3A_632, %min3A_632 masked %masked_sort3A_637 {descending = true} : (vector<16xf32>, vector<16xf32>, vector<16xi1>) -> (vector<16xi1>, vector<16xf32>, vector<16xf32>)
      %max3A_641 = arith.maximumf %min3A_613, %min3A_615 : vector<16xf32>
      %max3A_642 = arith.maximumf %min3A_614, %min3A_616 : vector<16xf32>
      %min3A_643 = arith.minimumf %min3A_613, %min3A_615 : vector<16xf32>
      %min3A_644 = arith.minimumf %min3A_614, %min3A_616 : vector<16xf32>
      %max3A_645 = arith.maximumf %max3A_641, %max3A_642 : vector<16xf32>
      %min3A_646 = arith.minimumf %max3A_641, %max3A_642 : vector<16xf32>
      %masked_sort3A_647 = arith.constant dense<true> : vector<16xi1>
      %masked_sort3A_648, %masked_sort3A_649, %masked_sort3A_650 = tpu.sort %max3A_645, %max3A_645 masked %masked_sort3A_647 {descending = true} : (vector<16xf32>, vector<16xf32>, vector<16xi1>) -> (vector<16xi1>, vector<16xf32>, vector<16xf32>)
      %masked_sort3A_651 = arith.constant dense<true> : vector<16xi1>
      %masked_sort3A_652, %masked_sort3A_653, %masked_sort3A_654 = tpu.sort %min3A_646, %min3A_646 masked %masked_sort3A_651 {descending = true} : (vector<16xf32>, vector<16xf32>, vector<16xi1>) -> (vector<16xi1>, vector<16xf32>, vector<16xf32>)
      %max3A_655 = arith.maximumf %min3A_643, %min3A_644 : vector<16xf32>
      %min3A_656 = arith.minimumf %min3A_643, %min3A_644 : vector<16xf32>
      %masked_sort3A_657 = arith.constant dense<true> : vector<16xi1>
      %masked_sort3A_658, %masked_sort3A_659, %masked_sort3A_660 = tpu.sort %max3A_655, %max3A_655 masked %masked_sort3A_657 {descending = true} : (vector<16xf32>, vector<16xf32>, vector<16xi1>) -> (vector<16xi1>, vector<16xf32>, vector<16xf32>)
      %masked_sort3A_661 = arith.constant dense<true> : vector<16xi1>
      %masked_sort3A_662, %masked_sort3A_663, %masked_sort3A_664 = tpu.sort %min3A_656, %min3A_656 masked %masked_sort3A_661 {descending = true} : (vector<16xf32>, vector<16xf32>, vector<16xi1>) -> (vector<16xi1>, vector<16xf32>, vector<16xf32>)
      %masked_sort3A_665 = arith.constant dense<true> : vector<16xi1>
      %masked_sort3A_666, %masked_sort3A_667, %masked_sort3A_668 = tpu.sort %get3A_448, %get3A_448 masked %masked_sort3A_665 {descending = true} : (vector<16xf32>, vector<16xf32>, vector<16xi1>) -> (vector<16xi1>, vector<16xf32>, vector<16xf32>)
      %masked_sort3A_669 = arith.constant dense<true> : vector<16xi1>
      %masked_sort3A_670, %masked_sort3A_671, %masked_sort3A_672 = tpu.sort %get3A_454, %get3A_454 masked %masked_sort3A_669 : (vector<16xf32>, vector<16xf32>, vector<16xi1>) -> (vector<16xi1>, vector<16xf32>, vector<16xf32>)
      %max3A_673 = arith.maximumf %masked_sort3A_667, %masked_sort3A_671 : vector<16xf32>
      %min3A_674 = arith.minimumf %masked_sort3A_667, %masked_sort3A_671 : vector<16xf32>
      %masked_sort3A_675 = arith.constant dense<true> : vector<16xi1>
      %masked_sort3A_676, %masked_sort3A_677, %masked_sort3A_678 = tpu.sort %max3A_673, %max3A_673 masked %masked_sort3A_675 {descending = true} : (vector<16xf32>, vector<16xf32>, vector<16xi1>) -> (vector<16xi1>, vector<16xf32>, vector<16xf32>)
      %masked_sort3A_679 = arith.constant dense<true> : vector<16xi1>
      %masked_sort3A_680, %masked_sort3A_681, %masked_sort3A_682 = tpu.sort %min3A_674, %min3A_674 masked %masked_sort3A_679 {descending = true} : (vector<16xf32>, vector<16xf32>, vector<16xi1>) -> (vector<16xi1>, vector<16xf32>, vector<16xf32>)
      %masked_sort3A_683 = arith.constant dense<true> : vector<16xi1>
      %masked_sort3A_684, %masked_sort3A_685, %masked_sort3A_686 = tpu.sort %get3A_460, %get3A_460 masked %masked_sort3A_683 {descending = true} : (vector<16xf32>, vector<16xf32>, vector<16xi1>) -> (vector<16xi1>, vector<16xf32>, vector<16xf32>)
      %masked_sort3A_687 = arith.constant dense<true> : vector<16xi1>
      %masked_sort3A_688, %masked_sort3A_689, %masked_sort3A_690 = tpu.sort %get3A_466, %get3A_466 masked %masked_sort3A_687 : (vector<16xf32>, vector<16xf32>, vector<16xi1>) -> (vector<16xi1>, vector<16xf32>, vector<16xf32>)
      %min3A_691 = arith.minimumf %masked_sort3A_685, %masked_sort3A_689 : vector<16xf32>
      %max3A_692 = arith.maximumf %masked_sort3A_685, %masked_sort3A_689 : vector<16xf32>
      %masked_sort3A_693 = arith.constant dense<true> : vector<16xi1>
      %masked_sort3A_694, %masked_sort3A_695, %masked_sort3A_696 = tpu.sort %min3A_691, %min3A_691 masked %masked_sort3A_693 : (vector<16xf32>, vector<16xf32>, vector<16xi1>) -> (vector<16xi1>, vector<16xf32>, vector<16xf32>)
      %masked_sort3A_697 = arith.constant dense<true> : vector<16xi1>
      %masked_sort3A_698, %masked_sort3A_699, %masked_sort3A_700 = tpu.sort %max3A_692, %max3A_692 masked %masked_sort3A_697 : (vector<16xf32>, vector<16xf32>, vector<16xi1>) -> (vector<16xi1>, vector<16xf32>, vector<16xf32>)
      %max3A_701 = arith.maximumf %masked_sort3A_677, %masked_sort3A_695 : vector<16xf32>
      %max3A_702 = arith.maximumf %masked_sort3A_681, %masked_sort3A_699 : vector<16xf32>
      %min3A_703 = arith.minimumf %masked_sort3A_677, %masked_sort3A_695 : vector<16xf32>
      %min3A_704 = arith.minimumf %masked_sort3A_681, %masked_sort3A_699 : vector<16xf32>
      %max3A_705 = arith.maximumf %max3A_701, %max3A_702 : vector<16xf32>
      %min3A_706 = arith.minimumf %max3A_701, %max3A_702 : vector<16xf32>
      %masked_sort3A_707 = arith.constant dense<true> : vector<16xi1>
      %masked_sort3A_708, %masked_sort3A_709, %masked_sort3A_710 = tpu.sort %max3A_705, %max3A_705 masked %masked_sort3A_707 {descending = true} : (vector<16xf32>, vector<16xf32>, vector<16xi1>) -> (vector<16xi1>, vector<16xf32>, vector<16xf32>)
      %masked_sort3A_711 = arith.constant dense<true> : vector<16xi1>
      %masked_sort3A_712, %masked_sort3A_713, %masked_sort3A_714 = tpu.sort %min3A_706, %min3A_706 masked %masked_sort3A_711 {descending = true} : (vector<16xf32>, vector<16xf32>, vector<16xi1>) -> (vector<16xi1>, vector<16xf32>, vector<16xf32>)
      %max3A_715 = arith.maximumf %min3A_703, %min3A_704 : vector<16xf32>
      %min3A_716 = arith.minimumf %min3A_703, %min3A_704 : vector<16xf32>
      %masked_sort3A_717 = arith.constant dense<true> : vector<16xi1>
      %masked_sort3A_718, %masked_sort3A_719, %masked_sort3A_720 = tpu.sort %max3A_715, %max3A_715 masked %masked_sort3A_717 {descending = true} : (vector<16xf32>, vector<16xf32>, vector<16xi1>) -> (vector<16xi1>, vector<16xf32>, vector<16xf32>)
      %masked_sort3A_721 = arith.constant dense<true> : vector<16xi1>
      %masked_sort3A_722, %masked_sort3A_723, %masked_sort3A_724 = tpu.sort %min3A_716, %min3A_716 masked %masked_sort3A_721 {descending = true} : (vector<16xf32>, vector<16xf32>, vector<16xi1>) -> (vector<16xi1>, vector<16xf32>, vector<16xf32>)
      %masked_sort3A_725 = arith.constant dense<true> : vector<16xi1>
      %masked_sort3A_726, %masked_sort3A_727, %masked_sort3A_728 = tpu.sort %get3A_472, %get3A_472 masked %masked_sort3A_725 {descending = true} : (vector<16xf32>, vector<16xf32>, vector<16xi1>) -> (vector<16xi1>, vector<16xf32>, vector<16xf32>)
      %masked_sort3A_729 = arith.constant dense<true> : vector<16xi1>
      %masked_sort3A_730, %masked_sort3A_731, %masked_sort3A_732 = tpu.sort %get3A_478, %get3A_478 masked %masked_sort3A_729 : (vector<16xf32>, vector<16xf32>, vector<16xi1>) -> (vector<16xi1>, vector<16xf32>, vector<16xf32>)
      %max3A_733 = arith.maximumf %masked_sort3A_727, %masked_sort3A_731 : vector<16xf32>
      %min3A_734 = arith.minimumf %masked_sort3A_727, %masked_sort3A_731 : vector<16xf32>
      %masked_sort3A_735 = arith.constant dense<true> : vector<16xi1>
      %masked_sort3A_736, %masked_sort3A_737, %masked_sort3A_738 = tpu.sort %max3A_733, %max3A_733 masked %masked_sort3A_735 {descending = true} : (vector<16xf32>, vector<16xf32>, vector<16xi1>) -> (vector<16xi1>, vector<16xf32>, vector<16xf32>)
      %masked_sort3A_739 = arith.constant dense<true> : vector<16xi1>
      %masked_sort3A_740, %masked_sort3A_741, %masked_sort3A_742 = tpu.sort %min3A_734, %min3A_734 masked %masked_sort3A_739 {descending = true} : (vector<16xf32>, vector<16xf32>, vector<16xi1>) -> (vector<16xi1>, vector<16xf32>, vector<16xf32>)
      %masked_sort3A_743 = arith.constant dense<true> : vector<16xi1>
      %masked_sort3A_744, %masked_sort3A_745, %masked_sort3A_746 = tpu.sort %get3A_484, %get3A_484 masked %masked_sort3A_743 {descending = true} : (vector<16xf32>, vector<16xf32>, vector<16xi1>) -> (vector<16xi1>, vector<16xf32>, vector<16xf32>)
      %masked_sort3A_747 = arith.constant dense<true> : vector<16xi1>
      %masked_sort3A_748, %masked_sort3A_749, %masked_sort3A_750 = tpu.sort %get3A_490, %get3A_490 masked %masked_sort3A_747 : (vector<16xf32>, vector<16xf32>, vector<16xi1>) -> (vector<16xi1>, vector<16xf32>, vector<16xf32>)
      %min3A_751 = arith.minimumf %masked_sort3A_745, %masked_sort3A_749 : vector<16xf32>
      %max3A_752 = arith.maximumf %masked_sort3A_745, %masked_sort3A_749 : vector<16xf32>
      %masked_sort3A_753 = arith.constant dense<true> : vector<16xi1>
      %masked_sort3A_754, %masked_sort3A_755, %masked_sort3A_756 = tpu.sort %min3A_751, %min3A_751 masked %masked_sort3A_753 : (vector<16xf32>, vector<16xf32>, vector<16xi1>) -> (vector<16xi1>, vector<16xf32>, vector<16xf32>)
      %masked_sort3A_757 = arith.constant dense<true> : vector<16xi1>
      %masked_sort3A_758, %masked_sort3A_759, %masked_sort3A_760 = tpu.sort %max3A_752, %max3A_752 masked %masked_sort3A_757 : (vector<16xf32>, vector<16xf32>, vector<16xi1>) -> (vector<16xi1>, vector<16xf32>, vector<16xf32>)
      %min3A_761 = arith.minimumf %masked_sort3A_737, %masked_sort3A_755 : vector<16xf32>
      %min3A_762 = arith.minimumf %masked_sort3A_741, %masked_sort3A_759 : vector<16xf32>
      %max3A_763 = arith.maximumf %masked_sort3A_737, %masked_sort3A_755 : vector<16xf32>
      %max3A_764 = arith.maximumf %masked_sort3A_741, %masked_sort3A_759 : vector<16xf32>
      %min3A_765 = arith.minimumf %min3A_761, %min3A_762 : vector<16xf32>
      %max3A_766 = arith.maximumf %min3A_761, %min3A_762 : vector<16xf32>
      %masked_sort3A_767 = arith.constant dense<true> : vector<16xi1>
      %masked_sort3A_768, %masked_sort3A_769, %masked_sort3A_770 = tpu.sort %min3A_765, %min3A_765 masked %masked_sort3A_767 : (vector<16xf32>, vector<16xf32>, vector<16xi1>) -> (vector<16xi1>, vector<16xf32>, vector<16xf32>)
      %masked_sort3A_771 = arith.constant dense<true> : vector<16xi1>
      %masked_sort3A_772, %masked_sort3A_773, %masked_sort3A_774 = tpu.sort %max3A_766, %max3A_766 masked %masked_sort3A_771 : (vector<16xf32>, vector<16xf32>, vector<16xi1>) -> (vector<16xi1>, vector<16xf32>, vector<16xf32>)
      %min3A_775 = arith.minimumf %max3A_763, %max3A_764 : vector<16xf32>
      %max3A_776 = arith.maximumf %max3A_763, %max3A_764 : vector<16xf32>
      %masked_sort3A_777 = arith.constant dense<true> : vector<16xi1>
      %masked_sort3A_778, %masked_sort3A_779, %masked_sort3A_780 = tpu.sort %min3A_775, %min3A_775 masked %masked_sort3A_777 : (vector<16xf32>, vector<16xf32>, vector<16xi1>) -> (vector<16xi1>, vector<16xf32>, vector<16xf32>)
      %masked_sort3A_781 = arith.constant dense<true> : vector<16xi1>
      %masked_sort3A_782, %masked_sort3A_783, %masked_sort3A_784 = tpu.sort %max3A_776, %max3A_776 masked %masked_sort3A_781 : (vector<16xf32>, vector<16xf32>, vector<16xi1>) -> (vector<16xi1>, vector<16xf32>, vector<16xf32>)
      %min3A_785 = arith.minimumf %masked_sort3A_709, %masked_sort3A_769 : vector<16xf32>
      %min3A_786 = arith.minimumf %masked_sort3A_713, %masked_sort3A_773 : vector<16xf32>
      %min3A_787 = arith.minimumf %masked_sort3A_719, %masked_sort3A_779 : vector<16xf32>
      %min3A_788 = arith.minimumf %masked_sort3A_723, %masked_sort3A_783 : vector<16xf32>
      %max3A_789 = arith.maximumf %masked_sort3A_709, %masked_sort3A_769 : vector<16xf32>
      %max3A_790 = arith.maximumf %masked_sort3A_713, %masked_sort3A_773 : vector<16xf32>
      %max3A_791 = arith.maximumf %masked_sort3A_719, %masked_sort3A_779 : vector<16xf32>
      %max3A_792 = arith.maximumf %masked_sort3A_723, %masked_sort3A_783 : vector<16xf32>
      %min3A_793 = arith.minimumf %min3A_785, %min3A_787 : vector<16xf32>
      %min3A_794 = arith.minimumf %min3A_786, %min3A_788 : vector<16xf32>
      %max3A_795 = arith.maximumf %min3A_785, %min3A_787 : vector<16xf32>
      %max3A_796 = arith.maximumf %min3A_786, %min3A_788 : vector<16xf32>
      %min3A_797 = arith.minimumf %min3A_793, %min3A_794 : vector<16xf32>
      %max3A_798 = arith.maximumf %min3A_793, %min3A_794 : vector<16xf32>
      %masked_sort3A_799 = arith.constant dense<true> : vector<16xi1>
      %masked_sort3A_800, %masked_sort3A_801, %masked_sort3A_802 = tpu.sort %min3A_797, %min3A_797 masked %masked_sort3A_799 : (vector<16xf32>, vector<16xf32>, vector<16xi1>) -> (vector<16xi1>, vector<16xf32>, vector<16xf32>)
      %masked_sort3A_803 = arith.constant dense<true> : vector<16xi1>
      %masked_sort3A_804, %masked_sort3A_805, %masked_sort3A_806 = tpu.sort %max3A_798, %max3A_798 masked %masked_sort3A_803 : (vector<16xf32>, vector<16xf32>, vector<16xi1>) -> (vector<16xi1>, vector<16xf32>, vector<16xf32>)
      %min3A_807 = arith.minimumf %max3A_795, %max3A_796 : vector<16xf32>
      %max3A_808 = arith.maximumf %max3A_795, %max3A_796 : vector<16xf32>
      %masked_sort3A_809 = arith.constant dense<true> : vector<16xi1>
      %masked_sort3A_810, %masked_sort3A_811, %masked_sort3A_812 = tpu.sort %min3A_807, %min3A_807 masked %masked_sort3A_809 : (vector<16xf32>, vector<16xf32>, vector<16xi1>) -> (vector<16xi1>, vector<16xf32>, vector<16xf32>)
      %masked_sort3A_813 = arith.constant dense<true> : vector<16xi1>
      %masked_sort3A_814, %masked_sort3A_815, %masked_sort3A_816 = tpu.sort %max3A_808, %max3A_808 masked %masked_sort3A_813 : (vector<16xf32>, vector<16xf32>, vector<16xi1>) -> (vector<16xi1>, vector<16xf32>, vector<16xf32>)
      %min3A_817 = arith.minimumf %max3A_789, %max3A_791 : vector<16xf32>
      %min3A_818 = arith.minimumf %max3A_790, %max3A_792 : vector<16xf32>
      %max3A_819 = arith.maximumf %max3A_789, %max3A_791 : vector<16xf32>
      %max3A_820 = arith.maximumf %max3A_790, %max3A_792 : vector<16xf32>
      %min3A_821 = arith.minimumf %min3A_817, %min3A_818 : vector<16xf32>
      %max3A_822 = arith.maximumf %min3A_817, %min3A_818 : vector<16xf32>
      %masked_sort3A_823 = arith.constant dense<true> : vector<16xi1>
      %masked_sort3A_824, %masked_sort3A_825, %masked_sort3A_826 = tpu.sort %min3A_821, %min3A_821 masked %masked_sort3A_823 : (vector<16xf32>, vector<16xf32>, vector<16xi1>) -> (vector<16xi1>, vector<16xf32>, vector<16xf32>)
      %masked_sort3A_827 = arith.constant dense<true> : vector<16xi1>
      %masked_sort3A_828, %masked_sort3A_829, %masked_sort3A_830 = tpu.sort %max3A_822, %max3A_822 masked %masked_sort3A_827 : (vector<16xf32>, vector<16xf32>, vector<16xi1>) -> (vector<16xi1>, vector<16xf32>, vector<16xf32>)
      %min3A_831 = arith.minimumf %max3A_819, %max3A_820 : vector<16xf32>
      %max3A_832 = arith.maximumf %max3A_819, %max3A_820 : vector<16xf32>
      %masked_sort3A_833 = arith.constant dense<true> : vector<16xi1>
      %masked_sort3A_834, %masked_sort3A_835, %masked_sort3A_836 = tpu.sort %min3A_831, %min3A_831 masked %masked_sort3A_833 : (vector<16xf32>, vector<16xf32>, vector<16xi1>) -> (vector<16xi1>, vector<16xf32>, vector<16xf32>)
      %masked_sort3A_837 = arith.constant dense<true> : vector<16xi1>
      %masked_sort3A_838, %masked_sort3A_839, %masked_sort3A_840 = tpu.sort %max3A_832, %max3A_832 masked %masked_sort3A_837 : (vector<16xf32>, vector<16xf32>, vector<16xi1>) -> (vector<16xi1>, vector<16xf32>, vector<16xf32>)
      %min3A_841 = arith.minimumf %masked_sort3A_625, %masked_sort3A_801 : vector<16xf32>
      %min3A_842 = arith.minimumf %masked_sort3A_629, %masked_sort3A_805 : vector<16xf32>
      %min3A_843 = arith.minimumf %masked_sort3A_635, %masked_sort3A_811 : vector<16xf32>
      %min3A_844 = arith.minimumf %masked_sort3A_639, %masked_sort3A_815 : vector<16xf32>
      %min3A_845 = arith.minimumf %masked_sort3A_649, %masked_sort3A_825 : vector<16xf32>
      %min3A_846 = arith.minimumf %masked_sort3A_653, %masked_sort3A_829 : vector<16xf32>
      %min3A_847 = arith.minimumf %masked_sort3A_659, %masked_sort3A_835 : vector<16xf32>
      %min3A_848 = arith.minimumf %masked_sort3A_663, %masked_sort3A_839 : vector<16xf32>
      %max3A_849 = arith.maximumf %masked_sort3A_625, %masked_sort3A_801 : vector<16xf32>
      %max3A_850 = arith.maximumf %masked_sort3A_629, %masked_sort3A_805 : vector<16xf32>
      %max3A_851 = arith.maximumf %masked_sort3A_635, %masked_sort3A_811 : vector<16xf32>
      %max3A_852 = arith.maximumf %masked_sort3A_639, %masked_sort3A_815 : vector<16xf32>
      %max3A_853 = arith.maximumf %masked_sort3A_649, %masked_sort3A_825 : vector<16xf32>
      %max3A_854 = arith.maximumf %masked_sort3A_653, %masked_sort3A_829 : vector<16xf32>
      %max3A_855 = arith.maximumf %masked_sort3A_659, %masked_sort3A_835 : vector<16xf32>
      %max3A_856 = arith.maximumf %masked_sort3A_663, %masked_sort3A_839 : vector<16xf32>
      %min3A_857 = arith.minimumf %min3A_841, %min3A_845 : vector<16xf32>
      %min3A_858 = arith.minimumf %min3A_842, %min3A_846 : vector<16xf32>
      %min3A_859 = arith.minimumf %min3A_843, %min3A_847 : vector<16xf32>
      %min3A_860 = arith.minimumf %min3A_844, %min3A_848 : vector<16xf32>
      %max3A_861 = arith.maximumf %min3A_841, %min3A_845 : vector<16xf32>
      %max3A_862 = arith.maximumf %min3A_842, %min3A_846 : vector<16xf32>
      %max3A_863 = arith.maximumf %min3A_843, %min3A_847 : vector<16xf32>
      %max3A_864 = arith.maximumf %min3A_844, %min3A_848 : vector<16xf32>
      %min3A_865 = arith.minimumf %min3A_857, %min3A_859 : vector<16xf32>
      %min3A_866 = arith.minimumf %min3A_858, %min3A_860 : vector<16xf32>
      %max3A_867 = arith.maximumf %min3A_857, %min3A_859 : vector<16xf32>
      %max3A_868 = arith.maximumf %min3A_858, %min3A_860 : vector<16xf32>
      %min3A_869 = arith.minimumf %min3A_865, %min3A_866 : vector<16xf32>
      %max3A_870 = arith.maximumf %min3A_865, %min3A_866 : vector<16xf32>
      %masked_sort3A_871 = arith.constant dense<true> : vector<16xi1>
      %masked_sort3A_872, %masked_sort3A_873, %masked_sort3A_874 = tpu.sort %min3A_869, %min3A_869 masked %masked_sort3A_871 : (vector<16xf32>, vector<16xf32>, vector<16xi1>) -> (vector<16xi1>, vector<16xf32>, vector<16xf32>)
      %masked_sort3A_875 = arith.constant dense<true> : vector<16xi1>
      %masked_sort3A_876, %masked_sort3A_877, %masked_sort3A_878 = tpu.sort %max3A_870, %max3A_870 masked %masked_sort3A_875 : (vector<16xf32>, vector<16xf32>, vector<16xi1>) -> (vector<16xi1>, vector<16xf32>, vector<16xf32>)
      %min3A_879 = arith.minimumf %max3A_867, %max3A_868 : vector<16xf32>
      %max3A_880 = arith.maximumf %max3A_867, %max3A_868 : vector<16xf32>
      %masked_sort3A_881 = arith.constant dense<true> : vector<16xi1>
      %masked_sort3A_882, %masked_sort3A_883, %masked_sort3A_884 = tpu.sort %min3A_879, %min3A_879 masked %masked_sort3A_881 : (vector<16xf32>, vector<16xf32>, vector<16xi1>) -> (vector<16xi1>, vector<16xf32>, vector<16xf32>)
      %masked_sort3A_885 = arith.constant dense<true> : vector<16xi1>
      %masked_sort3A_886, %masked_sort3A_887, %masked_sort3A_888 = tpu.sort %max3A_880, %max3A_880 masked %masked_sort3A_885 : (vector<16xf32>, vector<16xf32>, vector<16xi1>) -> (vector<16xi1>, vector<16xf32>, vector<16xf32>)
      %min3A_889 = arith.minimumf %max3A_861, %max3A_863 : vector<16xf32>
      %min3A_890 = arith.minimumf %max3A_862, %max3A_864 : vector<16xf32>
      %max3A_891 = arith.maximumf %max3A_861, %max3A_863 : vector<16xf32>
      %max3A_892 = arith.maximumf %max3A_862, %max3A_864 : vector<16xf32>
      %min3A_893 = arith.minimumf %min3A_889, %min3A_890 : vector<16xf32>
      %max3A_894 = arith.maximumf %min3A_889, %min3A_890 : vector<16xf32>
      %masked_sort3A_895 = arith.constant dense<true> : vector<16xi1>
      %masked_sort3A_896, %masked_sort3A_897, %masked_sort3A_898 = tpu.sort %min3A_893, %min3A_893 masked %masked_sort3A_895 : (vector<16xf32>, vector<16xf32>, vector<16xi1>) -> (vector<16xi1>, vector<16xf32>, vector<16xf32>)
      %masked_sort3A_899 = arith.constant dense<true> : vector<16xi1>
      %masked_sort3A_900, %masked_sort3A_901, %masked_sort3A_902 = tpu.sort %max3A_894, %max3A_894 masked %masked_sort3A_899 : (vector<16xf32>, vector<16xf32>, vector<16xi1>) -> (vector<16xi1>, vector<16xf32>, vector<16xf32>)
      %min3A_903 = arith.minimumf %max3A_891, %max3A_892 : vector<16xf32>
      %max3A_904 = arith.maximumf %max3A_891, %max3A_892 : vector<16xf32>
      %masked_sort3A_905 = arith.constant dense<true> : vector<16xi1>
      %masked_sort3A_906, %masked_sort3A_907, %masked_sort3A_908 = tpu.sort %min3A_903, %min3A_903 masked %masked_sort3A_905 : (vector<16xf32>, vector<16xf32>, vector<16xi1>) -> (vector<16xi1>, vector<16xf32>, vector<16xf32>)
      %masked_sort3A_909 = arith.constant dense<true> : vector<16xi1>
      %masked_sort3A_910, %masked_sort3A_911, %masked_sort3A_912 = tpu.sort %max3A_904, %max3A_904 masked %masked_sort3A_909 : (vector<16xf32>, vector<16xf32>, vector<16xi1>) -> (vector<16xi1>, vector<16xf32>, vector<16xf32>)
      %min3A_913 = arith.minimumf %max3A_849, %max3A_853 : vector<16xf32>
      %min3A_914 = arith.minimumf %max3A_850, %max3A_854 : vector<16xf32>
      %min3A_915 = arith.minimumf %max3A_851, %max3A_855 : vector<16xf32>
      %min3A_916 = arith.minimumf %max3A_852, %max3A_856 : vector<16xf32>
      %max3A_917 = arith.maximumf %max3A_849, %max3A_853 : vector<16xf32>
      %max3A_918 = arith.maximumf %max3A_850, %max3A_854 : vector<16xf32>
      %max3A_919 = arith.maximumf %max3A_851, %max3A_855 : vector<16xf32>
      %max3A_920 = arith.maximumf %max3A_852, %max3A_856 : vector<16xf32>
      %min3A_921 = arith.minimumf %min3A_913, %min3A_915 : vector<16xf32>
      %min3A_922 = arith.minimumf %min3A_914, %min3A_916 : vector<16xf32>
      %max3A_923 = arith.maximumf %min3A_913, %min3A_915 : vector<16xf32>
      %max3A_924 = arith.maximumf %min3A_914, %min3A_916 : vector<16xf32>
      %min3A_925 = arith.minimumf %min3A_921, %min3A_922 : vector<16xf32>
      %max3A_926 = arith.maximumf %min3A_921, %min3A_922 : vector<16xf32>
      %masked_sort3A_927 = arith.constant dense<true> : vector<16xi1>
      %masked_sort3A_928, %masked_sort3A_929, %masked_sort3A_930 = tpu.sort %min3A_925, %min3A_925 masked %masked_sort3A_927 : (vector<16xf32>, vector<16xf32>, vector<16xi1>) -> (vector<16xi1>, vector<16xf32>, vector<16xf32>)
      %masked_sort3A_931 = arith.constant dense<true> : vector<16xi1>
      %masked_sort3A_932, %masked_sort3A_933, %masked_sort3A_934 = tpu.sort %max3A_926, %max3A_926 masked %masked_sort3A_931 : (vector<16xf32>, vector<16xf32>, vector<16xi1>) -> (vector<16xi1>, vector<16xf32>, vector<16xf32>)
      %min3A_935 = arith.minimumf %max3A_923, %max3A_924 : vector<16xf32>
      %max3A_936 = arith.maximumf %max3A_923, %max3A_924 : vector<16xf32>
      %masked_sort3A_937 = arith.constant dense<true> : vector<16xi1>
      %masked_sort3A_938, %masked_sort3A_939, %masked_sort3A_940 = tpu.sort %min3A_935, %min3A_935 masked %masked_sort3A_937 : (vector<16xf32>, vector<16xf32>, vector<16xi1>) -> (vector<16xi1>, vector<16xf32>, vector<16xf32>)
      %masked_sort3A_941 = arith.constant dense<true> : vector<16xi1>
      %masked_sort3A_942, %masked_sort3A_943, %masked_sort3A_944 = tpu.sort %max3A_936, %max3A_936 masked %masked_sort3A_941 : (vector<16xf32>, vector<16xf32>, vector<16xi1>) -> (vector<16xi1>, vector<16xf32>, vector<16xf32>)
      %min3A_945 = arith.minimumf %max3A_917, %max3A_919 : vector<16xf32>
      %min3A_946 = arith.minimumf %max3A_918, %max3A_920 : vector<16xf32>
      %max3A_947 = arith.maximumf %max3A_917, %max3A_919 : vector<16xf32>
      %max3A_948 = arith.maximumf %max3A_918, %max3A_920 : vector<16xf32>
      %min3A_949 = arith.minimumf %min3A_945, %min3A_946 : vector<16xf32>
      %max3A_950 = arith.maximumf %min3A_945, %min3A_946 : vector<16xf32>
      %masked_sort3A_951 = arith.constant dense<true> : vector<16xi1>
      %masked_sort3A_952, %masked_sort3A_953, %masked_sort3A_954 = tpu.sort %min3A_949, %min3A_949 masked %masked_sort3A_951 : (vector<16xf32>, vector<16xf32>, vector<16xi1>) -> (vector<16xi1>, vector<16xf32>, vector<16xf32>)
      %masked_sort3A_955 = arith.constant dense<true> : vector<16xi1>
      %masked_sort3A_956, %masked_sort3A_957, %masked_sort3A_958 = tpu.sort %max3A_950, %max3A_950 masked %masked_sort3A_955 : (vector<16xf32>, vector<16xf32>, vector<16xi1>) -> (vector<16xi1>, vector<16xf32>, vector<16xf32>)
      %min3A_959 = arith.minimumf %max3A_947, %max3A_948 : vector<16xf32>
      %max3A_960 = arith.maximumf %max3A_947, %max3A_948 : vector<16xf32>
      %masked_sort3A_961 = arith.constant dense<true> : vector<16xi1>
      %masked_sort3A_962, %masked_sort3A_963, %masked_sort3A_964 = tpu.sort %min3A_959, %min3A_959 masked %masked_sort3A_961 : (vector<16xf32>, vector<16xf32>, vector<16xi1>) -> (vector<16xi1>, vector<16xf32>, vector<16xf32>)
      %masked_sort3A_965 = arith.constant dense<true> : vector<16xi1>
      %masked_sort3A_966, %masked_sort3A_967, %masked_sort3A_968 = tpu.sort %max3A_960, %max3A_960 masked %masked_sort3A_965 : (vector<16xf32>, vector<16xf32>, vector<16xi1>) -> (vector<16xi1>, vector<16xf32>, vector<16xf32>)
      %max3A_969 = arith.maximumf %while3A_379, %masked_sort3A_873 : vector<16xf32>
      %max3A_970 = arith.maximumf %while3A_380, %masked_sort3A_877 : vector<16xf32>
      %max3A_971 = arith.maximumf %while3A_381, %masked_sort3A_883 : vector<16xf32>
      %max3A_972 = arith.maximumf %while3A_382, %masked_sort3A_887 : vector<16xf32>
      %max3A_973 = arith.maximumf %while3A_383, %masked_sort3A_897 : vector<16xf32>
      %max3A_974 = arith.maximumf %while3A_384, %masked_sort3A_901 : vector<16xf32>
      %max3A_975 = arith.maximumf %while3A_385, %masked_sort3A_907 : vector<16xf32>
      %max3A_976 = arith.maximumf %while3A_386, %masked_sort3A_911 : vector<16xf32>
      %max3A_977 = arith.maximumf %while3A_387, %masked_sort3A_929 : vector<16xf32>
      %max3A_978 = arith.maximumf %while3A_388, %masked_sort3A_933 : vector<16xf32>
      %max3A_979 = arith.maximumf %while3A_389, %masked_sort3A_939 : vector<16xf32>
      %max3A_980 = arith.maximumf %while3A_390, %masked_sort3A_943 : vector<16xf32>
      %max3A_981 = arith.maximumf %while3A_391, %masked_sort3A_953 : vector<16xf32>
      %max3A_982 = arith.maximumf %while3A_392, %masked_sort3A_957 : vector<16xf32>
      %max3A_983 = arith.maximumf %while3A_393, %masked_sort3A_963 : vector<16xf32>
      %max3A_984 = arith.maximumf %while3A_394, %masked_sort3A_967 : vector<16xf32>
      %max3A_985 = arith.maximumf %max3A_969, %max3A_977 : vector<16xf32>
      %max3A_986 = arith.maximumf %max3A_970, %max3A_978 : vector<16xf32>
      %max3A_987 = arith.maximumf %max3A_971, %max3A_979 : vector<16xf32>
      %max3A_988 = arith.maximumf %max3A_972, %max3A_980 : vector<16xf32>
      %max3A_989 = arith.maximumf %max3A_973, %max3A_981 : vector<16xf32>
      %max3A_990 = arith.maximumf %max3A_974, %max3A_982 : vector<16xf32>
      %max3A_991 = arith.maximumf %max3A_975, %max3A_983 : vector<16xf32>
      %max3A_992 = arith.maximumf %max3A_976, %max3A_984 : vector<16xf32>
      %min3A_993 = arith.minimumf %max3A_969, %max3A_977 : vector<16xf32>
      %min3A_994 = arith.minimumf %max3A_970, %max3A_978 : vector<16xf32>
      %min3A_995 = arith.minimumf %max3A_971, %max3A_979 : vector<16xf32>
      %min3A_996 = arith.minimumf %max3A_972, %max3A_980 : vector<16xf32>
      %min3A_997 = arith.minimumf %max3A_973, %max3A_981 : vector<16xf32>
      %min3A_998 = arith.minimumf %max3A_974, %max3A_982 : vector<16xf32>
      %min3A_999 = arith.minimumf %max3A_975, %max3A_983 : vector<16xf32>
      %min3A_1000 = arith.minimumf %max3A_976, %max3A_984 : vector<16xf32>
      %max3A_1001 = arith.maximumf %max3A_985, %max3A_989 : vector<16xf32>
      %max3A_1002 = arith.maximumf %max3A_986, %max3A_990 : vector<16xf32>
      %max3A_1003 = arith.maximumf %max3A_987, %max3A_991 : vector<16xf32>
      %max3A_1004 = arith.maximumf %max3A_988, %max3A_992 : vector<16xf32>
      %min3A_1005 = arith.minimumf %max3A_985, %max3A_989 : vector<16xf32>
      %min3A_1006 = arith.minimumf %max3A_986, %max3A_990 : vector<16xf32>
      %min3A_1007 = arith.minimumf %max3A_987, %max3A_991 : vector<16xf32>
      %min3A_1008 = arith.minimumf %max3A_988, %max3A_992 : vector<16xf32>
      %max3A_1009 = arith.maximumf %max3A_1001, %max3A_1003 : vector<16xf32>
      %max3A_1010 = arith.maximumf %max3A_1002, %max3A_1004 : vector<16xf32>
      %min3A_1011 = arith.minimumf %max3A_1001, %max3A_1003 : vector<16xf32>
      %min3A_1012 = arith.minimumf %max3A_1002, %max3A_1004 : vector<16xf32>
      %max3A_1013 = arith.maximumf %max3A_1009, %max3A_1010 : vector<16xf32>
      %min3A_1014 = arith.minimumf %max3A_1009, %max3A_1010 : vector<16xf32>
      %masked_sort3A_1015 = arith.constant dense<true> : vector<16xi1>
      %masked_sort3A_1016, %masked_sort3A_1017, %masked_sort3A_1018 = tpu.sort %max3A_1013, %max3A_1013 masked %masked_sort3A_1015 {descending = true} : (vector<16xf32>, vector<16xf32>, vector<16xi1>) -> (vector<16xi1>, vector<16xf32>, vector<16xf32>)
      %masked_sort3A_1019 = arith.constant dense<true> : vector<16xi1>
      %masked_sort3A_1020, %masked_sort3A_1021, %masked_sort3A_1022 = tpu.sort %min3A_1014, %min3A_1014 masked %masked_sort3A_1019 {descending = true} : (vector<16xf32>, vector<16xf32>, vector<16xi1>) -> (vector<16xi1>, vector<16xf32>, vector<16xf32>)
      %max3A_1023 = arith.maximumf %min3A_1011, %min3A_1012 : vector<16xf32>
      %min3A_1024 = arith.minimumf %min3A_1011, %min3A_1012 : vector<16xf32>
      %masked_sort3A_1025 = arith.constant dense<true> : vector<16xi1>
      %masked_sort3A_1026, %masked_sort3A_1027, %masked_sort3A_1028 = tpu.sort %max3A_1023, %max3A_1023 masked %masked_sort3A_1025 {descending = true} : (vector<16xf32>, vector<16xf32>, vector<16xi1>) -> (vector<16xi1>, vector<16xf32>, vector<16xf32>)
      %masked_sort3A_1029 = arith.constant dense<true> : vector<16xi1>
      %masked_sort3A_1030, %masked_sort3A_1031, %masked_sort3A_1032 = tpu.sort %min3A_1024, %min3A_1024 masked %masked_sort3A_1029 {descending = true} : (vector<16xf32>, vector<16xf32>, vector<16xi1>) -> (vector<16xi1>, vector<16xf32>, vector<16xf32>)
      %max3A_1033 = arith.maximumf %min3A_1005, %min3A_1007 : vector<16xf32>
      %max3A_1034 = arith.maximumf %min3A_1006, %min3A_1008 : vector<16xf32>
      %min3A_1035 = arith.minimumf %min3A_1005, %min3A_1007 : vector<16xf32>
      %min3A_1036 = arith.minimumf %min3A_1006, %min3A_1008 : vector<16xf32>
      %max3A_1037 = arith.maximumf %max3A_1033, %max3A_1034 : vector<16xf32>
      %min3A_1038 = arith.minimumf %max3A_1033, %max3A_1034 : vector<16xf32>
      %masked_sort3A_1039 = arith.constant dense<true> : vector<16xi1>
      %masked_sort3A_1040, %masked_sort3A_1041, %masked_sort3A_1042 = tpu.sort %max3A_1037, %max3A_1037 masked %masked_sort3A_1039 {descending = true} : (vector<16xf32>, vector<16xf32>, vector<16xi1>) -> (vector<16xi1>, vector<16xf32>, vector<16xf32>)
      %masked_sort3A_1043 = arith.constant dense<true> : vector<16xi1>
      %masked_sort3A_1044, %masked_sort3A_1045, %masked_sort3A_1046 = tpu.sort %min3A_1038, %min3A_1038 masked %masked_sort3A_1043 {descending = true} : (vector<16xf32>, vector<16xf32>, vector<16xi1>) -> (vector<16xi1>, vector<16xf32>, vector<16xf32>)
      %max3A_1047 = arith.maximumf %min3A_1035, %min3A_1036 : vector<16xf32>
      %min3A_1048 = arith.minimumf %min3A_1035, %min3A_1036 : vector<16xf32>
      %masked_sort3A_1049 = arith.constant dense<true> : vector<16xi1>
      %masked_sort3A_1050, %masked_sort3A_1051, %masked_sort3A_1052 = tpu.sort %max3A_1047, %max3A_1047 masked %masked_sort3A_1049 {descending = true} : (vector<16xf32>, vector<16xf32>, vector<16xi1>) -> (vector<16xi1>, vector<16xf32>, vector<16xf32>)
      %masked_sort3A_1053 = arith.constant dense<true> : vector<16xi1>
      %masked_sort3A_1054, %masked_sort3A_1055, %masked_sort3A_1056 = tpu.sort %min3A_1048, %min3A_1048 masked %masked_sort3A_1053 {descending = true} : (vector<16xf32>, vector<16xf32>, vector<16xi1>) -> (vector<16xi1>, vector<16xf32>, vector<16xf32>)
      %max3A_1057 = arith.maximumf %min3A_993, %min3A_997 : vector<16xf32>
      %max3A_1058 = arith.maximumf %min3A_994, %min3A_998 : vector<16xf32>
      %max3A_1059 = arith.maximumf %min3A_995, %min3A_999 : vector<16xf32>
      %max3A_1060 = arith.maximumf %min3A_996, %min3A_1000 : vector<16xf32>
      %min3A_1061 = arith.minimumf %min3A_993, %min3A_997 : vector<16xf32>
      %min3A_1062 = arith.minimumf %min3A_994, %min3A_998 : vector<16xf32>
      %min3A_1063 = arith.minimumf %min3A_995, %min3A_999 : vector<16xf32>
      %min3A_1064 = arith.minimumf %min3A_996, %min3A_1000 : vector<16xf32>
      %max3A_1065 = arith.maximumf %max3A_1057, %max3A_1059 : vector<16xf32>
      %max3A_1066 = arith.maximumf %max3A_1058, %max3A_1060 : vector<16xf32>
      %min3A_1067 = arith.minimumf %max3A_1057, %max3A_1059 : vector<16xf32>
      %min3A_1068 = arith.minimumf %max3A_1058, %max3A_1060 : vector<16xf32>
      %max3A_1069 = arith.maximumf %max3A_1065, %max3A_1066 : vector<16xf32>
      %min3A_1070 = arith.minimumf %max3A_1065, %max3A_1066 : vector<16xf32>
      %masked_sort3A_1071 = arith.constant dense<true> : vector<16xi1>
      %masked_sort3A_1072, %masked_sort3A_1073, %masked_sort3A_1074 = tpu.sort %max3A_1069, %max3A_1069 masked %masked_sort3A_1071 {descending = true} : (vector<16xf32>, vector<16xf32>, vector<16xi1>) -> (vector<16xi1>, vector<16xf32>, vector<16xf32>)
      %masked_sort3A_1075 = arith.constant dense<true> : vector<16xi1>
      %masked_sort3A_1076, %masked_sort3A_1077, %masked_sort3A_1078 = tpu.sort %min3A_1070, %min3A_1070 masked %masked_sort3A_1075 {descending = true} : (vector<16xf32>, vector<16xf32>, vector<16xi1>) -> (vector<16xi1>, vector<16xf32>, vector<16xf32>)
      %max3A_1079 = arith.maximumf %min3A_1067, %min3A_1068 : vector<16xf32>
      %min3A_1080 = arith.minimumf %min3A_1067, %min3A_1068 : vector<16xf32>
      %masked_sort3A_1081 = arith.constant dense<true> : vector<16xi1>
      %masked_sort3A_1082, %masked_sort3A_1083, %masked_sort3A_1084 = tpu.sort %max3A_1079, %max3A_1079 masked %masked_sort3A_1081 {descending = true} : (vector<16xf32>, vector<16xf32>, vector<16xi1>) -> (vector<16xi1>, vector<16xf32>, vector<16xf32>)
      %masked_sort3A_1085 = arith.constant dense<true> : vector<16xi1>
      %masked_sort3A_1086, %masked_sort3A_1087, %masked_sort3A_1088 = tpu.sort %min3A_1080, %min3A_1080 masked %masked_sort3A_1085 {descending = true} : (vector<16xf32>, vector<16xf32>, vector<16xi1>) -> (vector<16xi1>, vector<16xf32>, vector<16xf32>)
      %max3A_1089 = arith.maximumf %min3A_1061, %min3A_1063 : vector<16xf32>
      %max3A_1090 = arith.maximumf %min3A_1062, %min3A_1064 : vector<16xf32>
      %min3A_1091 = arith.minimumf %min3A_1061, %min3A_1063 : vector<16xf32>
      %min3A_1092 = arith.minimumf %min3A_1062, %min3A_1064 : vector<16xf32>
      %max3A_1093 = arith.maximumf %max3A_1089, %max3A_1090 : vector<16xf32>
      %min3A_1094 = arith.minimumf %max3A_1089, %max3A_1090 : vector<16xf32>
      %masked_sort3A_1095 = arith.constant dense<true> : vector<16xi1>
      %masked_sort3A_1096, %masked_sort3A_1097, %masked_sort3A_1098 = tpu.sort %max3A_1093, %max3A_1093 masked %masked_sort3A_1095 {descending = true} : (vector<16xf32>, vector<16xf32>, vector<16xi1>) -> (vector<16xi1>, vector<16xf32>, vector<16xf32>)
      %masked_sort3A_1099 = arith.constant dense<true> : vector<16xi1>
      %masked_sort3A_1100, %masked_sort3A_1101, %masked_sort3A_1102 = tpu.sort %min3A_1094, %min3A_1094 masked %masked_sort3A_1099 {descending = true} : (vector<16xf32>, vector<16xf32>, vector<16xi1>) -> (vector<16xi1>, vector<16xf32>, vector<16xf32>)
      %max3A_1103 = arith.maximumf %min3A_1091, %min3A_1092 : vector<16xf32>
      %min3A_1104 = arith.minimumf %min3A_1091, %min3A_1092 : vector<16xf32>
      %masked_sort3A_1105 = arith.constant dense<true> : vector<16xi1>
      %masked_sort3A_1106, %masked_sort3A_1107, %masked_sort3A_1108 = tpu.sort %max3A_1103, %max3A_1103 masked %masked_sort3A_1105 {descending = true} : (vector<16xf32>, vector<16xf32>, vector<16xi1>) -> (vector<16xi1>, vector<16xf32>, vector<16xf32>)
      %masked_sort3A_1109 = arith.constant dense<true> : vector<16xi1>
      %masked_sort3A_1110, %masked_sort3A_1111, %masked_sort3A_1112 = tpu.sort %min3A_1104, %min3A_1104 masked %masked_sort3A_1109 {descending = true} : (vector<16xf32>, vector<16xf32>, vector<16xi1>) -> (vector<16xi1>, vector<16xf32>, vector<16xf32>)
      scf.yield %masked_sort3A_1017, %masked_sort3A_1021, %masked_sort3A_1027, %masked_sort3A_1031, %masked_sort3A_1041, %masked_sort3A_1045, %masked_sort3A_1051, %masked_sort3A_1055, %masked_sort3A_1073, %masked_sort3A_1077, %masked_sort3A_1083, %masked_sort3A_1087, %masked_sort3A_1097, %masked_sort3A_1101, %masked_sort3A_1107, %masked_sort3A_1111 : vector<16xf32>, vector<16xf32>, vector<16xf32>, vector<16xf32>, vector<16xf32>, vector<16xf32>, vector<16xf32>, vector<16xf32>, vector<16xf32>, vector<16xf32>, vector<16xf32>, vector<16xf32>, vector<16xf32>, vector<16xf32>, vector<16xf32>, vector<16xf32>
    }
    %while3A_326 = arith.constant 1 : i32
    %while3A_327:16 = scf.for %while3A_378 = %while3A_323 to %while3A_319 step %while3A_326 iter_args(%while3A_379 = %while3A_325#0, %while3A_380 = %while3A_325#1, %while3A_381 = %while3A_325#2, %while3A_382 = %while3A_325#3, %while3A_383 = %while3A_325#4, %while3A_384 = %while3A_325#5, %while3A_385 = %while3A_325#6, %while3A_386 = %while3A_325#7, %while3A_387 = %while3A_325#8, %while3A_388 = %while3A_325#9, %while3A_389 = %while3A_325#10, %while3A_390 = %while3A_325#11, %while3A_391 = %while3A_325#12, %while3A_392 = %while3A_325#13, %while3A_393 = %while3A_325#14, %while3A_394 = %while3A_325#15) -> (vector<16xf32>, vector<16xf32>, vector<16xf32>, vector<16xf32>, vector<16xf32>, vector<16xf32>, vector<16xf32>, vector<16xf32>, vector<16xf32>, vector<16xf32>, vector<16xf32>, vector<16xf32>, vector<16xf32>, vector<16xf32>, vector<16xf32>, vector<16xf32>)  : i32 {
      %mul3A_395 = arith.constant 256 : i32
      %mul3A_396 = arith.muli %while3A_378, %mul3A_395 : i32
      %add3A_397 = arith.constant 0 : i32
      %add3A_398 = arith.addi %mul3A_396, %add3A_397 : i32
      %get3A_399 = arith.index_cast %add3A_398 : i32 to index
      %get3A_400 = tpu.vector_load %arg6[%get3A_399] {strides = array<i32>} : memref<32768xf32, #tpu.memory_space<vmem>>, vector<16xf32>,
      %mul3A_401 = arith.constant 256 : i32
      %mul3A_402 = arith.muli %while3A_378, %mul3A_401 : i32
      %add3A_403 = arith.constant 16 : i32
      %add3A_404 = arith.addi %mul3A_402, %add3A_403 : i32
      %get3A_405 = arith.index_cast %add3A_404 : i32 to index
      %get3A_406 = tpu.vector_load %arg6[%get3A_405] {strides = array<i32>} : memref<32768xf32, #tpu.memory_space<vmem>>, vector<16xf32>,
      %mul3A_407 = arith.constant 256 : i32
      %mul3A_408 = arith.muli %while3A_378, %mul3A_407 : i32
      %add3A_409 = arith.constant 32 : i32
      %add3A_410 = arith.addi %mul3A_408, %add3A_409 : i32
      %get3A_411 = arith.index_cast %add3A_410 : i32 to index
      %get3A_412 = tpu.vector_load %arg6[%get3A_411] {strides = array<i32>} : memref<32768xf32, #tpu.memory_space<vmem>>, vector<16xf32>,
      %mul3A_413 = arith.constant 256 : i32
      %mul3A_414 = arith.muli %while3A_378, %mul3A_413 : i32
      %add3A_415 = arith.constant 48 : i32
      %add3A_416 = arith.addi %mul3A_414, %add3A_415 : i32
      %get3A_417 = arith.index_cast %add3A_416 : i32 to index
      %get3A_418 = tpu.vector_load %arg6[%get3A_417] {strides = array<i32>} : memref<32768xf32, #tpu.memory_space<vmem>>, vector<16xf32>,
      %mul3A_419 = arith.constant 256 : i32
      %mul3A_420 = arith.muli %while3A_378, %mul3A_419 : i32
      %add3A_421 = arith.constant 64 : i32
      %add3A_422 = arith.addi %mul3A_420, %add3A_421 : i32
      %get3A_423 = arith.index_cast %add3A_422 : i32 to index
      %get3A_424 = tpu.vector_load %arg6[%get3A_423] {strides = array<i32>} : memref<32768xf32, #tpu.memory_space<vmem>>, vector<16xf32>,
      %mul3A_425 = arith.constant 256 : i32
      %mul3A_426 = arith.muli %while3A_378, %mul3A_425 : i32
      %add3A_427 = arith.constant 80 : i32
      %add3A_428 = arith.addi %mul3A_426, %add3A_427 : i32
      %get3A_429 = arith.index_cast %add3A_428 : i32 to index
      %get3A_430 = tpu.vector_load %arg6[%get3A_429] {strides = array<i32>} : memref<32768xf32, #tpu.memory_space<vmem>>, vector<16xf32>,
      %mul3A_431 = arith.constant 256 : i32
      %mul3A_432 = arith.muli %while3A_378, %mul3A_431 : i32
      %add3A_433 = arith.constant 96 : i32
      %add3A_434 = arith.addi %mul3A_432, %add3A_433 : i32
      %get3A_435 = arith.index_cast %add3A_434 : i32 to index
      %get3A_436 = tpu.vector_load %arg6[%get3A_435] {strides = array<i32>} : memref<32768xf32, #tpu.memory_space<vmem>>, vector<16xf32>,
      %mul3A_437 = arith.constant 256 : i32
      %mul3A_438 = arith.muli %while3A_378, %mul3A_437 : i32
      %add3A_439 = arith.constant 112 : i32
      %add3A_440 = arith.addi %mul3A_438, %add3A_439 : i32
      %get3A_441 = arith.index_cast %add3A_440 : i32 to index
      %get3A_442 = tpu.vector_load %arg6[%get3A_441] {strides = array<i32>} : memref<32768xf32, #tpu.memory_space<vmem>>, vector<16xf32>,
      %mul3A_443 = arith.constant 256 : i32
      %mul3A_444 = arith.muli %while3A_378, %mul3A_443 : i32
      %add3A_445 = arith.constant 128 : i32
      %add3A_446 = arith.addi %mul3A_444, %add3A_445 : i32
      %get3A_447 = arith.index_cast %add3A_446 : i32 to index
      %get3A_448 = tpu.vector_load %arg6[%get3A_447] {strides = array<i32>} : memref<32768xf32, #tpu.memory_space<vmem>>, vector<16xf32>,
      %mul3A_449 = arith.constant 256 : i32
      %mul3A_450 = arith.muli %while3A_378, %mul3A_449 : i32
      %add3A_451 = arith.constant 144 : i32
      %add3A_452 = arith.addi %mul3A_450, %add3A_451 : i32
      %get3A_453 = arith.index_cast %add3A_452 : i32 to index
      %get3A_454 = tpu.vector_load %arg6[%get3A_453] {strides = array<i32>} : memref<32768xf32, #tpu.memory_space<vmem>>, vector<16xf32>,
      %mul3A_455 = arith.constant 256 : i32
      %mul3A_456 = arith.muli %while3A_378, %mul3A_455 : i32
      %add3A_457 = arith.constant 160 : i32
      %add3A_458 = arith.addi %mul3A_456, %add3A_457 : i32
      %get3A_459 = arith.index_cast %add3A_458 : i32 to index
      %get3A_460 = tpu.vector_load %arg6[%get3A_459] {strides = array<i32>} : memref<32768xf32, #tpu.memory_space<vmem>>, vector<16xf32>,
      %mul3A_461 = arith.constant 256 : i32
      %mul3A_462 = arith.muli %while3A_378, %mul3A_461 : i32
      %add3A_463 = arith.constant 176 : i32
      %add3A_464 = arith.addi %mul3A_462, %add3A_463 : i32
      %get3A_465 = arith.index_cast %add3A_464 : i32 to index
      %get3A_466 = tpu.vector_load %arg6[%get3A_465] {strides = array<i32>} : memref<32768xf32, #tpu.memory_space<vmem>>, vector<16xf32>,
      %mul3A_467 = arith.constant 256 : i32
      %mul3A_468 = arith.muli %while3A_378, %mul3A_467 : i32
      %add3A_469 = arith.constant 192 : i32
      %add3A_470 = arith.addi %mul3A_468, %add3A_469 : i32
      %get3A_471 = arith.index_cast %add3A_470 : i32 to index
      %get3A_472 = tpu.vector_load %arg6[%get3A_471] {strides = array<i32>} : memref<32768xf32, #tpu.memory_space<vmem>>, vector<16xf32>,
      %mul3A_473 = arith.constant 256 : i32
      %mul3A_474 = arith.muli %while3A_378, %mul3A_473 : i32
      %add3A_475 = arith.constant 208 : i32
      %add3A_476 = arith.addi %mul3A_474, %add3A_475 : i32
      %get3A_477 = arith.index_cast %add3A_476 : i32 to index
      %get3A_478 = tpu.vector_load %arg6[%get3A_477] {strides = array<i32>} : memref<32768xf32, #tpu.memory_space<vmem>>, vector<16xf32>,
      %mul3A_479 = arith.constant 256 : i32
      %mul3A_480 = arith.muli %while3A_378, %mul3A_479 : i32
      %add3A_481 = arith.constant 224 : i32
      %add3A_482 = arith.addi %mul3A_480, %add3A_481 : i32
      %get3A_483 = arith.index_cast %add3A_482 : i32 to index
      %get3A_484 = tpu.vector_load %arg6[%get3A_483] {strides = array<i32>} : memref<32768xf32, #tpu.memory_space<vmem>>, vector<16xf32>,
      %mul3A_485 = arith.constant 256 : i32
      %mul3A_486 = arith.muli %while3A_378, %mul3A_485 : i32
      %add3A_487 = arith.constant 240 : i32
      %add3A_488 = arith.addi %mul3A_486, %add3A_487 : i32
      %get3A_489 = arith.index_cast %add3A_488 : i32 to index
      %get3A_490 = tpu.vector_load %arg6[%get3A_489] {strides = array<i32>} : memref<32768xf32, #tpu.memory_space<vmem>>, vector<16xf32>,
      %masked_sort3A = arith.constant dense<true> : vector<16xi1>
      %masked_sort3A_491, %masked_sort3A_492, %masked_sort3A_493 = tpu.sort %get3A_400, %get3A_400 masked %masked_sort3A {descending = true} : (vector<16xf32>, vector<16xf32>, vector<16xi1>) -> (vector<16xi1>, vector<16xf32>, vector<16xf32>)
      %masked_sort3A_494 = arith.constant dense<true> : vector<16xi1>
      %masked_sort3A_495, %masked_sort3A_496, %masked_sort3A_497 = tpu.sort %get3A_406, %get3A_406 masked %masked_sort3A_494 : (vector<16xf32>, vector<16xf32>, vector<16xi1>) -> (vector<16xi1>, vector<16xf32>, vector<16xf32>)
      %max3A = arith.maximumf %masked_sort3A_492, %masked_sort3A_496 : vector<16xf32>
      %min3A_498 = arith.minimumf %masked_sort3A_492, %masked_sort3A_496 : vector<16xf32>
      %masked_sort3A_499 = arith.constant dense<true> : vector<16xi1>
      %masked_sort3A_500, %masked_sort3A_501, %masked_sort3A_502 = tpu.sort %max3A, %max3A masked %masked_sort3A_499 {descending = true} : (vector<16xf32>, vector<16xf32>, vector<16xi1>) -> (vector<16xi1>, vector<16xf32>, vector<16xf32>)
      %masked_sort3A_503 = arith.constant dense<true> : vector<16xi1>
      %masked_sort3A_504, %masked_sort3A_505, %masked_sort3A_506 = tpu.sort %min3A_498, %min3A_498 masked %masked_sort3A_503 {descending = true} : (vector<16xf32>, vector<16xf32>, vector<16xi1>) -> (vector<16xi1>, vector<16xf32>, vector<16xf32>)
      %masked_sort3A_507 = arith.constant dense<true> : vector<16xi1>
      %masked_sort3A_508, %masked_sort3A_509, %masked_sort3A_510 = tpu.sort %get3A_412, %get3A_412 masked %masked_sort3A_507 {descending = true} : (vector<16xf32>, vector<16xf32>, vector<16xi1>) -> (vector<16xi1>, vector<16xf32>, vector<16xf32>)
      %masked_sort3A_511 = arith.constant dense<true> : vector<16xi1>
      %masked_sort3A_512, %masked_sort3A_513, %masked_sort3A_514 = tpu.sort %get3A_418, %get3A_418 masked %masked_sort3A_511 : (vector<16xf32>, vector<16xf32>, vector<16xi1>) -> (vector<16xi1>, vector<16xf32>, vector<16xf32>)
      %min3A_515 = arith.minimumf %masked_sort3A_509, %masked_sort3A_513 : vector<16xf32>
      %max3A_516 = arith.maximumf %masked_sort3A_509, %masked_sort3A_513 : vector<16xf32>
      %masked_sort3A_517 = arith.constant dense<true> : vector<16xi1>
      %masked_sort3A_518, %masked_sort3A_519, %masked_sort3A_520 = tpu.sort %min3A_515, %min3A_515 masked %masked_sort3A_517 : (vector<16xf32>, vector<16xf32>, vector<16xi1>) -> (vector<16xi1>, vector<16xf32>, vector<16xf32>)
      %masked_sort3A_521 = arith.constant dense<true> : vector<16xi1>
      %masked_sort3A_522, %masked_sort3A_523, %masked_sort3A_524 = tpu.sort %max3A_516, %max3A_516 masked %masked_sort3A_521 : (vector<16xf32>, vector<16xf32>, vector<16xi1>) -> (vector<16xi1>, vector<16xf32>, vector<16xf32>)
      %max3A_525 = arith.maximumf %masked_sort3A_501, %masked_sort3A_519 : vector<16xf32>
      %max3A_526 = arith.maximumf %masked_sort3A_505, %masked_sort3A_523 : vector<16xf32>
      %min3A_527 = arith.minimumf %masked_sort3A_501, %masked_sort3A_519 : vector<16xf32>
      %min3A_528 = arith.minimumf %masked_sort3A_505, %masked_sort3A_523 : vector<16xf32>
      %max3A_529 = arith.maximumf %max3A_525, %max3A_526 : vector<16xf32>
      %min3A_530 = arith.minimumf %max3A_525, %max3A_526 : vector<16xf32>
      %masked_sort3A_531 = arith.constant dense<true> : vector<16xi1>
      %masked_sort3A_532, %masked_sort3A_533, %masked_sort3A_534 = tpu.sort %max3A_529, %max3A_529 masked %masked_sort3A_531 {descending = true} : (vector<16xf32>, vector<16xf32>, vector<16xi1>) -> (vector<16xi1>, vector<16xf32>, vector<16xf32>)
      %masked_sort3A_535 = arith.constant dense<true> : vector<16xi1>
      %masked_sort3A_536, %masked_sort3A_537, %masked_sort3A_538 = tpu.sort %min3A_530, %min3A_530 masked %masked_sort3A_535 {descending = true} : (vector<16xf32>, vector<16xf32>, vector<16xi1>) -> (vector<16xi1>, vector<16xf32>, vector<16xf32>)
      %max3A_539 = arith.maximumf %min3A_527, %min3A_528 : vector<16xf32>
      %min3A_540 = arith.minimumf %min3A_527, %min3A_528 : vector<16xf32>
      %masked_sort3A_541 = arith.constant dense<true> : vector<16xi1>
      %masked_sort3A_542, %masked_sort3A_543, %masked_sort3A_544 = tpu.sort %max3A_539, %max3A_539 masked %masked_sort3A_541 {descending = true} : (vector<16xf32>, vector<16xf32>, vector<16xi1>) -> (vector<16xi1>, vector<16xf32>, vector<16xf32>)
      %masked_sort3A_545 = arith.constant dense<true> : vector<16xi1>
      %masked_sort3A_546, %masked_sort3A_547, %masked_sort3A_548 = tpu.sort %min3A_540, %min3A_540 masked %masked_sort3A_545 {descending = true} : (vector<16xf32>, vector<16xf32>, vector<16xi1>) -> (vector<16xi1>, vector<16xf32>, vector<16xf32>)
      %masked_sort3A_549 = arith.constant dense<true> : vector<16xi1>
      %masked_sort3A_550, %masked_sort3A_551, %masked_sort3A_552 = tpu.sort %get3A_424, %get3A_424 masked %masked_sort3A_549 {descending = true} : (vector<16xf32>, vector<16xf32>, vector<16xi1>) -> (vector<16xi1>, vector<16xf32>, vector<16xf32>)
      %masked_sort3A_553 = arith.constant dense<true> : vector<16xi1>
      %masked_sort3A_554, %masked_sort3A_555, %masked_sort3A_556 = tpu.sort %get3A_430, %get3A_430 masked %masked_sort3A_553 : (vector<16xf32>, vector<16xf32>, vector<16xi1>) -> (vector<16xi1>, vector<16xf32>, vector<16xf32>)
      %max3A_557 = arith.maximumf %masked_sort3A_551, %masked_sort3A_555 : vector<16xf32>
      %min3A_558 = arith.minimumf %masked_sort3A_551, %masked_sort3A_555 : vector<16xf32>
      %masked_sort3A_559 = arith.constant dense<true> : vector<16xi1>
      %masked_sort3A_560, %masked_sort3A_561, %masked_sort3A_562 = tpu.sort %max3A_557, %max3A_557 masked %masked_sort3A_559 {descending = true} : (vector<16xf32>, vector<16xf32>, vector<16xi1>) -> (vector<16xi1>, vector<16xf32>, vector<16xf32>)
      %masked_sort3A_563 = arith.constant dense<true> : vector<16xi1>
      %masked_sort3A_564, %masked_sort3A_565, %masked_sort3A_566 = tpu.sort %min3A_558, %min3A_558 masked %masked_sort3A_563 {descending = true} : (vector<16xf32>, vector<16xf32>, vector<16xi1>) -> (vector<16xi1>, vector<16xf32>, vector<16xf32>)
      %masked_sort3A_567 = arith.constant dense<true> : vector<16xi1>
      %masked_sort3A_568, %masked_sort3A_569, %masked_sort3A_570 = tpu.sort %get3A_436, %get3A_436 masked %masked_sort3A_567 {descending = true} : (vector<16xf32>, vector<16xf32>, vector<16xi1>) -> (vector<16xi1>, vector<16xf32>, vector<16xf32>)
      %masked_sort3A_571 = arith.constant dense<true> : vector<16xi1>
      %masked_sort3A_572, %masked_sort3A_573, %masked_sort3A_574 = tpu.sort %get3A_442, %get3A_442 masked %masked_sort3A_571 : (vector<16xf32>, vector<16xf32>, vector<16xi1>) -> (vector<16xi1>, vector<16xf32>, vector<16xf32>)
      %min3A_575 = arith.minimumf %masked_sort3A_569, %masked_sort3A_573 : vector<16xf32>
      %max3A_576 = arith.maximumf %masked_sort3A_569, %masked_sort3A_573 : vector<16xf32>
      %masked_sort3A_577 = arith.constant dense<true> : vector<16xi1>
      %masked_sort3A_578, %masked_sort3A_579, %masked_sort3A_580 = tpu.sort %min3A_575, %min3A_575 masked %masked_sort3A_577 : (vector<16xf32>, vector<16xf32>, vector<16xi1>) -> (vector<16xi1>, vector<16xf32>, vector<16xf32>)
      %masked_sort3A_581 = arith.constant dense<true> : vector<16xi1>
      %masked_sort3A_582, %masked_sort3A_583, %masked_sort3A_584 = tpu.sort %max3A_576, %max3A_576 masked %masked_sort3A_581 : (vector<16xf32>, vector<16xf32>, vector<16xi1>) -> (vector<16xi1>, vector<16xf32>, vector<16xf32>)
      %min3A_585 = arith.minimumf %masked_sort3A_561, %masked_sort3A_579 : vector<16xf32>
      %min3A_586 = arith.minimumf %masked_sort3A_565, %masked_sort3A_583 : vector<16xf32>
      %max3A_587 = arith.maximumf %masked_sort3A_561, %masked_sort3A_579 : vector<16xf32>
      %max3A_588 = arith.maximumf %masked_sort3A_565, %masked_sort3A_583 : vector<16xf32>
      %min3A_589 = arith.minimumf %min3A_585, %min3A_586 : vector<16xf32>
      %max3A_590 = arith.maximumf %min3A_585, %min3A_586 : vector<16xf32>
      %masked_sort3A_591 = arith.constant dense<true> : vector<16xi1>
      %masked_sort3A_592, %masked_sort3A_593, %masked_sort3A_594 = tpu.sort %min3A_589, %min3A_589 masked %masked_sort3A_591 : (vector<16xf32>, vector<16xf32>, vector<16xi1>) -> (vector<16xi1>, vector<16xf32>, vector<16xf32>)
      %masked_sort3A_595 = arith.constant dense<true> : vector<16xi1>
      %masked_sort3A_596, %masked_sort3A_597, %masked_sort3A_598 = tpu.sort %max3A_590, %max3A_590 masked %masked_sort3A_595 : (vector<16xf32>, vector<16xf32>, vector<16xi1>) -> (vector<16xi1>, vector<16xf32>, vector<16xf32>)
      %min3A_599 = arith.minimumf %max3A_587, %max3A_588 : vector<16xf32>
      %max3A_600 = arith.maximumf %max3A_587, %max3A_588 : vector<16xf32>
      %masked_sort3A_601 = arith.constant dense<true> : vector<16xi1>
      %masked_sort3A_602, %masked_sort3A_603, %masked_sort3A_604 = tpu.sort %min3A_599, %min3A_599 masked %masked_sort3A_601 : (vector<16xf32>, vector<16xf32>, vector<16xi1>) -> (vector<16xi1>, vector<16xf32>, vector<16xf32>)
      %masked_sort3A_605 = arith.constant dense<true> : vector<16xi1>
      %masked_sort3A_606, %masked_sort3A_607, %masked_sort3A_608 = tpu.sort %max3A_600, %max3A_600 masked %masked_sort3A_605 : (vector<16xf32>, vector<16xf32>, vector<16xi1>) -> (vector<16xi1>, vector<16xf32>, vector<16xf32>)
      %max3A_609 = arith.maximumf %masked_sort3A_533, %masked_sort3A_593 : vector<16xf32>
      %max3A_610 = arith.maximumf %masked_sort3A_537, %masked_sort3A_597 : vector<16xf32>
      %max3A_611 = arith.maximumf %masked_sort3A_543, %masked_sort3A_603 : vector<16xf32>
      %max3A_612 = arith.maximumf %masked_sort3A_547, %masked_sort3A_607 : vector<16xf32>
      %min3A_613 = arith.minimumf %masked_sort3A_533, %masked_sort3A_593 : vector<16xf32>
      %min3A_614 = arith.minimumf %masked_sort3A_537, %masked_sort3A_597 : vector<16xf32>
      %min3A_615 = arith.minimumf %masked_sort3A_543, %masked_sort3A_603 : vector<16xf32>
      %min3A_616 = arith.minimumf %masked_sort3A_547, %masked_sort3A_607 : vector<16xf32>
      %max3A_617 = arith.maximumf %max3A_609, %max3A_611 : vector<16xf32>
      %max3A_618 = arith.maximumf %max3A_610, %max3A_612 : vector<16xf32>
      %min3A_619 = arith.minimumf %max3A_609, %max3A_611 : vector<16xf32>
      %min3A_620 = arith.minimumf %max3A_610, %max3A_612 : vector<16xf32>
      %max3A_621 = arith.maximumf %max3A_617, %max3A_618 : vector<16xf32>
      %min3A_622 = arith.minimumf %max3A_617, %max3A_618 : vector<16xf32>
      %masked_sort3A_623 = arith.constant dense<true> : vector<16xi1>
      %masked_sort3A_624, %masked_sort3A_625, %masked_sort3A_626 = tpu.sort %max3A_621, %max3A_621 masked %masked_sort3A_623 {descending = true} : (vector<16xf32>, vector<16xf32>, vector<16xi1>) -> (vector<16xi1>, vector<16xf32>, vector<16xf32>)
      %masked_sort3A_627 = arith.constant dense<true> : vector<16xi1>
      %masked_sort3A_628, %masked_sort3A_629, %masked_sort3A_630 = tpu.sort %min3A_622, %min3A_622 masked %masked_sort3A_627 {descending = true} : (vector<16xf32>, vector<16xf32>, vector<16xi1>) -> (vector<16xi1>, vector<16xf32>, vector<16xf32>)
      %max3A_631 = arith.maximumf %min3A_619, %min3A_620 : vector<16xf32>
      %min3A_632 = arith.minimumf %min3A_619, %min3A_620 : vector<16xf32>
      %masked_sort3A_633 = arith.constant dense<true> : vector<16xi1>
      %masked_sort3A_634, %masked_sort3A_635, %masked_sort3A_636 = tpu.sort %max3A_631, %max3A_631 masked %masked_sort3A_633 {descending = true} : (vector<16xf32>, vector<16xf32>, vector<16xi1>) -> (vector<16xi1>, vector<16xf32>, vector<16xf32>)
      %masked_sort3A_637 = arith.constant dense<true> : vector<16xi1>
      %masked_sort3A_638, %masked_sort3A_639, %masked_sort3A_640 = tpu.sort %min3A_632, %min3A_632 masked %masked_sort3A_637 {descending = true} : (vector<16xf32>, vector<16xf32>, vector<16xi1>) -> (vector<16xi1>, vector<16xf32>, vector<16xf32>)
      %max3A_641 = arith.maximumf %min3A_613, %min3A_615 : vector<16xf32>
      %max3A_642 = arith.maximumf %min3A_614, %min3A_616 : vector<16xf32>
      %min3A_643 = arith.minimumf %min3A_613, %min3A_615 : vector<16xf32>
      %min3A_644 = arith.minimumf %min3A_614, %min3A_616 : vector<16xf32>
      %max3A_645 = arith.maximumf %max3A_641, %max3A_642 : vector<16xf32>
      %min3A_646 = arith.minimumf %max3A_641, %max3A_642 : vector<16xf32>
      %masked_sort3A_647 = arith.constant dense<true> : vector<16xi1>
      %masked_sort3A_648, %masked_sort3A_649, %masked_sort3A_650 = tpu.sort %max3A_645, %max3A_645 masked %masked_sort3A_647 {descending = true} : (vector<16xf32>, vector<16xf32>, vector<16xi1>) -> (vector<16xi1>, vector<16xf32>, vector<16xf32>)
      %masked_sort3A_651 = arith.constant dense<true> : vector<16xi1>
      %masked_sort3A_652, %masked_sort3A_653, %masked_sort3A_654 = tpu.sort %min3A_646, %min3A_646 masked %masked_sort3A_651 {descending = true} : (vector<16xf32>, vector<16xf32>, vector<16xi1>) -> (vector<16xi1>, vector<16xf32>, vector<16xf32>)
      %max3A_655 = arith.maximumf %min3A_643, %min3A_644 : vector<16xf32>
      %min3A_656 = arith.minimumf %min3A_643, %min3A_644 : vector<16xf32>
      %masked_sort3A_657 = arith.constant dense<true> : vector<16xi1>
      %masked_sort3A_658, %masked_sort3A_659, %masked_sort3A_660 = tpu.sort %max3A_655, %max3A_655 masked %masked_sort3A_657 {descending = true} : (vector<16xf32>, vector<16xf32>, vector<16xi1>) -> (vector<16xi1>, vector<16xf32>, vector<16xf32>)
      %masked_sort3A_661 = arith.constant dense<true> : vector<16xi1>
      %masked_sort3A_662, %masked_sort3A_663, %masked_sort3A_664 = tpu.sort %min3A_656, %min3A_656 masked %masked_sort3A_661 {descending = true} : (vector<16xf32>, vector<16xf32>, vector<16xi1>) -> (vector<16xi1>, vector<16xf32>, vector<16xf32>)
      %masked_sort3A_665 = arith.constant dense<true> : vector<16xi1>
      %masked_sort3A_666, %masked_sort3A_667, %masked_sort3A_668 = tpu.sort %get3A_448, %get3A_448 masked %masked_sort3A_665 {descending = true} : (vector<16xf32>, vector<16xf32>, vector<16xi1>) -> (vector<16xi1>, vector<16xf32>, vector<16xf32>)
      %masked_sort3A_669 = arith.constant dense<true> : vector<16xi1>
      %masked_sort3A_670, %masked_sort3A_671, %masked_sort3A_672 = tpu.sort %get3A_454, %get3A_454 masked %masked_sort3A_669 : (vector<16xf32>, vector<16xf32>, vector<16xi1>) -> (vector<16xi1>, vector<16xf32>, vector<16xf32>)
      %max3A_673 = arith.maximumf %masked_sort3A_667, %masked_sort3A_671 : vector<16xf32>
      %min3A_674 = arith.minimumf %masked_sort3A_667, %masked_sort3A_671 : vector<16xf32>
      %masked_sort3A_675 = arith.constant dense<true> : vector<16xi1>
      %masked_sort3A_676, %masked_sort3A_677, %masked_sort3A_678 = tpu.sort %max3A_673, %max3A_673 masked %masked_sort3A_675 {descending = true} : (vector<16xf32>, vector<16xf32>, vector<16xi1>) -> (vector<16xi1>, vector<16xf32>, vector<16xf32>)
      %masked_sort3A_679 = arith.constant dense<true> : vector<16xi1>
      %masked_sort3A_680, %masked_sort3A_681, %masked_sort3A_682 = tpu.sort %min3A_674, %min3A_674 masked %masked_sort3A_679 {descending = true} : (vector<16xf32>, vector<16xf32>, vector<16xi1>) -> (vector<16xi1>, vector<16xf32>, vector<16xf32>)
      %masked_sort3A_683 = arith.constant dense<true> : vector<16xi1>
      %masked_sort3A_684, %masked_sort3A_685, %masked_sort3A_686 = tpu.sort %get3A_460, %get3A_460 masked %masked_sort3A_683 {descending = true} : (vector<16xf32>, vector<16xf32>, vector<16xi1>) -> (vector<16xi1>, vector<16xf32>, vector<16xf32>)
      %masked_sort3A_687 = arith.constant dense<true> : vector<16xi1>
      %masked_sort3A_688, %masked_sort3A_689, %masked_sort3A_690 = tpu.sort %get3A_466, %get3A_466 masked %masked_sort3A_687 : (vector<16xf32>, vector<16xf32>, vector<16xi1>) -> (vector<16xi1>, vector<16xf32>, vector<16xf32>)
      %min3A_691 = arith.minimumf %masked_sort3A_685, %masked_sort3A_689 : vector<16xf32>
      %max3A_692 = arith.maximumf %masked_sort3A_685, %masked_sort3A_689 : vector<16xf32>
      %masked_sort3A_693 = arith.constant dense<true> : vector<16xi1>
      %masked_sort3A_694, %masked_sort3A_695, %masked_sort3A_696 = tpu.sort %min3A_691, %min3A_691 masked %masked_sort3A_693 : (vector<16xf32>, vector<16xf32>, vector<16xi1>) -> (vector<16xi1>, vector<16xf32>, vector<16xf32>)
      %masked_sort3A_697 = arith.constant dense<true> : vector<16xi1>
      %masked_sort3A_698, %masked_sort3A_699, %masked_sort3A_700 = tpu.sort %max3A_692, %max3A_692 masked %masked_sort3A_697 : (vector<16xf32>, vector<16xf32>, vector<16xi1>) -> (vector<16xi1>, vector<16xf32>, vector<16xf32>)
      %max3A_701 = arith.maximumf %masked_sort3A_677, %masked_sort3A_695 : vector<16xf32>
      %max3A_702 = arith.maximumf %masked_sort3A_681, %masked_sort3A_699 : vector<16xf32>
      %min3A_703 = arith.minimumf %masked_sort3A_677, %masked_sort3A_695 : vector<16xf32>
      %min3A_704 = arith.minimumf %masked_sort3A_681, %masked_sort3A_699 : vector<16xf32>
      %max3A_705 = arith.maximumf %max3A_701, %max3A_702 : vector<16xf32>
      %min3A_706 = arith.minimumf %max3A_701, %max3A_702 : vector<16xf32>
      %masked_sort3A_707 = arith.constant dense<true> : vector<16xi1>
      %masked_sort3A_708, %masked_sort3A_709, %masked_sort3A_710 = tpu.sort %max3A_705, %max3A_705 masked %masked_sort3A_707 {descending = true} : (vector<16xf32>, vector<16xf32>, vector<16xi1>) -> (vector<16xi1>, vector<16xf32>, vector<16xf32>)
      %masked_sort3A_711 = arith.constant dense<true> : vector<16xi1>
      %masked_sort3A_712, %masked_sort3A_713, %masked_sort3A_714 = tpu.sort %min3A_706, %min3A_706 masked %masked_sort3A_711 {descending = true} : (vector<16xf32>, vector<16xf32>, vector<16xi1>) -> (vector<16xi1>, vector<16xf32>, vector<16xf32>)
      %max3A_715 = arith.maximumf %min3A_703, %min3A_704 : vector<16xf32>
      %min3A_716 = arith.minimumf %min3A_703, %min3A_704 : vector<16xf32>
      %masked_sort3A_717 = arith.constant dense<true> : vector<16xi1>
      %masked_sort3A_718, %masked_sort3A_719, %masked_sort3A_720 = tpu.sort %max3A_715, %max3A_715 masked %masked_sort3A_717 {descending = true} : (vector<16xf32>, vector<16xf32>, vector<16xi1>) -> (vector<16xi1>, vector<16xf32>, vector<16xf32>)
      %masked_sort3A_721 = arith.constant dense<true> : vector<16xi1>
      %masked_sort3A_722, %masked_sort3A_723, %masked_sort3A_724 = tpu.sort %min3A_716, %min3A_716 masked %masked_sort3A_721 {descending = true} : (vector<16xf32>, vector<16xf32>, vector<16xi1>) -> (vector<16xi1>, vector<16xf32>, vector<16xf32>)
      %masked_sort3A_725 = arith.constant dense<true> : vector<16xi1>
      %masked_sort3A_726, %masked_sort3A_727, %masked_sort3A_728 = tpu.sort %get3A_472, %get3A_472 masked %masked_sort3A_725 {descending = true} : (vector<16xf32>, vector<16xf32>, vector<16xi1>) -> (vector<16xi1>, vector<16xf32>, vector<16xf32>)
      %masked_sort3A_729 = arith.constant dense<true> : vector<16xi1>
      %masked_sort3A_730, %masked_sort3A_731, %masked_sort3A_732 = tpu.sort %get3A_478, %get3A_478 masked %masked_sort3A_729 : (vector<16xf32>, vector<16xf32>, vector<16xi1>) -> (vector<16xi1>, vector<16xf32>, vector<16xf32>)
      %max3A_733 = arith.maximumf %masked_sort3A_727, %masked_sort3A_731 : vector<16xf32>
      %min3A_734 = arith.minimumf %masked_sort3A_727, %masked_sort3A_731 : vector<16xf32>
      %masked_sort3A_735 = arith.constant dense<true> : vector<16xi1>
      %masked_sort3A_736, %masked_sort3A_737, %masked_sort3A_738 = tpu.sort %max3A_733, %max3A_733 masked %masked_sort3A_735 {descending = true} : (vector<16xf32>, vector<16xf32>, vector<16xi1>) -> (vector<16xi1>, vector<16xf32>, vector<16xf32>)
      %masked_sort3A_739 = arith.constant dense<true> : vector<16xi1>
      %masked_sort3A_740, %masked_sort3A_741, %masked_sort3A_742 = tpu.sort %min3A_734, %min3A_734 masked %masked_sort3A_739 {descending = true} : (vector<16xf32>, vector<16xf32>, vector<16xi1>) -> (vector<16xi1>, vector<16xf32>, vector<16xf32>)
      %masked_sort3A_743 = arith.constant dense<true> : vector<16xi1>
      %masked_sort3A_744, %masked_sort3A_745, %masked_sort3A_746 = tpu.sort %get3A_484, %get3A_484 masked %masked_sort3A_743 {descending = true} : (vector<16xf32>, vector<16xf32>, vector<16xi1>) -> (vector<16xi1>, vector<16xf32>, vector<16xf32>)
      %masked_sort3A_747 = arith.constant dense<true> : vector<16xi1>
      %masked_sort3A_748, %masked_sort3A_749, %masked_sort3A_750 = tpu.sort %get3A_490, %get3A_490 masked %masked_sort3A_747 : (vector<16xf32>, vector<16xf32>, vector<16xi1>) -> (vector<16xi1>, vector<16xf32>, vector<16xf32>)
      %min3A_751 = arith.minimumf %masked_sort3A_745, %masked_sort3A_749 : vector<16xf32>
      %max3A_752 = arith.maximumf %masked_sort3A_745, %masked_sort3A_749 : vector<16xf32>
      %masked_sort3A_753 = arith.constant dense<true> : vector<16xi1>
      %masked_sort3A_754, %masked_sort3A_755, %masked_sort3A_756 = tpu.sort %min3A_751, %min3A_751 masked %masked_sort3A_753 : (vector<16xf32>, vector<16xf32>, vector<16xi1>) -> (vector<16xi1>, vector<16xf32>, vector<16xf32>)
      %masked_sort3A_757 = arith.constant dense<true> : vector<16xi1>
      %masked_sort3A_758, %masked_sort3A_759, %masked_sort3A_760 = tpu.sort %max3A_752, %max3A_752 masked %masked_sort3A_757 : (vector<16xf32>, vector<16xf32>, vector<16xi1>) -> (vector<16xi1>, vector<16xf32>, vector<16xf32>)
      %min3A_761 = arith.minimumf %masked_sort3A_737, %masked_sort3A_755 : vector<16xf32>
      %min3A_762 = arith.minimumf %masked_sort3A_741, %masked_sort3A_759 : vector<16xf32>
      %max3A_763 = arith.maximumf %masked_sort3A_737, %masked_sort3A_755 : vector<16xf32>
      %max3A_764 = arith.maximumf %masked_sort3A_741, %masked_sort3A_759 : vector<16xf32>
      %min3A_765 = arith.minimumf %min3A_761, %min3A_762 : vector<16xf32>
      %max3A_766 = arith.maximumf %min3A_761, %min3A_762 : vector<16xf32>
      %masked_sort3A_767 = arith.constant dense<true> : vector<16xi1>
      %masked_sort3A_768, %masked_sort3A_769, %masked_sort3A_770 = tpu.sort %min3A_765, %min3A_765 masked %masked_sort3A_767 : (vector<16xf32>, vector<16xf32>, vector<16xi1>) -> (vector<16xi1>, vector<16xf32>, vector<16xf32>)
      %masked_sort3A_771 = arith.constant dense<true> : vector<16xi1>
      %masked_sort3A_772, %masked_sort3A_773, %masked_sort3A_774 = tpu.sort %max3A_766, %max3A_766 masked %masked_sort3A_771 : (vector<16xf32>, vector<16xf32>, vector<16xi1>) -> (vector<16xi1>, vector<16xf32>, vector<16xf32>)
      %min3A_775 = arith.minimumf %max3A_763, %max3A_764 : vector<16xf32>
      %max3A_776 = arith.maximumf %max3A_763, %max3A_764 : vector<16xf32>
      %masked_sort3A_777 = arith.constant dense<true> : vector<16xi1>
      %masked_sort3A_778, %masked_sort3A_779, %masked_sort3A_780 = tpu.sort %min3A_775, %min3A_775 masked %masked_sort3A_777 : (vector<16xf32>, vector<16xf32>, vector<16xi1>) -> (vector<16xi1>, vector<16xf32>, vector<16xf32>)
      %masked_sort3A_781 = arith.constant dense<true> : vector<16xi1>
      %masked_sort3A_782, %masked_sort3A_783, %masked_sort3A_784 = tpu.sort %max3A_776, %max3A_776 masked %masked_sort3A_781 : (vector<16xf32>, vector<16xf32>, vector<16xi1>) -> (vector<16xi1>, vector<16xf32>, vector<16xf32>)
      %min3A_785 = arith.minimumf %masked_sort3A_709, %masked_sort3A_769 : vector<16xf32>
      %min3A_786 = arith.minimumf %masked_sort3A_713, %masked_sort3A_773 : vector<16xf32>
      %min3A_787 = arith.minimumf %masked_sort3A_719, %masked_sort3A_779 : vector<16xf32>
      %min3A_788 = arith.minimumf %masked_sort3A_723, %masked_sort3A_783 : vector<16xf32>
      %max3A_789 = arith.maximumf %masked_sort3A_709, %masked_sort3A_769 : vector<16xf32>
      %max3A_790 = arith.maximumf %masked_sort3A_713, %masked_sort3A_773 : vector<16xf32>
      %max3A_791 = arith.maximumf %masked_sort3A_719, %masked_sort3A_779 : vector<16xf32>
      %max3A_792 = arith.maximumf %masked_sort3A_723, %masked_sort3A_783 : vector<16xf32>
      %min3A_793 = arith.minimumf %min3A_785, %min3A_787 : vector<16xf32>
      %min3A_794 = arith.minimumf %min3A_786, %min3A_788 : vector<16xf32>
      %max3A_795 = arith.maximumf %min3A_785, %min3A_787 : vector<16xf32>
      %max3A_796 = arith.maximumf %min3A_786, %min3A_788 : vector<16xf32>
      %min3A_797 = arith.minimumf %min3A_793, %min3A_794 : vector<16xf32>
      %max3A_798 = arith.maximumf %min3A_793, %min3A_794 : vector<16xf32>
      %masked_sort3A_799 = arith.constant dense<true> : vector<16xi1>
      %masked_sort3A_800, %masked_sort3A_801, %masked_sort3A_802 = tpu.sort %min3A_797, %min3A_797 masked %masked_sort3A_799 : (vector<16xf32>, vector<16xf32>, vector<16xi1>) -> (vector<16xi1>, vector<16xf32>, vector<16xf32>)
      %masked_sort3A_803 = arith.constant dense<true> : vector<16xi1>
      %masked_sort3A_804, %masked_sort3A_805, %masked_sort3A_806 = tpu.sort %max3A_798, %max3A_798 masked %masked_sort3A_803 : (vector<16xf32>, vector<16xf32>, vector<16xi1>) -> (vector<16xi1>, vector<16xf32>, vector<16xf32>)
      %min3A_807 = arith.minimumf %max3A_795, %max3A_796 : vector<16xf32>
      %max3A_808 = arith.maximumf %max3A_795, %max3A_796 : vector<16xf32>
      %masked_sort3A_809 = arith.constant dense<true> : vector<16xi1>
      %masked_sort3A_810, %masked_sort3A_811, %masked_sort3A_812 = tpu.sort %min3A_807, %min3A_807 masked %masked_sort3A_809 : (vector<16xf32>, vector<16xf32>, vector<16xi1>) -> (vector<16xi1>, vector<16xf32>, vector<16xf32>)
      %masked_sort3A_813 = arith.constant dense<true> : vector<16xi1>
      %masked_sort3A_814, %masked_sort3A_815, %masked_sort3A_816 = tpu.sort %max3A_808, %max3A_808 masked %masked_sort3A_813 : (vector<16xf32>, vector<16xf32>, vector<16xi1>) -> (vector<16xi1>, vector<16xf32>, vector<16xf32>)
      %min3A_817 = arith.minimumf %max3A_789, %max3A_791 : vector<16xf32>
      %min3A_818 = arith.minimumf %max3A_790, %max3A_792 : vector<16xf32>
      %max3A_819 = arith.maximumf %max3A_789, %max3A_791 : vector<16xf32>
      %max3A_820 = arith.maximumf %max3A_790, %max3A_792 : vector<16xf32>
      %min3A_821 = arith.minimumf %min3A_817, %min3A_818 : vector<16xf32>
      %max3A_822 = arith.maximumf %min3A_817, %min3A_818 : vector<16xf32>
      %masked_sort3A_823 = arith.constant dense<true> : vector<16xi1>
      %masked_sort3A_824, %masked_sort3A_825, %masked_sort3A_826 = tpu.sort %min3A_821, %min3A_821 masked %masked_sort3A_823 : (vector<16xf32>, vector<16xf32>, vector<16xi1>) -> (vector<16xi1>, vector<16xf32>, vector<16xf32>)
      %masked_sort3A_827 = arith.constant dense<true> : vector<16xi1>
      %masked_sort3A_828, %masked_sort3A_829, %masked_sort3A_830 = tpu.sort %max3A_822, %max3A_822 masked %masked_sort3A_827 : (vector<16xf32>, vector<16xf32>, vector<16xi1>) -> (vector<16xi1>, vector<16xf32>, vector<16xf32>)
      %min3A_831 = arith.minimumf %max3A_819, %max3A_820 : vector<16xf32>
      %max3A_832 = arith.maximumf %max3A_819, %max3A_820 : vector<16xf32>
      %masked_sort3A_833 = arith.constant dense<true> : vector<16xi1>
      %masked_sort3A_834, %masked_sort3A_835, %masked_sort3A_836 = tpu.sort %min3A_831, %min3A_831 masked %masked_sort3A_833 : (vector<16xf32>, vector<16xf32>, vector<16xi1>) -> (vector<16xi1>, vector<16xf32>, vector<16xf32>)
      %masked_sort3A_837 = arith.constant dense<true> : vector<16xi1>
      %masked_sort3A_838, %masked_sort3A_839, %masked_sort3A_840 = tpu.sort %max3A_832, %max3A_832 masked %masked_sort3A_837 : (vector<16xf32>, vector<16xf32>, vector<16xi1>) -> (vector<16xi1>, vector<16xf32>, vector<16xf32>)
      %min3A_841 = arith.minimumf %masked_sort3A_625, %masked_sort3A_801 : vector<16xf32>
      %min3A_842 = arith.minimumf %masked_sort3A_629, %masked_sort3A_805 : vector<16xf32>
      %min3A_843 = arith.minimumf %masked_sort3A_635, %masked_sort3A_811 : vector<16xf32>
      %min3A_844 = arith.minimumf %masked_sort3A_639, %masked_sort3A_815 : vector<16xf32>
      %min3A_845 = arith.minimumf %masked_sort3A_649, %masked_sort3A_825 : vector<16xf32>
      %min3A_846 = arith.minimumf %masked_sort3A_653, %masked_sort3A_829 : vector<16xf32>
      %min3A_847 = arith.minimumf %masked_sort3A_659, %masked_sort3A_835 : vector<16xf32>
      %min3A_848 = arith.minimumf %masked_sort3A_663, %masked_sort3A_839 : vector<16xf32>
      %max3A_849 = arith.maximumf %masked_sort3A_625, %masked_sort3A_801 : vector<16xf32>
      %max3A_850 = arith.maximumf %masked_sort3A_629, %masked_sort3A_805 : vector<16xf32>
      %max3A_851 = arith.maximumf %masked_sort3A_635, %masked_sort3A_811 : vector<16xf32>
      %max3A_852 = arith.maximumf %masked_sort3A_639, %masked_sort3A_815 : vector<16xf32>
      %max3A_853 = arith.maximumf %masked_sort3A_649, %masked_sort3A_825 : vector<16xf32>
      %max3A_854 = arith.maximumf %masked_sort3A_653, %masked_sort3A_829 : vector<16xf32>
      %max3A_855 = arith.maximumf %masked_sort3A_659, %masked_sort3A_835 : vector<16xf32>
      %max3A_856 = arith.maximumf %masked_sort3A_663, %masked_sort3A_839 : vector<16xf32>
      %min3A_857 = arith.minimumf %min3A_841, %min3A_845 : vector<16xf32>
      %min3A_858 = arith.minimumf %min3A_842, %min3A_846 : vector<16xf32>
      %min3A_859 = arith.minimumf %min3A_843, %min3A_847 : vector<16xf32>
      %min3A_860 = arith.minimumf %min3A_844, %min3A_848 : vector<16xf32>
      %max3A_861 = arith.maximumf %min3A_841, %min3A_845 : vector<16xf32>
      %max3A_862 = arith.maximumf %min3A_842, %min3A_846 : vector<16xf32>
      %max3A_863 = arith.maximumf %min3A_843, %min3A_847 : vector<16xf32>
      %max3A_864 = arith.maximumf %min3A_844, %min3A_848 : vector<16xf32>
      %min3A_865 = arith.minimumf %min3A_857, %min3A_859 : vector<16xf32>
      %min3A_866 = arith.minimumf %min3A_858, %min3A_860 : vector<16xf32>
      %max3A_867 = arith.maximumf %min3A_857, %min3A_859 : vector<16xf32>
      %max3A_868 = arith.maximumf %min3A_858, %min3A_860 : vector<16xf32>
      %min3A_869 = arith.minimumf %min3A_865, %min3A_866 : vector<16xf32>
      %max3A_870 = arith.maximumf %min3A_865, %min3A_866 : vector<16xf32>
      %masked_sort3A_871 = arith.constant dense<true> : vector<16xi1>
      %masked_sort3A_872, %masked_sort3A_873, %masked_sort3A_874 = tpu.sort %min3A_869, %min3A_869 masked %masked_sort3A_871 : (vector<16xf32>, vector<16xf32>, vector<16xi1>) -> (vector<16xi1>, vector<16xf32>, vector<16xf32>)
      %masked_sort3A_875 = arith.constant dense<true> : vector<16xi1>
      %masked_sort3A_876, %masked_sort3A_877, %masked_sort3A_878 = tpu.sort %max3A_870, %max3A_870 masked %masked_sort3A_875 : (vector<16xf32>, vector<16xf32>, vector<16xi1>) -> (vector<16xi1>, vector<16xf32>, vector<16xf32>)
      %min3A_879 = arith.minimumf %max3A_867, %max3A_868 : vector<16xf32>
      %max3A_880 = arith.maximumf %max3A_867, %max3A_868 : vector<16xf32>
      %masked_sort3A_881 = arith.constant dense<true> : vector<16xi1>
      %masked_sort3A_882, %masked_sort3A_883, %masked_sort3A_884 = tpu.sort %min3A_879, %min3A_879 masked %masked_sort3A_881 : (vector<16xf32>, vector<16xf32>, vector<16xi1>) -> (vector<16xi1>, vector<16xf32>, vector<16xf32>)
      %masked_sort3A_885 = arith.constant dense<true> : vector<16xi1>
      %masked_sort3A_886, %masked_sort3A_887, %masked_sort3A_888 = tpu.sort %max3A_880, %max3A_880 masked %masked_sort3A_885 : (vector<16xf32>, vector<16xf32>, vector<16xi1>) -> (vector<16xi1>, vector<16xf32>, vector<16xf32>)
      %min3A_889 = arith.minimumf %max3A_861, %max3A_863 : vector<16xf32>
      %min3A_890 = arith.minimumf %max3A_862, %max3A_864 : vector<16xf32>
      %max3A_891 = arith.maximumf %max3A_861, %max3A_863 : vector<16xf32>
      %max3A_892 = arith.maximumf %max3A_862, %max3A_864 : vector<16xf32>
      %min3A_893 = arith.minimumf %min3A_889, %min3A_890 : vector<16xf32>
      %max3A_894 = arith.maximumf %min3A_889, %min3A_890 : vector<16xf32>
      %masked_sort3A_895 = arith.constant dense<true> : vector<16xi1>
      %masked_sort3A_896, %masked_sort3A_897, %masked_sort3A_898 = tpu.sort %min3A_893, %min3A_893 masked %masked_sort3A_895 : (vector<16xf32>, vector<16xf32>, vector<16xi1>) -> (vector<16xi1>, vector<16xf32>, vector<16xf32>)
      %masked_sort3A_899 = arith.constant dense<true> : vector<16xi1>
      %masked_sort3A_900, %masked_sort3A_901, %masked_sort3A_902 = tpu.sort %max3A_894, %max3A_894 masked %masked_sort3A_899 : (vector<16xf32>, vector<16xf32>, vector<16xi1>) -> (vector<16xi1>, vector<16xf32>, vector<16xf32>)
      %min3A_903 = arith.minimumf %max3A_891, %max3A_892 : vector<16xf32>
      %max3A_904 = arith.maximumf %max3A_891, %max3A_892 : vector<16xf32>
      %masked_sort3A_905 = arith.constant dense<true> : vector<16xi1>
      %masked_sort3A_906, %masked_sort3A_907, %masked_sort3A_908 = tpu.sort %min3A_903, %min3A_903 masked %masked_sort3A_905 : (vector<16xf32>, vector<16xf32>, vector<16xi1>) -> (vector<16xi1>, vector<16xf32>, vector<16xf32>)
      %masked_sort3A_909 = arith.constant dense<true> : vector<16xi1>
      %masked_sort3A_910, %masked_sort3A_911, %masked_sort3A_912 = tpu.sort %max3A_904, %max3A_904 masked %masked_sort3A_909 : (vector<16xf32>, vector<16xf32>, vector<16xi1>) -> (vector<16xi1>, vector<16xf32>, vector<16xf32>)
      %min3A_913 = arith.minimumf %max3A_849, %max3A_853 : vector<16xf32>
      %min3A_914 = arith.minimumf %max3A_850, %max3A_854 : vector<16xf32>
      %min3A_915 = arith.minimumf %max3A_851, %max3A_855 : vector<16xf32>
      %min3A_916 = arith.minimumf %max3A_852, %max3A_856 : vector<16xf32>
      %max3A_917 = arith.maximumf %max3A_849, %max3A_853 : vector<16xf32>
      %max3A_918 = arith.maximumf %max3A_850, %max3A_854 : vector<16xf32>
      %max3A_919 = arith.maximumf %max3A_851, %max3A_855 : vector<16xf32>
      %max3A_920 = arith.maximumf %max3A_852, %max3A_856 : vector<16xf32>
      %min3A_921 = arith.minimumf %min3A_913, %min3A_915 : vector<16xf32>
      %min3A_922 = arith.minimumf %min3A_914, %min3A_916 : vector<16xf32>
      %max3A_923 = arith.maximumf %min3A_913, %min3A_915 : vector<16xf32>
      %max3A_924 = arith.maximumf %min3A_914, %min3A_916 : vector<16xf32>
      %min3A_925 = arith.minimumf %min3A_921, %min3A_922 : vector<16xf32>
      %max3A_926 = arith.maximumf %min3A_921, %min3A_922 : vector<16xf32>
      %masked_sort3A_927 = arith.constant dense<true> : vector<16xi1>
      %masked_sort3A_928, %masked_sort3A_929, %masked_sort3A_930 = tpu.sort %min3A_925, %min3A_925 masked %masked_sort3A_927 : (vector<16xf32>, vector<16xf32>, vector<16xi1>) -> (vector<16xi1>, vector<16xf32>, vector<16xf32>)
      %masked_sort3A_931 = arith.constant dense<true> : vector<16xi1>
      %masked_sort3A_932, %masked_sort3A_933, %masked_sort3A_934 = tpu.sort %max3A_926, %max3A_926 masked %masked_sort3A_931 : (vector<16xf32>, vector<16xf32>, vector<16xi1>) -> (vector<16xi1>, vector<16xf32>, vector<16xf32>)
      %min3A_935 = arith.minimumf %max3A_923, %max3A_924 : vector<16xf32>
      %max3A_936 = arith.maximumf %max3A_923, %max3A_924 : vector<16xf32>
      %masked_sort3A_937 = arith.constant dense<true> : vector<16xi1>
      %masked_sort3A_938, %masked_sort3A_939, %masked_sort3A_940 = tpu.sort %min3A_935, %min3A_935 masked %masked_sort3A_937 : (vector<16xf32>, vector<16xf32>, vector<16xi1>) -> (vector<16xi1>, vector<16xf32>, vector<16xf32>)
      %masked_sort3A_941 = arith.constant dense<true> : vector<16xi1>
      %masked_sort3A_942, %masked_sort3A_943, %masked_sort3A_944 = tpu.sort %max3A_936, %max3A_936 masked %masked_sort3A_941 : (vector<16xf32>, vector<16xf32>, vector<16xi1>) -> (vector<16xi1>, vector<16xf32>, vector<16xf32>)
      %min3A_945 = arith.minimumf %max3A_917, %max3A_919 : vector<16xf32>
      %min3A_946 = arith.minimumf %max3A_918, %max3A_920 : vector<16xf32>
      %max3A_947 = arith.maximumf %max3A_917, %max3A_919 : vector<16xf32>
      %max3A_948 = arith.maximumf %max3A_918, %max3A_920 : vector<16xf32>
      %min3A_949 = arith.minimumf %min3A_945, %min3A_946 : vector<16xf32>
      %max3A_950 = arith.maximumf %min3A_945, %min3A_946 : vector<16xf32>
      %masked_sort3A_951 = arith.constant dense<true> : vector<16xi1>
      %masked_sort3A_952, %masked_sort3A_953, %masked_sort3A_954 = tpu.sort %min3A_949, %min3A_949 masked %masked_sort3A_951 : (vector<16xf32>, vector<16xf32>, vector<16xi1>) -> (vector<16xi1>, vector<16xf32>, vector<16xf32>)
      %masked_sort3A_955 = arith.constant dense<true> : vector<16xi1>
      %masked_sort3A_956, %masked_sort3A_957, %masked_sort3A_958 = tpu.sort %max3A_950, %max3A_950 masked %masked_sort3A_955 : (vector<16xf32>, vector<16xf32>, vector<16xi1>) -> (vector<16xi1>, vector<16xf32>, vector<16xf32>)
      %min3A_959 = arith.minimumf %max3A_947, %max3A_948 : vector<16xf32>
      %max3A_960 = arith.maximumf %max3A_947, %max3A_948 : vector<16xf32>
      %masked_sort3A_961 = arith.constant dense<true> : vector<16xi1>
      %masked_sort3A_962, %masked_sort3A_963, %masked_sort3A_964 = tpu.sort %min3A_959, %min3A_959 masked %masked_sort3A_961 : (vector<16xf32>, vector<16xf32>, vector<16xi1>) -> (vector<16xi1>, vector<16xf32>, vector<16xf32>)
      %masked_sort3A_965 = arith.constant dense<true> : vector<16xi1>
      %masked_sort3A_966, %masked_sort3A_967, %masked_sort3A_968 = tpu.sort %max3A_960, %max3A_960 masked %masked_sort3A_965 : (vector<16xf32>, vector<16xf32>, vector<16xi1>) -> (vector<16xi1>, vector<16xf32>, vector<16xf32>)
      %max3A_969 = arith.maximumf %while3A_379, %masked_sort3A_873 : vector<16xf32>
      %max3A_970 = arith.maximumf %while3A_380, %masked_sort3A_877 : vector<16xf32>
      %max3A_971 = arith.maximumf %while3A_381, %masked_sort3A_883 : vector<16xf32>
      %max3A_972 = arith.maximumf %while3A_382, %masked_sort3A_887 : vector<16xf32>
      %max3A_973 = arith.maximumf %while3A_383, %masked_sort3A_897 : vector<16xf32>
      %max3A_974 = arith.maximumf %while3A_384, %masked_sort3A_901 : vector<16xf32>
      %max3A_975 = arith.maximumf %while3A_385, %masked_sort3A_907 : vector<16xf32>
      %max3A_976 = arith.maximumf %while3A_386, %masked_sort3A_911 : vector<16xf32>
      %max3A_977 = arith.maximumf %while3A_387, %masked_sort3A_929 : vector<16xf32>
      %max3A_978 = arith.maximumf %while3A_388, %masked_sort3A_933 : vector<16xf32>
      %max3A_979 = arith.maximumf %while3A_389, %masked_sort3A_939 : vector<16xf32>
      %max3A_980 = arith.maximumf %while3A_390, %masked_sort3A_943 : vector<16xf32>
      %max3A_981 = arith.maximumf %while3A_391, %masked_sort3A_953 : vector<16xf32>
      %max3A_982 = arith.maximumf %while3A_392, %masked_sort3A_957 : vector<16xf32>
      %max3A_983 = arith.maximumf %while3A_393, %masked_sort3A_963 : vector<16xf32>
      %max3A_984 = arith.maximumf %while3A_394, %masked_sort3A_967 : vector<16xf32>
      %max3A_985 = arith.maximumf %max3A_969, %max3A_977 : vector<16xf32>
      %max3A_986 = arith.maximumf %max3A_970, %max3A_978 : vector<16xf32>
      %max3A_987 = arith.maximumf %max3A_971, %max3A_979 : vector<16xf32>
      %max3A_988 = arith.maximumf %max3A_972, %max3A_980 : vector<16xf32>
      %max3A_989 = arith.maximumf %max3A_973, %max3A_981 : vector<16xf32>
      %max3A_990 = arith.maximumf %max3A_974, %max3A_982 : vector<16xf32>
      %max3A_991 = arith.maximumf %max3A_975, %max3A_983 : vector<16xf32>
      %max3A_992 = arith.maximumf %max3A_976, %max3A_984 : vector<16xf32>
      %min3A_993 = arith.minimumf %max3A_969, %max3A_977 : vector<16xf32>
      %min3A_994 = arith.minimumf %max3A_970, %max3A_978 : vector<16xf32>
      %min3A_995 = arith.minimumf %max3A_971, %max3A_979 : vector<16xf32>
      %min3A_996 = arith.minimumf %max3A_972, %max3A_980 : vector<16xf32>
      %min3A_997 = arith.minimumf %max3A_973, %max3A_981 : vector<16xf32>
      %min3A_998 = arith.minimumf %max3A_974, %max3A_982 : vector<16xf32>
      %min3A_999 = arith.minimumf %max3A_975, %max3A_983 : vector<16xf32>
      %min3A_1000 = arith.minimumf %max3A_976, %max3A_984 : vector<16xf32>
      %max3A_1001 = arith.maximumf %max3A_985, %max3A_989 : vector<16xf32>
      %max3A_1002 = arith.maximumf %max3A_986, %max3A_990 : vector<16xf32>
      %max3A_1003 = arith.maximumf %max3A_987, %max3A_991 : vector<16xf32>
      %max3A_1004 = arith.maximumf %max3A_988, %max3A_992 : vector<16xf32>
      %min3A_1005 = arith.minimumf %max3A_985, %max3A_989 : vector<16xf32>
      %min3A_1006 = arith.minimumf %max3A_986, %max3A_990 : vector<16xf32>
      %min3A_1007 = arith.minimumf %max3A_987, %max3A_991 : vector<16xf32>
      %min3A_1008 = arith.minimumf %max3A_988, %max3A_992 : vector<16xf32>
      %max3A_1009 = arith.maximumf %max3A_1001, %max3A_1003 : vector<16xf32>
      %max3A_1010 = arith.maximumf %max3A_1002, %max3A_1004 : vector<16xf32>
      %min3A_1011 = arith.minimumf %max3A_1001, %max3A_1003 : vector<16xf32>
      %min3A_1012 = arith.minimumf %max3A_1002, %max3A_1004 : vector<16xf32>
      %max3A_1013 = arith.maximumf %max3A_1009, %max3A_1010 : vector<16xf32>
      %min3A_1014 = arith.minimumf %max3A_1009, %max3A_1010 : vector<16xf32>
      %masked_sort3A_1015 = arith.constant dense<true> : vector<16xi1>
      %masked_sort3A_1016, %masked_sort3A_1017, %masked_sort3A_1018 = tpu.sort %max3A_1013, %max3A_1013 masked %masked_sort3A_1015 {descending = true} : (vector<16xf32>, vector<16xf32>, vector<16xi1>) -> (vector<16xi1>, vector<16xf32>, vector<16xf32>)
      %masked_sort3A_1019 = arith.constant dense<true> : vector<16xi1>
      %masked_sort3A_1020, %masked_sort3A_1021, %masked_sort3A_1022 = tpu.sort %min3A_1014, %min3A_1014 masked %masked_sort3A_1019 {descending = true} : (vector<16xf32>, vector<16xf32>, vector<16xi1>) -> (vector<16xi1>, vector<16xf32>, vector<16xf32>)
      %max3A_1023 = arith.maximumf %min3A_1011, %min3A_1012 : vector<16xf32>
      %min3A_1024 = arith.minimumf %min3A_1011, %min3A_1012 : vector<16xf32>
      %masked_sort3A_1025 = arith.constant dense<true> : vector<16xi1>
      %masked_sort3A_1026, %masked_sort3A_1027, %masked_sort3A_1028 = tpu.sort %max3A_1023, %max3A_1023 masked %masked_sort3A_1025 {descending = true} : (vector<16xf32>, vector<16xf32>, vector<16xi1>) -> (vector<16xi1>, vector<16xf32>, vector<16xf32>)
      %masked_sort3A_1029 = arith.constant dense<true> : vector<16xi1>
      %masked_sort3A_1030, %masked_sort3A_1031, %masked_sort3A_1032 = tpu.sort %min3A_1024, %min3A_1024 masked %masked_sort3A_1029 {descending = true} : (vector<16xf32>, vector<16xf32>, vector<16xi1>) -> (vector<16xi1>, vector<16xf32>, vector<16xf32>)
      %max3A_1033 = arith.maximumf %min3A_1005, %min3A_1007 : vector<16xf32>
      %max3A_1034 = arith.maximumf %min3A_1006, %min3A_1008 : vector<16xf32>
      %min3A_1035 = arith.minimumf %min3A_1005, %min3A_1007 : vector<16xf32>
      %min3A_1036 = arith.minimumf %min3A_1006, %min3A_1008 : vector<16xf32>
      %max3A_1037 = arith.maximumf %max3A_1033, %max3A_1034 : vector<16xf32>
      %min3A_1038 = arith.minimumf %max3A_1033, %max3A_1034 : vector<16xf32>
      %masked_sort3A_1039 = arith.constant dense<true> : vector<16xi1>
      %masked_sort3A_1040, %masked_sort3A_1041, %masked_sort3A_1042 = tpu.sort %max3A_1037, %max3A_1037 masked %masked_sort3A_1039 {descending = true} : (vector<16xf32>, vector<16xf32>, vector<16xi1>) -> (vector<16xi1>, vector<16xf32>, vector<16xf32>)
      %masked_sort3A_1043 = arith.constant dense<true> : vector<16xi1>
      %masked_sort3A_1044, %masked_sort3A_1045, %masked_sort3A_1046 = tpu.sort %min3A_1038, %min3A_1038 masked %masked_sort3A_1043 {descending = true} : (vector<16xf32>, vector<16xf32>, vector<16xi1>) -> (vector<16xi1>, vector<16xf32>, vector<16xf32>)
      %max3A_1047 = arith.maximumf %min3A_1035, %min3A_1036 : vector<16xf32>
      %min3A_1048 = arith.minimumf %min3A_1035, %min3A_1036 : vector<16xf32>
      %masked_sort3A_1049 = arith.constant dense<true> : vector<16xi1>
      %masked_sort3A_1050, %masked_sort3A_1051, %masked_sort3A_1052 = tpu.sort %max3A_1047, %max3A_1047 masked %masked_sort3A_1049 {descending = true} : (vector<16xf32>, vector<16xf32>, vector<16xi1>) -> (vector<16xi1>, vector<16xf32>, vector<16xf32>)
      %masked_sort3A_1053 = arith.constant dense<true> : vector<16xi1>
      %masked_sort3A_1054, %masked_sort3A_1055, %masked_sort3A_1056 = tpu.sort %min3A_1048, %min3A_1048 masked %masked_sort3A_1053 {descending = true} : (vector<16xf32>, vector<16xf32>, vector<16xi1>) -> (vector<16xi1>, vector<16xf32>, vector<16xf32>)
      %max3A_1057 = arith.maximumf %min3A_993, %min3A_997 : vector<16xf32>
      %max3A_1058 = arith.maximumf %min3A_994, %min3A_998 : vector<16xf32>
      %max3A_1059 = arith.maximumf %min3A_995, %min3A_999 : vector<16xf32>
      %max3A_1060 = arith.maximumf %min3A_996, %min3A_1000 : vector<16xf32>
      %min3A_1061 = arith.minimumf %min3A_993, %min3A_997 : vector<16xf32>
      %min3A_1062 = arith.minimumf %min3A_994, %min3A_998 : vector<16xf32>
      %min3A_1063 = arith.minimumf %min3A_995, %min3A_999 : vector<16xf32>
      %min3A_1064 = arith.minimumf %min3A_996, %min3A_1000 : vector<16xf32>
      %max3A_1065 = arith.maximumf %max3A_1057, %max3A_1059 : vector<16xf32>
      %max3A_1066 = arith.maximumf %max3A_1058, %max3A_1060 : vector<16xf32>
      %min3A_1067 = arith.minimumf %max3A_1057, %max3A_1059 : vector<16xf32>
      %min3A_1068 = arith.minimumf %max3A_1058, %max3A_1060 : vector<16xf32>
      %max3A_1069 = arith.maximumf %max3A_1065, %max3A_1066 : vector<16xf32>
      %min3A_1070 = arith.minimumf %max3A_1065, %max3A_1066 : vector<16xf32>
      %masked_sort3A_1071 = arith.constant dense<true> : vector<16xi1>
      %masked_sort3A_1072, %masked_sort3A_1073, %masked_sort3A_1074 = tpu.sort %max3A_1069, %max3A_1069 masked %masked_sort3A_1071 {descending = true} : (vector<16xf32>, vector<16xf32>, vector<16xi1>) -> (vector<16xi1>, vector<16xf32>, vector<16xf32>)
      %masked_sort3A_1075 = arith.constant dense<true> : vector<16xi1>
      %masked_sort3A_1076, %masked_sort3A_1077, %masked_sort3A_1078 = tpu.sort %min3A_1070, %min3A_1070 masked %masked_sort3A_1075 {descending = true} : (vector<16xf32>, vector<16xf32>, vector<16xi1>) -> (vector<16xi1>, vector<16xf32>, vector<16xf32>)
      %max3A_1079 = arith.maximumf %min3A_1067, %min3A_1068 : vector<16xf32>
      %min3A_1080 = arith.minimumf %min3A_1067, %min3A_1068 : vector<16xf32>
      %masked_sort3A_1081 = arith.constant dense<true> : vector<16xi1>
      %masked_sort3A_1082, %masked_sort3A_1083, %masked_sort3A_1084 = tpu.sort %max3A_1079, %max3A_1079 masked %masked_sort3A_1081 {descending = true} : (vector<16xf32>, vector<16xf32>, vector<16xi1>) -> (vector<16xi1>, vector<16xf32>, vector<16xf32>)
      %masked_sort3A_1085 = arith.constant dense<true> : vector<16xi1>
      %masked_sort3A_1086, %masked_sort3A_1087, %masked_sort3A_1088 = tpu.sort %min3A_1080, %min3A_1080 masked %masked_sort3A_1085 {descending = true} : (vector<16xf32>, vector<16xf32>, vector<16xi1>) -> (vector<16xi1>, vector<16xf32>, vector<16xf32>)
      %max3A_1089 = arith.maximumf %min3A_1061, %min3A_1063 : vector<16xf32>
      %max3A_1090 = arith.maximumf %min3A_1062, %min3A_1064 : vector<16xf32>
      %min3A_1091 = arith.minimumf %min3A_1061, %min3A_1063 : vector<16xf32>
      %min3A_1092 = arith.minimumf %min3A_1062, %min3A_1064 : vector<16xf32>
      %max3A_1093 = arith.maximumf %max3A_1089, %max3A_1090 : vector<16xf32>
      %min3A_1094 = arith.minimumf %max3A_1089, %max3A_1090 : vector<16xf32>
      %masked_sort3A_1095 = arith.constant dense<true> : vector<16xi1>
      %masked_sort3A_1096, %masked_sort3A_1097, %masked_sort3A_1098 = tpu.sort %max3A_1093, %max3A_1093 masked %masked_sort3A_1095 {descending = true} : (vector<16xf32>, vector<16xf32>, vector<16xi1>) -> (vector<16xi1>, vector<16xf32>, vector<16xf32>)
      %masked_sort3A_1099 = arith.constant dense<true> : vector<16xi1>
      %masked_sort3A_1100, %masked_sort3A_1101, %masked_sort3A_1102 = tpu.sort %min3A_1094, %min3A_1094 masked %masked_sort3A_1099 {descending = true} : (vector<16xf32>, vector<16xf32>, vector<16xi1>) -> (vector<16xi1>, vector<16xf32>, vector<16xf32>)
      %max3A_1103 = arith.maximumf %min3A_1091, %min3A_1092 : vector<16xf32>
      %min3A_1104 = arith.minimumf %min3A_1091, %min3A_1092 : vector<16xf32>
      %masked_sort3A_1105 = arith.constant dense<true> : vector<16xi1>
      %masked_sort3A_1106, %masked_sort3A_1107, %masked_sort3A_1108 = tpu.sort %max3A_1103, %max3A_1103 masked %masked_sort3A_1105 {descending = true} : (vector<16xf32>, vector<16xf32>, vector<16xi1>) -> (vector<16xi1>, vector<16xf32>, vector<16xf32>)
      %masked_sort3A_1109 = arith.constant dense<true> : vector<16xi1>
      %masked_sort3A_1110, %masked_sort3A_1111, %masked_sort3A_1112 = tpu.sort %min3A_1104, %min3A_1104 masked %masked_sort3A_1109 {descending = true} : (vector<16xf32>, vector<16xf32>, vector<16xi1>) -> (vector<16xi1>, vector<16xf32>, vector<16xf32>)
      scf.yield %masked_sort3A_1017, %masked_sort3A_1021, %masked_sort3A_1027, %masked_sort3A_1031, %masked_sort3A_1041, %masked_sort3A_1045, %masked_sort3A_1051, %masked_sort3A_1055, %masked_sort3A_1073, %masked_sort3A_1077, %masked_sort3A_1083, %masked_sort3A_1087, %masked_sort3A_1097, %masked_sort3A_1101, %masked_sort3A_1107, %masked_sort3A_1111 : vector<16xf32>, vector<16xf32>, vector<16xf32>, vector<16xf32>, vector<16xf32>, vector<16xf32>, vector<16xf32>, vector<16xf32>, vector<16xf32>, vector<16xf32>, vector<16xf32>, vector<16xf32>, vector<16xf32>, vector<16xf32>, vector<16xf32>, vector<16xf32>
    }
    %swap3A_328 = arith.constant 0 : index
    %swap3A_329 = tpu.vector_load %arg8[%swap3A_328] {strides = array<i32>} : memref<256xf32, #tpu.memory_space<vmem>>, vector<16xf32>,
    tpu.vector_store %arg8[%swap3A_328], %while3A_327#0 {strides = array<i32>} : memref<256xf32, #tpu.memory_space<vmem>>, vector<16xf32>,
    %swap3A_330 = arith.constant 16 : index
    %swap3A_331 = tpu.vector_load %arg8[%swap3A_330] {strides = array<i32>} : memref<256xf32, #tpu.memory_space<vmem>>, vector<16xf32>,
    tpu.vector_store %arg8[%swap3A_330], %while3A_327#1 {strides = array<i32>} : memref<256xf32, #tpu.memory_space<vmem>>, vector<16xf32>,
    %swap3A_332 = arith.constant 32 : index
    %swap3A_333 = tpu.vector_load %arg8[%swap3A_332] {strides = array<i32>} : memref<256xf32, #tpu.memory_space<vmem>>, vector<16xf32>,
    tpu.vector_store %arg8[%swap3A_332], %while3A_327#2 {strides = array<i32>} : memref<256xf32, #tpu.memory_space<vmem>>, vector<16xf32>,
    %swap3A_334 = arith.constant 48 : index
    %swap3A_335 = tpu.vector_load %arg8[%swap3A_334] {strides = array<i32>} : memref<256xf32, #tpu.memory_space<vmem>>, vector<16xf32>,
    tpu.vector_store %arg8[%swap3A_334], %while3A_327#3 {strides = array<i32>} : memref<256xf32, #tpu.memory_space<vmem>>, vector<16xf32>,
    %swap3A_336 = arith.constant 64 : index
    %swap3A_337 = tpu.vector_load %arg8[%swap3A_336] {strides = array<i32>} : memref<256xf32, #tpu.memory_space<vmem>>, vector<16xf32>,
    tpu.vector_store %arg8[%swap3A_336], %while3A_327#4 {strides = array<i32>} : memref<256xf32, #tpu.memory_space<vmem>>, vector<16xf32>,
    %swap3A_338 = arith.constant 80 : index
    %swap3A_339 = tpu.vector_load %arg8[%swap3A_338] {strides = array<i32>} : memref<256xf32, #tpu.memory_space<vmem>>, vector<16xf32>,
    tpu.vector_store %arg8[%swap3A_338], %while3A_327#5 {strides = array<i32>} : memref<256xf32, #tpu.memory_space<vmem>>, vector<16xf32>,
    %swap3A_340 = arith.constant 96 : index
    %swap3A_341 = tpu.vector_load %arg8[%swap3A_340] {strides = array<i32>} : memref<256xf32, #tpu.memory_space<vmem>>, vector<16xf32>,
    tpu.vector_store %arg8[%swap3A_340], %while3A_327#6 {strides = array<i32>} : memref<256xf32, #tpu.memory_space<vmem>>, vector<16xf32>,
    %swap3A_342 = arith.constant 112 : index
    %swap3A_343 = tpu.vector_load %arg8[%swap3A_342] {strides = array<i32>} : memref<256xf32, #tpu.memory_space<vmem>>, vector<16xf32>,
    tpu.vector_store %arg8[%swap3A_342], %while3A_327#7 {strides = array<i32>} : memref<256xf32, #tpu.memory_space<vmem>>, vector<16xf32>,
    %swap3A_344 = arith.constant 128 : index
    %swap3A_345 = tpu.vector_load %arg8[%swap3A_344] {strides = array<i32>} : memref<256xf32, #tpu.memory_space<vmem>>, vector<16xf32>,
    tpu.vector_store %arg8[%swap3A_344], %while3A_327#8 {strides = array<i32>} : memref<256xf32, #tpu.memory_space<vmem>>, vector<16xf32>,
    %swap3A_346 = arith.constant 144 : index
    %swap3A_347 = tpu.vector_load %arg8[%swap3A_346] {strides = array<i32>} : memref<256xf32, #tpu.memory_space<vmem>>, vector<16xf32>,
    tpu.vector_store %arg8[%swap3A_346], %while3A_327#9 {strides = array<i32>} : memref<256xf32, #tpu.memory_space<vmem>>, vector<16xf32>,
    %swap3A_348 = arith.constant 160 : index
    %swap3A_349 = tpu.vector_load %arg8[%swap3A_348] {strides = array<i32>} : memref<256xf32, #tpu.memory_space<vmem>>, vector<16xf32>,
    tpu.vector_store %arg8[%swap3A_348], %while3A_327#10 {strides = array<i32>} : memref<256xf32, #tpu.memory_space<vmem>>, vector<16xf32>,
    %swap3A_350 = arith.constant 176 : index
    %swap3A_351 = tpu.vector_load %arg8[%swap3A_350] {strides = array<i32>} : memref<256xf32, #tpu.memory_space<vmem>>, vector<16xf32>,
    tpu.vector_store %arg8[%swap3A_350], %while3A_327#11 {strides = array<i32>} : memref<256xf32, #tpu.memory_space<vmem>>, vector<16xf32>,
    %swap3A_352 = arith.constant 192 : index
    %swap3A_353 = tpu.vector_load %arg8[%swap3A_352] {strides = array<i32>} : memref<256xf32, #tpu.memory_space<vmem>>, vector<16xf32>,
    tpu.vector_store %arg8[%swap3A_352], %while3A_327#12 {strides = array<i32>} : memref<256xf32, #tpu.memory_space<vmem>>, vector<16xf32>,
    %swap3A_354 = arith.constant 208 : index
    %swap3A_355 = tpu.vector_load %arg8[%swap3A_354] {strides = array<i32>} : memref<256xf32, #tpu.memory_space<vmem>>, vector<16xf32>,
    tpu.vector_store %arg8[%swap3A_354], %while3A_327#13 {strides = array<i32>} : memref<256xf32, #tpu.memory_space<vmem>>, vector<16xf32>,
    %swap3A_356 = arith.constant 224 : index
    %swap3A_357 = tpu.vector_load %arg8[%swap3A_356] {strides = array<i32>} : memref<256xf32, #tpu.memory_space<vmem>>, vector<16xf32>,
    tpu.vector_store %arg8[%swap3A_356], %while3A_327#14 {strides = array<i32>} : memref<256xf32, #tpu.memory_space<vmem>>, vector<16xf32>,
    %swap3A_358 = arith.constant 240 : index
    %swap3A_359 = tpu.vector_load %arg8[%swap3A_358] {strides = array<i32>} : memref<256xf32, #tpu.memory_space<vmem>>, vector<16xf32>,
    tpu.vector_store %arg8[%swap3A_358], %while3A_327#15 {strides = array<i32>} : memref<256xf32, #tpu.memory_space<vmem>>, vector<16xf32>,
    %dma_start3A_360 = arith.constant 0 : i32
    %dma_start3A_361 = tpu.memref_slice %arg3[%add3A_183, %dma_start3A_360] : memref<64x256xf32, #tpu.memory_space<hbm>> -> memref<1x256xf32, #tpu.memory_space<hbm>>
    %dma_start3A_362 = tpu.memref_squeeze %dma_start3A_361 : memref<1x256xf32, #tpu.memory_space<hbm>> -> memref<256xf32, #tpu.memory_space<hbm>>
    %dma_start3A_363 = arith.constant 0 : i32
    %dma_start3A_364 = tpu.memref_slice %arg3[%add3A_183, %dma_start3A_363] : memref<64x256xf32, #tpu.memory_space<hbm>> -> memref<1x256xf32, #tpu.memory_space<hbm>>
    %dma_start3A_365 = tpu.memref_squeeze %dma_start3A_364 : memref<1x256xf32, #tpu.memory_space<hbm>> -> memref<256xf32, #tpu.memory_space<hbm>>
    tpu.enqueue_dma source(%arg8 : memref<256xf32, #tpu.memory_space<vmem>>) target(%dma_start3A_365 : memref<256xf32, #tpu.memory_space<hbm>>) target_semaphore(%arg12 : memref<!tpu.dma_semaphore, #tpu.memory_space<semaphore_mem>>)
    %dma_wait3A_366 = arith.constant 0 : i32
    %dma_wait3A_367 = tpu.memref_slice %arg3[%mul3A_3, %dma_wait3A_366] : memref<64x256xf32, #tpu.memory_space<hbm>> -> memref<1x256xf32, #tpu.memory_space<hbm>>
    %dma_wait3A_368 = tpu.memref_squeeze %dma_wait3A_367 : memref<1x256xf32, #tpu.memory_space<hbm>> -> memref<256xf32, #tpu.memory_space<hbm>>
    %dma_wait3A_369 = arith.constant 0 : i32
    %dma_wait3A_370 = tpu.memref_slice %arg3[%mul3A_3, %dma_wait3A_369] : memref<64x256xf32, #tpu.memory_space<hbm>> -> memref<1x256xf32, #tpu.memory_space<hbm>>
    %dma_wait3A_371 = tpu.memref_squeeze %dma_wait3A_370 : memref<1x256xf32, #tpu.memory_space<hbm>> -> memref<256xf32, #tpu.memory_space<hbm>>
    tpu.wait_dma2 semaphore(%arg11 : memref<!tpu.dma_semaphore, #tpu.memory_space<semaphore_mem>>) src(%arg7 : memref<256xf32, #tpu.memory_space<vmem>>) dst(%dma_wait3A_371 : memref<256xf32, #tpu.memory_space<hbm>>)
    %dma_wait3A_372 = arith.constant 0 : i32
    %dma_wait3A_373 = tpu.memref_slice %arg3[%add3A_183, %dma_wait3A_372] : memref<64x256xf32, #tpu.memory_space<hbm>> -> memref<1x256xf32, #tpu.memory_space<hbm>>
    %dma_wait3A_374 = tpu.memref_squeeze %dma_wait3A_373 : memref<1x256xf32, #tpu.memory_space<hbm>> -> memref<256xf32, #tpu.memory_space<hbm>>
    %dma_wait3A_375 = arith.constant 0 : i32
    %dma_wait3A_376 = tpu.memref_slice %arg3[%add3A_183, %dma_wait3A_375] : memref<64x256xf32, #tpu.memory_space<hbm>> -> memref<1x256xf32, #tpu.memory_space<hbm>>
    %dma_wait3A_377 = tpu.memref_squeeze %dma_wait3A_376 : memref<1x256xf32, #tpu.memory_space<hbm>> -> memref<256xf32, #tpu.memory_space<hbm>>
    tpu.wait_dma2 semaphore(%arg12 : memref<!tpu.dma_semaphore, #tpu.memory_space<semaphore_mem>>) src(%arg8 : memref<256xf32, #tpu.memory_space<vmem>>) dst(%dma_wait3A_377 : memref<256xf32, #tpu.memory_space<hbm>>)
    return
  }
}

</mosaic_0001>

<sc_bundles>
// kernel: kernel.3.cloned.1.call-start
scs
__scs_entry_jumppad:
0x0: {  	(pc) =	sbr.rel $0x88, $3  }
0x1: {  	(tag) =	ssettag $0x0;
	lr =	simm.s32 $0x1  }
0x2: {  	[smem:$0x3FA0] =	sst lr;
	_ =	strace $0xD0000000  }
0x3: {  	_ = 	snop  }
0x4: {  	_ = 	snop  }
0x5: {  	_ = 	snop  }
0x6: {  	_ = 	snop  }
0x7: {  	_ = 	snop  }
__scs_overlays_trampoline_lowered:
0x8: {  	[smem:$0x3FAF] =	sst s0  }
0x9: {  	[smem:$0x3FB0] =	sst s1  }
0xa: {  	[smem:$0x3FB1] =	sst s2  }
0xb: {  	[smem:$0x3FB2] =	sst s3  }
0xc: {  	[smem:$0x3FB3] =	sst s4  }
0xd: {  	[smem:$0x3FB4] =	sst s5  }
0xe: {  	[smem:$0x3FB5] =	sst s6  }
0xf: {  	[smem:$0x3FB6] =	sst s7  }
0x10: {  	[smem:$0x3FB7] =	sst s8  }
0x11: {  	[smem:$0x3FB8] =	sst s9;
	s0 =	simm.s32 @!p0 $0x0  }
0x12: {  	s1 =	sld [smem:$0x3F9E];
	s0 =	simm.s32 @p0 $0x1  }
0x13: {  	[smem:$0x3FB9] =	sst s0;
	s0 =	simm.s32 @!p1 $0x0  }
0x14: {  	s2 =	sld [smem:$0x3F9D];
	s0 =	simm.s32 @p1 $0x1  }
0x15: {  	[smem:$0x3FBA] =	sst s0;
	s0 =	simm.s32 @!p2 $0x0  }
0x16: {  	s3 =	sld [smem:$0x3FDB];
	s0 =	simm.s32 @p2 $0x1  }
0x17: {  	s4 =	simm.s32 $0x1BF5;
	[smem:$0x3FBC] =	sst s0  }
0x18: {  	s0 =	sld [smem:$0x3F9F];
	_ =	swait.ge [sflag:s4], $0x0  }
0x19: {  	s7 =	sld [smem:$0x3FA0]  }
0x1a: {  	s8 =	sadd.s32 $0xFFFFE003, lr  }
0x1b: {  	s9 =	sadd.s32 $0xFFFFFEF7, lr;
	s5 =	simm.s32 $0xFFFFFFFF;
	p2 =	slt.u32 s8, $0xFFFFF086  }
0x1c: {  	p1 =	slt.u32 s9, $0xF7A;
	s5 =	simm.s32 @!p2 $0x0  }
0x1d: {  	s5 =	simm.s32 @p1 $0x1;
	p0 =	seq.s32 s7, s2  }
0x1e: {  	s7 =	smul.u32 @!p0 $0xF7A, s2;
	p2 =	seq.s32 @!p0 s5, $0x0  }
0x1f: {  	s9 =	smul.u32 $0xF7A, s1;
	s8 =	simm.s32 @!p0 $0x1BF5;
	p2 =	por !p2, p0  }
0x20: {  	[sflag:s8] =	ssyncset.s32 @!p0 $0xFFFFF086;
	s6 =	sadd.s32 @!p0 s3, s7;
	s7 =	simm.s32 @!p0 $0x108  }
0x21: {  	s3 =	sadd.s32 s3, s9;
	s6 =	sadd.s32 @!p0 $0x88, s6;
	s7 =	simm.s32 @p2 $0x1082  }
0x22: {  	[simem:s7], [sflag:s8] =	dma.local @!p0 [hbm:s6], $0xF7A  }
0x23: {  	s9 =	sor.u32 $0xD0000000, s2;
	s6 =	simm.s32 $0x108;
	_ =	swait.ge @!p0 [sflag:s8], $0x0  }
0x24: {  	s3 =	sadd.s32 $0x88, s3;
	s6 =	simm.s32 @!p1 $0x1082;
	[sflag:s4] =	ssyncset.s32 $0xFFFFF086  }
0x25: {  	[simem:s6], [sflag:s4] =	dma.local [hbm:s3], $0xF7A  }
0x26: {  	[smem:$0x3FA0] =	sst s1;
	(tag) =	ssettag s2;
	_ =	strace s9  }
0x27: {  	s1 =	sld [smem:$0x3FB0]  }
0x28: {  	s2 =	sld [smem:$0x3FB1]  }
0x29: {  	s4 =	sld [smem:$0x3FB3]  }
0x2a: {  	p0 =	seq.s32 s5, $0x0;
	s5 =	sld [smem:$0x3FB4]  }
0x2b: {  	s6 =	sld [smem:$0x3FB5]  }
0x2c: {  	s7 =	sld [smem:$0x3FB6]  }
0x2d: {  	s3 =	simm.s32 $0x108;
	s8 =	sld [smem:$0x3FB7]  }
0x2e: {  	s3 =	simm.s32 @!p0 $0x1082;
	s9 =	sld [smem:$0x3FB8]  }
0x2f: {  	lr =	sadd.s32 s0, s3;
	s0 =	sld [smem:$0x3FAF]  }
0x30: {  	s3 =	sld [smem:$0x3FB2]  }
0x31: {  	[smem:$0x3FBB] =	sst s10  }
0x32: {  	s10 =	sld [smem:$0x3FB9];
	_ =	sdelay $0x3  }
0x33: {  	p0 =	seq.s32 s10, $0x1;
	s10 =	sld [smem:$0x3FBB];
	_ =	sdelay $0x3  }
0x34: {  	[smem:$0x3FBB] =	sst s10  }
0x35: {  	s10 =	sld [smem:$0x3FBA];
	_ =	sdelay $0x3  }
0x36: {  	p1 =	seq.s32 s10, $0x1;
	s10 =	sld [smem:$0x3FBB];
	_ =	sdelay $0x3  }
0x37: {  	[smem:$0x3FBB] =	sst s10  }
0x38: {  	s10 =	sld [smem:$0x3FBC]  }
0x39: {  	_ = 	snop;
	(pc) =	sbr.ind lr, $3  }
0x3a: {  	_ = 	snop  }
0x3b: {  	_ = 	snop  }
0x3c: {  	p2 =	seq.s32 s10, $0x1;
	s10 =	sld [smem:$0x3FBB]  }
0x3d: {  	_ =	shalt  }
0x3e: {  	_ =	shalt  }
0x3f: {  	_ =	shalt  }
0x40: {  	_ =	shalt  }
0x41: {  	_ =	shalt  }
0x42: {  	_ =	shalt  }
0x43: {  	_ =	shalt  }
0x44: {  	_ =	shalt  }
0x45: {  	_ =	shalt  }
0x46: {  	_ =	shalt  }
0x47: {  	_ =	shalt  }
0x48: {  	_ =	shalt  }
0x49: {  	_ =	shalt  }
0x4a: {  	_ =	shalt  }
0x4b: {  	_ =	shalt  }
0x4c: {  	_ =	shalt  }
0x4d: {  	_ =	shalt  }
0x4e: {  	_ =	shalt  }
0x4f: {  	_ =	shalt  }
0x50: {  	_ =	shalt  }
0x51: {  	_ =	shalt  }
0x52: {  	_ =	shalt  }
0x53: {  	_ =	shalt  }
0x54: {  	_ =	shalt  }
0x55: {  	_ =	shalt  }
0x56: {  	_ =	shalt  }
0x57: {  	_ =	shalt  }
0x58: {  	_ =	shalt  }
0x59: {  	_ =	shalt  }
0x5a: {  	_ =	shalt  }
0x5b: {  	_ =	shalt  }
0x5c: {  	_ =	shalt  }
0x5d: {  	_ =	shalt  }
0x5e: {  	_ =	shalt  }
0x5f: {  	_ =	shalt  }
0x60: {  	_ =	shalt  }
0x61: {  	_ =	shalt  }
0x62: {  	_ =	shalt  }
0x63: {  	_ =	shalt  }
0x64: {  	_ =	shalt  }
0x65: {  	_ =	shalt  }
0x66: {  	_ =	shalt  }
0x67: {  	_ =	shalt  }
0x68: {  	_ =	shalt  }
0x69: {  	_ =	shalt  }
0x6a: {  	_ =	shalt  }
0x6b: {  	_ =	shalt  }
0x6c: {  	_ =	shalt  }
0x6d: {  	_ =	shalt  }
0x6e: {  	_ =	shalt  }
0x6f: {  	_ =	shalt  }
0x70: {  	_ =	shalt  }
0x71: {  	_ =	shalt  }
0x72: {  	_ =	shalt  }
0x73: {  	_ =	shalt  }
0x74: {  	_ =	shalt  }
0x75: {  	_ =	shalt  }
0x76: {  	_ =	shalt  }
0x77: {  	_ =	shalt  }
0x78: {  	_ =	shalt  }
0x79: {  	_ =	shalt  }
0x7a: {  	_ =	shalt  }
0x7b: {  	_ =	shalt  }
0x7c: {  	_ =	shalt  }
0x7d: {  	_ =	shalt  }
0x7e: {  	_ =	shalt  }
0x7f: {  	_ =	shalt  }
0x80: {  	_ =	shalt  }
0x81: {  	_ =	shalt  }
0x82: {  	_ =	shalt  }
0x83: {  	_ =	shalt  }
0x84: {  	_ =	shalt  }
0x85: {  	_ =	shalt  }
0x86: {  	_ =	shalt  }
0x87: {  	_ =	shalt  }
.Lfunc_end0:
.L_simem_size_0:
called_computation_lowered:
.L_overlay_start_0:
0x88: {  	s2 =	sld [smem:$0x3FD9]  }
0x89: {  	s3 =	sld [smem:$0x3FFE];
	_ =	sdelay $0x1  }
0x8a: {  	s1 =	srdreg.scid  }
0x8b: {  	s0 =	sand.u32 $0x1, s1  }
0x8c: {  	s18 =	sshll.u32 s0, $0xA;
	s2 =	sadd.s32 s3, s2  }
0x8d: {  	s2 =	sadd.s32 s2, s18  }
0x8e: {  	[smem:$0x3FC7] =	sst s2  }
0x8f: {  	_ = 	snop  }
0x90: {  	s2 =	sld [smem:$0x3FC9]  }
0x91: {  	s19 =	sld [smem:$0x3FD0];
	(tm) =	ssettm $0x1  }
0x92: {  	s4 =	sld [smem:$0x3FFB];
	_ =	sdelay $0x3  }
0x93: {  	_ =	strace s4  }
0x94: {  	s4 =	sld [smem:$0x3FFC];
	_ =	sdelay $0x3  }
0x95: {  	_ =	strace s4  }
0x96: {  	s4 =	sld [smem:$0x3FFD];
	_ =	sdelay $0x3  }
0x97: {  	_ =	strace s4  }
0x98: {  	_ =	strace $0x8FFFFFFF  }
0x99: {  	s20 =	sld [smem:$0x3FDB];
	_ =	sdelay $0x1  }
0x9a: {  	s5 =	simm.s32 $_scs_section_size  }
0x9b: {  	s6 =	simm.s32 $_size__tile_overlayer_lowered;
	s7 =	simm.s32 $_tile_overlayer_lowered  }
0x9c: {  	s23 =	simm.s32 $0x1BFF;
	s22 =	sshll.u32 s7, $0x1;
	s4 =	sadd.s32 s5, s20  }
0x9d: {  	s8 =	simm.s32 $0x0;
	s21 =	sshll.u32 s6, $0x1;
	s6 =	sadd.s32 s22, s4  }
0x9e: {  	[timem:s8], [sflag:s23] =	dma.local [hbm:s6], s21  }
0x9f: {  	_ =	swait.ge [sflag:s23], s21  }
0xa0: {  	s5 =	ssub.s32 $0x0, s21;
	[sflag:s23] =	ssyncset.done $0x0  }
0xa1: {  	[sflag:s23] =	ssyncadd.s32 s5;
	_ =	sdelay $0x1  }
0xa2: {  	s24 =	simm.s32 $0x1B8B  }
0xa3: {  	_ =	swait.ge [sflag:s24], $0x1  }
0xa4: {  	[sflag:s24] =	ssyncset.done $0x0  }
0xa5: {  	s25 =	simm.s32 $0x1B8E;
	[sflag:s24] =	ssyncadd.s32 $0xFFFFFFFF  }
0xa6: {  	s26 =	simm.s32 $execute0_lowered;
	[smem:$0x3FD2] =	sst s25  }
0xa7: {  	s5 =	sshll.u32 s26, $0x1;
	_ =	strace $0x80000046;
	[dreg:$0x1] =	wrdreg $0xFFFFFFFF  }
0xa8: {  	s28 =	simm.s32 $_size_execute0_lowered;
	s4 =	sadd.s32 s4, s5;
	[dreg:$0x0] =	wrdreg $0x0  }
0xa9: {  	s5 =	sshll.u32 s28, $0x1;
	[dreg:$0x2] =	wrdreg s4  }
0xaa: {  	[dreg:$0x3] =	wrdreg s5  }
0xab: {  	[dreg:$0x4] =	wrdreg $0xC0  }
0xac: {  	_ =	task [dreg:s8], $0x5FFFF  }
0xad: {  	[dreg:$0x1] =	wrdreg $0xFFFFFFFF  }
0xae: {  	[dreg:$0x0] =	wrdreg $0x60  }
0xaf: {  	[dreg:$0x2] =	wrdreg s2  }
0xb0: {  	[dreg:$0x3] =	wrdreg s19  }
0xb1: {  	[dreg:$0x4] =	wrdreg $0x9  }
0xb2: {  	_ =	task.clear_ibuf [dreg:s8], $0x5FFFF;
	_ =	strace $0x90000046  }
0xb3: {  	s29 =	simm.s32 $0x9;
	_ =	strace $0x80000048  }
0xb4: {  	_ =	swait.ge [sflag:s29], $0x1  }
0xb5: {  	[sflag:s29] =	ssyncadd.s32 $0xFFFFFFFF  }
0xb6: {  	_ =	strace $0x90000048  }
0xb7: {  	_ =	sfence  }
0xb8: {  	s30 =	sld [smem:$0x0];
	_ =	sdelay $0x2  }
0xb9: {  	s31 =	sshll.u32 s1, $0xD;
	s1 =	sshrl.u32 s1, $0x2  }
0xba: {  	s3 =	sand.u32 $0x4000, s31;
	s1 =	sadd.s32 s1, s30  }
0xbb: {  	s0 =	sor.u32 s3, s0;
	s1 =	sshll.u32 s1, $0x11  }
0xbc: {  	s0 =	sor.u32 s1, s0  }
0xbd: {  	s0 =	sadd.s32 $0x8F2B, s0  }
0xbe: {  	[sflag:s0] =	ssyncadd.remote.s32 $0x1  }
0xbf: {  	_ =	sfence.sel $0xFFFF  }
0xc0: {  	[dreg:$0x0] =	wrdreg $0xFFFFFFFF;
	(pc) =	sbr.abs _section_cstart, $3  }
0xc1: {  	[dreg:$0x1] =	wrdreg $0xFFFFFFFF  }
0xc2: {  	_ =	task.clear_ibuf [dreg:s8], $0x2FFFF;
	_ =	strace $0x9FFFFFFF  }
0xc3: {  	(tm) =	ssettm $0x7FFFFFFF  }
tec
execute0_lowered:
.L_overlay_start_1:
0x0: {  	(tag) =	ssettag $0x1  }
0x1: {  	s4 =	rddreg [dreg:$0x0]  }
0x2: {  	s6 =	rddreg [dreg:$0x1]  }
0x3: {  	s0 =	rddreg [dreg:$0x2]  }
0x4: {  	s3 =	srdreg.scid;
	s1 =	stileid.u32;
	s2 =	simm.s32 $0x0  }
0x5: {  	s11 =	simm.s32 $0x1;
	s12 =	simm.s32 $0x10000;
	s13 =	simm.s32 $0x18000  }
0x6: {  	s14 =	simm.s32 $0x2;
	s15 =	simm.s32 $0x18100;
	s16 =	simm.s32 $0x3  }
0x7: {  	s17 =	simm.s32 $0x4;
	s18 =	simm.s32 $0x0;
	s3 =	sand.u32 $0x1, s3  }
0x8: {  	s5 =	sshll.u32 s1, $0x9;
	s8 =	sshrl.u32 s1, $0x1;
	[smem:$0x7FF] =	sst s2  }
0x9: {  	s7 =	sshll.u32 s3, $0x8;
	s5 =	sand.u32 $0x200, s5;
	s3 =	ssub.s32 $0x2, s3  }
0xa: {  	s29 =	sshll.u32 s8, $0x12;
	_ =	strace $0x80000047;
	s5 =	sor.u32 s7, s5  }
0xb: {  	s8 =	sshll.u32 s8, $0xB;
	s9 =	sshrl.u32 s3, $0x1;
	s10 =	sor.u32 s29, s5  }
0xc: {  	s9 =	ssub.s32 s3, s9;
	s31 =	sor.u32 $0x80, s5;
	s5 =	sor.u32 s8, s5  }
.Ltmp0:
0xd: {  	s30 =	sshrl.u32 s10, $0x3;
	s7 =	sor.u32 s29, s31;
	(pc) =	sbr.rel .LBB2_1-.Ltmp0, $4  }
0xe: {  	s8 =	sor.u32 s8, s31;
	s5 =	sshrl.u32 s5, $0x3;
	s10 =	simm.s32 $0x8000  }
0xf: {  	s3 =	sadd.s32 s4, s30;
	s7 =	sshrl.u32 s7, $0x3;
	s8 =	sshrl.u32 s8, $0x3  }
0x10: {  	v1 =	vlaneseq.u32;
	s5 =	sadd.s32 s6, s5;
	s4 =	sadd.s32 s4, s7;
	s6 =	sadd.s32 s6, s8  }
0x11: {  	v0 =	vimm.s32 $0x0;
	v2 =	vimm.f32 $-Inf;
	v1 =	vmul.u32 $0xFFFFFFFF, v1;
	s7 =	smax.u32 s9, $0x1;
	s8 =	simm.s32 $0x80;
	s9 =	simm.s32 $0x400  }
.LBB2_23:
0x12: {  	v5 =	vimm.f32 $-Inf;
	v6 =	vimm.f32 $-Inf;
	v7 =	vimm.f32 $-Inf  }
0x13: {  	v8 =	vimm.f32 $-Inf;
	v9 =	vimm.f32 $-Inf;
	v10 =	vimm.f32 $-Inf  }
0x14: {  	v11 =	vimm.f32 $-Inf;
	v12 =	vimm.f32 $-Inf;
	v13 =	vimm.f32 $-Inf  }
0x15: {  	v14 =	vimm.f32 $-Inf;
	v15 =	vimm.f32 $-Inf;
	v16 =	vimm.f32 $-Inf  }
0x16: {  	v17 =	vimm.f32 $-Inf;
	v18 =	vimm.f32 $-Inf;
	v4 =	vimm.f32 $-Inf  }
.LBB2_27:
0x17: {  	[tilespmem:$0x18100] =	vst v3  }
0x18: {  	[tilespmem:$0x18110] =	vst v5  }
0x19: {  	[tilespmem:$0x18120] =	vst v6  }
0x1a: {  	[tilespmem:$0x18130] =	vst v7  }
0x1b: {  	[tilespmem:$0x18140] =	vst v8  }
0x1c: {  	[tilespmem:$0x18150] =	vst v9  }
0x1d: {  	[tilespmem:$0x18160] =	vst v10  }
0x1e: {  	[tilespmem:$0x18170] =	vst v11  }
0x1f: {  	[tilespmem:$0x18180] =	vst v12  }
0x20: {  	[tilespmem:$0x18190] =	vst v13  }
0x21: {  	[tilespmem:$0x181A0] =	vst v14  }
0x22: {  	[tilespmem:$0x181B0] =	vst v15  }
0x23: {  	[tilespmem:$0x181C0] =	vst v16  }
0x24: {  	[tilespmem:$0x181D0] =	vst v17  }
0x25: {  	[tilespmem:$0x181E0] =	vst v18  }
0x26: {  	[tilespmem:$0x181F0] =	vst v4;
	s18 =	sadd.s32 $0x1, s18  }
0x27: {  	[hbm4b:s6+s8] =	stream.strided.scatter [tilespmem:s15], [sflag:$0x4], $0x100, s9, s8, $0x38;
	[tilespmem:$0x18200] =	vst v63  }
0x28: {  	p0 =	sne.s32 s18, s7;
	_ =	swait.ge [sflag:s16], $0x100  }
.Ltmp1:
0x29: {  	[sflag:s16] =	ssyncset.done $0x0;
	(pc) =	sbr.rel @!p0 .LBB2_28-.Ltmp1, $4  }
0x2a: {  	[sflag:s16] =	ssyncadd.s32 $0xFFFFFF00  }
0x2b: {  	_ =	swait.ge [sflag:s17], $0x100  }
0x2c: {  	[sflag:s17] =	ssyncset.done $0x0  }
0x2d: {  	[sflag:s17] =	ssyncadd.s32 $0xFFFFFF00  }
.LBB2_1:
0x2e: {  	[tilespmem:s2], [sflag:$0x1] =	stream.strided.gather [hbm4b:s3+s8], $0x8000, s9, s8, $0x38;
	[tilespmem:$0x18200] =	vst v63  }
0x2f: {  	_ = 	snop  }
0x30: {  	[tilespmem:s10], [sflag:$0x2] =	stream.strided.gather [hbm4b:s4+s8], $0x8000, s9, s8, $0x38;
	[tilespmem:$0x18200] =	vst v63  }
0x31: {  	_ =	swait.ge [sflag:s11], $0x8000  }
0x32: {  	[sflag:s11] =	ssyncset.done $0x0  }
0x33: {  	[sflag:s11] =	ssyncadd.s32 $0xFFFF8000  }
0x34: {  	v8 =	vld [tilespmem:$0x0]  }
0x35: {  	v10 =	vld [tilespmem:$0x10]  }
0x36: {  	v11 =	vld [tilespmem:$0x20]  }
0x37: {  	v12 =	vld [tilespmem:$0x30]  }
0x38: {  	v13 =	vld [tilespmem:$0x40]  }
0x39: {  	v14 =	vld [tilespmem:$0x50]  }
0x3a: {  	v15 =	vld [tilespmem:$0x60]  }
0x3b: {  	v16 =	vld [tilespmem:$0x70]  }
0x3c: {  	v17 =	vld [tilespmem:$0x80]  }
0x3d: {  	v18 =	vld [tilespmem:$0x90]  }
0x3e: {  	v5 =	vld [tilespmem:$0xA0]  }
0x3f: {  	v6 =	vld [tilespmem:$0xB0]  }
0x40: {  	v7 =	vld [tilespmem:$0xC0]  }
0x41: {  	v3 =	vld [tilespmem:$0xD0]  }
0x42: {  	v4 =	vld [tilespmem:$0xE0]  }
0x43: {  	s21 =	simm.s32 $0x0;
	v9 =	vld [tilespmem:$0xF0]  }
0x44: {  	v20 =	vld [tilespmem:s21+$0x1F0]  }
0x45: {  	v21 =	vld [tilespmem:s21+$0x100]  }
0x46: {  	v22 =	vld [tilespmem:s21+$0x110]  }
0x47: {  	v23 =	vld [tilespmem:s21+$0x120]  }
0x48: {  	v24 =	vld [tilespmem:s21+$0x130]  }
0x49: {  	v25 =	vld [tilespmem:s21+$0x140]  }
0x4a: {  	v26 =	vld [tilespmem:s21+$0x150]  }
0x4b: {  	v27 =	vld [tilespmem:s21+$0x160]  }
0x4c: {  	v28 =	vld [tilespmem:s21+$0x170]  }
0x4d: {  	v29 =	vld [tilespmem:s21+$0x180]  }
0x4e: {  	v30 =	vld [tilespmem:s21+$0x190]  }
0x4f: {  	v19 =	vld [tilespmem:s21+$0x1A0]  }
0x50: {  	v9 =	vmax.f32 v9, v20;
	v8 =	vmax.f32 v8, v21;
	v20 =	vld [tilespmem:s21+$0x1B0]  }
0x51: {  	v10 =	vmax.f32 v10, v22;
	v11 =	vmax.f32 v11, v23;
	v12 =	vmax.f32 v12, v24;
	v21 =	vld [tilespmem:s21+$0x1C0]  }
0x52: {  	v13 =	vmax.f32 v13, v25;
	v14 =	vmax.f32 v14, v26;
	v15 =	vmax.f32 v15, v27;
	v22 =	vld [tilespmem:s21+$0x1D0]  }
0x53: {  	s19 =	simm.s32 $0x100;
	s20 =	simm.s32 $0x800;
	v16 =	vmax.f32 v16, v28;
	v17 =	vmax.f32 v17, v29;
	v18 =	vmax.f32 v18, v30;
	v23 =	vld [tilespmem:s21+$0x1E0]  }
.LBB2_2:
0x54: {  	p0 =	sne.s32 s20, $0x1F800;
	v24 =	vld [tilespmem:s19+$0x1F0];
	v5 =	vmax.f32 v5, v19  }
0x55: {  	v19 =	vld [tilespmem:s19+$0x100];
	v6 =	vmax.f32 v6, v20  }
0x56: {  	v20 =	vld [tilespmem:s19+$0x110];
	v7 =	vmax.f32 v7, v21  }
0x57: {  	v21 =	vld [tilespmem:s19+$0x120];
	v3 =	vmax.f32 v3, v22  }
0x58: {  	v22 =	vld [tilespmem:s19+$0x130];
	v4 =	vmax.f32 v4, v23  }
0x59: {  	v23 =	vld [tilespmem:s19+$0x140];
	v9 =	vmax.f32 v9, v24  }
0x5a: {  	v8 =	vmax.f32 v8, v19;
	v19 =	vld [tilespmem:s19+$0x150]  }
0x5b: {  	v10 =	vmax.f32 v10, v20;
	v20 =	vld [tilespmem:s19+$0x160]  }
0x5c: {  	v11 =	vmax.f32 v11, v21;
	v21 =	vld [tilespmem:s19+$0x170]  }
0x5d: {  	v12 =	vmax.f32 v12, v22;
	v22 =	vld [tilespmem:s19+$0x180]  }
0x5e: {  	v13 =	vmax.f32 v13, v23;
	v23 =	vld [tilespmem:s19+$0x190]  }
.Ltmp2:
0x5f: {  	v14 =	vmax.f32 v14, v19;
	v19 =	vld [tilespmem:s19+$0x1A0];
	(pc) =	sbr.rel @p0 .LBB2_2-.Ltmp2, $4  }
0x60: {  	v15 =	vmax.f32 v15, v20;
	v20 =	vld [tilespmem:s19+$0x1B0]  }
0x61: {  	v16 =	vmax.f32 v16, v21;
	v21 =	vld [tilespmem:s19+$0x1C0]  }
0x62: {  	v17 =	vmax.f32 v17, v22;
	v22 =	vld [tilespmem:s19+$0x1D0]  }
0x63: {  	v18 =	vmax.f32 v18, v23;
	v23 =	vld [tilespmem:s19+$0x1E0];
	s19 =	sshra.s32 s20, $0x2;
	s20 =	sadd.s32 $0x400, s20  }
0x64: {  	v24 =	vld [tilespmem:s19+$0x1F0]  }
0x65: {  	v25 =	vld [tilespmem:s19+$0x100]  }
0x66: {  	v26 =	vld [tilespmem:s19+$0x110]  }
0x67: {  	v27 =	vld [tilespmem:s19+$0x120]  }
0x68: {  	v28 =	vld [tilespmem:s19+$0x130]  }
0x69: {  	v29 =	vld [tilespmem:s19+$0x140]  }
0x6a: {  	v30 =	vld [tilespmem:s19+$0x150]  }
0x6b: {  	v31 =	vld [tilespmem:s19+$0x160]  }
0x6c: {  	v32 =	vld [tilespmem:s19+$0x170]  }
0x6d: {  	v33 =	vld [tilespmem:s19+$0x180]  }
0x6e: {  	v34 =	vld [tilespmem:s19+$0x190]  }
0x6f: {  	v35 =	vld [tilespmem:s19+$0x1A0]  }
0x70: {  	v36 =	vld [tilespmem:s19+$0x1B0]  }
0x71: {  	v37 =	vld [tilespmem:s19+$0x1C0]  }
0x72: {  	v5 =	vmax.f32 v5, v19;
	v19 =	vld [tilespmem:s19+$0x1D0];
	v6 =	vmax.f32 v6, v20;
	v7 =	vmax.f32 v7, v21  }
0x73: {  	v53 =	vld [tilespmem:s19+$0x1E0];
	v3 =	vmax.f32 v3, v22;
	v4 =	vmax.f32 v4, v23;
	v9 =	vmax.f32 v9, v24  }
0x74: {  	v8 =	vmax.f32 v8, v25;
	v10 =	vmax.f32 v10, v26;
	v11 =	vmax.f32 v11, v27  }
0x75: {  	v12 =	vmax.f32 v12, v28;
	v13 =	vmax.f32 v13, v29;
	v14 =	vmax.f32 v14, v30  }
0x76: {  	v15 =	vmax.f32 v15, v31;
	v16 =	vmax.f32 v16, v32;
	v17 =	vmax.f32 v17, v33  }
0x77: {  	v18 =	vmax.f32 v18, v34;
	v5 =	vmax.f32 v5, v35;
	v6 =	vmax.f32 v6, v36  }
0x78: {  	v7 =	vmax.f32 v7, v37;
	v3 =	vmax.f32 v3, v19;
	v4 =	vmax.f32 v4, v53  }
0x79: {  	v8 =	vmin.f32 v8, v17;
	v10 =	vmin.f32 v10, v18;
	v5 =	vmin.f32 v11, v5  }
0x7a: {  	v6 =	vmin.f32 v12, v6;
	v7 =	vmin.f32 v13, v7;
	v3 =	vmin.f32 v14, v3  }
0x7b: {  	v4 =	vmin.f32 v15, v4;
	v9 =	vmin.f32 v16, v9;
	v7 =	vmin.f32 v8, v7  }
0x7c: {  	v3 =	vmin.f32 v10, v3;
	v4 =	vmin.f32 v5, v4;
	v5 =	vmin.f32 v6, v9  }
0x7d: {  	v4 =	vmin.f32 v7, v4;
	v3 =	vmin.f32 v3, v5  }
0x7e: {  	s31 =	simm.s32 $0x0;
	v3 =	vmin.f32 v4, v3  }
0x7f: {  	v19 =	vld [tilespmem:s31+$0x90];
	(xrf0) =	vmin.scan.msk.f32 $0xffff, v3  }
0x80: {  	v11 =	vld [tilespmem:s31+$0x40]  }
0x81: {  	v12 =	vld [tilespmem:s31+$0x30]  }
0x82: {  	v13 =	vld [tilespmem:s31+$0x20]  }
0x83: {  	v15 =	vld [tilespmem:s31+$0x0]  }
0x84: {  	v14 =	vld [tilespmem:s31+$0x10]  }
0x85: {  	v16 =	vld [tilespmem:s31+$0x60];
	v3, _, _ =	vpop (xrf0)  }
0x86: {  	v17 =	vld [tilespmem:s31+$0x70];
	v3 =	vbroadcast v3, $0xF  }
0x87: {  	v10 =	vld [tilespmem:s31+$0x50]  }
0x88: {  	v54 =	vlaneseq.u32;
	v18 =	vld [tilespmem:s31+$0x80];
	vm0 =	vge.f32 v15, v3  }
0x89: {  	v6 =	vld [tilespmem:s31+$0xB0];
	vm1 =	vge.f32 v14, v3;
	vm2 =	vge.f32 v13, v3;
	v7 =	vsel vm0, $0x10, v0  }
0x8a: {  	v5 =	vld [tilespmem:s31+$0xA0];
	vm3 =	vge.f32 v12, v3;
	v8 =	vsel vm1, $0x10, v0;
	v55 =	vadd.s32 v54, v7  }
0x8b: {  	v4 =	vld [tilespmem:s31+$0xD0];
	vm4 =	vge.f32 v11, v3;
	v9 =	vsel vm2, $0x10, v0;
	v56 =	vadd.s32 v8, v55  }
0x8c: {  	vm5 =	vge.f32 v10, v3;
	v57 =	vsel vm3, $0x10, v0;
	v7 =	vld [tilespmem:s31+$0xC0];
	v59 =	vadd.s32 v9, v56  }
0x8d: {  	vm6 =	vge.f32 v16, v3;
	v58 =	vsel vm4, $0x10, v0;
	v8 =	vld [tilespmem:s31+$0xE0];
	v23 =	vadd.s32 v57, v59  }
0x8e: {  	vm7 =	vge.f32 v17, v3;
	v60 =	vsel vm5, $0x10, v0;
	v9 =	vld [tilespmem:s31+$0xF0];
	[tilespmem:v54+s12+$0x0] =	vst.idx.msk vm0, v15;
	v15 =	vadd.s32 v58, v23  }
0x8f: {  	vm8 =	vge.f32 v18, v3;
	v61 =	vsel vm6, $0x10, v0;
	[tilespmem:v55+s12+$0x0] =	vst.idx.msk vm1, v14;
	v14 =	vadd.s32 v60, v15  }
0x90: {  	vm9 =	vge.f32 v19, v3;
	v62 =	vsel vm7, $0x10, v0;
	[tilespmem:v56+s12+$0x0] =	vst.idx.msk vm2, v13;
	v13 =	vadd.s32 v61, v14  }
0x91: {  	v63 =	vsel vm8, $0x10, v0;
	vm0 =	vge.f32 v5, v3;
	[tilespmem:v59+s12+$0x0] =	vst.idx.msk vm3, v12;
	v21 =	vadd.s32 v62, v13  }
0x92: {  	vm1 =	vge.f32 v6, v3;
	v12 =	vsel vm9, $0x10, v0;
	[tilespmem:v23+s12+$0x0] =	vst.idx.msk vm4, v11;
	v20 =	vadd.s32 v63, v21  }
0x93: {  	vm2 =	vge.f32 v7, v3;
	v11 =	vsel vm0, $0x10, v0;
	[tilespmem:v15+s12+$0x0] =	vst.idx.msk vm5, v10;
	v10 =	vadd.s32 v12, v20  }
0x94: {  	vm3 =	vge.f32 v4, v3;
	v12 =	vsel vm1, $0x10, v0;
	[tilespmem:v14+s12+$0x0] =	vst.idx.msk vm6, v16;
	v11 =	vadd.s32 v11, v10  }
0x95: {  	vm4 =	vge.f32 v8, v3;
	v14 =	vsel vm2, $0x10, v0;
	[tilespmem:v13+s12+$0x0] =	vst.idx.msk vm7, v17;
	v12 =	vadd.s32 v12, v11  }
0x96: {  	vm5 =	vge.f32 v9, v3;
	v17 =	vsel vm3, $0x10, v0;
	[tilespmem:v21+s12+$0x0] =	vst.idx.msk vm8, v18;
	v13 =	vadd.s32 v14, v12  }
0x97: {  	s19 =	simm.s32 $0x400;
	v15 =	vsel vm4, $0x10, v0;
	v16 =	vsel vm5, $0x10, v0;
	[tilespmem:v20+s12+$0x0] =	vst.idx.msk vm9, v19;
	v14 =	vadd.s32 v17, v13  }
.LBB2_4:
0x98: {  	p0 =	sne.s32 s19, $0x1FC00;
	[tilespmem:v10+s12+$0x0] =	vst.idx.msk vm0, v5;
	v5 =	vadd.s32 v15, v14;
	s20 =	smov.u32 s19;
	s19 =	sadd.s32 $0x400, s19  }
0x99: {  	[tilespmem:v11+s12+$0x0] =	vst.idx.msk vm1, v6;
	v10 =	vadd.s32 v16, v5  }
0x9a: {  	[tilespmem:v12+s12+$0x0] =	vst.idx.msk vm2, v7  }
0x9b: {  	[tilespmem:v13+s12+$0x0] =	vst.idx.msk vm3, v4  }
0x9c: {  	[tilespmem:v14+s12+$0x0] =	vst.idx.msk vm4, v8  }
0x9d: {  	s20 =	sshra.s32 s20, $0x2;
	[tilespmem:v5+s12+$0x0] =	vst.idx.msk vm5, v9  }
0x9e: {  	v11 =	vld [tilespmem:s20+$0x50]  }
0x9f: {  	v12 =	vld [tilespmem:s20+$0x40]  }
0xa0: {  	v13 =	vld [tilespmem:s20+$0x30]  }
0xa1: {  	v14 =	vld [tilespmem:s20+$0x20]  }
0xa2: {  	v15 =	vld [tilespmem:s20+$0x10]  }
0xa3: {  	v16 =	vld [tilespmem:s20+$0x0]  }
0xa4: {  	v17 =	vld [tilespmem:s20+$0x60]  }
0xa5: {  	v18 =	vld [tilespmem:s20+$0x70]  }
0xa6: {  	v19 =	vld [tilespmem:s20+$0x80]  }
0xa7: {  	v20 =	vld [tilespmem:s20+$0x90]  }
0xa8: {  	vm0 =	vge.f32 v15, v3;
	vm6 =	vge.f32 v16, v3;
	v5 =	vld [tilespmem:s20+$0xA0]  }
0xa9: {  	vm7 =	vge.f32 v14, v3;
	v8 =	vsel vm0, $0x10, v0;
	v7 =	vsel vm6, $0x10, v0;
	v6 =	vld [tilespmem:s20+$0xB0]  }
0xaa: {  	vm1 =	vge.f32 v13, v3;
	v9 =	vsel vm7, $0x10, v0;
	v4 =	vld [tilespmem:s20+$0xD0];
	v21 =	vadd.s32 v10, v7  }
0xab: {  	vm2 =	vge.f32 v12, v3;
	v22 =	vsel vm1, $0x10, v0;
	v7 =	vld [tilespmem:s20+$0xC0];
	v23 =	vadd.s32 v8, v21  }
0xac: {  	vm3 =	vge.f32 v11, v3;
	v24 =	vsel vm2, $0x10, v0;
	v8 =	vld [tilespmem:s20+$0xE0];
	v25 =	vadd.s32 v9, v23  }
0xad: {  	v26 =	vsel vm3, $0x10, v0;
	vm4 =	vge.f32 v17, v3;
	v9 =	vld [tilespmem:s20+$0xF0];
	v22 =	vadd.s32 v22, v25  }
0xae: {  	v27 =	vsel vm4, $0x10, v0;
	vm5 =	vge.f32 v18, v3;
	[tilespmem:v10+s12+$0x0] =	vst.idx.msk vm6, v16;
	v10 =	vadd.s32 v24, v22  }
0xaf: {  	v16 =	vsel vm5, $0x10, v0;
	vm6 =	vge.f32 v19, v3;
	[tilespmem:v21+s12+$0x0] =	vst.idx.msk vm0, v15;
	v15 =	vadd.s32 v26, v10  }
0xb0: {  	vm8 =	vge.f32 v20, v3;
	v21 =	vsel vm6, $0x10, v0;
	[tilespmem:v23+s12+$0x0] =	vst.idx.msk vm7, v14;
	v14 =	vadd.s32 v27, v15  }
0xb1: {  	vm0 =	vge.f32 v5, v3;
	v23 =	vsel vm8, $0x10, v0;
	[tilespmem:v25+s12+$0x0] =	vst.idx.msk vm1, v13;
	v13 =	vadd.s32 v16, v14  }
0xb2: {  	v16 =	vsel vm0, $0x10, v0;
	vm1 =	vge.f32 v6, v3;
	[tilespmem:v22+s12+$0x0] =	vst.idx.msk vm2, v12;
	v21 =	vadd.s32 v21, v13  }
.Ltmp3:
0xb3: {  	v12 =	vsel vm1, $0x10, v0;
	vm2 =	vge.f32 v7, v3;
	[tilespmem:v10+s12+$0x0] =	vst.idx.msk vm3, v11;
	v10 =	vadd.s32 v23, v21;
	(pc) =	sbr.rel @p0 .LBB2_4-.Ltmp3, $4  }
0xb4: {  	v22 =	vsel vm2, $0x10, v0;
	vm3 =	vge.f32 v4, v3;
	[tilespmem:v15+s12+$0x0] =	vst.idx.msk vm4, v17;
	v11 =	vadd.s32 v16, v10  }
0xb5: {  	v17 =	vsel vm3, $0x10, v0;
	vm4 =	vge.f32 v8, v3;
	[tilespmem:v14+s12+$0x0] =	vst.idx.msk vm5, v18;
	v12 =	vadd.s32 v12, v11  }
0xb6: {  	v15 =	vsel vm4, $0x10, v0;
	vm5 =	vge.f32 v9, v3;
	[tilespmem:v13+s12+$0x0] =	vst.idx.msk vm6, v19;
	v13 =	vadd.s32 v22, v12  }
0xb7: {  	v16 =	vsel vm5, $0x10, v0;
	[tilespmem:v21+s12+$0x0] =	vst.idx.msk vm8, v20;
	v14 =	vadd.s32 v17, v13  }
0xb8: {  	v15 =	vadd.s32 v15, v14  }
0xb9: {  	v3 =	vadd.s32 v16, v15  }
0xba: {  	v16 =	vadd.s32 v1, v3  }
0xbb: {  	v16 =	vshrl.u32 v16, $0x4  }
0xbc: {  	v16 =	vor.u32 $0x80000000, v16  }
0xbd: {  	(xrf0) =	vmax.scan.msk.u32 $0xffff, v16;
	_ =	sdelay $0x5  }
0xbe: {  	v17, _, _ =	vpop (xrf0)  }
0xbf: {  	(xrf0) =	vmin.scan.msk.u32 $0xffff, v16;
	(v2sf) =	vpush v17, $0xF;
	_ =	sdelay $0x5  }
0xc0: {  	v16, _, _ =	vpop (xrf0)  }
0xc1: {  	(v2sf) =	vpush v16, $0xF;
	_ =	sdelay $0x7  }
0xc2: {  	s19 =	spop (v2sf)  }
0xc3: {  	s19 =	sadd.s32 $0x8000000F, s19  }
0xc4: {  	s20 =	sand.u32 $0xF, s19  }
0xc5: {  	s21 =	sshra.s32 s19, $0x1F;
	p0 =	slt.s32 s19, $0x1;
	p1 =	sne.s32 s20, $0x0  }
0xc6: {  	s29 =	sshrl.u32 s21, $0x1C;
	p0 =	por !p0, !p1  }
0xc7: {  	s20 =	simm.s32 $0x1;
	s19 =	sadd.s32 s29, s19;
	p0 =	por !p0, !p0  }
0xc8: {  	s19 =	sshra.s32 s19, $0x4;
	s20 =	simm.s32 @!p0 $0x0  }
0xc9: {  	s30 =	spop (v2sf);
	s20 =	ssub.s32 s19, s20  }
0xca: {  	s19 =	sxor.u32 $0x80000000, s30;
	s31 =	sshll.u32 s20, $0x4  }
0xcb: {  	s19 =	ssub.s32 s31, s19  }
0xcc: {  	[tilespmem:v10+s12+$0x0] =	vst.idx.msk vm0, v5;
	p0 =	slt.s32 s19, $0x1  }
.Ltmp4:
0xcd: {  	[tilespmem:v11+s12+$0x0] =	vst.idx.msk vm1, v6;
	(pc) =	sbr.rel @p0 .LBB2_9-.Ltmp4, $4  }
0xce: {  	[tilespmem:v12+s12+$0x0] =	vst.idx.msk vm2, v7  }
0xcf: {  	[tilespmem:v13+s12+$0x0] =	vst.idx.msk vm3, v4  }
0xd0: {  	[tilespmem:v14+s12+$0x0] =	vst.idx.msk vm4, v8  }
0xd1: {  	[tilespmem:v15+s12+$0x0] =	vst.idx.msk vm5, v9  }
0xd2: {  	p0 =	seq.s32 s19, $0x1  }
.Ltmp5:
0xd3: {  	_ = 	snop;
	(pc) =	sbr.rel @p0 .LBB2_8-.Ltmp5, $4  }
0xd4: {  	s21 =	sshll.u32 s20, $0x8  }
0xd5: {  	v4 =	vmov s21  }
0xd6: {  	vm0 =	vlt.s32 v3, v4  }
0xd7: {  	s19 =	sadd.s32 $0xFFFFFFFF, s19;
	v5 =	vmov v3;
	v6 =	vsel vm0, $0x10, v0  }
.LBB2_7:
0xd8: {  	p0 =	seq.s32 s19, $0x1;
	s19 =	sadd.s32 $0xFFFFFFFF, s19;
	v5 =	vadd.s32 v5, v6  }
.Ltmp6:
0xd9: {  	(pc) =	sbr.rel @!p0 .LBB2_7-.Ltmp6, $3  }
0xda: {  	_ =	sdelay $0x1  }
0xdb: {  	[tilespmem:v3+s12+$0x0] =	vst.idx.msk vm0, v2;
	vm0 =	vlt.s32 v5, v4;
	v3 =	vmov v5  }
0xdc: {  	v6 =	vsel vm0, $0x10, v0  }
.LBB2_8:
0xdd: {  	_ =	sdelay $0x4  }
0xde: {  	[tilespmem:v3+s12+$0x0] =	vst.idx.msk vm0, v2  }
.LBB2_9:
0xdf: {  	p0 =	sgt.s32 s20, $0x0  }
.Ltmp7:
0xe0: {  	_ = 	snop;
	(pc) =	sbr.rel @!p0 .LBB2_10-.Ltmp7, $2  }
0xe1: {  	_ =	sdelay $0x2  }
0xe2: {  	v3 =	vimm.f32 $-Inf;
	s19 =	simm.s32 $0x10080  }
0xe3: {  	v4 =	vld [tilespmem:s19+$0xFFFFFF80]  }
0xe4: {  	v5 =	vld [tilespmem:s19+$0xFFFFFF90]  }
0xe5: {  	v6 =	vld [tilespmem:s19+$0xFFFFFFA0]  }
0xe6: {  	v7 =	vld [tilespmem:s19+$0xFFFFFFB0]  }
0xe7: {  	v8 =	vld [tilespmem:s19+$0xFFFFFFC0]  }
0xe8: {  	(xrf1) =	vsort.dscd.msk.f32 $0xffff, v4, v4  }
0xe9: {  	v9 =	vld [tilespmem:s19+$0xFFFFFFD0];
	(xrf1) =	vsort.ascd.msk.f32 $0xffff, v5, v5  }
0xea: {  	v4 =	vld [tilespmem:s19+$0xFFFFFFE0];
	(xrf1) =	vsort.dscd.msk.f32 $0xffff, v6, v6  }
0xeb: {  	v5 =	vld [tilespmem:s19+$0xFFFFFFF0];
	(xrf1) =	vsort.ascd.msk.f32 $0xffff, v7, v7  }
0xec: {  	v6 =	vld [tilespmem:s19+$0x0];
	(xrf1) =	vsort.dscd.msk.f32 $0xffff, v8, v8  }
0xed: {  	v7 =	vld [tilespmem:s19+$0x10]  }
0xee: {  	v8 =	vld [tilespmem:s19+$0x20];
	(xrf1) =	vsort.ascd.msk.f32 $0xffff, v9, v9  }
0xef: {  	v9 =	vld [tilespmem:s19+$0x30];
	(xrf1) =	vsort.dscd.msk.f32 $0xffff, v4, v4  }
0xf0: {  	v4 =	vld [tilespmem:s19+$0x40];
	(xrf1) =	vsort.ascd.msk.f32 $0xffff, v5, v5  }
0xf1: {  	v5 =	vld [tilespmem:s19+$0x50];
	(xrf1) =	vsort.dscd.msk.f32 $0xffff, v6, v6  }
0xf2: {  	v6 =	vld [tilespmem:s19+$0x60];
	(xrf1) =	vsort.ascd.msk.f32 $0xffff, v7, v7  }
0xf3: {  	v7 =	vld [tilespmem:s19+$0x70];
	(xrf1) =	vsort.dscd.msk.f32 $0xffff, v8, v8  }
0xf4: {  	(xrf1) =	vsort.ascd.msk.f32 $0xffff, v9, v9  }
0xf5: {  	(xrf1) =	vsort.dscd.msk.f32 $0xffff, v4, v4  }
0xf6: {  	(xrf1) =	vsort.ascd.msk.f32 $0xffff, v5, v5;
	v4, _, _ =	vpop (xrf1)  }
0xf7: {  	(xrf1) =	vsort.dscd.msk.f32 $0xffff, v6, v6;
	v5, _, _ =	vpop (xrf1)  }
0xf8: {  	(xrf1) =	vsort.ascd.msk.f32 $0xffff, v7, v7;
	v6, _, _ =	vpop (xrf1);
	v7 =	vmax.f32 v4, v5  }
0xf9: {  	v4 =	vmin.f32 v4, v5;
	v8, _, _ =	vpop (xrf1);
	(xrf1) =	vsort.dscd.msk.f32 $0xffff, v7, v7  }
0xfa: {  	v5, _, _ =	vpop (xrf1);
	(xrf1) =	vsort.dscd.msk.f32 $0xffff, v4, v4;
	v4 =	vmin.f32 v6, v8  }
0xfb: {  	v6 =	vmax.f32 v6, v8  }
0xfc: {  	v7, _, _ =	vpop (xrf1)  }
0xfd: {  	(xrf1) =	vsort.ascd.msk.f32 $0xffff, v4, v4;
	v8 =	vmax.f32 v5, v7;
	v5 =	vmin.f32 v5, v7;
	v4, _, _ =	vpop (xrf1)  }
0xfe: {  	(xrf1) =	vsort.ascd.msk.f32 $0xffff, v6, v6;
	v6, _, _ =	vpop (xrf1)  }
0xff: {  	(xrf1) =	vsort.dscd.msk.f32 $0xffff, v8, v8;
	v7, _, _ =	vpop (xrf1);
	v8 =	vmin.f32 v4, v6;
	v4 =	vmax.f32 v4, v6  }
0x100: {  	(xrf1) =	vsort.dscd.msk.f32 $0xffff, v5, v5;
	v5, _, _ =	vpop (xrf1)  }
0x101: {  	(xrf1) =	vsort.ascd.msk.f32 $0xffff, v8, v8;
	v6, _, _ =	vpop (xrf1);
	v8 =	vmax.f32 v7, v5;
	v5 =	vmin.f32 v7, v5  }
0x102: {  	(xrf1) =	vsort.ascd.msk.f32 $0xffff, v4, v4;
	v4, _, _ =	vpop (xrf1)  }
0x103: {  	(xrf1) =	vsort.dscd.msk.f32 $0xffff, v8, v8;
	v7, _, _ =	vpop (xrf1);
	v8 =	vmin.f32 v6, v4  }
0x104: {  	(xrf1) =	vsort.dscd.msk.f32 $0xffff, v5, v5;
	v5, _, _ =	vpop (xrf1)  }
0x105: {  	v4 =	vmax.f32 v6, v4;
	(xrf1) =	vsort.ascd.msk.f32 $0xffff, v8, v8;
	v6, _, _ =	vpop (xrf1)  }
0x106: {  	(xrf1) =	vsort.ascd.msk.f32 $0xffff, v4, v4;
	v4 =	vmax.f32 v7, v5;
	v5 =	vmin.f32 v7, v5;
	v8, _, _ =	vpop (xrf1)  }
0x107: {  	(xrf1) =	vsort.dscd.msk.f32 $0xffff, v4, v4;
	v4 =	vmin.f32 v6, v8  }
0x108: {  	v6 =	vmax.f32 v6, v8  }
0x109: {  	(xrf1) =	vsort.dscd.msk.f32 $0xffff, v5, v5;
	v5, _, _ =	vpop (xrf1)  }
0x10a: {  	(xrf1) =	vsort.ascd.msk.f32 $0xffff, v4, v4;
	v4, _, _ =	vpop (xrf1)  }
0x10b: {  	(xrf1) =	vsort.ascd.msk.f32 $0xffff, v6, v6;
	v6, _, _ =	vpop (xrf1)  }
0x10c: {  	v7, _, _ =	vpop (xrf1)  }
0x10d: {  	v9 =	vmax.f32 v5, v6;
	v10 =	vmax.f32 v4, v7  }
0x10e: {  	v5 =	vmin.f32 v5, v6;
	v8, _, _ =	vpop (xrf1);
	v6 =	vmax.f32 v9, v10  }
0x10f: {  	v4 =	vmin.f32 v4, v7;
	v11, _, _ =	vpop (xrf1);
	v7 =	vmin.f32 v9, v10  }
0x110: {  	v9 =	vmax.f32 v5, v4;
	v12, _, _ =	vpop (xrf1)  }
0x111: {  	v4 =	vmin.f32 v5, v4;
	(xrf1) =	vsort.dscd.msk.f32 $0xffff, v6, v6;
	v6, _, _ =	vpop (xrf1)  }
0x112: {  	v10 =	vmin.f32 v8, v12;
	v8 =	vmax.f32 v8, v12;
	(xrf1) =	vsort.dscd.msk.f32 $0xffff, v7, v7;
	v7, _, _ =	vpop (xrf1)  }
0x113: {  	v5 =	vmin.f32 v11, v6;
	(xrf1) =	vsort.dscd.msk.f32 $0xffff, v9, v9;
	v6 =	vmax.f32 v11, v6;
	v9, _, _ =	vpop (xrf1)  }
0x114: {  	v12 =	vmin.f32 v10, v5;
	(xrf1) =	vsort.dscd.msk.f32 $0xffff, v4, v4;
	v5 =	vmax.f32 v10, v5;
	v4, _, _ =	vpop (xrf1)  }
0x115: {  	v11 =	vmin.f32 v8, v6;
	(xrf1) =	vsort.ascd.msk.f32 $0xffff, v12, v12;
	v10, _, _ =	vpop (xrf1);
	v12 =	vmax.f32 v7, v4  }
0x116: {  	(xrf1) =	vsort.ascd.msk.f32 $0xffff, v5, v5;
	v5 =	vmax.f32 v8, v6;
	v6 =	vmax.f32 v9, v10  }
0x117: {  	v4 =	vmin.f32 v7, v4;
	v7 =	vmax.f32 v12, v6  }
0x118: {  	(xrf1) =	vsort.ascd.msk.f32 $0xffff, v11, v11;
	v8, _, _ =	vpop (xrf1);
	v6 =	vmin.f32 v12, v6  }
0x119: {  	v13 =	vimm.f32 $-Inf;
	v15 =	vimm.f32 $-Inf;
	(xrf1) =	vsort.ascd.msk.f32 $0xffff, v5, v5;
	v5, _, _ =	vpop (xrf1)  }
0x11a: {  	v16 =	vimm.f32 $-Inf;
	v18 =	vimm.f32 $-Inf;
	v9 =	vmin.f32 v9, v10;
	(xrf1) =	vsort.dscd.msk.f32 $0xffff, v7, v7;
	v7, _, _ =	vpop (xrf1)  }
0x11b: {  	v10 =	vmax.f32 v4, v9;
	v4 =	vmin.f32 v4, v9;
	v12 =	vimm.f32 $-Inf;
	(xrf1) =	vsort.dscd.msk.f32 $0xffff, v6, v6;
	v6, _, _ =	vpop (xrf1)  }
0x11c: {  	p0 =	sne.s32 s20, $0x1;
	(xrf1) =	vsort.dscd.msk.f32 $0xffff, v10, v10;
	v10 =	vimm.f32 $-Inf;
	v11 =	vmin.f32 v8, v7;
	v9 =	vmin.f32 v5, v6  }
.Ltmp8:
0x11d: {  	v7 =	vmax.f32 v8, v7;
	(xrf1) =	vsort.dscd.msk.f32 $0xffff, v4, v4;
	v4 =	vimm.f32 $-Inf;
	v8 =	vmin.f32 v11, v9;
	(pc) =	sbr.rel @!p0 .LBB2_13-.Ltmp8, $4  }
0x11e: {  	v5 =	vmax.f32 v5, v6;
	v6 =	vimm.f32 $-Inf;
	v11 =	vmax.f32 v11, v9;
	(xrf1) =	vsort.ascd.msk.f32 $0xffff, v8, v8  }
0x11f: {  	v14 =	vmin.f32 v7, v5;
	v17 =	vmax.f32 v7, v5;
	v5 =	vimm.f32 $-Inf;
	(xrf1) =	vsort.ascd.msk.f32 $0xffff, v11, v11  }
0x120: {  	v7 =	vimm.f32 $-Inf;
	v9 =	vimm.f32 $-Inf;
	v19, _, _ =	vpop (xrf1);
	v8 =	vimm.f32 $-Inf;
	(xrf1) =	vsort.ascd.msk.f32 $0xffff, v14, v14  }
0x121: {  	s20 =	sadd.s32 $0xFFFFFFFF, s20;
	s19 =	sadd.s32 $0x100, s19;
	v11 =	vimm.f32 $-Inf;
	v20, _, _ =	vpop (xrf1);
	v14 =	vimm.f32 $-Inf;
	(xrf1) =	vsort.ascd.msk.f32 $0xffff, v17, v17;
	v17 =	vimm.f32 $-Inf  }
.LBB2_12:
0x122: {  	v21 =	vld [tilespmem:s19+$0xFFFFFF80];
	p0 =	sne.s32 s20, $0x1;
	v22, _, _ =	vpop (xrf1)  }
0x123: {  	v23 =	vld [tilespmem:s19+$0xFFFFFF90];
	v24, _, _ =	vpop (xrf1)  }
0x124: {  	v25 =	vld [tilespmem:s19+$0xFFFFFFA0];
	v26, _, _ =	vpop (xrf1)  }
0x125: {  	v27 =	vld [tilespmem:s19+$0xFFFFFFB0];
	v28, _, _ =	vpop (xrf1)  }
0x126: {  	v29 =	vld [tilespmem:s19+$0xFFFFFFC0];
	v30, _, _ =	vpop (xrf1)  }
0x127: {  	v31 =	vld [tilespmem:s19+$0xFFFFFFD0];
	(xrf1) =	vsort.dscd.msk.f32 $0xffff, v21, v21;
	v21, _, _ =	vpop (xrf1)  }
0x128: {  	(xrf1) =	vsort.ascd.msk.f32 $0xffff, v23, v23;
	v23, _, _ =	vpop (xrf1)  }
0x129: {  	(xrf1) =	vsort.dscd.msk.f32 $0xffff, v25, v25;
	v25, _, _ =	vpop (xrf1)  }
0x12a: {  	(xrf1) =	vsort.ascd.msk.f32 $0xffff, v27, v27;
	v27, _, _ =	vpop (xrf1)  }
0x12b: {  	(xrf1) =	vsort.dscd.msk.f32 $0xffff, v29, v29;
	v29, _, _ =	vpop (xrf1)  }
0x12c: {  	v32 =	vmax.f32 v20, v28;
	(xrf1) =	vsort.ascd.msk.f32 $0xffff, v31, v31;
	v31 =	vmax.f32 v19, v26;
	v33, _, _ =	vpop (xrf1)  }
0x12d: {  	v34 =	vmax.f32 v22, v30;
	v35 =	vmax.f32 v24, v21;
	v19 =	vmin.f32 v19, v26;
	v26, _, _ =	vpop (xrf1)  }
0x12e: {  	v20 =	vmin.f32 v20, v28;
	v22 =	vmin.f32 v22, v30;
	v21 =	vmin.f32 v24, v21;
	v24, _, _ =	vpop (xrf1)  }
0x12f: {  	v30 =	vmin.f32 v23, v33;
	v36 =	vmin.f32 v25, v26;
	v37 =	vmin.f32 v27, v24;
	v28, _, _ =	vpop (xrf1)  }
0x130: {  	v23 =	vmax.f32 v23, v33;
	v33 =	vmax.f32 v25, v26;
	v38 =	vmin.f32 v29, v28  }
0x131: {  	v25 =	vmax.f32 v31, v34;
	v26 =	vmax.f32 v32, v35;
	v24 =	vmax.f32 v27, v24  }
0x132: {  	v27 =	vmin.f32 v31, v34;
	v31 =	vmax.f32 v25, v26;
	v29 =	vmax.f32 v29, v28  }
0x133: {  	v25 =	vmin.f32 v25, v26;
	v28 =	vmin.f32 v32, v35;
	(xrf1) =	vsort.dscd.msk.f32 $0xffff, v31, v31  }
0x134: {  	v26 =	vmax.f32 v27, v28;
	v31 =	vmax.f32 v19, v22;
	(xrf1) =	vsort.dscd.msk.f32 $0xffff, v25, v25  }
0x135: {  	v28 =	vmin.f32 v27, v28;
	v27 =	vmax.f32 v20, v21;
	v32, _, _ =	vpop (xrf1);
	(xrf1) =	vsort.dscd.msk.f32 $0xffff, v26, v26  }
0x136: {  	v19 =	vmin.f32 v19, v22;
	v22 =	vmax.f32 v31, v27;
	v34, _, _ =	vpop (xrf1);
	(xrf1) =	vsort.dscd.msk.f32 $0xffff, v28, v28  }
0x137: {  	v20 =	vmin.f32 v20, v21;
	v21 =	vmin.f32 v31, v27;
	v25, _, _ =	vpop (xrf1);
	(xrf1) =	vsort.dscd.msk.f32 $0xffff, v22, v22  }
0x138: {  	v31 =	vmin.f32 v30, v37;
	v22 =	vmax.f32 v19, v20;
	v27, _, _ =	vpop (xrf1);
	(xrf1) =	vsort.dscd.msk.f32 $0xffff, v21, v21  }
0x139: {  	v19 =	vmin.f32 v19, v20;
	v20 =	vmin.f32 v36, v38;
	v26, _, _ =	vpop (xrf1);
	(xrf1) =	vsort.dscd.msk.f32 $0xffff, v22, v22  }
0x13a: {  	v21 =	vmax.f32 v30, v37;
	v22 =	vmin.f32 v31, v20;
	v28, _, _ =	vpop (xrf1);
	(xrf1) =	vsort.dscd.msk.f32 $0xffff, v19, v19  }
0x13b: {  	v20 =	vmax.f32 v31, v20;
	v19 =	vmax.f32 v36, v38;
	(xrf1) =	vsort.ascd.msk.f32 $0xffff, v22, v22  }
0x13c: {  	v30 =	vmin.f32 v23, v24;
	v22 =	vmin.f32 v21, v19;
	(xrf1) =	vsort.ascd.msk.f32 $0xffff, v20, v20  }
0x13d: {  	v19 =	vmax.f32 v21, v19;
	v20 =	vmin.f32 v33, v29;
	(xrf1) =	vsort.ascd.msk.f32 $0xffff, v22, v22  }
0x13e: {  	v22 =	vmax.f32 v23, v24;
	v23 =	vmin.f32 v30, v20;
	v21 =	vld [tilespmem:s19+$0xFFFFFFE0];
	(xrf1) =	vsort.ascd.msk.f32 $0xffff, v19, v19  }
0x13f: {  	v31 =	vmax.f32 v33, v29;
	v20 =	vmax.f32 v30, v20;
	v19 =	vld [tilespmem:s19+$0xFFFFFFF0];
	(xrf1) =	vsort.ascd.msk.f32 $0xffff, v23, v23  }
0x140: {  	v29 =	vmin.f32 v22, v31;
	v23 =	vld [tilespmem:s19+$0x0];
	(xrf1) =	vsort.ascd.msk.f32 $0xffff, v20, v20  }
0x141: {  	v22 =	vmax.f32 v22, v31;
	v20 =	vld [tilespmem:s19+$0x10];
	v24, _, _ =	vpop (xrf1);
	(xrf1) =	vsort.ascd.msk.f32 $0xffff, v29, v29  }
0x142: {  	v29 =	vld [tilespmem:s19+$0x20];
	v30, _, _ =	vpop (xrf1);
	(xrf1) =	vsort.ascd.msk.f32 $0xffff, v22, v22  }
0x143: {  	v22 =	vld [tilespmem:s19+$0x30];
	(xrf1) =	vsort.dscd.msk.f32 $0xffff, v21, v21;
	v21, _, _ =	vpop (xrf1)  }
0x144: {  	v31 =	vld [tilespmem:s19+$0x40];
	(xrf1) =	vsort.ascd.msk.f32 $0xffff, v19, v19;
	v19, _, _ =	vpop (xrf1)  }
0x145: {  	v33 =	vld [tilespmem:s19+$0x50];
	(xrf1) =	vsort.dscd.msk.f32 $0xffff, v23, v23;
	v23, _, _ =	vpop (xrf1)  }
0x146: {  	v35 =	vld [tilespmem:s19+$0x60];
	(xrf1) =	vsort.ascd.msk.f32 $0xffff, v20, v20;
	v20, _, _ =	vpop (xrf1)  }
0x147: {  	v36 =	vld [tilespmem:s19+$0x70];
	(xrf1) =	vsort.dscd.msk.f32 $0xffff, v29, v29;
	v37, _, _ =	vpop (xrf1)  }
0x148: {  	(xrf1) =	vsort.ascd.msk.f32 $0xffff, v22, v22;
	v22, _, _ =	vpop (xrf1)  }
0x149: {  	(xrf1) =	vsort.dscd.msk.f32 $0xffff, v31, v31;
	v31, _, _ =	vpop (xrf1)  }
0x14a: {  	(xrf1) =	vsort.ascd.msk.f32 $0xffff, v33, v33;
	v33, _, _ =	vpop (xrf1)  }
0x14b: {  	(xrf1) =	vsort.dscd.msk.f32 $0xffff, v35, v35;
	v35, _, _ =	vpop (xrf1)  }
0x14c: {  	v29 =	vmax.f32 v32, v34;
	(xrf1) =	vsort.ascd.msk.f32 $0xffff, v36, v36;
	v36, _, _ =	vpop (xrf1)  }
0x14d: {  	v38 =	vmin.f32 v32, v34;
	(xrf1) =	vsort.dscd.msk.f32 $0xffff, v29, v29;
	v34, _, _ =	vpop (xrf1)  }
0x14e: {  	(xrf1) =	vsort.dscd.msk.f32 $0xffff, v38, v38;
	v32, _, _ =	vpop (xrf1)  }
0x14f: {  	v39 =	vmin.f32 v30, v33;
	v40 =	vmin.f32 v21, v35;
	v38 =	vmin.f32 v24, v31;
	v41, _, _ =	vpop (xrf1)  }
0x150: {  	v42 =	vmin.f32 v19, v36;
	v43 =	vmin.f32 v23, v34;
	v44 =	vmin.f32 v20, v32;
	v45, _, _ =	vpop (xrf1)  }
0x151: {  	v24 =	vmax.f32 v24, v31;
	v46 =	vmin.f32 v37, v41;
	v29, _, _ =	vpop (xrf1);
	v47 =	vmin.f32 v22, v45  }
0x152: {  	v33 =	vmax.f32 v30, v33;
	v35 =	vmax.f32 v21, v35;
	v19 =	vmax.f32 v19, v36;
	v31, _, _ =	vpop (xrf1)  }
0x153: {  	v34 =	vmax.f32 v23, v34;
	v20 =	vmax.f32 v20, v32;
	v32 =	vmax.f32 v37, v41;
	v30, _, _ =	vpop (xrf1)  }
0x154: {  	v41 =	vmin.f32 v38, v43;
	v37 =	vmax.f32 v22, v45;
	v45 =	vmin.f32 v39, v44;
	v36, _, _ =	vpop (xrf1)  }
0x155: {  	v38 =	vmax.f32 v38, v43;
	v49 =	vmin.f32 v40, v46;
	v50 =	vmin.f32 v42, v47;
	v48, _, _ =	vpop (xrf1)  }
0x156: {  	v39 =	vmax.f32 v39, v44;
	v40 =	vmax.f32 v40, v46;
	v42 =	vmax.f32 v42, v47;
	v43, _, _ =	vpop (xrf1)  }
0x157: {  	v44 =	vmin.f32 v24, v34;
	v46 =	vmin.f32 v33, v20;
	v47 =	vmin.f32 v35, v32;
	v21, _, _ =	vpop (xrf1)  }
0x158: {  	v34 =	vmax.f32 v24, v34;
	v33 =	vmax.f32 v33, v20;
	v51 =	vmin.f32 v19, v37;
	v23, _, _ =	vpop (xrf1)  }
0x159: {  	v20 =	vmin.f32 v41, v49;
	v32 =	vmax.f32 v35, v32;
	v52 =	vmin.f32 v45, v50;
	v22, _, _ =	vpop (xrf1)  }
0x15a: {  	v35 =	vmax.f32 v41, v49;
	v37 =	vmax.f32 v19, v37;
	v41 =	vmin.f32 v20, v52;
	v24, _, _ =	vpop (xrf1)  }
0x15b: {  	v45 =	vmax.f32 v45, v50;
	v49 =	vmax.f32 v20, v52;
	v19, _, _ =	vpop (xrf1);
	(xrf1) =	vsort.ascd.msk.f32 $0xffff, v41, v41  }
0x15c: {  	v50 =	vmin.f32 v38, v40;
	v41 =	vmin.f32 v35, v45;
	v20, _, _ =	vpop (xrf1);
	(xrf1) =	vsort.ascd.msk.f32 $0xffff, v49, v49  }
0x15d: {  	v35 =	vmax.f32 v35, v45;
	v45 =	vmin.f32 v39, v42;
	(xrf1) =	vsort.ascd.msk.f32 $0xffff, v41, v41  }
0x15e: {  	v38 =	vmax.f32 v38, v40;
	v40 =	vmin.f32 v50, v45;
	(xrf1) =	vsort.ascd.msk.f32 $0xffff, v35, v35  }
0x15f: {  	v35 =	vmax.f32 v39, v42;
	v39 =	vmax.f32 v50, v45;
	(xrf1) =	vsort.ascd.msk.f32 $0xffff, v40, v40  }
0x160: {  	v41 =	vmin.f32 v44, v47;
	v40 =	vmin.f32 v38, v35;
	(xrf1) =	vsort.ascd.msk.f32 $0xffff, v39, v39  }
0x161: {  	v35 =	vmax.f32 v38, v35;
	v38 =	vmin.f32 v46, v51;
	(xrf1) =	vsort.ascd.msk.f32 $0xffff, v40, v40  }
0x162: {  	v39 =	vmax.f32 v44, v47;
	v40 =	vmin.f32 v41, v38;
	(xrf1) =	vsort.ascd.msk.f32 $0xffff, v35, v35  }
0x163: {  	v38 =	vmax.f32 v41, v38;
	v35 =	vmax.f32 v46, v51;
	(xrf1) =	vsort.ascd.msk.f32 $0xffff, v40, v40  }
0x164: {  	v41 =	vmin.f32 v34, v32;
	v40 =	vmin.f32 v39, v35;
	(xrf1) =	vsort.ascd.msk.f32 $0xffff, v38, v38  }
0x165: {  	v35 =	vmax.f32 v39, v35;
	v38 =	vmin.f32 v33, v37;
	(xrf1) =	vsort.ascd.msk.f32 $0xffff, v40, v40  }
0x166: {  	v32 =	vmax.f32 v34, v32;
	v34 =	vmin.f32 v41, v38;
	(xrf1) =	vsort.ascd.msk.f32 $0xffff, v35, v35  }
0x167: {  	v37 =	vmax.f32 v33, v37;
	v35 =	vmax.f32 v41, v38;
	(xrf1) =	vsort.ascd.msk.f32 $0xffff, v34, v34  }
0x168: {  	v34 =	vmin.f32 v32, v37;
	(xrf1) =	vsort.ascd.msk.f32 $0xffff, v35, v35  }
0x169: {  	v32 =	vmax.f32 v32, v37;
	v33, _, _ =	vpop (xrf1);
	(xrf1) =	vsort.ascd.msk.f32 $0xffff, v34, v34  }
0x16a: {  	v34 =	vmin.f32 v25, v27;
	v35, _, _ =	vpop (xrf1);
	(xrf1) =	vsort.ascd.msk.f32 $0xffff, v32, v32  }
0x16b: {  	v37 =	vmax.f32 v25, v27;
	(xrf1) =	vsort.ascd.msk.f32 $0xffff, v34, v34;
	v27, _, _ =	vpop (xrf1)  }
0x16c: {  	v32 =	vmax.f32 v26, v28;
	(xrf1) =	vsort.ascd.msk.f32 $0xffff, v37, v37;
	v25, _, _ =	vpop (xrf1)  }
0x16d: {  	v34 =	vmin.f32 v26, v28;
	(xrf1) =	vsort.dscd.msk.f32 $0xffff, v32, v32;
	v28, _, _ =	vpop (xrf1)  }
0x16e: {  	v32 =	vmin.f32 v29, v31;
	(xrf1) =	vsort.dscd.msk.f32 $0xffff, v34, v34;
	v26, _, _ =	vpop (xrf1)  }
0x16f: {  	v34 =	vmax.f32 v29, v31;
	(xrf1) =	vsort.ascd.msk.f32 $0xffff, v32, v32;
	v31, _, _ =	vpop (xrf1)  }
0x170: {  	v37 =	vmax.f32 v30, v36;
	(xrf1) =	vsort.ascd.msk.f32 $0xffff, v34, v34;
	v29, _, _ =	vpop (xrf1)  }
0x171: {  	v36 =	vmin.f32 v30, v36;
	(xrf1) =	vsort.dscd.msk.f32 $0xffff, v37, v37;
	v32, _, _ =	vpop (xrf1)  }
0x172: {  	v37 =	vmin.f32 v48, v43;
	(xrf1) =	vsort.dscd.msk.f32 $0xffff, v36, v36;
	v30, _, _ =	vpop (xrf1)  }
0x173: {  	v36 =	vmax.f32 v48, v43;
	(xrf1) =	vsort.ascd.msk.f32 $0xffff, v37, v37;
	v34, _, _ =	vpop (xrf1)  }
0x174: {  	v3 =	vmax.f32 v3, v33;
	(xrf1) =	vsort.ascd.msk.f32 $0xffff, v36, v36;
	v33, _, _ =	vpop (xrf1)  }
0x175: {  	v5 =	vmax.f32 v5, v35;
	v6 =	vmax.f32 v6, v27;
	v7 =	vmax.f32 v7, v25;
	v25, _, _ =	vpop (xrf1)  }
0x176: {  	v8 =	vmax.f32 v8, v28;
	v9 =	vmax.f32 v9, v26;
	v10 =	vmax.f32 v10, v31;
	v26, _, _ =	vpop (xrf1)  }
0x177: {  	v11 =	vmax.f32 v11, v29;
	v28 =	vmax.f32 v12, v32;
	v29 =	vmax.f32 v13, v30;
	v13, _, _ =	vpop (xrf1)  }
0x178: {  	v14 =	vmax.f32 v14, v34;
	v15 =	vmax.f32 v15, v33;
	v30 =	vmax.f32 v16, v25;
	v16, _, _ =	vpop (xrf1)  }
0x179: {  	v31 =	vmax.f32 v17, v26;
	v32 =	vmax.f32 v18, v13;
	v12, _, _ =	vpop (xrf1);
	v4 =	vmax.f32 v4, v16  }
0x17a: {  	v34 =	vmin.f32 v5, v29;
	v33 =	vmin.f32 v3, v28;
	v35 =	vmin.f32 v6, v14;
	v13, _, _ =	vpop (xrf1)  }
0x17b: {  	v36 =	vmin.f32 v7, v15;
	v37 =	vmin.f32 v8, v30;
	v38 =	vmin.f32 v9, v31;
	v16, _, _ =	vpop (xrf1)  }
0x17c: {  	v41 =	vmin.f32 v33, v37;
	v39 =	vmin.f32 v10, v32;
	v40 =	vmin.f32 v11, v4;
	v17, _, _ =	vpop (xrf1)  }
0x17d: {  	v42 =	vmin.f32 v34, v38;
	v43 =	vmin.f32 v35, v39;
	v44 =	vmin.f32 v36, v40;
	v18, _, _ =	vpop (xrf1)  }
0x17e: {  	v3 =	vmax.f32 v3, v28;
	v45 =	vmin.f32 v41, v43;
	v46 =	vmin.f32 v42, v44;
	v27, _, _ =	vpop (xrf1)  }
0x17f: {  	v5 =	vmax.f32 v5, v29;
	v6 =	vmax.f32 v6, v14;
	v14 =	vmin.f32 v45, v46;
	v25, _, _ =	vpop (xrf1)  }
0x180: {  	v7 =	vmax.f32 v7, v15;
	v8 =	vmax.f32 v8, v30;
	v26, _, _ =	vpop (xrf1);
	(xrf1) =	vsort.dscd.msk.f32 $0xffff, v14, v14  }
0x181: {  	v9 =	vmax.f32 v9, v31;
	v10 =	vmax.f32 v10, v32;
	v4 =	vmax.f32 v11, v4;
	v28, _, _ =	vpop (xrf1)  }
0x182: {  	v11 =	vmax.f32 v3, v8;
	v15 =	vmax.f32 v6, v10;
	v14 =	vmax.f32 v5, v9;
	v29, _, _ =	vpop (xrf1)  }
0x183: {  	v3 =	vmin.f32 v3, v8;
	v30 =	vmax.f32 v7, v4;
	v5 =	vmin.f32 v5, v9  }
0x184: {  	v6 =	vmin.f32 v6, v10;
	v4 =	vmin.f32 v7, v4;
	v7 =	vmax.f32 v33, v37  }
0x185: {  	v8 =	vmax.f32 v34, v38;
	v10 =	vmax.f32 v36, v40;
	v9 =	vmax.f32 v35, v39  }
0x186: {  	v31 =	vmax.f32 v11, v15;
	v11 =	vmin.f32 v11, v15;
	v32 =	vmax.f32 v14, v30  }
0x187: {  	v15 =	vmax.f32 v3, v6;
	v14 =	vmin.f32 v14, v30;
	v30 =	vmax.f32 v5, v4  }
0x188: {  	v3 =	vmin.f32 v3, v6;
	v4 =	vmin.f32 v5, v4;
	v5 =	vmax.f32 v7, v9  }
0x189: {  	v6 =	vmax.f32 v8, v10;
	v8 =	vmin.f32 v8, v10;
	v7 =	vmin.f32 v7, v9  }
0x18a: {  	v10 =	vmax.f32 v41, v43;
	v33 =	vmax.f32 v42, v44;
	v9 =	vmax.f32 v31, v32  }
0x18b: {  	v31 =	vmin.f32 v31, v32;
	v32 =	vmax.f32 v11, v14;
	v11 =	vmin.f32 v11, v14  }
0x18c: {  	v14 =	vmax.f32 v15, v30;
	v15 =	vmin.f32 v15, v30;
	v30 =	vmax.f32 v3, v4  }
0x18d: {  	v3 =	vmin.f32 v3, v4;
	v34 =	vmax.f32 v5, v6;
	v5 =	vmin.f32 v5, v6  }
0x18e: {  	v6 =	vmax.f32 v7, v8;
	v7 =	vmin.f32 v7, v8;
	v8 =	vmax.f32 v10, v33;
	v4, _, _ =	vpop (xrf1)  }
0x18f: {  	v10 =	vmin.f32 v10, v33;
	v33 =	vmax.f32 v45, v46;
	(xrf1) =	vsort.dscd.msk.f32 $0xffff, v9, v9  }
0x190: {  	(xrf1) =	vsort.dscd.msk.f32 $0xffff, v31, v31  }
0x191: {  	(xrf1) =	vsort.dscd.msk.f32 $0xffff, v32, v32  }
0x192: {  	(xrf1) =	vsort.dscd.msk.f32 $0xffff, v11, v11  }
0x193: {  	(xrf1) =	vsort.dscd.msk.f32 $0xffff, v14, v14  }
0x194: {  	(xrf1) =	vsort.dscd.msk.f32 $0xffff, v15, v15  }
0x195: {  	(xrf1) =	vsort.dscd.msk.f32 $0xffff, v30, v30  }
0x196: {  	(xrf1) =	vsort.dscd.msk.f32 $0xffff, v3, v3  }
0x197: {  	(xrf1) =	vsort.dscd.msk.f32 $0xffff, v34, v34  }
0x198: {  	(xrf1) =	vsort.dscd.msk.f32 $0xffff, v5, v5  }
0x199: {  	(xrf1) =	vsort.dscd.msk.f32 $0xffff, v6, v6  }
0x19a: {  	(xrf1) =	vsort.dscd.msk.f32 $0xffff, v7, v7  }
0x19b: {  	(xrf1) =	vsort.dscd.msk.f32 $0xffff, v8, v8  }
0x19c: {  	(xrf1) =	vsort.dscd.msk.f32 $0xffff, v10, v10  }
0x19d: {  	v7 =	vmax.f32 v21, v23;
	v3, _, _ =	vpop (xrf1);
	(xrf1) =	vsort.dscd.msk.f32 $0xffff, v33, v33  }
0x19e: {  	v8 =	vmin.f32 v21, v23;
	(xrf1) =	vsort.dscd.msk.f32 $0xffff, v7, v7;
	v5, _, _ =	vpop (xrf1)  }
0x19f: {  	v9 =	vmin.f32 v22, v24;
	(xrf1) =	vsort.dscd.msk.f32 $0xffff, v8, v8;
	v6, _, _ =	vpop (xrf1)  }
0x1a0: {  	v10 =	vmax.f32 v22, v24;
	(xrf1) =	vsort.ascd.msk.f32 $0xffff, v9, v9;
	v7, _, _ =	vpop (xrf1)  }
0x1a1: {  	(xrf1) =	vsort.ascd.msk.f32 $0xffff, v10, v10;
	v8, _, _ =	vpop (xrf1)  }
0x1a2: {  	v9, _, _ =	vpop (xrf1)  }
0x1a3: {  	v10, _, _ =	vpop (xrf1)  }
0x1a4: {  	v14 =	vmax.f32 v19, v12;
	v15 =	vmax.f32 v20, v13;
	v11, _, _ =	vpop (xrf1)  }
0x1a5: {  	v19 =	vmin.f32 v19, v12;
	v21 =	vmax.f32 v14, v15;
	v12, _, _ =	vpop (xrf1)  }
0x1a6: {  	v20 =	vmin.f32 v20, v13;
	v22 =	vmin.f32 v14, v15;
	(xrf1) =	vsort.dscd.msk.f32 $0xffff, v21, v21;
	v13, _, _ =	vpop (xrf1)  }
0x1a7: {  	v23 =	vmax.f32 v19, v20;
	v21 =	vmin.f32 v16, v18;
	(xrf1) =	vsort.dscd.msk.f32 $0xffff, v22, v22;
	v14, _, _ =	vpop (xrf1)  }
0x1a8: {  	v19 =	vmin.f32 v19, v20;
	v20 =	vmin.f32 v17, v27;
	(xrf1) =	vsort.dscd.msk.f32 $0xffff, v23, v23;
	v15, _, _ =	vpop (xrf1)  }
0x1a9: {  	v22 =	vmax.f32 v16, v18;
	v24 =	vmin.f32 v21, v20;
	(xrf1) =	vsort.dscd.msk.f32 $0xffff, v19, v19;
	v16, _, _ =	vpop (xrf1)  }
0x1aa: {  	v20 =	vmax.f32 v21, v20;
	v19 =	vmax.f32 v17, v27;
	(xrf1) =	vsort.ascd.msk.f32 $0xffff, v24, v24;
	v17, _, _ =	vpop (xrf1)  }
0x1ab: {  	v23 =	vmax.f32 v25, v28;
	v24 =	vmin.f32 v22, v19;
	(xrf1) =	vsort.ascd.msk.f32 $0xffff, v20, v20;
	v18, _, _ =	vpop (xrf1)  }
0x1ac: {  	v27 =	vmax.f32 v22, v19;
	v20 =	vmax.f32 v26, v29;
	(xrf1) =	vsort.ascd.msk.f32 $0xffff, v24, v24;
	v21, _, _ =	vpop (xrf1)  }
0x1ad: {  	v22 =	vmin.f32 v25, v28;
	v24 =	vmax.f32 v23, v20;
	(xrf1) =	vsort.ascd.msk.f32 $0xffff, v27, v27;
	v19, _, _ =	vpop (xrf1)  }
0x1ae: {  	v25 =	vmin.f32 v26, v29;
	v27 =	vmin.f32 v23, v20;
	(xrf1) =	vsort.dscd.msk.f32 $0xffff, v24, v24;
	v23, _, _ =	vpop (xrf1)  }
0x1af: {  	v24 =	vmax.f32 v22, v25;
	v26 =	vmin.f32 v21, v23;
	(xrf1) =	vsort.dscd.msk.f32 $0xffff, v27, v27;
	v20, _, _ =	vpop (xrf1)  }
0x1b0: {  	v22 =	vmin.f32 v22, v25;
	v25 =	vmin.f32 v19, v20;
	(xrf1) =	vsort.dscd.msk.f32 $0xffff, v24, v24  }
.Ltmp9:
0x1b1: {  	v21 =	vmax.f32 v21, v23;
	v23 =	vmin.f32 v26, v25;
	(xrf1) =	vsort.dscd.msk.f32 $0xffff, v22, v22;
	(pc) =	sbr.rel @p0 .LBB2_12-.Ltmp9, $4  }
0x1b2: {  	v24 =	vmax.f32 v19, v20;
	v20 =	vmax.f32 v26, v25;
	(xrf1) =	vsort.ascd.msk.f32 $0xffff, v23, v23  }
0x1b3: {  	v22 =	vmin.f32 v21, v24;
	(xrf1) =	vsort.ascd.msk.f32 $0xffff, v20, v20  }
0x1b4: {  	v21 =	vmax.f32 v21, v24;
	v19, _, _ =	vpop (xrf1);
	(xrf1) =	vsort.ascd.msk.f32 $0xffff, v22, v22  }
0x1b5: {  	s20 =	sadd.s32 $0xFFFFFFFF, s20;
	s19 =	sadd.s32 $0x100, s19;
	v20, _, _ =	vpop (xrf1);
	(xrf1) =	vsort.ascd.msk.f32 $0xffff, v21, v21  }
.LBB2_13:
0x1b6: {  	v21, _, _ =	vpop (xrf1)  }
0x1b7: {  	v22, _, _ =	vpop (xrf1)  }
0x1b8: {  	v23, _, _ =	vpop (xrf1)  }
0x1b9: {  	v24, _, _ =	vpop (xrf1)  }
0x1ba: {  	v25, _, _ =	vpop (xrf1)  }
0x1bb: {  	v31 =	vmax.f32 v19, v23;
	v19 =	vmin.f32 v19, v23;
	v26, _, _ =	vpop (xrf1)  }
0x1bc: {  	v32 =	vmax.f32 v20, v24;
	v20 =	vmin.f32 v20, v24;
	v34 =	vmax.f32 v21, v25;
	v27, _, _ =	vpop (xrf1)  }
0x1bd: {  	v21 =	vmin.f32 v21, v25;
	v35 =	vmax.f32 v22, v26;
	v22 =	vmin.f32 v22, v26;
	v28, _, _ =	vpop (xrf1)  }
0x1be: {  	v56 =	vmax.f32 v31, v34;
	v58 =	vmin.f32 v31, v34;
	v61 =	vmax.f32 v19, v21;
	v29, _, _ =	vpop (xrf1)  }
0x1bf: {  	v19 =	vmin.f32 v19, v21;
	v57 =	vmax.f32 v32, v35;
	v32 =	vmin.f32 v32, v35;
	v30, _, _ =	vpop (xrf1)  }
0x1c0: {  	v63 =	vmax.f32 v20, v22;
	v20 =	vmin.f32 v20, v22;
	v59 =	vmax.f32 v56, v57;
	v33, _, _ =	vpop (xrf1)  }
0x1c1: {  	v60 =	vmax.f32 v58, v32;
	v62 =	vmin.f32 v58, v32;
	(xrf1) =	vsort.dscd.msk.f32 $0xffff, v59, v59;
	v52, _, _ =	vpop (xrf1)  }
0x1c2: {  	v55 =	vmin.f32 v28, v52;
	v23 =	vmax.f32 v28, v52;
	v28 =	vmin.f32 v56, v57  }
0x1c3: {  	v32 =	vmax.f32 v61, v63;
	v34 =	vmin.f32 v61, v63;
	(xrf1) =	vsort.dscd.msk.f32 $0xffff, v28, v28  }
0x1c4: {  	v35 =	vmax.f32 v19, v20;
	v19 =	vmin.f32 v19, v20;
	(xrf1) =	vsort.dscd.msk.f32 $0xffff, v60, v60  }
0x1c5: {  	v54 =	vmin.f32 v27, v33;
	v27 =	vmax.f32 v27, v33;
	v53, _, _ =	vpop (xrf1);
	(xrf1) =	vsort.dscd.msk.f32 $0xffff, v62, v62  }
0x1c6: {  	v36 =	vmin.f32 v29, v53;
	v37, _, _ =	vpop (xrf1);
	v24 =	vmax.f32 v29, v53;
	(xrf1) =	vsort.dscd.msk.f32 $0xffff, v32, v32  }
0x1c7: {  	v38 =	vmin.f32 v30, v37;
	v30 =	vmax.f32 v30, v37;
	(xrf1) =	vsort.dscd.msk.f32 $0xffff, v34, v34  }
0x1c8: {  	v37 =	vmin.f32 v54, v36;
	v20 =	vmin.f32 v55, v38;
	(xrf1) =	vsort.dscd.msk.f32 $0xffff, v35, v35  }
0x1c9: {  	v39 =	vmax.f32 v54, v36;
	v40 =	vmin.f32 v37, v20;
	(xrf1) =	vsort.dscd.msk.f32 $0xffff, v19, v19  }
0x1ca: {  	v20 =	vmax.f32 v37, v20;
	v19 =	vmax.f32 v55, v38;
	(xrf1) =	vsort.ascd.msk.f32 $0xffff, v40, v40  }
0x1cb: {  	v42 =	vmin.f32 v27, v24;
	v41 =	vmin.f32 v39, v19;
	(xrf1) =	vsort.ascd.msk.f32 $0xffff, v20, v20  }
0x1cc: {  	v19 =	vmax.f32 v39, v19;
	v20 =	vmin.f32 v23, v30;
	(xrf1) =	vsort.ascd.msk.f32 $0xffff, v41, v41  }
0x1cd: {  	v44 =	vmin.f32 v42, v20;
	v20 =	vmax.f32 v42, v20;
	(xrf1) =	vsort.ascd.msk.f32 $0xffff, v19, v19  }
0x1ce: {  	v43 =	vmax.f32 v27, v24;
	v19 =	vmax.f32 v23, v30;
	(xrf1) =	vsort.ascd.msk.f32 $0xffff, v44, v44  }
0x1cf: {  	v45 =	vmin.f32 v43, v19;
	v19 =	vmax.f32 v43, v19;
	(xrf1) =	vsort.ascd.msk.f32 $0xffff, v20, v20  }
0x1d0: {  	v20, _, _ =	vpop (xrf1);
	(xrf1) =	vsort.ascd.msk.f32 $0xffff, v45, v45  }
0x1d1: {  	v46, _, _ =	vpop (xrf1)  }
0x1d2: {  	(xrf1) =	vsort.ascd.msk.f32 $0xffff, v19, v19;
	v19, _, _ =	vpop (xrf1)  }
0x1d3: {  	v47, _, _ =	vpop (xrf1)  }
0x1d4: {  	v48, _, _ =	vpop (xrf1)  }
0x1d5: {  	v49, _, _ =	vpop (xrf1)  }
0x1d6: {  	v50, _, _ =	vpop (xrf1)  }
0x1d7: {  	v51, _, _ =	vpop (xrf1)  }
0x1d8: {  	v52, _, _ =	vpop (xrf1)  }
0x1d9: {  	v53, _, _ =	vpop (xrf1)  }
0x1da: {  	v58 =	vmin.f32 v20, v52;
	v54, _, _ =	vpop (xrf1)  }
0x1db: {  	v20 =	vmax.f32 v20, v52;
	v59 =	vmin.f32 v46, v53;
	v21 =	vmax.f32 v46, v53;
	v55, _, _ =	vpop (xrf1)  }
0x1dc: {  	v60 =	vmin.f32 v19, v54;
	v19 =	vmax.f32 v19, v54;
	v56, _, _ =	vpop (xrf1);
	v62 =	vmin.f32 v47, v55  }
0x1dd: {  	v22 =	vmax.f32 v47, v55;
	v57, _, _ =	vpop (xrf1);
	v63 =	vmin.f32 v48, v56;
	v23 =	vmax.f32 v48, v56  }
0x1de: {  	v61, _, _ =	vpop (xrf1);
	v39 =	vmin.f32 v49, v57;
	v24 =	vmax.f32 v49, v57;
	v46 =	vmax.f32 v58, v63  }
0x1df: {  	v41 =	vmin.f32 v50, v61;
	v25 =	vmax.f32 v50, v61;
	v43 =	vmin.f32 v59, v39  }
0x1e0: {  	v40, _, _ =	vpop (xrf1);
	v47 =	vmax.f32 v59, v39;
	v50 =	vmin.f32 v20, v23;
	v20 =	vmax.f32 v20, v23  }
0x1e1: {  	v42 =	vmin.f32 v51, v40;
	v26 =	vmax.f32 v51, v40;
	v40 =	vmin.f32 v58, v63  }
0x1e2: {  	v44 =	vmin.f32 v60, v41;
	v48 =	vmax.f32 v60, v41;
	v51 =	vmin.f32 v21, v24  }
0x1e3: {  	v52 =	vmin.f32 v19, v25;
	v21 =	vmax.f32 v21, v24;
	v19 =	vmax.f32 v19, v25  }
0x1e4: {  	v45 =	vmin.f32 v62, v42;
	v49 =	vmax.f32 v62, v42;
	v53 =	vmin.f32 v22, v26  }
0x1e5: {  	v54 =	vmin.f32 v40, v44;
	v56 =	vmax.f32 v40, v44;
	v55 =	vmin.f32 v43, v45  }
0x1e6: {  	v22 =	vmax.f32 v22, v26;
	v60 =	vmin.f32 v46, v48;
	v57 =	vmin.f32 v54, v55  }
0x1e7: {  	v58 =	vmax.f32 v43, v45;
	v23 =	vmax.f32 v54, v55;
	(xrf1) =	vsort.ascd.msk.f32 $0xffff, v57, v57  }
0x1e8: {  	v63 =	vmax.f32 v46, v48;
	v59 =	vmin.f32 v56, v58;
	(xrf1) =	vsort.ascd.msk.f32 $0xffff, v23, v23  }
0x1e9: {  	v62 =	vmin.f32 v47, v49;
	v61 =	vmax.f32 v56, v58;
	(xrf1) =	vsort.ascd.msk.f32 $0xffff, v59, v59  }
0x1ea: {  	v33 =	vmin.f32 v50, v52;
	v30 =	vmin.f32 v60, v62;
	(xrf1) =	vsort.ascd.msk.f32 $0xffff, v61, v61  }
0x1eb: {  	v31 =	vmax.f32 v47, v49;
	v25 =	vmax.f32 v60, v62;
	(xrf1) =	vsort.ascd.msk.f32 $0xffff, v30, v30  }
0x1ec: {  	v39 =	vmax.f32 v50, v52;
	v32 =	vmin.f32 v63, v31;
	(xrf1) =	vsort.ascd.msk.f32 $0xffff, v25, v25  }
0x1ed: {  	v34 =	vmin.f32 v51, v53;
	v23 =	vmax.f32 v63, v31;
	(xrf1) =	vsort.ascd.msk.f32 $0xffff, v32, v32  }
0x1ee: {  	v41 =	vmax.f32 v51, v53;
	v40 =	vmin.f32 v33, v34;
	(xrf1) =	vsort.ascd.msk.f32 $0xffff, v23, v23  }
0x1ef: {  	v43 =	vmin.f32 v20, v19;
	v24 =	vmax.f32 v33, v34;
	(xrf1) =	vsort.ascd.msk.f32 $0xffff, v40, v40  }
0x1f0: {  	v44 =	vmin.f32 v21, v22;
	v42 =	vmin.f32 v39, v41;
	(xrf1) =	vsort.ascd.msk.f32 $0xffff, v24, v24  }
0x1f1: {  	v19 =	vmax.f32 v20, v19;
	v23 =	vmax.f32 v39, v41;
	(xrf1) =	vsort.ascd.msk.f32 $0xffff, v42, v42  }
0x1f2: {  	v21 =	vmax.f32 v21, v22;
	v20 =	vmin.f32 v43, v44;
	(xrf1) =	vsort.ascd.msk.f32 $0xffff, v23, v23  }
0x1f3: {  	v45 =	vmax.f32 v43, v44;
	(xrf1) =	vsort.ascd.msk.f32 $0xffff, v20, v20;
	v20 =	vmin.f32 v19, v21  }
0x1f4: {  	v19 =	vmax.f32 v19, v21;
	(xrf1) =	vsort.ascd.msk.f32 $0xffff, v45, v45  }
0x1f5: {  	v46, _, _ =	vpop (xrf1)  }
0x1f6: {  	(xrf1) =	vsort.ascd.msk.f32 $0xffff, v20, v20;
	v20, _, _ =	vpop (xrf1)  }
0x1f7: {  	(xrf1) =	vsort.ascd.msk.f32 $0xffff, v19, v19;
	v19, _, _ =	vpop (xrf1)  }
0x1f8: {  	v47, _, _ =	vpop (xrf1)  }
0x1f9: {  	v48, _, _ =	vpop (xrf1)  }
0x1fa: {  	v49, _, _ =	vpop (xrf1)  }
0x1fb: {  	v50, _, _ =	vpop (xrf1)  }
0x1fc: {  	v51, _, _ =	vpop (xrf1)  }
0x1fd: {  	v52, _, _ =	vpop (xrf1)  }
0x1fe: {  	v3 =	vmax.f32 v3, v46;
	v5 =	vmax.f32 v5, v20;
	v6 =	vmax.f32 v6, v19;
	v53, _, _ =	vpop (xrf1)  }
0x1ff: {  	v7 =	vmax.f32 v7, v47;
	v8 =	vmax.f32 v8, v48;
	v9 =	vmax.f32 v9, v49;
	v54, _, _ =	vpop (xrf1)  }
0x200: {  	v10 =	vmax.f32 v10, v50;
	v11 =	vmax.f32 v11, v51;
	v12 =	vmax.f32 v12, v52;
	v55, _, _ =	vpop (xrf1)  }
0x201: {  	v13 =	vmax.f32 v13, v53;
	v14 =	vmax.f32 v14, v54;
	v19, _, _ =	vpop (xrf1);
	v15 =	vmax.f32 v15, v55  }
0x202: {  	v57 =	vmin.f32 v6, v14;
	v6 =	vmax.f32 v6, v14;
	v20, _, _ =	vpop (xrf1);
	v16 =	vmax.f32 v16, v19  }
0x203: {  	v58 =	vmin.f32 v7, v15;
	v7 =	vmax.f32 v7, v15;
	v17 =	vmax.f32 v17, v20  }
0x204: {  	v56, _, _ =	vpop (xrf1);
	v20 =	vmin.f32 v5, v13;
	v23 =	vmin.f32 v8, v16;
	v5 =	vmax.f32 v5, v13  }
0x205: {  	v8 =	vmax.f32 v8, v16;
	v19, _, _ =	vpop (xrf1);
	v18 =	vmax.f32 v18, v56;
	v24 =	vmin.f32 v9, v17  }
0x206: {  	v9 =	vmax.f32 v9, v17;
	v4 =	vmax.f32 v4, v19;
	v19 =	vmin.f32 v3, v12  }
0x207: {  	v25 =	vmin.f32 v10, v18;
	v60 =	vmin.f32 v20, v24;
	v3 =	vmax.f32 v3, v12  }
0x208: {  	v10 =	vmax.f32 v10, v18;
	v26 =	vmin.f32 v11, v4;
	v59 =	vmin.f32 v19, v23  }
0x209: {  	v61 =	vmin.f32 v57, v25;
	v4 =	vmax.f32 v11, v4;
	v11 =	vmax.f32 v3, v8  }
0x20a: {  	v14 =	vmax.f32 v6, v10;
	v3 =	vmin.f32 v3, v8;
	v6 =	vmin.f32 v6, v10  }
0x20b: {  	v8 =	vmax.f32 v20, v24;
	v62 =	vmin.f32 v58, v26;
	v12 =	vmin.f32 v59, v61  }
0x20c: {  	v15 =	vmax.f32 v7, v4;
	v4 =	vmin.f32 v7, v4;
	v63 =	vmin.f32 v60, v62  }
0x20d: {  	v7 =	vmax.f32 v19, v23;
	v10 =	vmax.f32 v11, v14;
	v13 =	vmin.f32 v12, v63  }
0x20e: {  	v17 =	vmax.f32 v58, v26;
	(xrf1) =	vsort.dscd.msk.f32 $0xffff, v13, v13;
	v13 =	vmax.f32 v5, v9  }
0x20f: {  	v11 =	vmin.f32 v11, v14;
	v5 =	vmin.f32 v5, v9;
	v16 =	vmax.f32 v13, v15  }
0x210: {  	v9 =	vmax.f32 v57, v25;
	v13 =	vmin.f32 v13, v15;
	v14 =	vmax.f32 v10, v16  }
0x211: {  	v10 =	vmin.f32 v10, v16;
	v15 =	vmax.f32 v11, v13;
	(xrf1) =	vsort.dscd.msk.f32 $0xffff, v14, v14  }
0x212: {  	v11 =	vmin.f32 v11, v13;
	v14 =	vmax.f32 v3, v6;
	(xrf1) =	vsort.dscd.msk.f32 $0xffff, v10, v10  }
0x213: {  	v3 =	vmin.f32 v3, v6;
	v10 =	vmax.f32 v5, v4;
	(xrf1) =	vsort.dscd.msk.f32 $0xffff, v15, v15  }
0x214: {  	v4 =	vmin.f32 v5, v4;
	v6 =	vmax.f32 v14, v10;
	(xrf1) =	vsort.dscd.msk.f32 $0xffff, v11, v11  }
0x215: {  	v5 =	vmin.f32 v14, v10;
	v10 =	vmax.f32 v3, v4;
	(xrf1) =	vsort.dscd.msk.f32 $0xffff, v6, v6  }
0x216: {  	v3 =	vmin.f32 v3, v4;
	v4 =	vmin.f32 v7, v9;
	(xrf1) =	vsort.dscd.msk.f32 $0xffff, v5, v5  }
0x217: {  	v6 =	vmax.f32 v7, v9;
	v5 =	vmax.f32 v8, v17;
	(xrf1) =	vsort.dscd.msk.f32 $0xffff, v10, v10  }
0x218: {  	v7 =	vmax.f32 v6, v5;
	v5 =	vmin.f32 v6, v5;
	(xrf1) =	vsort.dscd.msk.f32 $0xffff, v3, v3  }
0x219: {  	v6 =	vmax.f32 v59, v61;
	v3 =	vmin.f32 v8, v17;
	(xrf1) =	vsort.dscd.msk.f32 $0xffff, v7, v7  }
0x21a: {  	v7 =	vmax.f32 v4, v3;
	(xrf1) =	vsort.dscd.msk.f32 $0xffff, v5, v5;
	v5 =	vmax.f32 v60, v62  }
0x21b: {  	v3 =	vmin.f32 v4, v3;
	(xrf1) =	vsort.dscd.msk.f32 $0xffff, v7, v7;
	v4 =	vmax.f32 v6, v5  }
0x21c: {  	(xrf1) =	vsort.dscd.msk.f32 $0xffff, v3, v3;
	v3 =	vmin.f32 v6, v5  }
0x21d: {  	v5 =	vmax.f32 v12, v63;
	(xrf1) =	vsort.dscd.msk.f32 $0xffff, v4, v4  }
0x21e: {  	v4, _, _ =	vpop (xrf1);
	(xrf1) =	vsort.dscd.msk.f32 $0xffff, v3, v3  }
0x21f: {  	v3, _, _ =	vpop (xrf1);
	(xrf1) =	vsort.dscd.msk.f32 $0xffff, v5, v5  }
0x220: {  	v5, _, _ =	vpop (xrf1)  }
0x221: {  	v6, _, _ =	vpop (xrf1)  }
0x222: {  	v7, _, _ =	vpop (xrf1)  }
0x223: {  	v8, _, _ =	vpop (xrf1)  }
0x224: {  	v9, _, _ =	vpop (xrf1)  }
0x225: {  	v10, _, _ =	vpop (xrf1)  }
0x226: {  	v11, _, _ =	vpop (xrf1)  }
0x227: {  	v12, _, _ =	vpop (xrf1)  }
0x228: {  	v13, _, _ =	vpop (xrf1)  }
.Ltmp10:
0x229: {  	v14, _, _ =	vpop (xrf1);
	(pc) =	sbr.rel .LBB2_14-.Ltmp10, $4  }
0x22a: {  	v15, _, _ =	vpop (xrf1)  }
0x22b: {  	v16, _, _ =	vpop (xrf1)  }
0x22c: {  	v17, _, _ =	vpop (xrf1)  }
0x22d: {  	v18, _, _ =	vpop (xrf1)  }
.LBB2_10:
0x22e: {  	v5 =	vimm.f32 $-Inf;
	v6 =	vimm.f32 $-Inf;
	v7 =	vimm.f32 $-Inf  }
0x22f: {  	v8 =	vimm.f32 $-Inf;
	v9 =	vimm.f32 $-Inf;
	v10 =	vimm.f32 $-Inf  }
0x230: {  	v11 =	vimm.f32 $-Inf;
	v12 =	vimm.f32 $-Inf;
	v13 =	vimm.f32 $-Inf  }
0x231: {  	v14 =	vimm.f32 $-Inf;
	v15 =	vimm.f32 $-Inf;
	v16 =	vimm.f32 $-Inf  }
0x232: {  	v17 =	vimm.f32 $-Inf;
	v18 =	vimm.f32 $-Inf;
	v4 =	vimm.f32 $-Inf  }
.LBB2_14:
0x233: {  	[tilespmem:$0x18000] =	vst v3  }
0x234: {  	[tilespmem:$0x18010] =	vst v5  }
0x235: {  	[tilespmem:$0x18020] =	vst v6  }
0x236: {  	[tilespmem:$0x18030] =	vst v7  }
0x237: {  	[tilespmem:$0x18040] =	vst v8  }
0x238: {  	[tilespmem:$0x18050] =	vst v9  }
0x239: {  	[tilespmem:$0x18060] =	vst v10  }
0x23a: {  	[tilespmem:$0x18070] =	vst v11  }
0x23b: {  	[tilespmem:$0x18080] =	vst v12  }
0x23c: {  	[tilespmem:$0x18090] =	vst v13  }
0x23d: {  	[tilespmem:$0x180A0] =	vst v14  }
0x23e: {  	[tilespmem:$0x180B0] =	vst v15  }
0x23f: {  	[tilespmem:$0x180C0] =	vst v16  }
0x240: {  	[tilespmem:$0x180D0] =	vst v17  }
0x241: {  	[tilespmem:$0x180E0] =	vst v18  }
0x242: {  	[tilespmem:$0x180F0] =	vst v4  }
0x243: {  	[hbm4b:s5+s8] =	stream.strided.scatter [tilespmem:s13], [sflag:$0x3], $0x100, s9, s8, $0x38;
	[tilespmem:$0x18200] =	vst v63  }
0x244: {  	_ =	swait.ge [sflag:s14], $0x8000  }
0x245: {  	[sflag:s14] =	ssyncset.done $0x0  }
0x246: {  	[sflag:s14] =	ssyncadd.s32 $0xFFFF8000  }
0x247: {  	v8 =	vld [tilespmem:$0x8000]  }
0x248: {  	v10 =	vld [tilespmem:$0x8010]  }
0x249: {  	v11 =	vld [tilespmem:$0x8020]  }
0x24a: {  	v12 =	vld [tilespmem:$0x8030]  }
0x24b: {  	v13 =	vld [tilespmem:$0x8040]  }
0x24c: {  	v14 =	vld [tilespmem:$0x8050]  }
0x24d: {  	v15 =	vld [tilespmem:$0x8060]  }
0x24e: {  	v16 =	vld [tilespmem:$0x8070]  }
0x24f: {  	v17 =	vld [tilespmem:$0x8080]  }
0x250: {  	v18 =	vld [tilespmem:$0x8090]  }
0x251: {  	v5 =	vld [tilespmem:$0x80A0]  }
0x252: {  	v6 =	vld [tilespmem:$0x80B0]  }
0x253: {  	v7 =	vld [tilespmem:$0x80C0]  }
0x254: {  	v3 =	vld [tilespmem:$0x80D0]  }
0x255: {  	v4 =	vld [tilespmem:$0x80E0]  }
0x256: {  	s21 =	simm.s32 $0x0;
	v9 =	vld [tilespmem:$0x80F0]  }
0x257: {  	v20 =	vld [tilespmem:s21+$0x81F0]  }
0x258: {  	v21 =	vld [tilespmem:s21+$0x8100]  }
0x259: {  	v22 =	vld [tilespmem:s21+$0x8110]  }
0x25a: {  	v23 =	vld [tilespmem:s21+$0x8120]  }
0x25b: {  	v24 =	vld [tilespmem:s21+$0x8130]  }
0x25c: {  	v25 =	vld [tilespmem:s21+$0x8140]  }
0x25d: {  	v26 =	vld [tilespmem:s21+$0x8150]  }
0x25e: {  	v27 =	vld [tilespmem:s21+$0x8160]  }
0x25f: {  	v28 =	vld [tilespmem:s21+$0x8170]  }
0x260: {  	v29 =	vld [tilespmem:s21+$0x8180]  }
0x261: {  	v30 =	vld [tilespmem:s21+$0x8190]  }
0x262: {  	v19 =	vld [tilespmem:s21+$0x81A0]  }
0x263: {  	v9 =	vmax.f32 v9, v20;
	v8 =	vmax.f32 v8, v21;
	v20 =	vld [tilespmem:s21+$0x81B0]  }
0x264: {  	v10 =	vmax.f32 v10, v22;
	v11 =	vmax.f32 v11, v23;
	v12 =	vmax.f32 v12, v24;
	v21 =	vld [tilespmem:s21+$0x81C0]  }
0x265: {  	v13 =	vmax.f32 v13, v25;
	v14 =	vmax.f32 v14, v26;
	v15 =	vmax.f32 v15, v27;
	v22 =	vld [tilespmem:s21+$0x81D0]  }
0x266: {  	s19 =	simm.s32 $0x100;
	s20 =	simm.s32 $0x800;
	v16 =	vmax.f32 v16, v28;
	v17 =	vmax.f32 v17, v29;
	v18 =	vmax.f32 v18, v30;
	v23 =	vld [tilespmem:s21+$0x81E0]  }
.LBB2_15:
0x267: {  	p0 =	sne.s32 s20, $0x1F800;
	v24 =	vld [tilespmem:s19+$0x81F0];
	v5 =	vmax.f32 v5, v19  }
0x268: {  	v19 =	vld [tilespmem:s19+$0x8100];
	v6 =	vmax.f32 v6, v20  }
0x269: {  	v20 =	vld [tilespmem:s19+$0x8110];
	v7 =	vmax.f32 v7, v21  }
0x26a: {  	v21 =	vld [tilespmem:s19+$0x8120];
	v3 =	vmax.f32 v3, v22  }
0x26b: {  	v22 =	vld [tilespmem:s19+$0x8130];
	v4 =	vmax.f32 v4, v23  }
0x26c: {  	v23 =	vld [tilespmem:s19+$0x8140];
	v9 =	vmax.f32 v9, v24  }
0x26d: {  	v8 =	vmax.f32 v8, v19;
	v19 =	vld [tilespmem:s19+$0x8150]  }
0x26e: {  	v10 =	vmax.f32 v10, v20;
	v20 =	vld [tilespmem:s19+$0x8160]  }
0x26f: {  	v11 =	vmax.f32 v11, v21;
	v21 =	vld [tilespmem:s19+$0x8170]  }
0x270: {  	v12 =	vmax.f32 v12, v22;
	v22 =	vld [tilespmem:s19+$0x8180]  }
0x271: {  	v13 =	vmax.f32 v13, v23;
	v23 =	vld [tilespmem:s19+$0x8190]  }
.Ltmp11:
0x272: {  	v14 =	vmax.f32 v14, v19;
	v19 =	vld [tilespmem:s19+$0x81A0];
	(pc) =	sbr.rel @p0 .LBB2_15-.Ltmp11, $4  }
0x273: {  	v15 =	vmax.f32 v15, v20;
	v20 =	vld [tilespmem:s19+$0x81B0]  }
0x274: {  	v16 =	vmax.f32 v16, v21;
	v21 =	vld [tilespmem:s19+$0x81C0]  }
0x275: {  	v17 =	vmax.f32 v17, v22;
	v22 =	vld [tilespmem:s19+$0x81D0]  }
0x276: {  	v18 =	vmax.f32 v18, v23;
	v23 =	vld [tilespmem:s19+$0x81E0];
	s19 =	sshra.s32 s20, $0x2;
	s20 =	sadd.s32 $0x400, s20  }
0x277: {  	v24 =	vld [tilespmem:s19+$0x81F0]  }
0x278: {  	v25 =	vld [tilespmem:s19+$0x8100]  }
0x279: {  	v26 =	vld [tilespmem:s19+$0x8110]  }
0x27a: {  	v27 =	vld [tilespmem:s19+$0x8120]  }
0x27b: {  	v28 =	vld [tilespmem:s19+$0x8130]  }
0x27c: {  	v29 =	vld [tilespmem:s19+$0x8140]  }
0x27d: {  	v30 =	vld [tilespmem:s19+$0x8150]  }
0x27e: {  	v31 =	vld [tilespmem:s19+$0x8160]  }
0x27f: {  	v32 =	vld [tilespmem:s19+$0x8170]  }
0x280: {  	v33 =	vld [tilespmem:s19+$0x8180]  }
0x281: {  	v34 =	vld [tilespmem:s19+$0x8190]  }
0x282: {  	v35 =	vld [tilespmem:s19+$0x81A0]  }
0x283: {  	v36 =	vld [tilespmem:s19+$0x81B0]  }
0x284: {  	v37 =	vld [tilespmem:s19+$0x81C0]  }
0x285: {  	v5 =	vmax.f32 v5, v19;
	v19 =	vld [tilespmem:s19+$0x81D0];
	v6 =	vmax.f32 v6, v20;
	v7 =	vmax.f32 v7, v21  }
0x286: {  	v53 =	vld [tilespmem:s19+$0x81E0];
	v3 =	vmax.f32 v3, v22;
	v4 =	vmax.f32 v4, v23;
	v9 =	vmax.f32 v9, v24  }
0x287: {  	v8 =	vmax.f32 v8, v25;
	v10 =	vmax.f32 v10, v26;
	v11 =	vmax.f32 v11, v27  }
0x288: {  	v12 =	vmax.f32 v12, v28;
	v13 =	vmax.f32 v13, v29;
	v14 =	vmax.f32 v14, v30  }
0x289: {  	v15 =	vmax.f32 v15, v31;
	v16 =	vmax.f32 v16, v32;
	v17 =	vmax.f32 v17, v33  }
0x28a: {  	v18 =	vmax.f32 v18, v34;
	v5 =	vmax.f32 v5, v35;
	v6 =	vmax.f32 v6, v36  }
0x28b: {  	v7 =	vmax.f32 v7, v37;
	v3 =	vmax.f32 v3, v19;
	v4 =	vmax.f32 v4, v53  }
0x28c: {  	v8 =	vmin.f32 v8, v17;
	v10 =	vmin.f32 v10, v18;
	v5 =	vmin.f32 v11, v5  }
0x28d: {  	v6 =	vmin.f32 v12, v6;
	v7 =	vmin.f32 v13, v7;
	v3 =	vmin.f32 v14, v3  }
0x28e: {  	v4 =	vmin.f32 v15, v4;
	v9 =	vmin.f32 v16, v9;
	v7 =	vmin.f32 v8, v7  }
0x28f: {  	v3 =	vmin.f32 v10, v3;
	v4 =	vmin.f32 v5, v4;
	v5 =	vmin.f32 v6, v9  }
0x290: {  	v4 =	vmin.f32 v7, v4;
	v3 =	vmin.f32 v3, v5  }
0x291: {  	s31 =	simm.s32 $0x0;
	v3 =	vmin.f32 v4, v3  }
0x292: {  	v19 =	vld [tilespmem:s31+$0x8090];
	(xrf0) =	vmin.scan.msk.f32 $0xffff, v3  }
0x293: {  	v11 =	vld [tilespmem:s31+$0x8040]  }
0x294: {  	v12 =	vld [tilespmem:s31+$0x8030]  }
0x295: {  	v13 =	vld [tilespmem:s31+$0x8020]  }
0x296: {  	v15 =	vld [tilespmem:s31+$0x8000]  }
0x297: {  	v14 =	vld [tilespmem:s31+$0x8010]  }
0x298: {  	v16 =	vld [tilespmem:s31+$0x8060];
	v3, _, _ =	vpop (xrf0)  }
0x299: {  	v17 =	vld [tilespmem:s31+$0x8070];
	v3 =	vbroadcast v3, $0xF  }
0x29a: {  	v10 =	vld [tilespmem:s31+$0x8050]  }
0x29b: {  	v54 =	vlaneseq.u32;
	v18 =	vld [tilespmem:s31+$0x8080];
	vm0 =	vge.f32 v15, v3  }
0x29c: {  	v6 =	vld [tilespmem:s31+$0x80B0];
	vm1 =	vge.f32 v14, v3;
	vm2 =	vge.f32 v13, v3;
	v7 =	vsel vm0, $0x10, v0  }
0x29d: {  	v5 =	vld [tilespmem:s31+$0x80A0];
	vm3 =	vge.f32 v12, v3;
	v8 =	vsel vm1, $0x10, v0;
	v55 =	vadd.s32 v54, v7  }
0x29e: {  	v4 =	vld [tilespmem:s31+$0x80D0];
	vm4 =	vge.f32 v11, v3;
	v9 =	vsel vm2, $0x10, v0;
	v56 =	vadd.s32 v8, v55  }
0x29f: {  	vm5 =	vge.f32 v10, v3;
	v57 =	vsel vm3, $0x10, v0;
	v7 =	vld [tilespmem:s31+$0x80C0];
	v59 =	vadd.s32 v9, v56  }
0x2a0: {  	vm6 =	vge.f32 v16, v3;
	v58 =	vsel vm4, $0x10, v0;
	v8 =	vld [tilespmem:s31+$0x80E0];
	v23 =	vadd.s32 v57, v59  }
0x2a1: {  	vm7 =	vge.f32 v17, v3;
	v60 =	vsel vm5, $0x10, v0;
	v9 =	vld [tilespmem:s31+$0x80F0];
	[tilespmem:v54+s12+$0x0] =	vst.idx.msk vm0, v15;
	v15 =	vadd.s32 v58, v23  }
0x2a2: {  	vm8 =	vge.f32 v18, v3;
	v61 =	vsel vm6, $0x10, v0;
	[tilespmem:v55+s12+$0x0] =	vst.idx.msk vm1, v14;
	v14 =	vadd.s32 v60, v15  }
0x2a3: {  	vm9 =	vge.f32 v19, v3;
	v62 =	vsel vm7, $0x10, v0;
	[tilespmem:v56+s12+$0x0] =	vst.idx.msk vm2, v13;
	v13 =	vadd.s32 v61, v14  }
0x2a4: {  	v63 =	vsel vm8, $0x10, v0;
	vm0 =	vge.f32 v5, v3;
	[tilespmem:v59+s12+$0x0] =	vst.idx.msk vm3, v12;
	v21 =	vadd.s32 v62, v13  }
0x2a5: {  	vm1 =	vge.f32 v6, v3;
	v12 =	vsel vm9, $0x10, v0;
	[tilespmem:v23+s12+$0x0] =	vst.idx.msk vm4, v11;
	v20 =	vadd.s32 v63, v21  }
0x2a6: {  	vm2 =	vge.f32 v7, v3;
	v11 =	vsel vm0, $0x10, v0;
	[tilespmem:v15+s12+$0x0] =	vst.idx.msk vm5, v10;
	v10 =	vadd.s32 v12, v20  }
0x2a7: {  	vm3 =	vge.f32 v4, v3;
	v12 =	vsel vm1, $0x10, v0;
	[tilespmem:v14+s12+$0x0] =	vst.idx.msk vm6, v16;
	v11 =	vadd.s32 v11, v10  }
0x2a8: {  	vm4 =	vge.f32 v8, v3;
	v14 =	vsel vm2, $0x10, v0;
	[tilespmem:v13+s12+$0x0] =	vst.idx.msk vm7, v17;
	v12 =	vadd.s32 v12, v11  }
0x2a9: {  	vm5 =	vge.f32 v9, v3;
	v17 =	vsel vm3, $0x10, v0;
	[tilespmem:v21+s12+$0x0] =	vst.idx.msk vm8, v18;
	v13 =	vadd.s32 v14, v12  }
0x2aa: {  	s19 =	simm.s32 $0x400;
	v15 =	vsel vm4, $0x10, v0;
	v16 =	vsel vm5, $0x10, v0;
	[tilespmem:v20+s12+$0x0] =	vst.idx.msk vm9, v19;
	v14 =	vadd.s32 v17, v13  }
.LBB2_17:
0x2ab: {  	p0 =	sne.s32 s19, $0x1FC00;
	[tilespmem:v10+s12+$0x0] =	vst.idx.msk vm0, v5;
	v5 =	vadd.s32 v15, v14;
	s20 =	smov.u32 s19;
	s19 =	sadd.s32 $0x400, s19  }
0x2ac: {  	[tilespmem:v11+s12+$0x0] =	vst.idx.msk vm1, v6;
	v10 =	vadd.s32 v16, v5  }
0x2ad: {  	[tilespmem:v12+s12+$0x0] =	vst.idx.msk vm2, v7  }
0x2ae: {  	[tilespmem:v13+s12+$0x0] =	vst.idx.msk vm3, v4  }
0x2af: {  	[tilespmem:v14+s12+$0x0] =	vst.idx.msk vm4, v8  }
0x2b0: {  	s20 =	sshra.s32 s20, $0x2;
	[tilespmem:v5+s12+$0x0] =	vst.idx.msk vm5, v9  }
0x2b1: {  	v11 =	vld [tilespmem:s20+$0x8050]  }
0x2b2: {  	v12 =	vld [tilespmem:s20+$0x8040]  }
0x2b3: {  	v13 =	vld [tilespmem:s20+$0x8030]  }
0x2b4: {  	v14 =	vld [tilespmem:s20+$0x8020]  }
0x2b5: {  	v15 =	vld [tilespmem:s20+$0x8010]  }
0x2b6: {  	v16 =	vld [tilespmem:s20+$0x8000]  }
0x2b7: {  	v17 =	vld [tilespmem:s20+$0x8060]  }
0x2b8: {  	v18 =	vld [tilespmem:s20+$0x8070]  }
0x2b9: {  	v19 =	vld [tilespmem:s20+$0x8080]  }
0x2ba: {  	v20 =	vld [tilespmem:s20+$0x8090]  }
0x2bb: {  	vm0 =	vge.f32 v15, v3;
	vm6 =	vge.f32 v16, v3;
	v5 =	vld [tilespmem:s20+$0x80A0]  }
0x2bc: {  	vm7 =	vge.f32 v14, v3;
	v8 =	vsel vm0, $0x10, v0;
	v7 =	vsel vm6, $0x10, v0;
	v6 =	vld [tilespmem:s20+$0x80B0]  }
0x2bd: {  	vm1 =	vge.f32 v13, v3;
	v9 =	vsel vm7, $0x10, v0;
	v4 =	vld [tilespmem:s20+$0x80D0];
	v21 =	vadd.s32 v10, v7  }
0x2be: {  	vm2 =	vge.f32 v12, v3;
	v22 =	vsel vm1, $0x10, v0;
	v7 =	vld [tilespmem:s20+$0x80C0];
	v23 =	vadd.s32 v8, v21  }
0x2bf: {  	vm3 =	vge.f32 v11, v3;
	v24 =	vsel vm2, $0x10, v0;
	v8 =	vld [tilespmem:s20+$0x80E0];
	v25 =	vadd.s32 v9, v23  }
0x2c0: {  	v26 =	vsel vm3, $0x10, v0;
	vm4 =	vge.f32 v17, v3;
	v9 =	vld [tilespmem:s20+$0x80F0];
	v22 =	vadd.s32 v22, v25  }
0x2c1: {  	v27 =	vsel vm4, $0x10, v0;
	vm5 =	vge.f32 v18, v3;
	[tilespmem:v10+s12+$0x0] =	vst.idx.msk vm6, v16;
	v10 =	vadd.s32 v24, v22  }
0x2c2: {  	v16 =	vsel vm5, $0x10, v0;
	vm6 =	vge.f32 v19, v3;
	[tilespmem:v21+s12+$0x0] =	vst.idx.msk vm0, v15;
	v15 =	vadd.s32 v26, v10  }
0x2c3: {  	vm8 =	vge.f32 v20, v3;
	v21 =	vsel vm6, $0x10, v0;
	[tilespmem:v23+s12+$0x0] =	vst.idx.msk vm7, v14;
	v14 =	vadd.s32 v27, v15  }
0x2c4: {  	vm0 =	vge.f32 v5, v3;
	v23 =	vsel vm8, $0x10, v0;
	[tilespmem:v25+s12+$0x0] =	vst.idx.msk vm1, v13;
	v13 =	vadd.s32 v16, v14  }
0x2c5: {  	v16 =	vsel vm0, $0x10, v0;
	vm1 =	vge.f32 v6, v3;
	[tilespmem:v22+s12+$0x0] =	vst.idx.msk vm2, v12;
	v21 =	vadd.s32 v21, v13  }
.Ltmp12:
0x2c6: {  	v12 =	vsel vm1, $0x10, v0;
	vm2 =	vge.f32 v7, v3;
	[tilespmem:v10+s12+$0x0] =	vst.idx.msk vm3, v11;
	v10 =	vadd.s32 v23, v21;
	(pc) =	sbr.rel @p0 .LBB2_17-.Ltmp12, $4  }
0x2c7: {  	v22 =	vsel vm2, $0x10, v0;
	vm3 =	vge.f32 v4, v3;
	[tilespmem:v15+s12+$0x0] =	vst.idx.msk vm4, v17;
	v11 =	vadd.s32 v16, v10  }
0x2c8: {  	v17 =	vsel vm3, $0x10, v0;
	vm4 =	vge.f32 v8, v3;
	[tilespmem:v14+s12+$0x0] =	vst.idx.msk vm5, v18;
	v12 =	vadd.s32 v12, v11  }
0x2c9: {  	v15 =	vsel vm4, $0x10, v0;
	vm5 =	vge.f32 v9, v3;
	[tilespmem:v13+s12+$0x0] =	vst.idx.msk vm6, v19;
	v13 =	vadd.s32 v22, v12  }
0x2ca: {  	v16 =	vsel vm5, $0x10, v0;
	[tilespmem:v21+s12+$0x0] =	vst.idx.msk vm8, v20;
	v14 =	vadd.s32 v17, v13  }
0x2cb: {  	v15 =	vadd.s32 v15, v14  }
0x2cc: {  	v3 =	vadd.s32 v16, v15  }
0x2cd: {  	v16 =	vadd.s32 v1, v3  }
0x2ce: {  	v16 =	vshrl.u32 v16, $0x4  }
0x2cf: {  	v16 =	vor.u32 $0x80000000, v16  }
0x2d0: {  	(xrf0) =	vmax.scan.msk.u32 $0xffff, v16;
	_ =	sdelay $0x5  }
0x2d1: {  	v17, _, _ =	vpop (xrf0)  }
0x2d2: {  	(xrf0) =	vmin.scan.msk.u32 $0xffff, v16;
	(v2sf) =	vpush v17, $0xF;
	_ =	sdelay $0x5  }
0x2d3: {  	v16, _, _ =	vpop (xrf0)  }
0x2d4: {  	(v2sf) =	vpush v16, $0xF;
	_ =	sdelay $0x7  }
0x2d5: {  	s19 =	spop (v2sf)  }
0x2d6: {  	s19 =	sadd.s32 $0x8000000F, s19  }
0x2d7: {  	s20 =	sand.u32 $0xF, s19  }
0x2d8: {  	s21 =	sshra.s32 s19, $0x1F;
	p0 =	slt.s32 s19, $0x1;
	p1 =	sne.s32 s20, $0x0  }
0x2d9: {  	s29 =	sshrl.u32 s21, $0x1C;
	p0 =	por !p0, !p1  }
0x2da: {  	s20 =	simm.s32 $0x1;
	s19 =	sadd.s32 s29, s19;
	p0 =	por !p0, !p0  }
0x2db: {  	s19 =	sshra.s32 s19, $0x4;
	s20 =	simm.s32 @!p0 $0x0  }
0x2dc: {  	s30 =	spop (v2sf);
	s20 =	ssub.s32 s19, s20  }
0x2dd: {  	s19 =	sxor.u32 $0x80000000, s30;
	s31 =	sshll.u32 s20, $0x4  }
0x2de: {  	s19 =	ssub.s32 s31, s19  }
0x2df: {  	[tilespmem:v10+s12+$0x0] =	vst.idx.msk vm0, v5;
	p0 =	slt.s32 s19, $0x1  }
.Ltmp13:
0x2e0: {  	[tilespmem:v11+s12+$0x0] =	vst.idx.msk vm1, v6;
	(pc) =	sbr.rel @p0 .LBB2_22-.Ltmp13, $4  }
0x2e1: {  	[tilespmem:v12+s12+$0x0] =	vst.idx.msk vm2, v7  }
0x2e2: {  	[tilespmem:v13+s12+$0x0] =	vst.idx.msk vm3, v4  }
0x2e3: {  	[tilespmem:v14+s12+$0x0] =	vst.idx.msk vm4, v8  }
0x2e4: {  	[tilespmem:v15+s12+$0x0] =	vst.idx.msk vm5, v9  }
0x2e5: {  	p0 =	seq.s32 s19, $0x1  }
.Ltmp14:
0x2e6: {  	_ = 	snop;
	(pc) =	sbr.rel @p0 .LBB2_21-.Ltmp14, $4  }
0x2e7: {  	s21 =	sshll.u32 s20, $0x8  }
0x2e8: {  	v4 =	vmov s21  }
0x2e9: {  	vm0 =	vlt.s32 v3, v4  }
0x2ea: {  	s19 =	sadd.s32 $0xFFFFFFFF, s19;
	v5 =	vmov v3;
	v6 =	vsel vm0, $0x10, v0  }
.LBB2_20:
0x2eb: {  	p0 =	seq.s32 s19, $0x1;
	s19 =	sadd.s32 $0xFFFFFFFF, s19;
	v5 =	vadd.s32 v5, v6  }
.Ltmp15:
0x2ec: {  	(pc) =	sbr.rel @!p0 .LBB2_20-.Ltmp15, $3  }
0x2ed: {  	_ =	sdelay $0x1  }
0x2ee: {  	[tilespmem:v3+s12+$0x0] =	vst.idx.msk vm0, v2;
	vm0 =	vlt.s32 v5, v4;
	v3 =	vmov v5  }
0x2ef: {  	v6 =	vsel vm0, $0x10, v0  }
.LBB2_21:
0x2f0: {  	_ =	sdelay $0x4  }
0x2f1: {  	[tilespmem:v3+s12+$0x0] =	vst.idx.msk vm0, v2  }
.LBB2_22:
0x2f2: {  	p0 =	sgt.s32 s20, $0x0  }
.Ltmp16:
0x2f3: {  	_ = 	snop;
	(pc) =	sbr.rel @!p0 .LBB2_23-.Ltmp16, $2  }
0x2f4: {  	_ =	sdelay $0x2  }
0x2f5: {  	v3 =	vimm.f32 $-Inf;
	s19 =	simm.s32 $0x10080  }
0x2f6: {  	v4 =	vld [tilespmem:s19+$0xFFFFFF80]  }
0x2f7: {  	v5 =	vld [tilespmem:s19+$0xFFFFFF90]  }
0x2f8: {  	v6 =	vld [tilespmem:s19+$0xFFFFFFA0]  }
0x2f9: {  	v7 =	vld [tilespmem:s19+$0xFFFFFFB0]  }
0x2fa: {  	v8 =	vld [tilespmem:s19+$0xFFFFFFC0]  }
0x2fb: {  	(xrf1) =	vsort.dscd.msk.f32 $0xffff, v4, v4  }
0x2fc: {  	v9 =	vld [tilespmem:s19+$0xFFFFFFD0];
	(xrf1) =	vsort.ascd.msk.f32 $0xffff, v5, v5  }
0x2fd: {  	v4 =	vld [tilespmem:s19+$0xFFFFFFE0];
	(xrf1) =	vsort.dscd.msk.f32 $0xffff, v6, v6  }
0x2fe: {  	v5 =	vld [tilespmem:s19+$0xFFFFFFF0];
	(xrf1) =	vsort.ascd.msk.f32 $0xffff, v7, v7  }
0x2ff: {  	v6 =	vld [tilespmem:s19+$0x0];
	(xrf1) =	vsort.dscd.msk.f32 $0xffff, v8, v8  }
0x300: {  	v7 =	vld [tilespmem:s19+$0x10]  }
0x301: {  	v8 =	vld [tilespmem:s19+$0x20];
	(xrf1) =	vsort.ascd.msk.f32 $0xffff, v9, v9  }
0x302: {  	v9 =	vld [tilespmem:s19+$0x30];
	(xrf1) =	vsort.dscd.msk.f32 $0xffff, v4, v4  }
0x303: {  	v4 =	vld [tilespmem:s19+$0x40];
	(xrf1) =	vsort.ascd.msk.f32 $0xffff, v5, v5  }
0x304: {  	v5 =	vld [tilespmem:s19+$0x50];
	(xrf1) =	vsort.dscd.msk.f32 $0xffff, v6, v6  }
0x305: {  	v6 =	vld [tilespmem:s19+$0x60];
	(xrf1) =	vsort.ascd.msk.f32 $0xffff, v7, v7  }
0x306: {  	v7 =	vld [tilespmem:s19+$0x70];
	(xrf1) =	vsort.dscd.msk.f32 $0xffff, v8, v8  }
0x307: {  	(xrf1) =	vsort.ascd.msk.f32 $0xffff, v9, v9  }
0x308: {  	(xrf1) =	vsort.dscd.msk.f32 $0xffff, v4, v4  }
0x309: {  	(xrf1) =	vsort.ascd.msk.f32 $0xffff, v5, v5;
	v4, _, _ =	vpop (xrf1)  }
0x30a: {  	(xrf1) =	vsort.dscd.msk.f32 $0xffff, v6, v6;
	v5, _, _ =	vpop (xrf1)  }
0x30b: {  	(xrf1) =	vsort.ascd.msk.f32 $0xffff, v7, v7;
	v6, _, _ =	vpop (xrf1);
	v7 =	vmax.f32 v4, v5  }
0x30c: {  	v4 =	vmin.f32 v4, v5;
	v8, _, _ =	vpop (xrf1);
	(xrf1) =	vsort.dscd.msk.f32 $0xffff, v7, v7  }
0x30d: {  	v5, _, _ =	vpop (xrf1);
	(xrf1) =	vsort.dscd.msk.f32 $0xffff, v4, v4;
	v4 =	vmin.f32 v6, v8  }
0x30e: {  	v6 =	vmax.f32 v6, v8  }
0x30f: {  	v7, _, _ =	vpop (xrf1)  }
0x310: {  	(xrf1) =	vsort.ascd.msk.f32 $0xffff, v4, v4;
	v8 =	vmax.f32 v5, v7;
	v5 =	vmin.f32 v5, v7;
	v4, _, _ =	vpop (xrf1)  }
0x311: {  	(xrf1) =	vsort.ascd.msk.f32 $0xffff, v6, v6;
	v6, _, _ =	vpop (xrf1)  }
0x312: {  	(xrf1) =	vsort.dscd.msk.f32 $0xffff, v8, v8;
	v7, _, _ =	vpop (xrf1);
	v8 =	vmin.f32 v4, v6;
	v4 =	vmax.f32 v4, v6  }
0x313: {  	(xrf1) =	vsort.dscd.msk.f32 $0xffff, v5, v5;
	v5, _, _ =	vpop (xrf1)  }
0x314: {  	(xrf1) =	vsort.ascd.msk.f32 $0xffff, v8, v8;
	v6, _, _ =	vpop (xrf1);
	v8 =	vmax.f32 v7, v5;
	v5 =	vmin.f32 v7, v5  }
0x315: {  	(xrf1) =	vsort.ascd.msk.f32 $0xffff, v4, v4;
	v4, _, _ =	vpop (xrf1)  }
0x316: {  	(xrf1) =	vsort.dscd.msk.f32 $0xffff, v8, v8;
	v7, _, _ =	vpop (xrf1);
	v8 =	vmin.f32 v6, v4  }
0x317: {  	(xrf1) =	vsort.dscd.msk.f32 $0xffff, v5, v5;
	v5, _, _ =	vpop (xrf1)  }
0x318: {  	v4 =	vmax.f32 v6, v4;
	(xrf1) =	vsort.ascd.msk.f32 $0xffff, v8, v8;
	v6, _, _ =	vpop (xrf1)  }
0x319: {  	(xrf1) =	vsort.ascd.msk.f32 $0xffff, v4, v4;
	v4 =	vmax.f32 v7, v5;
	v5 =	vmin.f32 v7, v5;
	v8, _, _ =	vpop (xrf1)  }
0x31a: {  	(xrf1) =	vsort.dscd.msk.f32 $0xffff, v4, v4;
	v4 =	vmin.f32 v6, v8  }
0x31b: {  	v6 =	vmax.f32 v6, v8  }
0x31c: {  	(xrf1) =	vsort.dscd.msk.f32 $0xffff, v5, v5;
	v5, _, _ =	vpop (xrf1)  }
0x31d: {  	(xrf1) =	vsort.ascd.msk.f32 $0xffff, v4, v4;
	v4, _, _ =	vpop (xrf1)  }
0x31e: {  	(xrf1) =	vsort.ascd.msk.f32 $0xffff, v6, v6;
	v6, _, _ =	vpop (xrf1)  }
0x31f: {  	v7, _, _ =	vpop (xrf1)  }
0x320: {  	v9 =	vmax.f32 v5, v6;
	v10 =	vmax.f32 v4, v7  }
0x321: {  	v5 =	vmin.f32 v5, v6;
	v8, _, _ =	vpop (xrf1);
	v6 =	vmax.f32 v9, v10  }
0x322: {  	v4 =	vmin.f32 v4, v7;
	v11, _, _ =	vpop (xrf1);
	v7 =	vmin.f32 v9, v10  }
0x323: {  	v9 =	vmax.f32 v5, v4;
	v12, _, _ =	vpop (xrf1)  }
0x324: {  	v4 =	vmin.f32 v5, v4;
	(xrf1) =	vsort.dscd.msk.f32 $0xffff, v6, v6;
	v6, _, _ =	vpop (xrf1)  }
0x325: {  	v10 =	vmin.f32 v8, v12;
	v8 =	vmax.f32 v8, v12;
	(xrf1) =	vsort.dscd.msk.f32 $0xffff, v7, v7;
	v7, _, _ =	vpop (xrf1)  }
0x326: {  	v5 =	vmin.f32 v11, v6;
	(xrf1) =	vsort.dscd.msk.f32 $0xffff, v9, v9;
	v6 =	vmax.f32 v11, v6;
	v9, _, _ =	vpop (xrf1)  }
0x327: {  	v12 =	vmin.f32 v10, v5;
	(xrf1) =	vsort.dscd.msk.f32 $0xffff, v4, v4;
	v5 =	vmax.f32 v10, v5;
	v4, _, _ =	vpop (xrf1)  }
0x328: {  	v11 =	vmin.f32 v8, v6;
	(xrf1) =	vsort.ascd.msk.f32 $0xffff, v12, v12;
	v10, _, _ =	vpop (xrf1);
	v12 =	vmax.f32 v7, v4  }
0x329: {  	(xrf1) =	vsort.ascd.msk.f32 $0xffff, v5, v5;
	v5 =	vmax.f32 v8, v6;
	v6 =	vmax.f32 v9, v10  }
0x32a: {  	v4 =	vmin.f32 v7, v4;
	v7 =	vmax.f32 v12, v6  }
0x32b: {  	(xrf1) =	vsort.ascd.msk.f32 $0xffff, v11, v11;
	v8, _, _ =	vpop (xrf1);
	v6 =	vmin.f32 v12, v6  }
0x32c: {  	v13 =	vimm.f32 $-Inf;
	v15 =	vimm.f32 $-Inf;
	(xrf1) =	vsort.ascd.msk.f32 $0xffff, v5, v5;
	v5, _, _ =	vpop (xrf1)  }
0x32d: {  	v16 =	vimm.f32 $-Inf;
	v18 =	vimm.f32 $-Inf;
	v9 =	vmin.f32 v9, v10;
	(xrf1) =	vsort.dscd.msk.f32 $0xffff, v7, v7;
	v7, _, _ =	vpop (xrf1)  }
0x32e: {  	v10 =	vmax.f32 v4, v9;
	v4 =	vmin.f32 v4, v9;
	v12 =	vimm.f32 $-Inf;
	(xrf1) =	vsort.dscd.msk.f32 $0xffff, v6, v6;
	v6, _, _ =	vpop (xrf1)  }
0x32f: {  	p0 =	sne.s32 s20, $0x1;
	(xrf1) =	vsort.dscd.msk.f32 $0xffff, v10, v10;
	v10 =	vimm.f32 $-Inf;
	v11 =	vmin.f32 v8, v7;
	v9 =	vmin.f32 v5, v6  }
.Ltmp17:
0x330: {  	v7 =	vmax.f32 v8, v7;
	(xrf1) =	vsort.dscd.msk.f32 $0xffff, v4, v4;
	v4 =	vimm.f32 $-Inf;
	v8 =	vmin.f32 v11, v9;
	(pc) =	sbr.rel @!p0 .LBB2_26-.Ltmp17, $4  }
0x331: {  	v5 =	vmax.f32 v5, v6;
	v6 =	vimm.f32 $-Inf;
	v11 =	vmax.f32 v11, v9;
	(xrf1) =	vsort.ascd.msk.f32 $0xffff, v8, v8  }
0x332: {  	v14 =	vmin.f32 v7, v5;
	v17 =	vmax.f32 v7, v5;
	v5 =	vimm.f32 $-Inf;
	(xrf1) =	vsort.ascd.msk.f32 $0xffff, v11, v11  }
0x333: {  	v7 =	vimm.f32 $-Inf;
	v9 =	vimm.f32 $-Inf;
	v19, _, _ =	vpop (xrf1);
	v8 =	vimm.f32 $-Inf;
	(xrf1) =	vsort.ascd.msk.f32 $0xffff, v14, v14  }
0x334: {  	s20 =	sadd.s32 $0xFFFFFFFF, s20;
	s19 =	sadd.s32 $0x100, s19;
	v11 =	vimm.f32 $-Inf;
	v20, _, _ =	vpop (xrf1);
	v14 =	vimm.f32 $-Inf;
	(xrf1) =	vsort.ascd.msk.f32 $0xffff, v17, v17;
	v17 =	vimm.f32 $-Inf  }
.LBB2_25:
0x335: {  	v21 =	vld [tilespmem:s19+$0xFFFFFF80];
	p0 =	sne.s32 s20, $0x1;
	v22, _, _ =	vpop (xrf1)  }
0x336: {  	v23 =	vld [tilespmem:s19+$0xFFFFFF90];
	v24, _, _ =	vpop (xrf1)  }
0x337: {  	v25 =	vld [tilespmem:s19+$0xFFFFFFA0];
	v26, _, _ =	vpop (xrf1)  }
0x338: {  	v27 =	vld [tilespmem:s19+$0xFFFFFFB0];
	v28, _, _ =	vpop (xrf1)  }
0x339: {  	v29 =	vld [tilespmem:s19+$0xFFFFFFC0];
	v30, _, _ =	vpop (xrf1)  }
0x33a: {  	v31 =	vld [tilespmem:s19+$0xFFFFFFD0];
	(xrf1) =	vsort.dscd.msk.f32 $0xffff, v21, v21;
	v21, _, _ =	vpop (xrf1)  }
0x33b: {  	(xrf1) =	vsort.ascd.msk.f32 $0xffff, v23, v23;
	v23, _, _ =	vpop (xrf1)  }
0x33c: {  	(xrf1) =	vsort.dscd.msk.f32 $0xffff, v25, v25;
	v25, _, _ =	vpop (xrf1)  }
0x33d: {  	(xrf1) =	vsort.ascd.msk.f32 $0xffff, v27, v27;
	v27, _, _ =	vpop (xrf1)  }
0x33e: {  	(xrf1) =	vsort.dscd.msk.f32 $0xffff, v29, v29;
	v29, _, _ =	vpop (xrf1)  }
0x33f: {  	v32 =	vmax.f32 v20, v28;
	(xrf1) =	vsort.ascd.msk.f32 $0xffff, v31, v31;
	v31 =	vmax.f32 v19, v26;
	v33, _, _ =	vpop (xrf1)  }
0x340: {  	v34 =	vmax.f32 v22, v30;
	v35 =	vmax.f32 v24, v21;
	v19 =	vmin.f32 v19, v26;
	v26, _, _ =	vpop (xrf1)  }
0x341: {  	v20 =	vmin.f32 v20, v28;
	v22 =	vmin.f32 v22, v30;
	v21 =	vmin.f32 v24, v21;
	v24, _, _ =	vpop (xrf1)  }
0x342: {  	v30 =	vmin.f32 v23, v33;
	v36 =	vmin.f32 v25, v26;
	v37 =	vmin.f32 v27, v24;
	v28, _, _ =	vpop (xrf1)  }
0x343: {  	v23 =	vmax.f32 v23, v33;
	v33 =	vmax.f32 v25, v26;
	v38 =	vmin.f32 v29, v28  }
0x344: {  	v25 =	vmax.f32 v31, v34;
	v26 =	vmax.f32 v32, v35;
	v24 =	vmax.f32 v27, v24  }
0x345: {  	v27 =	vmin.f32 v31, v34;
	v31 =	vmax.f32 v25, v26;
	v29 =	vmax.f32 v29, v28  }
0x346: {  	v25 =	vmin.f32 v25, v26;
	v28 =	vmin.f32 v32, v35;
	(xrf1) =	vsort.dscd.msk.f32 $0xffff, v31, v31  }
0x347: {  	v26 =	vmax.f32 v27, v28;
	v31 =	vmax.f32 v19, v22;
	(xrf1) =	vsort.dscd.msk.f32 $0xffff, v25, v25  }
0x348: {  	v28 =	vmin.f32 v27, v28;
	v27 =	vmax.f32 v20, v21;
	v32, _, _ =	vpop (xrf1);
	(xrf1) =	vsort.dscd.msk.f32 $0xffff, v26, v26  }
0x349: {  	v19 =	vmin.f32 v19, v22;
	v22 =	vmax.f32 v31, v27;
	v34, _, _ =	vpop (xrf1);
	(xrf1) =	vsort.dscd.msk.f32 $0xffff, v28, v28  }
0x34a: {  	v20 =	vmin.f32 v20, v21;
	v21 =	vmin.f32 v31, v27;
	v25, _, _ =	vpop (xrf1);
	(xrf1) =	vsort.dscd.msk.f32 $0xffff, v22, v22  }
0x34b: {  	v31 =	vmin.f32 v30, v37;
	v22 =	vmax.f32 v19, v20;
	v27, _, _ =	vpop (xrf1);
	(xrf1) =	vsort.dscd.msk.f32 $0xffff, v21, v21  }
0x34c: {  	v19 =	vmin.f32 v19, v20;
	v20 =	vmin.f32 v36, v38;
	v26, _, _ =	vpop (xrf1);
	(xrf1) =	vsort.dscd.msk.f32 $0xffff, v22, v22  }
0x34d: {  	v21 =	vmax.f32 v30, v37;
	v22 =	vmin.f32 v31, v20;
	v28, _, _ =	vpop (xrf1);
	(xrf1) =	vsort.dscd.msk.f32 $0xffff, v19, v19  }
0x34e: {  	v20 =	vmax.f32 v31, v20;
	v19 =	vmax.f32 v36, v38;
	(xrf1) =	vsort.ascd.msk.f32 $0xffff, v22, v22  }
0x34f: {  	v30 =	vmin.f32 v23, v24;
	v22 =	vmin.f32 v21, v19;
	(xrf1) =	vsort.ascd.msk.f32 $0xffff, v20, v20  }
0x350: {  	v19 =	vmax.f32 v21, v19;
	v20 =	vmin.f32 v33, v29;
	(xrf1) =	vsort.ascd.msk.f32 $0xffff, v22, v22  }
0x351: {  	v22 =	vmax.f32 v23, v24;
	v23 =	vmin.f32 v30, v20;
	v21 =	vld [tilespmem:s19+$0xFFFFFFE0];
	(xrf1) =	vsort.ascd.msk.f32 $0xffff, v19, v19  }
0x352: {  	v31 =	vmax.f32 v33, v29;
	v20 =	vmax.f32 v30, v20;
	v19 =	vld [tilespmem:s19+$0xFFFFFFF0];
	(xrf1) =	vsort.ascd.msk.f32 $0xffff, v23, v23  }
0x353: {  	v29 =	vmin.f32 v22, v31;
	v23 =	vld [tilespmem:s19+$0x0];
	(xrf1) =	vsort.ascd.msk.f32 $0xffff, v20, v20  }
0x354: {  	v22 =	vmax.f32 v22, v31;
	v20 =	vld [tilespmem:s19+$0x10];
	v24, _, _ =	vpop (xrf1);
	(xrf1) =	vsort.ascd.msk.f32 $0xffff, v29, v29  }
0x355: {  	v29 =	vld [tilespmem:s19+$0x20];
	v30, _, _ =	vpop (xrf1);
	(xrf1) =	vsort.ascd.msk.f32 $0xffff, v22, v22  }
0x356: {  	v22 =	vld [tilespmem:s19+$0x30];
	(xrf1) =	vsort.dscd.msk.f32 $0xffff, v21, v21;
	v21, _, _ =	vpop (xrf1)  }
0x357: {  	v31 =	vld [tilespmem:s19+$0x40];
	(xrf1) =	vsort.ascd.msk.f32 $0xffff, v19, v19;
	v19, _, _ =	vpop (xrf1)  }
0x358: {  	v33 =	vld [tilespmem:s19+$0x50];
	(xrf1) =	vsort.dscd.msk.f32 $0xffff, v23, v23;
	v23, _, _ =	vpop (xrf1)  }
0x359: {  	v35 =	vld [tilespmem:s19+$0x60];
	(xrf1) =	vsort.ascd.msk.f32 $0xffff, v20, v20;
	v20, _, _ =	vpop (xrf1)  }
0x35a: {  	v36 =	vld [tilespmem:s19+$0x70];
	(xrf1) =	vsort.dscd.msk.f32 $0xffff, v29, v29;
	v37, _, _ =	vpop (xrf1)  }
0x35b: {  	(xrf1) =	vsort.ascd.msk.f32 $0xffff, v22, v22;
	v22, _, _ =	vpop (xrf1)  }
0x35c: {  	(xrf1) =	vsort.dscd.msk.f32 $0xffff, v31, v31;
	v31, _, _ =	vpop (xrf1)  }
0x35d: {  	(xrf1) =	vsort.ascd.msk.f32 $0xffff, v33, v33;
	v33, _, _ =	vpop (xrf1)  }
0x35e: {  	(xrf1) =	vsort.dscd.msk.f32 $0xffff, v35, v35;
	v35, _, _ =	vpop (xrf1)  }
0x35f: {  	v29 =	vmax.f32 v32, v34;
	(xrf1) =	vsort.ascd.msk.f32 $0xffff, v36, v36;
	v36, _, _ =	vpop (xrf1)  }
0x360: {  	v38 =	vmin.f32 v32, v34;
	(xrf1) =	vsort.dscd.msk.f32 $0xffff, v29, v29;
	v34, _, _ =	vpop (xrf1)  }
0x361: {  	(xrf1) =	vsort.dscd.msk.f32 $0xffff, v38, v38;
	v32, _, _ =	vpop (xrf1)  }
0x362: {  	v39 =	vmin.f32 v30, v33;
	v40 =	vmin.f32 v21, v35;
	v38 =	vmin.f32 v24, v31;
	v41, _, _ =	vpop (xrf1)  }
0x363: {  	v42 =	vmin.f32 v19, v36;
	v43 =	vmin.f32 v23, v34;
	v44 =	vmin.f32 v20, v32;
	v45, _, _ =	vpop (xrf1)  }
0x364: {  	v24 =	vmax.f32 v24, v31;
	v46 =	vmin.f32 v37, v41;
	v29, _, _ =	vpop (xrf1);
	v47 =	vmin.f32 v22, v45  }
0x365: {  	v33 =	vmax.f32 v30, v33;
	v35 =	vmax.f32 v21, v35;
	v19 =	vmax.f32 v19, v36;
	v31, _, _ =	vpop (xrf1)  }
0x366: {  	v34 =	vmax.f32 v23, v34;
	v20 =	vmax.f32 v20, v32;
	v32 =	vmax.f32 v37, v41;
	v30, _, _ =	vpop (xrf1)  }
0x367: {  	v41 =	vmin.f32 v38, v43;
	v37 =	vmax.f32 v22, v45;
	v45 =	vmin.f32 v39, v44;
	v36, _, _ =	vpop (xrf1)  }
0x368: {  	v38 =	vmax.f32 v38, v43;
	v49 =	vmin.f32 v40, v46;
	v50 =	vmin.f32 v42, v47;
	v48, _, _ =	vpop (xrf1)  }
0x369: {  	v39 =	vmax.f32 v39, v44;
	v40 =	vmax.f32 v40, v46;
	v42 =	vmax.f32 v42, v47;
	v43, _, _ =	vpop (xrf1)  }
0x36a: {  	v44 =	vmin.f32 v24, v34;
	v46 =	vmin.f32 v33, v20;
	v47 =	vmin.f32 v35, v32;
	v21, _, _ =	vpop (xrf1)  }
0x36b: {  	v34 =	vmax.f32 v24, v34;
	v33 =	vmax.f32 v33, v20;
	v51 =	vmin.f32 v19, v37;
	v23, _, _ =	vpop (xrf1)  }
0x36c: {  	v20 =	vmin.f32 v41, v49;
	v32 =	vmax.f32 v35, v32;
	v52 =	vmin.f32 v45, v50;
	v22, _, _ =	vpop (xrf1)  }
0x36d: {  	v35 =	vmax.f32 v41, v49;
	v37 =	vmax.f32 v19, v37;
	v41 =	vmin.f32 v20, v52;
	v24, _, _ =	vpop (xrf1)  }
0x36e: {  	v45 =	vmax.f32 v45, v50;
	v49 =	vmax.f32 v20, v52;
	v19, _, _ =	vpop (xrf1);
	(xrf1) =	vsort.ascd.msk.f32 $0xffff, v41, v41  }
0x36f: {  	v50 =	vmin.f32 v38, v40;
	v41 =	vmin.f32 v35, v45;
	v20, _, _ =	vpop (xrf1);
	(xrf1) =	vsort.ascd.msk.f32 $0xffff, v49, v49  }
0x370: {  	v35 =	vmax.f32 v35, v45;
	v45 =	vmin.f32 v39, v42;
	(xrf1) =	vsort.ascd.msk.f32 $0xffff, v41, v41  }
0x371: {  	v38 =	vmax.f32 v38, v40;
	v40 =	vmin.f32 v50, v45;
	(xrf1) =	vsort.ascd.msk.f32 $0xffff, v35, v35  }
0x372: {  	v35 =	vmax.f32 v39, v42;
	v39 =	vmax.f32 v50, v45;
	(xrf1) =	vsort.ascd.msk.f32 $0xffff, v40, v40  }
0x373: {  	v41 =	vmin.f32 v44, v47;
	v40 =	vmin.f32 v38, v35;
	(xrf1) =	vsort.ascd.msk.f32 $0xffff, v39, v39  }
0x374: {  	v35 =	vmax.f32 v38, v35;
	v38 =	vmin.f32 v46, v51;
	(xrf1) =	vsort.ascd.msk.f32 $0xffff, v40, v40  }
0x375: {  	v39 =	vmax.f32 v44, v47;
	v40 =	vmin.f32 v41, v38;
	(xrf1) =	vsort.ascd.msk.f32 $0xffff, v35, v35  }
0x376: {  	v38 =	vmax.f32 v41, v38;
	v35 =	vmax.f32 v46, v51;
	(xrf1) =	vsort.ascd.msk.f32 $0xffff, v40, v40  }
0x377: {  	v41 =	vmin.f32 v34, v32;
	v40 =	vmin.f32 v39, v35;
	(xrf1) =	vsort.ascd.msk.f32 $0xffff, v38, v38  }
0x378: {  	v35 =	vmax.f32 v39, v35;
	v38 =	vmin.f32 v33, v37;
	(xrf1) =	vsort.ascd.msk.f32 $0xffff, v40, v40  }
0x379: {  	v32 =	vmax.f32 v34, v32;
	v34 =	vmin.f32 v41, v38;
	(xrf1) =	vsort.ascd.msk.f32 $0xffff, v35, v35  }
0x37a: {  	v37 =	vmax.f32 v33, v37;
	v35 =	vmax.f32 v41, v38;
	(xrf1) =	vsort.ascd.msk.f32 $0xffff, v34, v34  }
0x37b: {  	v34 =	vmin.f32 v32, v37;
	(xrf1) =	vsort.ascd.msk.f32 $0xffff, v35, v35  }
0x37c: {  	v32 =	vmax.f32 v32, v37;
	v33, _, _ =	vpop (xrf1);
	(xrf1) =	vsort.ascd.msk.f32 $0xffff, v34, v34  }
0x37d: {  	v34 =	vmin.f32 v25, v27;
	v35, _, _ =	vpop (xrf1);
	(xrf1) =	vsort.ascd.msk.f32 $0xffff, v32, v32  }
0x37e: {  	v37 =	vmax.f32 v25, v27;
	(xrf1) =	vsort.ascd.msk.f32 $0xffff, v34, v34;
	v27, _, _ =	vpop (xrf1)  }
0x37f: {  	v32 =	vmax.f32 v26, v28;
	(xrf1) =	vsort.ascd.msk.f32 $0xffff, v37, v37;
	v25, _, _ =	vpop (xrf1)  }
0x380: {  	v34 =	vmin.f32 v26, v28;
	(xrf1) =	vsort.dscd.msk.f32 $0xffff, v32, v32;
	v28, _, _ =	vpop (xrf1)  }
0x381: {  	v32 =	vmin.f32 v29, v31;
	(xrf1) =	vsort.dscd.msk.f32 $0xffff, v34, v34;
	v26, _, _ =	vpop (xrf1)  }
0x382: {  	v34 =	vmax.f32 v29, v31;
	(xrf1) =	vsort.ascd.msk.f32 $0xffff, v32, v32;
	v31, _, _ =	vpop (xrf1)  }
0x383: {  	v37 =	vmax.f32 v30, v36;
	(xrf1) =	vsort.ascd.msk.f32 $0xffff, v34, v34;
	v29, _, _ =	vpop (xrf1)  }
0x384: {  	v36 =	vmin.f32 v30, v36;
	(xrf1) =	vsort.dscd.msk.f32 $0xffff, v37, v37;
	v32, _, _ =	vpop (xrf1)  }
0x385: {  	v37 =	vmin.f32 v48, v43;
	(xrf1) =	vsort.dscd.msk.f32 $0xffff, v36, v36;
	v30, _, _ =	vpop (xrf1)  }
0x386: {  	v36 =	vmax.f32 v48, v43;
	(xrf1) =	vsort.ascd.msk.f32 $0xffff, v37, v37;
	v34, _, _ =	vpop (xrf1)  }
0x387: {  	v3 =	vmax.f32 v3, v33;
	(xrf1) =	vsort.ascd.msk.f32 $0xffff, v36, v36;
	v33, _, _ =	vpop (xrf1)  }
0x388: {  	v5 =	vmax.f32 v5, v35;
	v6 =	vmax.f32 v6, v27;
	v7 =	vmax.f32 v7, v25;
	v25, _, _ =	vpop (xrf1)  }
0x389: {  	v8 =	vmax.f32 v8, v28;
	v9 =	vmax.f32 v9, v26;
	v10 =	vmax.f32 v10, v31;
	v26, _, _ =	vpop (xrf1)  }
0x38a: {  	v11 =	vmax.f32 v11, v29;
	v28 =	vmax.f32 v12, v32;
	v29 =	vmax.f32 v13, v30;
	v13, _, _ =	vpop (xrf1)  }
0x38b: {  	v14 =	vmax.f32 v14, v34;
	v15 =	vmax.f32 v15, v33;
	v30 =	vmax.f32 v16, v25;
	v16, _, _ =	vpop (xrf1)  }
0x38c: {  	v31 =	vmax.f32 v17, v26;
	v32 =	vmax.f32 v18, v13;
	v12, _, _ =	vpop (xrf1);
	v4 =	vmax.f32 v4, v16  }
0x38d: {  	v34 =	vmin.f32 v5, v29;
	v33 =	vmin.f32 v3, v28;
	v35 =	vmin.f32 v6, v14;
	v13, _, _ =	vpop (xrf1)  }
0x38e: {  	v36 =	vmin.f32 v7, v15;
	v37 =	vmin.f32 v8, v30;
	v38 =	vmin.f32 v9, v31;
	v16, _, _ =	vpop (xrf1)  }
0x38f: {  	v41 =	vmin.f32 v33, v37;
	v39 =	vmin.f32 v10, v32;
	v40 =	vmin.f32 v11, v4;
	v17, _, _ =	vpop (xrf1)  }
0x390: {  	v42 =	vmin.f32 v34, v38;
	v43 =	vmin.f32 v35, v39;
	v44 =	vmin.f32 v36, v40;
	v18, _, _ =	vpop (xrf1)  }
0x391: {  	v3 =	vmax.f32 v3, v28;
	v45 =	vmin.f32 v41, v43;
	v46 =	vmin.f32 v42, v44;
	v27, _, _ =	vpop (xrf1)  }
0x392: {  	v5 =	vmax.f32 v5, v29;
	v6 =	vmax.f32 v6, v14;
	v14 =	vmin.f32 v45, v46;
	v25, _, _ =	vpop (xrf1)  }
0x393: {  	v7 =	vmax.f32 v7, v15;
	v8 =	vmax.f32 v8, v30;
	v26, _, _ =	vpop (xrf1);
	(xrf1) =	vsort.dscd.msk.f32 $0xffff, v14, v14  }
0x394: {  	v9 =	vmax.f32 v9, v31;
	v10 =	vmax.f32 v10, v32;
	v4 =	vmax.f32 v11, v4;
	v28, _, _ =	vpop (xrf1)  }
0x395: {  	v11 =	vmax.f32 v3, v8;
	v15 =	vmax.f32 v6, v10;
	v14 =	vmax.f32 v5, v9;
	v29, _, _ =	vpop (xrf1)  }
0x396: {  	v3 =	vmin.f32 v3, v8;
	v30 =	vmax.f32 v7, v4;
	v5 =	vmin.f32 v5, v9  }
0x397: {  	v6 =	vmin.f32 v6, v10;
	v4 =	vmin.f32 v7, v4;
	v7 =	vmax.f32 v33, v37  }
0x398: {  	v8 =	vmax.f32 v34, v38;
	v10 =	vmax.f32 v36, v40;
	v9 =	vmax.f32 v35, v39  }
0x399: {  	v31 =	vmax.f32 v11, v15;
	v11 =	vmin.f32 v11, v15;
	v32 =	vmax.f32 v14, v30  }
0x39a: {  	v15 =	vmax.f32 v3, v6;
	v14 =	vmin.f32 v14, v30;
	v30 =	vmax.f32 v5, v4  }
0x39b: {  	v3 =	vmin.f32 v3, v6;
	v4 =	vmin.f32 v5, v4;
	v5 =	vmax.f32 v7, v9  }
0x39c: {  	v6 =	vmax.f32 v8, v10;
	v8 =	vmin.f32 v8, v10;
	v7 =	vmin.f32 v7, v9  }
0x39d: {  	v10 =	vmax.f32 v41, v43;
	v33 =	vmax.f32 v42, v44;
	v9 =	vmax.f32 v31, v32  }
0x39e: {  	v31 =	vmin.f32 v31, v32;
	v32 =	vmax.f32 v11, v14;
	v11 =	vmin.f32 v11, v14  }
0x39f: {  	v14 =	vmax.f32 v15, v30;
	v15 =	vmin.f32 v15, v30;
	v30 =	vmax.f32 v3, v4  }
0x3a0: {  	v3 =	vmin.f32 v3, v4;
	v34 =	vmax.f32 v5, v6;
	v5 =	vmin.f32 v5, v6  }
0x3a1: {  	v6 =	vmax.f32 v7, v8;
	v7 =	vmin.f32 v7, v8;
	v8 =	vmax.f32 v10, v33;
	v4, _, _ =	vpop (xrf1)  }
0x3a2: {  	v10 =	vmin.f32 v10, v33;
	v33 =	vmax.f32 v45, v46;
	(xrf1) =	vsort.dscd.msk.f32 $0xffff, v9, v9  }
0x3a3: {  	(xrf1) =	vsort.dscd.msk.f32 $0xffff, v31, v31  }
0x3a4: {  	(xrf1) =	vsort.dscd.msk.f32 $0xffff, v32, v32  }
0x3a5: {  	(xrf1) =	vsort.dscd.msk.f32 $0xffff, v11, v11  }
0x3a6: {  	(xrf1) =	vsort.dscd.msk.f32 $0xffff, v14, v14  }
0x3a7: {  	(xrf1) =	vsort.dscd.msk.f32 $0xffff, v15, v15  }
0x3a8: {  	(xrf1) =	vsort.dscd.msk.f32 $0xffff, v30, v30  }
0x3a9: {  	(xrf1) =	vsort.dscd.msk.f32 $0xffff, v3, v3  }
0x3aa: {  	(xrf1) =	vsort.dscd.msk.f32 $0xffff, v34, v34  }
0x3ab: {  	(xrf1) =	vsort.dscd.msk.f32 $0xffff, v5, v5  }
0x3ac: {  	(xrf1) =	vsort.dscd.msk.f32 $0xffff, v6, v6  }
0x3ad: {  	(xrf1) =	vsort.dscd.msk.f32 $0xffff, v7, v7  }
0x3ae: {  	(xrf1) =	vsort.dscd.msk.f32 $0xffff, v8, v8  }
0x3af: {  	(xrf1) =	vsort.dscd.msk.f32 $0xffff, v10, v10  }
0x3b0: {  	v7 =	vmax.f32 v21, v23;
	v3, _, _ =	vpop (xrf1);
	(xrf1) =	vsort.dscd.msk.f32 $0xffff, v33, v33  }
0x3b1: {  	v8 =	vmin.f32 v21, v23;
	(xrf1) =	vsort.dscd.msk.f32 $0xffff, v7, v7;
	v5, _, _ =	vpop (xrf1)  }
0x3b2: {  	v9 =	vmin.f32 v22, v24;
	(xrf1) =	vsort.dscd.msk.f32 $0xffff, v8, v8;
	v6, _, _ =	vpop (xrf1)  }
0x3b3: {  	v10 =	vmax.f32 v22, v24;
	(xrf1) =	vsort.ascd.msk.f32 $0xffff, v9, v9;
	v7, _, _ =	vpop (xrf1)  }
0x3b4: {  	(xrf1) =	vsort.ascd.msk.f32 $0xffff, v10, v10;
	v8, _, _ =	vpop (xrf1)  }
0x3b5: {  	v9, _, _ =	vpop (xrf1)  }
0x3b6: {  	v10, _, _ =	vpop (xrf1)  }
0x3b7: {  	v14 =	vmax.f32 v19, v12;
	v15 =	vmax.f32 v20, v13;
	v11, _, _ =	vpop (xrf1)  }
0x3b8: {  	v19 =	vmin.f32 v19, v12;
	v21 =	vmax.f32 v14, v15;
	v12, _, _ =	vpop (xrf1)  }
0x3b9: {  	v20 =	vmin.f32 v20, v13;
	v22 =	vmin.f32 v14, v15;
	(xrf1) =	vsort.dscd.msk.f32 $0xffff, v21, v21;
	v13, _, _ =	vpop (xrf1)  }
0x3ba: {  	v23 =	vmax.f32 v19, v20;
	v21 =	vmin.f32 v16, v18;
	(xrf1) =	vsort.dscd.msk.f32 $0xffff, v22, v22;
	v14, _, _ =	vpop (xrf1)  }
0x3bb: {  	v19 =	vmin.f32 v19, v20;
	v20 =	vmin.f32 v17, v27;
	(xrf1) =	vsort.dscd.msk.f32 $0xffff, v23, v23;
	v15, _, _ =	vpop (xrf1)  }
0x3bc: {  	v22 =	vmax.f32 v16, v18;
	v24 =	vmin.f32 v21, v20;
	(xrf1) =	vsort.dscd.msk.f32 $0xffff, v19, v19;
	v16, _, _ =	vpop (xrf1)  }
0x3bd: {  	v20 =	vmax.f32 v21, v20;
	v19 =	vmax.f32 v17, v27;
	(xrf1) =	vsort.ascd.msk.f32 $0xffff, v24, v24;
	v17, _, _ =	vpop (xrf1)  }
0x3be: {  	v23 =	vmax.f32 v25, v28;
	v24 =	vmin.f32 v22, v19;
	(xrf1) =	vsort.ascd.msk.f32 $0xffff, v20, v20;
	v18, _, _ =	vpop (xrf1)  }
0x3bf: {  	v27 =	vmax.f32 v22, v19;
	v20 =	vmax.f32 v26, v29;
	(xrf1) =	vsort.ascd.msk.f32 $0xffff, v24, v24;
	v21, _, _ =	vpop (xrf1)  }
0x3c0: {  	v22 =	vmin.f32 v25, v28;
	v24 =	vmax.f32 v23, v20;
	(xrf1) =	vsort.ascd.msk.f32 $0xffff, v27, v27;
	v19, _, _ =	vpop (xrf1)  }
0x3c1: {  	v25 =	vmin.f32 v26, v29;
	v27 =	vmin.f32 v23, v20;
	(xrf1) =	vsort.dscd.msk.f32 $0xffff, v24, v24;
	v23, _, _ =	vpop (xrf1)  }
0x3c2: {  	v24 =	vmax.f32 v22, v25;
	v26 =	vmin.f32 v21, v23;
	(xrf1) =	vsort.dscd.msk.f32 $0xffff, v27, v27;
	v20, _, _ =	vpop (xrf1)  }
0x3c3: {  	v22 =	vmin.f32 v22, v25;
	v25 =	vmin.f32 v19, v20;
	(xrf1) =	vsort.dscd.msk.f32 $0xffff, v24, v24  }
.Ltmp18:
0x3c4: {  	v21 =	vmax.f32 v21, v23;
	v23 =	vmin.f32 v26, v25;
	(xrf1) =	vsort.dscd.msk.f32 $0xffff, v22, v22;
	(pc) =	sbr.rel @p0 .LBB2_25-.Ltmp18, $4  }
0x3c5: {  	v24 =	vmax.f32 v19, v20;
	v20 =	vmax.f32 v26, v25;
	(xrf1) =	vsort.ascd.msk.f32 $0xffff, v23, v23  }
0x3c6: {  	v22 =	vmin.f32 v21, v24;
	(xrf1) =	vsort.ascd.msk.f32 $0xffff, v20, v20  }
0x3c7: {  	v21 =	vmax.f32 v21, v24;
	v19, _, _ =	vpop (xrf1);
	(xrf1) =	vsort.ascd.msk.f32 $0xffff, v22, v22  }
0x3c8: {  	s20 =	sadd.s32 $0xFFFFFFFF, s20;
	s19 =	sadd.s32 $0x100, s19;
	v20, _, _ =	vpop (xrf1);
	(xrf1) =	vsort.ascd.msk.f32 $0xffff, v21, v21  }
.LBB2_26:
0x3c9: {  	v21, _, _ =	vpop (xrf1)  }
0x3ca: {  	v22, _, _ =	vpop (xrf1)  }
0x3cb: {  	v23, _, _ =	vpop (xrf1)  }
0x3cc: {  	v24, _, _ =	vpop (xrf1)  }
0x3cd: {  	v25, _, _ =	vpop (xrf1)  }
0x3ce: {  	v31 =	vmax.f32 v19, v23;
	v19 =	vmin.f32 v19, v23;
	v26, _, _ =	vpop (xrf1)  }
0x3cf: {  	v32 =	vmax.f32 v20, v24;
	v20 =	vmin.f32 v20, v24;
	v34 =	vmax.f32 v21, v25;
	v27, _, _ =	vpop (xrf1)  }
0x3d0: {  	v21 =	vmin.f32 v21, v25;
	v35 =	vmax.f32 v22, v26;
	v22 =	vmin.f32 v22, v26;
	v28, _, _ =	vpop (xrf1)  }
0x3d1: {  	v56 =	vmax.f32 v31, v34;
	v58 =	vmin.f32 v31, v34;
	v61 =	vmax.f32 v19, v21;
	v29, _, _ =	vpop (xrf1)  }
0x3d2: {  	v19 =	vmin.f32 v19, v21;
	v57 =	vmax.f32 v32, v35;
	v32 =	vmin.f32 v32, v35;
	v30, _, _ =	vpop (xrf1)  }
0x3d3: {  	v63 =	vmax.f32 v20, v22;
	v20 =	vmin.f32 v20, v22;
	v59 =	vmax.f32 v56, v57;
	v33, _, _ =	vpop (xrf1)  }
0x3d4: {  	v60 =	vmax.f32 v58, v32;
	v62 =	vmin.f32 v58, v32;
	(xrf1) =	vsort.dscd.msk.f32 $0xffff, v59, v59;
	v52, _, _ =	vpop (xrf1)  }
0x3d5: {  	v55 =	vmin.f32 v28, v52;
	v23 =	vmax.f32 v28, v52;
	v28 =	vmin.f32 v56, v57  }
0x3d6: {  	v32 =	vmax.f32 v61, v63;
	v34 =	vmin.f32 v61, v63;
	(xrf1) =	vsort.dscd.msk.f32 $0xffff, v28, v28  }
0x3d7: {  	v35 =	vmax.f32 v19, v20;
	v19 =	vmin.f32 v19, v20;
	(xrf1) =	vsort.dscd.msk.f32 $0xffff, v60, v60  }
0x3d8: {  	v54 =	vmin.f32 v27, v33;
	v27 =	vmax.f32 v27, v33;
	v53, _, _ =	vpop (xrf1);
	(xrf1) =	vsort.dscd.msk.f32 $0xffff, v62, v62  }
0x3d9: {  	v36 =	vmin.f32 v29, v53;
	v37, _, _ =	vpop (xrf1);
	v24 =	vmax.f32 v29, v53;
	(xrf1) =	vsort.dscd.msk.f32 $0xffff, v32, v32  }
0x3da: {  	v38 =	vmin.f32 v30, v37;
	v30 =	vmax.f32 v30, v37;
	(xrf1) =	vsort.dscd.msk.f32 $0xffff, v34, v34  }
0x3db: {  	v37 =	vmin.f32 v54, v36;
	v20 =	vmin.f32 v55, v38;
	(xrf1) =	vsort.dscd.msk.f32 $0xffff, v35, v35  }
0x3dc: {  	v39 =	vmax.f32 v54, v36;
	v40 =	vmin.f32 v37, v20;
	(xrf1) =	vsort.dscd.msk.f32 $0xffff, v19, v19  }
0x3dd: {  	v20 =	vmax.f32 v37, v20;
	v19 =	vmax.f32 v55, v38;
	(xrf1) =	vsort.ascd.msk.f32 $0xffff, v40, v40  }
0x3de: {  	v42 =	vmin.f32 v27, v24;
	v41 =	vmin.f32 v39, v19;
	(xrf1) =	vsort.ascd.msk.f32 $0xffff, v20, v20  }
0x3df: {  	v19 =	vmax.f32 v39, v19;
	v20 =	vmin.f32 v23, v30;
	(xrf1) =	vsort.ascd.msk.f32 $0xffff, v41, v41  }
0x3e0: {  	v44 =	vmin.f32 v42, v20;
	v20 =	vmax.f32 v42, v20;
	(xrf1) =	vsort.ascd.msk.f32 $0xffff, v19, v19  }
0x3e1: {  	v43 =	vmax.f32 v27, v24;
	v19 =	vmax.f32 v23, v30;
	(xrf1) =	vsort.ascd.msk.f32 $0xffff, v44, v44  }
0x3e2: {  	v45 =	vmin.f32 v43, v19;
	v19 =	vmax.f32 v43, v19;
	(xrf1) =	vsort.ascd.msk.f32 $0xffff, v20, v20  }
0x3e3: {  	v20, _, _ =	vpop (xrf1);
	(xrf1) =	vsort.ascd.msk.f32 $0xffff, v45, v45  }
0x3e4: {  	v46, _, _ =	vpop (xrf1)  }
0x3e5: {  	(xrf1) =	vsort.ascd.msk.f32 $0xffff, v19, v19;
	v19, _, _ =	vpop (xrf1)  }
0x3e6: {  	v47, _, _ =	vpop (xrf1)  }
0x3e7: {  	v48, _, _ =	vpop (xrf1)  }
0x3e8: {  	v49, _, _ =	vpop (xrf1)  }
0x3e9: {  	v50, _, _ =	vpop (xrf1)  }
0x3ea: {  	v51, _, _ =	vpop (xrf1)  }
0x3eb: {  	v52, _, _ =	vpop (xrf1)  }
0x3ec: {  	v53, _, _ =	vpop (xrf1)  }
0x3ed: {  	v58 =	vmin.f32 v20, v52;
	v54, _, _ =	vpop (xrf1)  }
0x3ee: {  	v20 =	vmax.f32 v20, v52;
	v59 =	vmin.f32 v46, v53;
	v21 =	vmax.f32 v46, v53;
	v55, _, _ =	vpop (xrf1)  }
0x3ef: {  	v60 =	vmin.f32 v19, v54;
	v19 =	vmax.f32 v19, v54;
	v56, _, _ =	vpop (xrf1);
	v62 =	vmin.f32 v47, v55  }
0x3f0: {  	v22 =	vmax.f32 v47, v55;
	v57, _, _ =	vpop (xrf1);
	v63 =	vmin.f32 v48, v56;
	v23 =	vmax.f32 v48, v56  }
0x3f1: {  	v61, _, _ =	vpop (xrf1);
	v39 =	vmin.f32 v49, v57;
	v24 =	vmax.f32 v49, v57;
	v46 =	vmax.f32 v58, v63  }
0x3f2: {  	v41 =	vmin.f32 v50, v61;
	v25 =	vmax.f32 v50, v61;
	v43 =	vmin.f32 v59, v39  }
0x3f3: {  	v40, _, _ =	vpop (xrf1);
	v47 =	vmax.f32 v59, v39;
	v50 =	vmin.f32 v20, v23;
	v20 =	vmax.f32 v20, v23  }
0x3f4: {  	v42 =	vmin.f32 v51, v40;
	v26 =	vmax.f32 v51, v40;
	v40 =	vmin.f32 v58, v63  }
0x3f5: {  	v44 =	vmin.f32 v60, v41;
	v48 =	vmax.f32 v60, v41;
	v51 =	vmin.f32 v21, v24  }
0x3f6: {  	v52 =	vmin.f32 v19, v25;
	v21 =	vmax.f32 v21, v24;
	v19 =	vmax.f32 v19, v25  }
0x3f7: {  	v45 =	vmin.f32 v62, v42;
	v49 =	vmax.f32 v62, v42;
	v53 =	vmin.f32 v22, v26  }
0x3f8: {  	v54 =	vmin.f32 v40, v44;
	v56 =	vmax.f32 v40, v44;
	v55 =	vmin.f32 v43, v45  }
0x3f9: {  	v22 =	vmax.f32 v22, v26;
	v60 =	vmin.f32 v46, v48;
	v57 =	vmin.f32 v54, v55  }
0x3fa: {  	v58 =	vmax.f32 v43, v45;
	v23 =	vmax.f32 v54, v55;
	(xrf1) =	vsort.ascd.msk.f32 $0xffff, v57, v57  }
0x3fb: {  	v63 =	vmax.f32 v46, v48;
	v59 =	vmin.f32 v56, v58;
	(xrf1) =	vsort.ascd.msk.f32 $0xffff, v23, v23  }
0x3fc: {  	v62 =	vmin.f32 v47, v49;
	v61 =	vmax.f32 v56, v58;
	(xrf1) =	vsort.ascd.msk.f32 $0xffff, v59, v59  }
0x3fd: {  	v33 =	vmin.f32 v50, v52;
	v30 =	vmin.f32 v60, v62;
	(xrf1) =	vsort.ascd.msk.f32 $0xffff, v61, v61  }
0x3fe: {  	v31 =	vmax.f32 v47, v49;
	v25 =	vmax.f32 v60, v62;
	(xrf1) =	vsort.ascd.msk.f32 $0xffff, v30, v30  }
0x3ff: {  	v39 =	vmax.f32 v50, v52;
	v32 =	vmin.f32 v63, v31;
	(xrf1) =	vsort.ascd.msk.f32 $0xffff, v25, v25  }
0x400: {  	v34 =	vmin.f32 v51, v53;
	v23 =	vmax.f32 v63, v31;
	(xrf1) =	vsort.ascd.msk.f32 $0xffff, v32, v32  }
0x401: {  	v41 =	vmax.f32 v51, v53;
	v40 =	vmin.f32 v33, v34;
	(xrf1) =	vsort.ascd.msk.f32 $0xffff, v23, v23  }
0x402: {  	v43 =	vmin.f32 v20, v19;
	v24 =	vmax.f32 v33, v34;
	(xrf1) =	vsort.ascd.msk.f32 $0xffff, v40, v40  }
0x403: {  	v44 =	vmin.f32 v21, v22;
	v42 =	vmin.f32 v39, v41;
	(xrf1) =	vsort.ascd.msk.f32 $0xffff, v24, v24  }
0x404: {  	v19 =	vmax.f32 v20, v19;
	v23 =	vmax.f32 v39, v41;
	(xrf1) =	vsort.ascd.msk.f32 $0xffff, v42, v42  }
0x405: {  	v21 =	vmax.f32 v21, v22;
	v20 =	vmin.f32 v43, v44;
	(xrf1) =	vsort.ascd.msk.f32 $0xffff, v23, v23  }
0x406: {  	v45 =	vmax.f32 v43, v44;
	(xrf1) =	vsort.ascd.msk.f32 $0xffff, v20, v20;
	v20 =	vmin.f32 v19, v21  }
0x407: {  	v19 =	vmax.f32 v19, v21;
	(xrf1) =	vsort.ascd.msk.f32 $0xffff, v45, v45  }
0x408: {  	v46, _, _ =	vpop (xrf1)  }
0x409: {  	(xrf1) =	vsort.ascd.msk.f32 $0xffff, v20, v20;
	v20, _, _ =	vpop (xrf1)  }
0x40a: {  	(xrf1) =	vsort.ascd.msk.f32 $0xffff, v19, v19;
	v19, _, _ =	vpop (xrf1)  }
0x40b: {  	v47, _, _ =	vpop (xrf1)  }
0x40c: {  	v48, _, _ =	vpop (xrf1)  }
0x40d: {  	v49, _, _ =	vpop (xrf1)  }
0x40e: {  	v50, _, _ =	vpop (xrf1)  }
0x40f: {  	v51, _, _ =	vpop (xrf1)  }
0x410: {  	v52, _, _ =	vpop (xrf1)  }
0x411: {  	v3 =	vmax.f32 v3, v46;
	v5 =	vmax.f32 v5, v20;
	v6 =	vmax.f32 v6, v19;
	v53, _, _ =	vpop (xrf1)  }
0x412: {  	v7 =	vmax.f32 v7, v47;
	v8 =	vmax.f32 v8, v48;
	v9 =	vmax.f32 v9, v49;
	v54, _, _ =	vpop (xrf1)  }
0x413: {  	v10 =	vmax.f32 v10, v50;
	v11 =	vmax.f32 v11, v51;
	v12 =	vmax.f32 v12, v52;
	v55, _, _ =	vpop (xrf1)  }
0x414: {  	v13 =	vmax.f32 v13, v53;
	v14 =	vmax.f32 v14, v54;
	v19, _, _ =	vpop (xrf1);
	v15 =	vmax.f32 v15, v55  }
0x415: {  	v57 =	vmin.f32 v6, v14;
	v6 =	vmax.f32 v6, v14;
	v20, _, _ =	vpop (xrf1);
	v16 =	vmax.f32 v16, v19  }
0x416: {  	v58 =	vmin.f32 v7, v15;
	v7 =	vmax.f32 v7, v15;
	v17 =	vmax.f32 v17, v20  }
0x417: {  	v56, _, _ =	vpop (xrf1);
	v20 =	vmin.f32 v5, v13;
	v23 =	vmin.f32 v8, v16;
	v5 =	vmax.f32 v5, v13  }
0x418: {  	v8 =	vmax.f32 v8, v16;
	v19, _, _ =	vpop (xrf1);
	v18 =	vmax.f32 v18, v56;
	v24 =	vmin.f32 v9, v17  }
0x419: {  	v9 =	vmax.f32 v9, v17;
	v4 =	vmax.f32 v4, v19;
	v19 =	vmin.f32 v3, v12  }
0x41a: {  	v25 =	vmin.f32 v10, v18;
	v60 =	vmin.f32 v20, v24;
	v3 =	vmax.f32 v3, v12  }
0x41b: {  	v10 =	vmax.f32 v10, v18;
	v26 =	vmin.f32 v11, v4;
	v59 =	vmin.f32 v19, v23  }
0x41c: {  	v61 =	vmin.f32 v57, v25;
	v4 =	vmax.f32 v11, v4;
	v11 =	vmax.f32 v3, v8  }
0x41d: {  	v14 =	vmax.f32 v6, v10;
	v3 =	vmin.f32 v3, v8;
	v6 =	vmin.f32 v6, v10  }
0x41e: {  	v8 =	vmax.f32 v20, v24;
	v62 =	vmin.f32 v58, v26;
	v12 =	vmin.f32 v59, v61  }
0x41f: {  	v15 =	vmax.f32 v7, v4;
	v4 =	vmin.f32 v7, v4;
	v63 =	vmin.f32 v60, v62  }
0x420: {  	v7 =	vmax.f32 v19, v23;
	v10 =	vmax.f32 v11, v14;
	v13 =	vmin.f32 v12, v63  }
0x421: {  	v17 =	vmax.f32 v58, v26;
	(xrf1) =	vsort.dscd.msk.f32 $0xffff, v13, v13;
	v13 =	vmax.f32 v5, v9  }
0x422: {  	v11 =	vmin.f32 v11, v14;
	v5 =	vmin.f32 v5, v9;
	v16 =	vmax.f32 v13, v15  }
0x423: {  	v9 =	vmax.f32 v57, v25;
	v13 =	vmin.f32 v13, v15;
	v14 =	vmax.f32 v10, v16  }
0x424: {  	v10 =	vmin.f32 v10, v16;
	v15 =	vmax.f32 v11, v13;
	(xrf1) =	vsort.dscd.msk.f32 $0xffff, v14, v14  }
0x425: {  	v11 =	vmin.f32 v11, v13;
	v14 =	vmax.f32 v3, v6;
	(xrf1) =	vsort.dscd.msk.f32 $0xffff, v10, v10  }
0x426: {  	v3 =	vmin.f32 v3, v6;
	v10 =	vmax.f32 v5, v4;
	(xrf1) =	vsort.dscd.msk.f32 $0xffff, v15, v15  }
0x427: {  	v4 =	vmin.f32 v5, v4;
	v6 =	vmax.f32 v14, v10;
	(xrf1) =	vsort.dscd.msk.f32 $0xffff, v11, v11  }
0x428: {  	v5 =	vmin.f32 v14, v10;
	v10 =	vmax.f32 v3, v4;
	(xrf1) =	vsort.dscd.msk.f32 $0xffff, v6, v6  }
0x429: {  	v3 =	vmin.f32 v3, v4;
	v4 =	vmin.f32 v7, v9;
	(xrf1) =	vsort.dscd.msk.f32 $0xffff, v5, v5  }
0x42a: {  	v6 =	vmax.f32 v7, v9;
	v5 =	vmax.f32 v8, v17;
	(xrf1) =	vsort.dscd.msk.f32 $0xffff, v10, v10  }
0x42b: {  	v7 =	vmax.f32 v6, v5;
	v5 =	vmin.f32 v6, v5;
	(xrf1) =	vsort.dscd.msk.f32 $0xffff, v3, v3  }
0x42c: {  	v6 =	vmax.f32 v59, v61;
	v3 =	vmin.f32 v8, v17;
	(xrf1) =	vsort.dscd.msk.f32 $0xffff, v7, v7  }
0x42d: {  	v7 =	vmax.f32 v4, v3;
	(xrf1) =	vsort.dscd.msk.f32 $0xffff, v5, v5;
	v5 =	vmax.f32 v60, v62  }
0x42e: {  	v3 =	vmin.f32 v4, v3;
	(xrf1) =	vsort.dscd.msk.f32 $0xffff, v7, v7;
	v4 =	vmax.f32 v6, v5  }
0x42f: {  	(xrf1) =	vsort.dscd.msk.f32 $0xffff, v3, v3;
	v3 =	vmin.f32 v6, v5  }
0x430: {  	v5 =	vmax.f32 v12, v63;
	(xrf1) =	vsort.dscd.msk.f32 $0xffff, v4, v4  }
0x431: {  	v4, _, _ =	vpop (xrf1);
	(xrf1) =	vsort.dscd.msk.f32 $0xffff, v3, v3  }
0x432: {  	v3, _, _ =	vpop (xrf1);
	(xrf1) =	vsort.dscd.msk.f32 $0xffff, v5, v5  }
0x433: {  	v5, _, _ =	vpop (xrf1)  }
0x434: {  	v6, _, _ =	vpop (xrf1)  }
0x435: {  	v7, _, _ =	vpop (xrf1)  }
0x436: {  	v8, _, _ =	vpop (xrf1)  }
0x437: {  	v9, _, _ =	vpop (xrf1)  }
0x438: {  	v10, _, _ =	vpop (xrf1)  }
0x439: {  	v11, _, _ =	vpop (xrf1)  }
0x43a: {  	v12, _, _ =	vpop (xrf1)  }
0x43b: {  	v13, _, _ =	vpop (xrf1)  }
.Ltmp19:
0x43c: {  	v14, _, _ =	vpop (xrf1);
	(pc) =	sbr.rel .LBB2_27-.Ltmp19, $4  }
0x43d: {  	v15, _, _ =	vpop (xrf1)  }
0x43e: {  	v16, _, _ =	vpop (xrf1)  }
0x43f: {  	v17, _, _ =	vpop (xrf1)  }
0x440: {  	v18, _, _ =	vpop (xrf1)  }
.LBB2_28:
0x441: {  	_ =	sfence.sel $0x180000  }
0x442: {  	[bflag:$0x0] =	sbarrier.arrive $0xFFFF  }
0x443: {  	p0 =	sne.s32 s1, $0x0;
	_ =	strace $0x90000047  }
0x444: {  	s0 =	sadd.s32 @!p0 $0x100000, s0;
	[bflag:$0x2] =	sbarrier.arrive $0xFFFF  }
0x445: {  	[sflag:s0] =	ssyncadd.tile.s32 @!p0 $0x1;
	_ =	shalt  }
.Lfunc_end2:
_tile_overlayer_lowered:
.L_overlay_start_2:
0x446: {  	(tag) =	ssettag $0x2  }
0x447: {  	s0 =	rddreg [dreg:$0x0];
	s2 =	stileid.u32  }
0x448: {  	s1 =	rddreg [dreg:$0x1];
	p0 =	sne.s32 s2, $0x0  }
0x449: {  	s3 =	rddreg [dreg:$0x2];
	[bflag:$0x3] =	sbarrier.arrive $0xFFFF;
	s2 =	simm.s32 @!p0 $0x1C05  }
0x44a: {  	[timem:s3], [sflag:s2] =	dma.local @!p0 [hbm:s0], s1  }
0x44b: {  	s0 =	simm.s32 @!p0 $0x5  }
0x44c: {  	_ =	swait.ge @!p0 [sflag:s0], s1  }
0x44d: {  	s1 =	ssub.s32 @!p0 $0x0, s1;
	[sflag:s0] =	ssyncset.done @!p0 $0x0  }
0x44e: {  	[sflag:s0] =	ssyncadd.s32 @!p0 s1  }
0x44f: {  	[bflag:$0x3] =	sbarrier.arrive $0xFFFF  }
0x450: {  	_ =	shalt  }

</sc_bundles>
